<compile_context>
chip_gen: v7x
topology: tpu7x:2x2x1
jax: 0.10.2.dev20260603
libtpu: 0.0.44.dev20260713+nightly
codegen_flags: <defaults>
</compile_context>

<pallas_src>
import functools

import jax
import jax.numpy as jnp
from jax import lax
from jax.experimental import pallas as pl
from jax.experimental.pallas import tpu as pltpu
from jax.experimental.pallas import tpu_sc as plsc

E = 8
TOPK = 2
D = 1024
FFN = 3584
S = 2048

BM = 640
G = (S * TOPK + E * (BM - 1)) // BM
PT = G * BM
BF = 1792
F = FFN // BF

NC = 2
NS = 16
NW = NC * NS
CHUNK = S // NW
HALF = CHUNK // 2

_INTERPRET = False


def _router_kernel(h_ref, gw_ref, p0_ref, p1_ref, c0_ref, c1_ref,
                   te_ref, used_ref, xt_ref):
    h = h_ref[...]
    gw = gw_ref[...]
    logits = jax.lax.dot_general(
        h, gw, (((1,), (1,)), ((), ())), preferred_element_type=jnp.float32)
    m = jnp.max(logits, axis=1, keepdims=True)
    ex = jnp.exp(logits - m)
    probs = ex / jnp.sum(ex, axis=1, keepdims=True)

    eidx = jax.lax.broadcasted_iota(jnp.int32, (S, E), 1)
    m1 = jnp.max(probs, axis=1, keepdims=True)
    i1 = jnp.min(jnp.where(probs == m1, eidx, E), axis=1, keepdims=True)
    probs2 = jnp.where(eidx == i1, -1.0, probs)
    m2 = jnp.max(probs2, axis=1, keepdims=True)
    i2 = jnp.min(jnp.where(probs2 == m2, eidx, E), axis=1, keepdims=True)
    tot = m1 + m2
    c0_ref[...] = jnp.broadcast_to(m1 / tot, (S, 16))
    c1_ref[...] = jnp.broadcast_to(m2 / tot, (S, 16))

    sel1 = (eidx == i1)
    sel2 = (eidx == i2)
    oh = (sel1 | sel2).astype(jnp.float32)

    ri = jax.lax.broadcasted_iota(jnp.int32, (S, S), 0)
    ci = jax.lax.broadcasted_iota(jnp.int32, (S, S), 1)
    ltri = (ci < ri).astype(jnp.float32)
    rank = jax.lax.dot_general(
        ltri, oh, (((1,), (0,)), ((), ())), preferred_element_type=jnp.float32)

    counts = jnp.sum(oh, axis=0, keepdims=True)
    tiles = jnp.floor((counts + (BM - 1)) * (1.0 / BM))
    ei = jax.lax.broadcasted_iota(jnp.int32, (E, E), 0)
    ej = jax.lax.broadcasted_iota(jnp.int32, (E, E), 1)
    utri = (ei < ej).astype(jnp.float32)
    toff = jax.lax.dot_general(
        tiles, utri, (((1,), (0,)), ((), ())), preferred_element_type=jnp.float32)
    total = jnp.sum(tiles, axis=1, keepdims=True)
    row_off = toff * BM

    rank0 = jnp.sum(jnp.where(sel1, rank, 0.0), axis=1, keepdims=True)
    rank1 = jnp.sum(jnp.where(sel2, rank, 0.0), axis=1, keepdims=True)
    ro0 = jnp.sum(jnp.where(sel1, row_off, 0.0), axis=1, keepdims=True)
    ro1 = jnp.sum(jnp.where(sel2, row_off, 0.0), axis=1, keepdims=True)
    p0_ref[...] = (ro0 + rank0).astype(jnp.int32)
    p1_ref[...] = (ro1 + rank1).astype(jnp.int32)

    gi = jax.lax.broadcasted_iota(jnp.int32, (G, E), 0)
    ti = total.astype(jnp.int32)
    gmin = jnp.minimum(gi, ti - 1)
    toff_i = toff.astype(jnp.int32)
    te = jnp.sum((toff_i <= gmin).astype(jnp.int32), axis=1, keepdims=True) - 1
    te_ref[...] = te
    used_ref[...] = (gi[:, :1] < ti).astype(jnp.int32)
    xt_ref[...] = gmin[:, :1]


def _sc_dispatch_body(h_hbm, p_hbm, xs_hbm, idx_v, rows_v, sem):
    wid = lax.axis_index("s") * NC + lax.axis_index("c")
    base = wid * CHUNK
    pltpu.sync_copy(p_hbm.at[wid], idx_v)
    pltpu.sync_copy(h_hbm.at[pl.ds(base, CHUNK)], rows_v)
    pltpu.async_copy(rows_v, xs_hbm.at[idx_v.at[0]], sem).wait()
    pltpu.async_copy(rows_v, xs_hbm.at[idx_v.at[1]], sem).wait()


_sc_dispatch = functools.partial(
    pl.kernel,
    out_type=jax.ShapeDtypeStruct((PT, D), jnp.float32),
    mesh=plsc.VectorSubcoreMesh(core_axis_name="c", subcore_axis_name="s"),
    scratch_types=[
        pltpu.VMEM((2, CHUNK), jnp.int32),
        pltpu.VMEM((CHUNK, D), jnp.float32),
        pltpu.SemaphoreType.DMA,
    ],
)(_sc_dispatch_body)


def _mlp_kernel(te_ref, used_ref, xt_ref, x_ref, w1_ref, w3_ref, w2_ref,
                y_ref, acc_ref):
    t = pl.program_id(0)
    f = pl.program_id(1)

    @pl.when(used_ref[t] != 0)
    def _():
        x = x_ref[...]
        w1b = w1_ref[0]
        w3b = w3_ref[0]
        a = jax.lax.dot_general(
            x, w1b, (((1,), (1,)), ((), ())), preferred_element_type=jnp.float32)
        g = jax.lax.dot_general(
            x, w3b, (((1,), (1,)), ((), ())), preferred_element_type=jnp.float32)
        act = (a * jax.lax.logistic(a)) * g
        w2b = w2_ref[0]
        contrib = jax.lax.dot_general(
            act, w2b, (((1,), (1,)), ((), ())), preferred_element_type=jnp.float32)

        @pl.when(f == 0)
        def _():
            acc_ref[...] = contrib

        @pl.when(f > 0)
        def _():
            acc_ref[...] += contrib

        @pl.when(f == F - 1)
        def _():
            y_ref[...] = acc_ref[...]


def _sc_combine_body(ys_hbm, p_hbm, cw_hbm, out_hbm, idx_v, cw_v, r0_v, r1_v,
                     sem):
    wid = lax.axis_index("s") * NC + lax.axis_index("c")
    base = wid * CHUNK
    pltpu.sync_copy(p_hbm.at[wid], idx_v)
    pltpu.sync_copy(cw_hbm.at[wid], cw_v)
    for r in range(2):
        off = r * HALF
        pltpu.async_copy(ys_hbm.at[idx_v.at[r]], r0_v, sem).wait()
        pltpu.async_copy(ys_hbm.at[idx_v.at[2 + r]], r1_v, sem).wait()

        def body(j, carry):
            c0 = cw_v[0, off + j, :]
            c1 = cw_v[1, off + j, :]
            for l in range(D // 16):
                sl = pl.ds(l * 16, 16)
                r0_v[j, sl] = c0 * r0_v[j, sl] + c1 * r1_v[j, sl]
            return carry
        jax.lax.fori_loop(0, HALF, body, 0)
        pltpu.sync_copy(r0_v, out_hbm.at[pl.ds(base + off, HALF)])


_sc_combine = functools.partial(
    pl.kernel,
    out_type=jax.ShapeDtypeStruct((S, D), jnp.float32),
    mesh=plsc.VectorSubcoreMesh(core_axis_name="c", subcore_axis_name="s"),
    scratch_types=[
        pltpu.VMEM((4, HALF), jnp.int32),
        pltpu.VMEM((2, CHUNK, 16), jnp.float32),
        pltpu.VMEM((HALF, D), jnp.float32),
        pltpu.VMEM((HALF, D), jnp.float32),
        pltpu.SemaphoreType.DMA,
    ],
)(_sc_combine_body)


def kernel(hidden_states, gate_w, w1, w2, w3):
    b, s, d = hidden_states.shape
    h = hidden_states.reshape(s, d)

    p0, p1, c0, c1, te, used, xt = pl.pallas_call(
        _router_kernel,
        out_shape=[
            jax.ShapeDtypeStruct((S, 1), jnp.int32),
            jax.ShapeDtypeStruct((S, 1), jnp.int32),
            jax.ShapeDtypeStruct((S, 16), jnp.float32),
            jax.ShapeDtypeStruct((S, 16), jnp.float32),
            jax.ShapeDtypeStruct((G, 1), jnp.int32),
            jax.ShapeDtypeStruct((G, 1), jnp.int32),
            jax.ShapeDtypeStruct((G, 1), jnp.int32),
        ],
        interpret=_INTERPRET,
    )(h, gate_w)
    p0w = p0.reshape(NW, 1, CHUNK)
    p1w = p1.reshape(NW, 1, CHUNK)
    p_disp = jnp.concatenate([p0w, p1w], axis=1)
    p_comb = jnp.concatenate(
        [p0.reshape(NW, 2, HALF), p1.reshape(NW, 2, HALF)], axis=1)
    cw_comb = jnp.stack(
        [c0.reshape(NW, CHUNK, 16), c1.reshape(NW, CHUNK, 16)], axis=1)

    xs = _sc_dispatch(h, p_disp)

    grid_spec = pltpu.PrefetchScalarGridSpec(
        num_scalar_prefetch=3,
        grid=(G, F),
        in_specs=[
            pl.BlockSpec((BM, D), lambda t, f, te_, u_, xt_: (xt_[t], 0)),
            pl.BlockSpec((1, BF, D), lambda t, f, te_, u_, xt_: (te_[t], f, 0)),
            pl.BlockSpec((1, BF, D), lambda t, f, te_, u_, xt_: (te_[t], f, 0)),
            pl.BlockSpec((1, D, BF), lambda t, f, te_, u_, xt_: (te_[t], 0, f)),
        ],
        out_specs=pl.BlockSpec((BM, D), lambda t, f, te_, u_, xt_: (xt_[t], 0)),
        scratch_shapes=[pltpu.VMEM((BM, D), jnp.float32)],
    )
    ys = pl.pallas_call(
        _mlp_kernel,
        grid_spec=grid_spec,
        out_shape=jax.ShapeDtypeStruct((PT, D), jnp.float32),
        compiler_params=pltpu.CompilerParams(
            vmem_limit_bytes=100 * 1024 * 1024),
        interpret=_INTERPRET,
    )(te[:, 0], used[:, 0], xt[:, 0], xs, w1, w3, w2)

    out = _sc_combine(ys, p_comb, cw_comb)

    return out.reshape(b, s, d)

# --- scband reference (transcript-rebuilt; emitter-appended) ---
"""Pipeline reference for scband-mixtral-mo-e-45114336477570 (READ-ONLY COPY).

The authoritative reference and input builder live on the scoring server;
editing this copy changes nothing except your own understanding.
"""

import jax, jax.numpy as jnp
import numpy as np

E = 8
TOPK = 2
D = 1024
FFN = 3584
B = 1
S = 2048


def setup_inputs(seed: int = 0) -> dict:
    key = jax.random.key(seed)
    ks = jax.random.split(key, 5)
    s = 0.02
    return {
        "hidden_states": jax.random.normal(ks[0], (B, S, D), dtype=jnp.float32),
        "gate_w": jax.random.normal(ks[1], (E, D), dtype=jnp.float32) * s,
        "w1": jax.random.normal(ks[2], (E, FFN, D), dtype=jnp.float32) * s,
        "w2": jax.random.normal(ks[3], (E, D, FFN), dtype=jnp.float32) * s,
        "w3": jax.random.normal(ks[4], (E, FFN, D), dtype=jnp.float32) * s,
    }


def reference(hidden_states, gate_w, w1, w2, w3):
    b, s, d = hidden_states.shape
    h = hidden_states.reshape(-1, d)
    # gate (ReplicatedLinear, no bias)
    router_logits = h @ gate_w.T
    routing_weights = jax.nn.softmax(router_logits.astype(jnp.float32), axis=1)
    rw_top, selected_experts = jax.lax.top_k(routing_weights, TOPK)
    rw_top = rw_top / jnp.sum(rw_top, axis=-1, keepdims=True)
    final = jnp.zeros_like(h)
    for expert_idx in range(E):
        expert_mask = (selected_experts == expert_idx)
        expert_weights = jnp.sum(rw_top * expert_mask, axis=-1, keepdims=True).astype(h.dtype)
        # MixtralMLP: w2(silu(w1(x)) * w3(x))
        a = jax.nn.silu(h @ w1[expert_idx].T)
        g = h @ w3[expert_idx].T
        out = (a * g) @ w2[expert_idx].T
        final = final + out * expert_weights
    return final.reshape(b, s, d)

if __name__ == "__main__":
    import jax
    _d = setup_inputs()
    print(jax.jit(kernel)(*tuple(_d.values())))

</pallas_src>

<mosaic_0001>
#map = affine_map<(d0, d1) -> (0, 0)>
#map1 = affine_map<(d0, d1) -> (0, 0, 0)>
#map2 = affine_map<(d0, d1) -> (0, 0, 0, 0)>
module attributes {stable_mosaic.version = 14 : i64} {
  func.func @_sc_combine_body(%arg0: i32, %arg1: i32, %arg2: memref<8960x1024xf32, #tpu.memory_space<hbm>>, %arg3: memref<32x4x32xi32, #tpu.memory_space<hbm>>, %arg4: memref<32x2x64x16xf32, #tpu.memory_space<hbm>>, %arg5: memref<2048x1024xf32, #tpu.memory_space<hbm>>, %arg6: memref<4x32xi32, #tpu.memory_space<vmem>>, %arg7: memref<2x64x16xf32, #tpu.memory_space<vmem>>, %arg8: memref<32x1024xf32, #tpu.memory_space<vmem>>, %arg9: memref<32x1024xf32, #tpu.memory_space<vmem>>, %arg10: memref<!tpu.dma_semaphore, #tpu.memory_space<semaphore_mem>>) attributes {dimension_semantics = [#tpu.dimension_semantics<core_parallel>, #tpu.dimension_semantics<subcore_parallel>], iteration_bounds = array<i64: 2, 16>, scalar_prefetch = 0 : i64, scratch_operands = 5 : i64, tpu.core_type = #tpu.core_type<sc_vector_subcore>, window_params = [{transform_indices = #map}, {transform_indices = #map1}, {transform_indices = #map2}, {transform_indices = #map}]} {
    %mul3A = arith.constant 2 : i32
    %mul3A_0 = arith.muli %arg1, %mul3A : i32
    %add3A = arith.addi %mul3A_0, %arg0 : i32
    %mul3A_1 = arith.constant 64 : i32
    %mul3A_2 = arith.muli %add3A, %mul3A_1 : i32
    "tpu.region"() ({
      %run_scoped3A = tpu.sem_alloc : memref<!tpu.dma_semaphore, #tpu.memory_space<semaphore_mem>>
      %dma_start3A_72 = arith.constant 0 : i32
      %dma_start3A_73 = arith.constant 0 : i32
      %dma_start3A_74 = tpu.memref_slice %arg3[%add3A, %dma_start3A_72, %dma_start3A_73] : memref<32x4x32xi32, #tpu.memory_space<hbm>> -> memref<1x4x32xi32, #tpu.memory_space<hbm>>
      %dma_start3A_75 = tpu.memref_squeeze %dma_start3A_74 : memref<1x4x32xi32, #tpu.memory_space<hbm>> -> memref<4x32xi32, #tpu.memory_space<hbm>>
      %dma_start3A_76 = arith.constant 0 : i32
      %dma_start3A_77 = arith.constant 0 : i32
      %dma_start3A_78 = tpu.memref_slice %arg3[%add3A, %dma_start3A_76, %dma_start3A_77] : memref<32x4x32xi32, #tpu.memory_space<hbm>> -> memref<1x4x32xi32, #tpu.memory_space<hbm>>
      %dma_start3A_79 = tpu.memref_squeeze %dma_start3A_78 : memref<1x4x32xi32, #tpu.memory_space<hbm>> -> memref<4x32xi32, #tpu.memory_space<hbm>>
      tpu.enqueue_dma source(%dma_start3A_79 : memref<4x32xi32, #tpu.memory_space<hbm>>) target(%arg6 : memref<4x32xi32, #tpu.memory_space<vmem>>) target_semaphore(%run_scoped3A : memref<!tpu.dma_semaphore, #tpu.memory_space<semaphore_mem>>)
      %dma_wait3A_80 = arith.constant 0 : i32
      %dma_wait3A_81 = arith.constant 0 : i32
      %dma_wait3A_82 = tpu.memref_slice %arg3[%add3A, %dma_wait3A_80, %dma_wait3A_81] : memref<32x4x32xi32, #tpu.memory_space<hbm>> -> memref<1x4x32xi32, #tpu.memory_space<hbm>>
      %dma_wait3A_83 = tpu.memref_squeeze %dma_wait3A_82 : memref<1x4x32xi32, #tpu.memory_space<hbm>> -> memref<4x32xi32, #tpu.memory_space<hbm>>
      %dma_wait3A_84 = arith.constant 0 : i32
      %dma_wait3A_85 = arith.constant 0 : i32
      %dma_wait3A_86 = tpu.memref_slice %arg3[%add3A, %dma_wait3A_84, %dma_wait3A_85] : memref<32x4x32xi32, #tpu.memory_space<hbm>> -> memref<1x4x32xi32, #tpu.memory_space<hbm>>
      %dma_wait3A_87 = tpu.memref_squeeze %dma_wait3A_86 : memref<1x4x32xi32, #tpu.memory_space<hbm>> -> memref<4x32xi32, #tpu.memory_space<hbm>>
      tpu.wait_dma2 semaphore(%run_scoped3A : memref<!tpu.dma_semaphore, #tpu.memory_space<semaphore_mem>>) src(%dma_wait3A_87 : memref<4x32xi32, #tpu.memory_space<hbm>>) dst(%arg6 : memref<4x32xi32, #tpu.memory_space<vmem>>)
      tpu.yield
    }) : () -> ()
    "tpu.region"() ({
      %run_scoped3A = tpu.sem_alloc : memref<!tpu.dma_semaphore, #tpu.memory_space<semaphore_mem>>
      %dma_start3A_72 = arith.constant 0 : i32
      %dma_start3A_73 = arith.constant 0 : i32
      %dma_start3A_74 = arith.constant 0 : i32
      %dma_start3A_75 = tpu.memref_slice %arg4[%add3A, %dma_start3A_72, %dma_start3A_73, %dma_start3A_74] : memref<32x2x64x16xf32, #tpu.memory_space<hbm>> -> memref<1x2x64x16xf32, #tpu.memory_space<hbm>>
      %dma_start3A_76 = tpu.memref_squeeze %dma_start3A_75 : memref<1x2x64x16xf32, #tpu.memory_space<hbm>> -> memref<2x64x16xf32, #tpu.memory_space<hbm>>
      %dma_start3A_77 = arith.constant 0 : i32
      %dma_start3A_78 = arith.constant 0 : i32
      %dma_start3A_79 = arith.constant 0 : i32
      %dma_start3A_80 = tpu.memref_slice %arg4[%add3A, %dma_start3A_77, %dma_start3A_78, %dma_start3A_79] : memref<32x2x64x16xf32, #tpu.memory_space<hbm>> -> memref<1x2x64x16xf32, #tpu.memory_space<hbm>>
      %dma_start3A_81 = tpu.memref_squeeze %dma_start3A_80 : memref<1x2x64x16xf32, #tpu.memory_space<hbm>> -> memref<2x64x16xf32, #tpu.memory_space<hbm>>
      tpu.enqueue_dma source(%dma_start3A_81 : memref<2x64x16xf32, #tpu.memory_space<hbm>>) target(%arg7 : memref<2x64x16xf32, #tpu.memory_space<vmem>>) target_semaphore(%run_scoped3A : memref<!tpu.dma_semaphore, #tpu.memory_space<semaphore_mem>>)
      %dma_wait3A_82 = arith.constant 0 : i32
      %dma_wait3A_83 = arith.constant 0 : i32
      %dma_wait3A_84 = arith.constant 0 : i32
      %dma_wait3A_85 = tpu.memref_slice %arg4[%add3A, %dma_wait3A_82, %dma_wait3A_83, %dma_wait3A_84] : memref<32x2x64x16xf32, #tpu.memory_space<hbm>> -> memref<1x2x64x16xf32, #tpu.memory_space<hbm>>
      %dma_wait3A_86 = tpu.memref_squeeze %dma_wait3A_85 : memref<1x2x64x16xf32, #tpu.memory_space<hbm>> -> memref<2x64x16xf32, #tpu.memory_space<hbm>>
      %dma_wait3A_87 = arith.constant 0 : i32
      %dma_wait3A_88 = arith.constant 0 : i32
      %dma_wait3A_89 = arith.constant 0 : i32
      %dma_wait3A_90 = tpu.memref_slice %arg4[%add3A, %dma_wait3A_87, %dma_wait3A_88, %dma_wait3A_89] : memref<32x2x64x16xf32, #tpu.memory_space<hbm>> -> memref<1x2x64x16xf32, #tpu.memory_space<hbm>>
      %dma_wait3A_91 = tpu.memref_squeeze %dma_wait3A_90 : memref<1x2x64x16xf32, #tpu.memory_space<hbm>> -> memref<2x64x16xf32, #tpu.memory_space<hbm>>
      tpu.wait_dma2 semaphore(%run_scoped3A : memref<!tpu.dma_semaphore, #tpu.memory_space<semaphore_mem>>) src(%dma_wait3A_91 : memref<2x64x16xf32, #tpu.memory_space<hbm>>) dst(%arg7 : memref<2x64x16xf32, #tpu.memory_space<vmem>>)
      tpu.yield
    }) : () -> ()
    %dma_start3A = arith.constant 0 : i32
    %dma_start3A_3 = arith.constant 0 : i32
    %dma_start3A_4 = tpu.memref_slice %arg6[%dma_start3A, %dma_start3A_3] : memref<4x32xi32, #tpu.memory_space<vmem>> -> memref<1x32xi32, #tpu.memory_space<vmem>>
    %dma_start3A_5 = tpu.memref_squeeze %dma_start3A_4 : memref<1x32xi32, #tpu.memory_space<vmem>> -> memref<32xi32, #tpu.memory_space<vmem>>
    %dma_start3A_6 = arith.constant 0 : i32
    %dma_start3A_7 = arith.constant 0 : i32
    %dma_start3A_8 = tpu.memref_slice %arg2[%dma_start3A_6, %dma_start3A_7] : memref<8960x1024xf32, #tpu.memory_space<hbm>> -> memref<8960x1024xf32, #tpu.memory_space<hbm>>
    tpu.enqueue_indirect_dma source(%dma_start3A_8 : memref<8960x1024xf32, #tpu.memory_space<hbm>>) target(%arg8 : memref<32x1024xf32, #tpu.memory_space<vmem>>) offsets(%dma_start3A_5 : memref<32xi32, #tpu.memory_space<vmem>>) semaphore(%arg10 : memref<!tpu.dma_semaphore, #tpu.memory_space<semaphore_mem>>)
    %dma_wait3A = arith.constant 0 : i32
    %dma_wait3A_9 = arith.constant 0 : i32
    %dma_wait3A_10 = tpu.memref_slice %arg6[%dma_wait3A, %dma_wait3A_9] : memref<4x32xi32, #tpu.memory_space<vmem>> -> memref<1x32xi32, #tpu.memory_space<vmem>>
    %dma_wait3A_11 = tpu.memref_squeeze %dma_wait3A_10 : memref<1x32xi32, #tpu.memory_space<vmem>> -> memref<32xi32, #tpu.memory_space<vmem>>
    %dma_wait3A_12 = arith.constant 0 : i32
    %dma_wait3A_13 = arith.constant 0 : i32
    %dma_wait3A_14 = tpu.memref_slice %arg2[%dma_wait3A_12, %dma_wait3A_13] : memref<8960x1024xf32, #tpu.memory_space<hbm>> -> memref<8960x1024xf32, #tpu.memory_space<hbm>>
    tpu.wait_indirect_dma semaphore(%arg10 : memref<!tpu.dma_semaphore, #tpu.memory_space<semaphore_mem>>) src(%dma_wait3A_14 : memref<8960x1024xf32, #tpu.memory_space<hbm>>) dst(%arg8 : memref<32x1024xf32, #tpu.memory_space<vmem>>)
    %dma_start3A_15 = arith.constant 2 : i32
    %dma_start3A_16 = arith.constant 0 : i32
    %dma_start3A_17 = tpu.memref_slice %arg6[%dma_start3A_15, %dma_start3A_16] : memref<4x32xi32, #tpu.memory_space<vmem>> -> memref<1x32xi32, #tpu.memory_space<vmem>>
    %dma_start3A_18 = tpu.memref_squeeze %dma_start3A_17 : memref<1x32xi32, #tpu.memory_space<vmem>> -> memref<32xi32, #tpu.memory_space<vmem>>
    %dma_start3A_19 = arith.constant 0 : i32
    %dma_start3A_20 = arith.constant 0 : i32
    %dma_start3A_21 = tpu.memref_slice %arg2[%dma_start3A_19, %dma_start3A_20] : memref<8960x1024xf32, #tpu.memory_space<hbm>> -> memref<8960x1024xf32, #tpu.memory_space<hbm>>
    tpu.enqueue_indirect_dma source(%dma_start3A_21 : memref<8960x1024xf32, #tpu.memory_space<hbm>>) target(%arg9 : memref<32x1024xf32, #tpu.memory_space<vmem>>) offsets(%dma_start3A_18 : memref<32xi32, #tpu.memory_space<vmem>>) semaphore(%arg10 : memref<!tpu.dma_semaphore, #tpu.memory_space<semaphore_mem>>)
    %dma_wait3A_22 = arith.constant 2 : i32
    %dma_wait3A_23 = arith.constant 0 : i32
    %dma_wait3A_24 = tpu.memref_slice %arg6[%dma_wait3A_22, %dma_wait3A_23] : memref<4x32xi32, #tpu.memory_space<vmem>> -> memref<1x32xi32, #tpu.memory_space<vmem>>
    %dma_wait3A_25 = tpu.memref_squeeze %dma_wait3A_24 : memref<1x32xi32, #tpu.memory_space<vmem>> -> memref<32xi32, #tpu.memory_space<vmem>>
    %dma_wait3A_26 = arith.constant 0 : i32
    %dma_wait3A_27 = arith.constant 0 : i32
    %dma_wait3A_28 = tpu.memref_slice %arg2[%dma_wait3A_26, %dma_wait3A_27] : memref<8960x1024xf32, #tpu.memory_space<hbm>> -> memref<8960x1024xf32, #tpu.memory_space<hbm>>
    tpu.wait_indirect_dma semaphore(%arg10 : memref<!tpu.dma_semaphore, #tpu.memory_space<semaphore_mem>>) src(%dma_wait3A_28 : memref<8960x1024xf32, #tpu.memory_space<hbm>>) dst(%arg9 : memref<32x1024xf32, #tpu.memory_space<vmem>>)
    %scan3A = arith.constant 0 : i32
    %scan3A_29 = arith.constant 0 : i32
    %scan3A_30 = arith.constant 32 : i32
    %scan3A_31 = arith.addi %scan3A_29, %scan3A_30 : i32
    %scan3A_32 = arith.constant 1 : i32
    scf.for %scan3A_72 = %scan3A_29 to %scan3A_31 step %scan3A_32  : i32 {
      %add3A_73 = arith.constant 0 : i32
      %add3A_74 = arith.addi %add3A_73, %scan3A_72 : i32
      %get3A = arith.constant 0 : i32
      %get3A_75 = arith.index_cast %get3A : i32 to index
      %get3A_76 = arith.index_cast %add3A_74 : i32 to index
      %get3A_77 = arith.constant 0 : index
      %get3A_78 = tpu.vector_load %arg7[%get3A_75, %get3A_76, %get3A_77] {strides = array<i32>} : memref<2x64x16xf32, #tpu.memory_space<vmem>>, vector<1x1x16xf32>,
      %get3A_79 = vector.shape_cast %get3A_78 : vector<1x1x16xf32> to vector<16xf32>
      %add3A_80 = arith.constant 0 : i32
      %add3A_81 = arith.addi %add3A_80, %scan3A_72 : i32
      %get3A_82 = arith.constant 1 : i32
      %get3A_83 = arith.index_cast %get3A_82 : i32 to index
      %get3A_84 = arith.index_cast %add3A_81 : i32 to index
      %get3A_85 = arith.constant 0 : index
      %get3A_86 = tpu.vector_load %arg7[%get3A_83, %get3A_84, %get3A_85] {strides = array<i32>} : memref<2x64x16xf32, #tpu.memory_space<vmem>>, vector<1x1x16xf32>,
      %get3A_87 = vector.shape_cast %get3A_86 : vector<1x1x16xf32> to vector<16xf32>
      %get3A_88 = arith.index_cast %scan3A_72 : i32 to index
      %get3A_89 = arith.constant 0 : index
      %get3A_90 = tpu.vector_load %arg8[%get3A_88, %get3A_89] {strides = array<i32>} : memref<32x1024xf32, #tpu.memory_space<vmem>>, vector<1x16xf32>,
      %get3A_91 = vector.shape_cast %get3A_90 : vector<1x16xf32> to vector<16xf32>
      %mul3A_92 = arith.mulf %get3A_79, %get3A_91 : vector<16xf32>
      %get3A_93 = arith.index_cast %scan3A_72 : i32 to index
      %get3A_94 = arith.constant 0 : index
      %get3A_95 = tpu.vector_load %arg9[%get3A_93, %get3A_94] {strides = array<i32>} : memref<32x1024xf32, #tpu.memory_space<vmem>>, vector<1x16xf32>,
      %get3A_96 = vector.shape_cast %get3A_95 : vector<1x16xf32> to vector<16xf32>
      %mul3A_97 = arith.mulf %get3A_87, %get3A_96 : vector<16xf32>
      %add3A_98 = arith.addf %mul3A_92, %mul3A_97 : vector<16xf32>
      %swap3A = arith.index_cast %scan3A_72 : i32 to index
      %swap3A_99 = arith.constant 0 : index
      %swap3A_100 = tpu.vector_load %arg8[%swap3A, %swap3A_99] {strides = array<i32>} : memref<32x1024xf32, #tpu.memory_space<vmem>>, vector<1x16xf32>,
      %swap3A_101 = vector.shape_cast %swap3A_100 : vector<1x16xf32> to vector<16xf32>
      %swap3A_102 = vector.shape_cast %add3A_98 : vector<16xf32> to vector<1x16xf32>
      tpu.vector_store %arg8[%swap3A, %swap3A_99], %swap3A_102 {strides = array<i32>} : memref<32x1024xf32, #tpu.memory_space<vmem>>, vector<1x16xf32>,
      %get3A_103 = arith.index_cast %scan3A_72 : i32 to index
      %get3A_104 = arith.constant 16 : index
      %get3A_105 = tpu.vector_load %arg8[%get3A_103, %get3A_104] {strides = array<i32>} : memref<32x1024xf32, #tpu.memory_space<vmem>>, vector<1x16xf32>,
      %get3A_106 = vector.shape_cast %get3A_105 : vector<1x16xf32> to vector<16xf32>
      %mul3A_107 = arith.mulf %get3A_79, %get3A_106 : vector<16xf32>
      %get3A_108 = arith.index_cast %scan3A_72 : i32 to index
      %get3A_109 = arith.constant 16 : index
      %get3A_110 = tpu.vector_load %arg9[%get3A_108, %get3A_109] {strides = array<i32>} : memref<32x1024xf32, #tpu.memory_space<vmem>>, vector<1x16xf32>,
      %get3A_111 = vector.shape_cast %get3A_110 : vector<1x16xf32> to vector<16xf32>
      %mul3A_112 = arith.mulf %get3A_87, %get3A_111 : vector<16xf32>
      %add3A_113 = arith.addf %mul3A_107, %mul3A_112 : vector<16xf32>
      %swap3A_114 = arith.index_cast %scan3A_72 : i32 to index
      %swap3A_115 = arith.constant 16 : index
      %swap3A_116 = tpu.vector_load %arg8[%swap3A_114, %swap3A_115] {strides = array<i32>} : memref<32x1024xf32, #tpu.memory_space<vmem>>, vector<1x16xf32>,
      %swap3A_117 = vector.shape_cast %swap3A_116 : vector<1x16xf32> to vector<16xf32>
      %swap3A_118 = vector.shape_cast %add3A_113 : vector<16xf32> to vector<1x16xf32>
      tpu.vector_store %arg8[%swap3A_114, %swap3A_115], %swap3A_118 {strides = array<i32>} : memref<32x1024xf32, #tpu.memory_space<vmem>>, vector<1x16xf32>,
      %get3A_119 = arith.index_cast %scan3A_72 : i32 to index
      %get3A_120 = arith.constant 32 : index
      %get3A_121 = tpu.vector_load %arg8[%get3A_119, %get3A_120] {strides = array<i32>} : memref<32x1024xf32, #tpu.memory_space<vmem>>, vector<1x16xf32>,
      %get3A_122 = vector.shape_cast %get3A_121 : vector<1x16xf32> to vector<16xf32>
      %mul3A_123 = arith.mulf %get3A_79, %get3A_122 : vector<16xf32>
      %get3A_124 = arith.index_cast %scan3A_72 : i32 to index
      %get3A_125 = arith.constant 32 : index
      %get3A_126 = tpu.vector_load %arg9[%get3A_124, %get3A_125] {strides = array<i32>} : memref<32x1024xf32, #tpu.memory_space<vmem>>, vector<1x16xf32>,
      %get3A_127 = vector.shape_cast %get3A_126 : vector<1x16xf32> to vector<16xf32>
      %mul3A_128 = arith.mulf %get3A_87, %get3A_127 : vector<16xf32>
      %add3A_129 = arith.addf %mul3A_123, %mul3A_128 : vector<16xf32>
      %swap3A_130 = arith.index_cast %scan3A_72 : i32 to index
      %swap3A_131 = arith.constant 32 : index
      %swap3A_132 = tpu.vector_load %arg8[%swap3A_130, %swap3A_131] {strides = array<i32>} : memref<32x1024xf32, #tpu.memory_space<vmem>>, vector<1x16xf32>,
      %swap3A_133 = vector.shape_cast %swap3A_132 : vector<1x16xf32> to vector<16xf32>
      %swap3A_134 = vector.shape_cast %add3A_129 : vector<16xf32> to vector<1x16xf32>
      tpu.vector_store %arg8[%swap3A_130, %swap3A_131], %swap3A_134 {strides = array<i32>} : memref<32x1024xf32, #tpu.memory_space<vmem>>, vector<1x16xf32>,
      %get3A_135 = arith.index_cast %scan3A_72 : i32 to index
      %get3A_136 = arith.constant 48 : index
      %get3A_137 = tpu.vector_load %arg8[%get3A_135, %get3A_136] {strides = array<i32>} : memref<32x1024xf32, #tpu.memory_space<vmem>>, vector<1x16xf32>,
      %get3A_138 = vector.shape_cast %get3A_137 : vector<1x16xf32> to vector<16xf32>
      %mul3A_139 = arith.mulf %get3A_79, %get3A_138 : vector<16xf32>
      %get3A_140 = arith.index_cast %scan3A_72 : i32 to index
      %get3A_141 = arith.constant 48 : index
      %get3A_142 = tpu.vector_load %arg9[%get3A_140, %get3A_141] {strides = array<i32>} : memref<32x1024xf32, #tpu.memory_space<vmem>>, vector<1x16xf32>,
      %get3A_143 = vector.shape_cast %get3A_142 : vector<1x16xf32> to vector<16xf32>
      %mul3A_144 = arith.mulf %get3A_87, %get3A_143 : vector<16xf32>
      %add3A_145 = arith.addf %mul3A_139, %mul3A_144 : vector<16xf32>
      %swap3A_146 = arith.index_cast %scan3A_72 : i32 to index
      %swap3A_147 = arith.constant 48 : index
      %swap3A_148 = tpu.vector_load %arg8[%swap3A_146, %swap3A_147] {strides = array<i32>} : memref<32x1024xf32, #tpu.memory_space<vmem>>, vector<1x16xf32>,
      %swap3A_149 = vector.shape_cast %swap3A_148 : vector<1x16xf32> to vector<16xf32>
      %swap3A_150 = vector.shape_cast %add3A_145 : vector<16xf32> to vector<1x16xf32>
      tpu.vector_store %arg8[%swap3A_146, %swap3A_147], %swap3A_150 {strides = array<i32>} : memref<32x1024xf32, #tpu.memory_space<vmem>>, vector<1x16xf32>,
      %get3A_151 = arith.index_cast %scan3A_72 : i32 to index
      %get3A_152 = arith.constant 64 : index
      %get3A_153 = tpu.vector_load %arg8[%get3A_151, %get3A_152] {strides = array<i32>} : memref<32x1024xf32, #tpu.memory_space<vmem>>, vector<1x16xf32>,
      %get3A_154 = vector.shape_cast %get3A_153 : vector<1x16xf32> to vector<16xf32>
      %mul3A_155 = arith.mulf %get3A_79, %get3A_154 : vector<16xf32>
      %get3A_156 = arith.index_cast %scan3A_72 : i32 to index
      %get3A_157 = arith.constant 64 : index
      %get3A_158 = tpu.vector_load %arg9[%get3A_156, %get3A_157] {strides = array<i32>} : memref<32x1024xf32, #tpu.memory_space<vmem>>, vector<1x16xf32>,
      %get3A_159 = vector.shape_cast %get3A_158 : vector<1x16xf32> to vector<16xf32>
      %mul3A_160 = arith.mulf %get3A_87, %get3A_159 : vector<16xf32>
      %add3A_161 = arith.addf %mul3A_155, %mul3A_160 : vector<16xf32>
      %swap3A_162 = arith.index_cast %scan3A_72 : i32 to index
      %swap3A_163 = arith.constant 64 : index
      %swap3A_164 = tpu.vector_load %arg8[%swap3A_162, %swap3A_163] {strides = array<i32>} : memref<32x1024xf32, #tpu.memory_space<vmem>>, vector<1x16xf32>,
      %swap3A_165 = vector.shape_cast %swap3A_164 : vector<1x16xf32> to vector<16xf32>
      %swap3A_166 = vector.shape_cast %add3A_161 : vector<16xf32> to vector<1x16xf32>
      tpu.vector_store %arg8[%swap3A_162, %swap3A_163], %swap3A_166 {strides = array<i32>} : memref<32x1024xf32, #tpu.memory_space<vmem>>, vector<1x16xf32>,
      %get3A_167 = arith.index_cast %scan3A_72 : i32 to index
      %get3A_168 = arith.constant 80 : index
      %get3A_169 = tpu.vector_load %arg8[%get3A_167, %get3A_168] {strides = array<i32>} : memref<32x1024xf32, #tpu.memory_space<vmem>>, vector<1x16xf32>,
      %get3A_170 = vector.shape_cast %get3A_169 : vector<1x16xf32> to vector<16xf32>
      %mul3A_171 = arith.mulf %get3A_79, %get3A_170 : vector<16xf32>
      %get3A_172 = arith.index_cast %scan3A_72 : i32 to index
      %get3A_173 = arith.constant 80 : index
      %get3A_174 = tpu.vector_load %arg9[%get3A_172, %get3A_173] {strides = array<i32>} : memref<32x1024xf32, #tpu.memory_space<vmem>>, vector<1x16xf32>,
      %get3A_175 = vector.shape_cast %get3A_174 : vector<1x16xf32> to vector<16xf32>
      %mul3A_176 = arith.mulf %get3A_87, %get3A_175 : vector<16xf32>
      %add3A_177 = arith.addf %mul3A_171, %mul3A_176 : vector<16xf32>
      %swap3A_178 = arith.index_cast %scan3A_72 : i32 to index
      %swap3A_179 = arith.constant 80 : index
      %swap3A_180 = tpu.vector_load %arg8[%swap3A_178, %swap3A_179] {strides = array<i32>} : memref<32x1024xf32, #tpu.memory_space<vmem>>, vector<1x16xf32>,
      %swap3A_181 = vector.shape_cast %swap3A_180 : vector<1x16xf32> to vector<16xf32>
      %swap3A_182 = vector.shape_cast %add3A_177 : vector<16xf32> to vector<1x16xf32>
      tpu.vector_store %arg8[%swap3A_178, %swap3A_179], %swap3A_182 {strides = array<i32>} : memref<32x1024xf32, #tpu.memory_space<vmem>>, vector<1x16xf32>,
      %get3A_183 = arith.index_cast %scan3A_72 : i32 to index
      %get3A_184 = arith.constant 96 : index
      %get3A_185 = tpu.vector_load %arg8[%get3A_183, %get3A_184] {strides = array<i32>} : memref<32x1024xf32, #tpu.memory_space<vmem>>, vector<1x16xf32>,
      %get3A_186 = vector.shape_cast %get3A_185 : vector<1x16xf32> to vector<16xf32>
      %mul3A_187 = arith.mulf %get3A_79, %get3A_186 : vector<16xf32>
      %get3A_188 = arith.index_cast %scan3A_72 : i32 to index
      %get3A_189 = arith.constant 96 : index
      %get3A_190 = tpu.vector_load %arg9[%get3A_188, %get3A_189] {strides = array<i32>} : memref<32x1024xf32, #tpu.memory_space<vmem>>, vector<1x16xf32>,
      %get3A_191 = vector.shape_cast %get3A_190 : vector<1x16xf32> to vector<16xf32>
      %mul3A_192 = arith.mulf %get3A_87, %get3A_191 : vector<16xf32>
      %add3A_193 = arith.addf %mul3A_187, %mul3A_192 : vector<16xf32>
      %swap3A_194 = arith.index_cast %scan3A_72 : i32 to index
      %swap3A_195 = arith.constant 96 : index
      %swap3A_196 = tpu.vector_load %arg8[%swap3A_194, %swap3A_195] {strides = array<i32>} : memref<32x1024xf32, #tpu.memory_space<vmem>>, vector<1x16xf32>,
      %swap3A_197 = vector.shape_cast %swap3A_196 : vector<1x16xf32> to vector<16xf32>
      %swap3A_198 = vector.shape_cast %add3A_193 : vector<16xf32> to vector<1x16xf32>
      tpu.vector_store %arg8[%swap3A_194, %swap3A_195], %swap3A_198 {strides = array<i32>} : memref<32x1024xf32, #tpu.memory_space<vmem>>, vector<1x16xf32>,
      %get3A_199 = arith.index_cast %scan3A_72 : i32 to index
      %get3A_200 = arith.constant 112 : index
      %get3A_201 = tpu.vector_load %arg8[%get3A_199, %get3A_200] {strides = array<i32>} : memref<32x1024xf32, #tpu.memory_space<vmem>>, vector<1x16xf32>,
      %get3A_202 = vector.shape_cast %get3A_201 : vector<1x16xf32> to vector<16xf32>
      %mul3A_203 = arith.mulf %get3A_79, %get3A_202 : vector<16xf32>
      %get3A_204 = arith.index_cast %scan3A_72 : i32 to index
      %get3A_205 = arith.constant 112 : index
      %get3A_206 = tpu.vector_load %arg9[%get3A_204, %get3A_205] {strides = array<i32>} : memref<32x1024xf32, #tpu.memory_space<vmem>>, vector<1x16xf32>,
      %get3A_207 = vector.shape_cast %get3A_206 : vector<1x16xf32> to vector<16xf32>
      %mul3A_208 = arith.mulf %get3A_87, %get3A_207 : vector<16xf32>
      %add3A_209 = arith.addf %mul3A_203, %mul3A_208 : vector<16xf32>
      %swap3A_210 = arith.index_cast %scan3A_72 : i32 to index
      %swap3A_211 = arith.constant 112 : index
      %swap3A_212 = tpu.vector_load %arg8[%swap3A_210, %swap3A_211] {strides = array<i32>} : memref<32x1024xf32, #tpu.memory_space<vmem>>, vector<1x16xf32>,
      %swap3A_213 = vector.shape_cast %swap3A_212 : vector<1x16xf32> to vector<16xf32>
      %swap3A_214 = vector.shape_cast %add3A_209 : vector<16xf32> to vector<1x16xf32>
      tpu.vector_store %arg8[%swap3A_210, %swap3A_211], %swap3A_214 {strides = array<i32>} : memref<32x1024xf32, #tpu.memory_space<vmem>>, vector<1x16xf32>,
      %get3A_215 = arith.index_cast %scan3A_72 : i32 to index
      %get3A_216 = arith.constant 128 : index
      %get3A_217 = tpu.vector_load %arg8[%get3A_215, %get3A_216] {strides = array<i32>} : memref<32x1024xf32, #tpu.memory_space<vmem>>, vector<1x16xf32>,
      %get3A_218 = vector.shape_cast %get3A_217 : vector<1x16xf32> to vector<16xf32>
      %mul3A_219 = arith.mulf %get3A_79, %get3A_218 : vector<16xf32>
      %get3A_220 = arith.index_cast %scan3A_72 : i32 to index
      %get3A_221 = arith.constant 128 : index
      %get3A_222 = tpu.vector_load %arg9[%get3A_220, %get3A_221] {strides = array<i32>} : memref<32x1024xf32, #tpu.memory_space<vmem>>, vector<1x16xf32>,
      %get3A_223 = vector.shape_cast %get3A_222 : vector<1x16xf32> to vector<16xf32>
      %mul3A_224 = arith.mulf %get3A_87, %get3A_223 : vector<16xf32>
      %add3A_225 = arith.addf %mul3A_219, %mul3A_224 : vector<16xf32>
      %swap3A_226 = arith.index_cast %scan3A_72 : i32 to index
      %swap3A_227 = arith.constant 128 : index
      %swap3A_228 = tpu.vector_load %arg8[%swap3A_226, %swap3A_227] {strides = array<i32>} : memref<32x1024xf32, #tpu.memory_space<vmem>>, vector<1x16xf32>,
      %swap3A_229 = vector.shape_cast %swap3A_228 : vector<1x16xf32> to vector<16xf32>
      %swap3A_230 = vector.shape_cast %add3A_225 : vector<16xf32> to vector<1x16xf32>
      tpu.vector_store %arg8[%swap3A_226, %swap3A_227], %swap3A_230 {strides = array<i32>} : memref<32x1024xf32, #tpu.memory_space<vmem>>, vector<1x16xf32>,
      %get3A_231 = arith.index_cast %scan3A_72 : i32 to index
      %get3A_232 = arith.constant 144 : index
      %get3A_233 = tpu.vector_load %arg8[%get3A_231, %get3A_232] {strides = array<i32>} : memref<32x1024xf32, #tpu.memory_space<vmem>>, vector<1x16xf32>,
      %get3A_234 = vector.shape_cast %get3A_233 : vector<1x16xf32> to vector<16xf32>
      %mul3A_235 = arith.mulf %get3A_79, %get3A_234 : vector<16xf32>
      %get3A_236 = arith.index_cast %scan3A_72 : i32 to index
      %get3A_237 = arith.constant 144 : index
      %get3A_238 = tpu.vector_load %arg9[%get3A_236, %get3A_237] {strides = array<i32>} : memref<32x1024xf32, #tpu.memory_space<vmem>>, vector<1x16xf32>,
      %get3A_239 = vector.shape_cast %get3A_238 : vector<1x16xf32> to vector<16xf32>
      %mul3A_240 = arith.mulf %get3A_87, %get3A_239 : vector<16xf32>
      %add3A_241 = arith.addf %mul3A_235, %mul3A_240 : vector<16xf32>
      %swap3A_242 = arith.index_cast %scan3A_72 : i32 to index
      %swap3A_243 = arith.constant 144 : index
      %swap3A_244 = tpu.vector_load %arg8[%swap3A_242, %swap3A_243] {strides = array<i32>} : memref<32x1024xf32, #tpu.memory_space<vmem>>, vector<1x16xf32>,
      %swap3A_245 = vector.shape_cast %swap3A_244 : vector<1x16xf32> to vector<16xf32>
      %swap3A_246 = vector.shape_cast %add3A_241 : vector<16xf32> to vector<1x16xf32>
      tpu.vector_store %arg8[%swap3A_242, %swap3A_243], %swap3A_246 {strides = array<i32>} : memref<32x1024xf32, #tpu.memory_space<vmem>>, vector<1x16xf32>,
      %get3A_247 = arith.index_cast %scan3A_72 : i32 to index
      %get3A_248 = arith.constant 160 : index
      %get3A_249 = tpu.vector_load %arg8[%get3A_247, %get3A_248] {strides = array<i32>} : memref<32x1024xf32, #tpu.memory_space<vmem>>, vector<1x16xf32>,
      %get3A_250 = vector.shape_cast %get3A_249 : vector<1x16xf32> to vector<16xf32>
      %mul3A_251 = arith.mulf %get3A_79, %get3A_250 : vector<16xf32>
      %get3A_252 = arith.index_cast %scan3A_72 : i32 to index
      %get3A_253 = arith.constant 160 : index
      %get3A_254 = tpu.vector_load %arg9[%get3A_252, %get3A_253] {strides = array<i32>} : memref<32x1024xf32, #tpu.memory_space<vmem>>, vector<1x16xf32>,
      %get3A_255 = vector.shape_cast %get3A_254 : vector<1x16xf32> to vector<16xf32>
      %mul3A_256 = arith.mulf %get3A_87, %get3A_255 : vector<16xf32>
      %add3A_257 = arith.addf %mul3A_251, %mul3A_256 : vector<16xf32>
      %swap3A_258 = arith.index_cast %scan3A_72 : i32 to index
      %swap3A_259 = arith.constant 160 : index
      %swap3A_260 = tpu.vector_load %arg8[%swap3A_258, %swap3A_259] {strides = array<i32>} : memref<32x1024xf32, #tpu.memory_space<vmem>>, vector<1x16xf32>,
      %swap3A_261 = vector.shape_cast %swap3A_260 : vector<1x16xf32> to vector<16xf32>
      %swap3A_262 = vector.shape_cast %add3A_257 : vector<16xf32> to vector<1x16xf32>
      tpu.vector_store %arg8[%swap3A_258, %swap3A_259], %swap3A_262 {strides = array<i32>} : memref<32x1024xf32, #tpu.memory_space<vmem>>, vector<1x16xf32>,
      %get3A_263 = arith.index_cast %scan3A_72 : i32 to index
      %get3A_264 = arith.constant 176 : index
      %get3A_265 = tpu.vector_load %arg8[%get3A_263, %get3A_264] {strides = array<i32>} : memref<32x1024xf32, #tpu.memory_space<vmem>>, vector<1x16xf32>,
      %get3A_266 = vector.shape_cast %get3A_265 : vector<1x16xf32> to vector<16xf32>
      %mul3A_267 = arith.mulf %get3A_79, %get3A_266 : vector<16xf32>
      %get3A_268 = arith.index_cast %scan3A_72 : i32 to index
      %get3A_269 = arith.constant 176 : index
      %get3A_270 = tpu.vector_load %arg9[%get3A_268, %get3A_269] {strides = array<i32>} : memref<32x1024xf32, #tpu.memory_space<vmem>>, vector<1x16xf32>,
      %get3A_271 = vector.shape_cast %get3A_270 : vector<1x16xf32> to vector<16xf32>
      %mul3A_272 = arith.mulf %get3A_87, %get3A_271 : vector<16xf32>
      %add3A_273 = arith.addf %mul3A_267, %mul3A_272 : vector<16xf32>
      %swap3A_274 = arith.index_cast %scan3A_72 : i32 to index
      %swap3A_275 = arith.constant 176 : index
      %swap3A_276 = tpu.vector_load %arg8[%swap3A_274, %swap3A_275] {strides = array<i32>} : memref<32x1024xf32, #tpu.memory_space<vmem>>, vector<1x16xf32>,
      %swap3A_277 = vector.shape_cast %swap3A_276 : vector<1x16xf32> to vector<16xf32>
      %swap3A_278 = vector.shape_cast %add3A_273 : vector<16xf32> to vector<1x16xf32>
      tpu.vector_store %arg8[%swap3A_274, %swap3A_275], %swap3A_278 {strides = array<i32>} : memref<32x1024xf32, #tpu.memory_space<vmem>>, vector<1x16xf32>,
      %get3A_279 = arith.index_cast %scan3A_72 : i32 to index
      %get3A_280 = arith.constant 192 : index
      %get3A_281 = tpu.vector_load %arg8[%get3A_279, %get3A_280] {strides = array<i32>} : memref<32x1024xf32, #tpu.memory_space<vmem>>, vector<1x16xf32>,
      %get3A_282 = vector.shape_cast %get3A_281 : vector<1x16xf32> to vector<16xf32>
      %mul3A_283 = arith.mulf %get3A_79, %get3A_282 : vector<16xf32>
      %get3A_284 = arith.index_cast %scan3A_72 : i32 to index
      %get3A_285 = arith.constant 192 : index
      %get3A_286 = tpu.vector_load %arg9[%get3A_284, %get3A_285] {strides = array<i32>} : memref<32x1024xf32, #tpu.memory_space<vmem>>, vector<1x16xf32>,
      %get3A_287 = vector.shape_cast %get3A_286 : vector<1x16xf32> to vector<16xf32>
      %mul3A_288 = arith.mulf %get3A_87, %get3A_287 : vector<16xf32>
      %add3A_289 = arith.addf %mul3A_283, %mul3A_288 : vector<16xf32>
      %swap3A_290 = arith.index_cast %scan3A_72 : i32 to index
      %swap3A_291 = arith.constant 192 : index
      %swap3A_292 = tpu.vector_load %arg8[%swap3A_290, %swap3A_291] {strides = array<i32>} : memref<32x1024xf32, #tpu.memory_space<vmem>>, vector<1x16xf32>,
      %swap3A_293 = vector.shape_cast %swap3A_292 : vector<1x16xf32> to vector<16xf32>
      %swap3A_294 = vector.shape_cast %add3A_289 : vector<16xf32> to vector<1x16xf32>
      tpu.vector_store %arg8[%swap3A_290, %swap3A_291], %swap3A_294 {strides = array<i32>} : memref<32x1024xf32, #tpu.memory_space<vmem>>, vector<1x16xf32>,
      %get3A_295 = arith.index_cast %scan3A_72 : i32 to index
      %get3A_296 = arith.constant 208 : index
      %get3A_297 = tpu.vector_load %arg8[%get3A_295, %get3A_296] {strides = array<i32>} : memref<32x1024xf32, #tpu.memory_space<vmem>>, vector<1x16xf32>,
      %get3A_298 = vector.shape_cast %get3A_297 : vector<1x16xf32> to vector<16xf32>
      %mul3A_299 = arith.mulf %get3A_79, %get3A_298 : vector<16xf32>
      %get3A_300 = arith.index_cast %scan3A_72 : i32 to index
      %get3A_301 = arith.constant 208 : index
      %get3A_302 = tpu.vector_load %arg9[%get3A_300, %get3A_301] {strides = array<i32>} : memref<32x1024xf32, #tpu.memory_space<vmem>>, vector<1x16xf32>,
      %get3A_303 = vector.shape_cast %get3A_302 : vector<1x16xf32> to vector<16xf32>
      %mul3A_304 = arith.mulf %get3A_87, %get3A_303 : vector<16xf32>
      %add3A_305 = arith.addf %mul3A_299, %mul3A_304 : vector<16xf32>
      %swap3A_306 = arith.index_cast %scan3A_72 : i32 to index
      %swap3A_307 = arith.constant 208 : index
      %swap3A_308 = tpu.vector_load %arg8[%swap3A_306, %swap3A_307] {strides = array<i32>} : memref<32x1024xf32, #tpu.memory_space<vmem>>, vector<1x16xf32>,
      %swap3A_309 = vector.shape_cast %swap3A_308 : vector<1x16xf32> to vector<16xf32>
      %swap3A_310 = vector.shape_cast %add3A_305 : vector<16xf32> to vector<1x16xf32>
      tpu.vector_store %arg8[%swap3A_306, %swap3A_307], %swap3A_310 {strides = array<i32>} : memref<32x1024xf32, #tpu.memory_space<vmem>>, vector<1x16xf32>,
      %get3A_311 = arith.index_cast %scan3A_72 : i32 to index
      %get3A_312 = arith.constant 224 : index
      %get3A_313 = tpu.vector_load %arg8[%get3A_311, %get3A_312] {strides = array<i32>} : memref<32x1024xf32, #tpu.memory_space<vmem>>, vector<1x16xf32>,
      %get3A_314 = vector.shape_cast %get3A_313 : vector<1x16xf32> to vector<16xf32>
      %mul3A_315 = arith.mulf %get3A_79, %get3A_314 : vector<16xf32>
      %get3A_316 = arith.index_cast %scan3A_72 : i32 to index
      %get3A_317 = arith.constant 224 : index
      %get3A_318 = tpu.vector_load %arg9[%get3A_316, %get3A_317] {strides = array<i32>} : memref<32x1024xf32, #tpu.memory_space<vmem>>, vector<1x16xf32>,
      %get3A_319 = vector.shape_cast %get3A_318 : vector<1x16xf32> to vector<16xf32>
      %mul3A_320 = arith.mulf %get3A_87, %get3A_319 : vector<16xf32>
      %add3A_321 = arith.addf %mul3A_315, %mul3A_320 : vector<16xf32>
      %swap3A_322 = arith.index_cast %scan3A_72 : i32 to index
      %swap3A_323 = arith.constant 224 : index
      %swap3A_324 = tpu.vector_load %arg8[%swap3A_322, %swap3A_323] {strides = array<i32>} : memref<32x1024xf32, #tpu.memory_space<vmem>>, vector<1x16xf32>,
      %swap3A_325 = vector.shape_cast %swap3A_324 : vector<1x16xf32> to vector<16xf32>
      %swap3A_326 = vector.shape_cast %add3A_321 : vector<16xf32> to vector<1x16xf32>
      tpu.vector_store %arg8[%swap3A_322, %swap3A_323], %swap3A_326 {strides = array<i32>} : memref<32x1024xf32, #tpu.memory_space<vmem>>, vector<1x16xf32>,
      %get3A_327 = arith.index_cast %scan3A_72 : i32 to index
      %get3A_328 = arith.constant 240 : index
      %get3A_329 = tpu.vector_load %arg8[%get3A_327, %get3A_328] {strides = array<i32>} : memref<32x1024xf32, #tpu.memory_space<vmem>>, vector<1x16xf32>,
      %get3A_330 = vector.shape_cast %get3A_329 : vector<1x16xf32> to vector<16xf32>
      %mul3A_331 = arith.mulf %get3A_79, %get3A_330 : vector<16xf32>
      %get3A_332 = arith.index_cast %scan3A_72 : i32 to index
      %get3A_333 = arith.constant 240 : index
      %get3A_334 = tpu.vector_load %arg9[%get3A_332, %get3A_333] {strides = array<i32>} : memref<32x1024xf32, #tpu.memory_space<vmem>>, vector<1x16xf32>,
      %get3A_335 = vector.shape_cast %get3A_334 : vector<1x16xf32> to vector<16xf32>
      %mul3A_336 = arith.mulf %get3A_87, %get3A_335 : vector<16xf32>
      %add3A_337 = arith.addf %mul3A_331, %mul3A_336 : vector<16xf32>
      %swap3A_338 = arith.index_cast %scan3A_72 : i32 to index
      %swap3A_339 = arith.constant 240 : index
      %swap3A_340 = tpu.vector_load %arg8[%swap3A_338, %swap3A_339] {strides = array<i32>} : memref<32x1024xf32, #tpu.memory_space<vmem>>, vector<1x16xf32>,
      %swap3A_341 = vector.shape_cast %swap3A_340 : vector<1x16xf32> to vector<16xf32>
      %swap3A_342 = vector.shape_cast %add3A_337 : vector<16xf32> to vector<1x16xf32>
      tpu.vector_store %arg8[%swap3A_338, %swap3A_339], %swap3A_342 {strides = array<i32>} : memref<32x1024xf32, #tpu.memory_space<vmem>>, vector<1x16xf32>,
      %get3A_343 = arith.index_cast %scan3A_72 : i32 to index
      %get3A_344 = arith.constant 256 : index
      %get3A_345 = tpu.vector_load %arg8[%get3A_343, %get3A_344] {strides = array<i32>} : memref<32x1024xf32, #tpu.memory_space<vmem>>, vector<1x16xf32>,
      %get3A_346 = vector.shape_cast %get3A_345 : vector<1x16xf32> to vector<16xf32>
      %mul3A_347 = arith.mulf %get3A_79, %get3A_346 : vector<16xf32>
      %get3A_348 = arith.index_cast %scan3A_72 : i32 to index
      %get3A_349 = arith.constant 256 : index
      %get3A_350 = tpu.vector_load %arg9[%get3A_348, %get3A_349] {strides = array<i32>} : memref<32x1024xf32, #tpu.memory_space<vmem>>, vector<1x16xf32>,
      %get3A_351 = vector.shape_cast %get3A_350 : vector<1x16xf32> to vector<16xf32>
      %mul3A_352 = arith.mulf %get3A_87, %get3A_351 : vector<16xf32>
      %add3A_353 = arith.addf %mul3A_347, %mul3A_352 : vector<16xf32>
      %swap3A_354 = arith.index_cast %scan3A_72 : i32 to index
      %swap3A_355 = arith.constant 256 : index
      %swap3A_356 = tpu.vector_load %arg8[%swap3A_354, %swap3A_355] {strides = array<i32>} : memref<32x1024xf32, #tpu.memory_space<vmem>>, vector<1x16xf32>,
      %swap3A_357 = vector.shape_cast %swap3A_356 : vector<1x16xf32> to vector<16xf32>
      %swap3A_358 = vector.shape_cast %add3A_353 : vector<16xf32> to vector<1x16xf32>
      tpu.vector_store %arg8[%swap3A_354, %swap3A_355], %swap3A_358 {strides = array<i32>} : memref<32x1024xf32, #tpu.memory_space<vmem>>, vector<1x16xf32>,
      %get3A_359 = arith.index_cast %scan3A_72 : i32 to index
      %get3A_360 = arith.constant 272 : index
      %get3A_361 = tpu.vector_load %arg8[%get3A_359, %get3A_360] {strides = array<i32>} : memref<32x1024xf32, #tpu.memory_space<vmem>>, vector<1x16xf32>,
      %get3A_362 = vector.shape_cast %get3A_361 : vector<1x16xf32> to vector<16xf32>
      %mul3A_363 = arith.mulf %get3A_79, %get3A_362 : vector<16xf32>
      %get3A_364 = arith.index_cast %scan3A_72 : i32 to index
      %get3A_365 = arith.constant 272 : index
      %get3A_366 = tpu.vector_load %arg9[%get3A_364, %get3A_365] {strides = array<i32>} : memref<32x1024xf32, #tpu.memory_space<vmem>>, vector<1x16xf32>,
      %get3A_367 = vector.shape_cast %get3A_366 : vector<1x16xf32> to vector<16xf32>
      %mul3A_368 = arith.mulf %get3A_87, %get3A_367 : vector<16xf32>
      %add3A_369 = arith.addf %mul3A_363, %mul3A_368 : vector<16xf32>
      %swap3A_370 = arith.index_cast %scan3A_72 : i32 to index
      %swap3A_371 = arith.constant 272 : index
      %swap3A_372 = tpu.vector_load %arg8[%swap3A_370, %swap3A_371] {strides = array<i32>} : memref<32x1024xf32, #tpu.memory_space<vmem>>, vector<1x16xf32>,
      %swap3A_373 = vector.shape_cast %swap3A_372 : vector<1x16xf32> to vector<16xf32>
      %swap3A_374 = vector.shape_cast %add3A_369 : vector<16xf32> to vector<1x16xf32>
      tpu.vector_store %arg8[%swap3A_370, %swap3A_371], %swap3A_374 {strides = array<i32>} : memref<32x1024xf32, #tpu.memory_space<vmem>>, vector<1x16xf32>,
      %get3A_375 = arith.index_cast %scan3A_72 : i32 to index
      %get3A_376 = arith.constant 288 : index
      %get3A_377 = tpu.vector_load %arg8[%get3A_375, %get3A_376] {strides = array<i32>} : memref<32x1024xf32, #tpu.memory_space<vmem>>, vector<1x16xf32>,
      %get3A_378 = vector.shape_cast %get3A_377 : vector<1x16xf32> to vector<16xf32>
      %mul3A_379 = arith.mulf %get3A_79, %get3A_378 : vector<16xf32>
      %get3A_380 = arith.index_cast %scan3A_72 : i32 to index
      %get3A_381 = arith.constant 288 : index
      %get3A_382 = tpu.vector_load %arg9[%get3A_380, %get3A_381] {strides = array<i32>} : memref<32x1024xf32, #tpu.memory_space<vmem>>, vector<1x16xf32>,
      %get3A_383 = vector.shape_cast %get3A_382 : vector<1x16xf32> to vector<16xf32>
      %mul3A_384 = arith.mulf %get3A_87, %get3A_383 : vector<16xf32>
      %add3A_385 = arith.addf %mul3A_379, %mul3A_384 : vector<16xf32>
      %swap3A_386 = arith.index_cast %scan3A_72 : i32 to index
      %swap3A_387 = arith.constant 288 : index
      %swap3A_388 = tpu.vector_load %arg8[%swap3A_386, %swap3A_387] {strides = array<i32>} : memref<32x1024xf32, #tpu.memory_space<vmem>>, vector<1x16xf32>,
      %swap3A_389 = vector.shape_cast %swap3A_388 : vector<1x16xf32> to vector<16xf32>
      %swap3A_390 = vector.shape_cast %add3A_385 : vector<16xf32> to vector<1x16xf32>
      tpu.vector_store %arg8[%swap3A_386, %swap3A_387], %swap3A_390 {strides = array<i32>} : memref<32x1024xf32, #tpu.memory_space<vmem>>, vector<1x16xf32>,
      %get3A_391 = arith.index_cast %scan3A_72 : i32 to index
      %get3A_392 = arith.constant 304 : index
      %get3A_393 = tpu.vector_load %arg8[%get3A_391, %get3A_392] {strides = array<i32>} : memref<32x1024xf32, #tpu.memory_space<vmem>>, vector<1x16xf32>,
      %get3A_394 = vector.shape_cast %get3A_393 : vector<1x16xf32> to vector<16xf32>
      %mul3A_395 = arith.mulf %get3A_79, %get3A_394 : vector<16xf32>
      %get3A_396 = arith.index_cast %scan3A_72 : i32 to index
      %get3A_397 = arith.constant 304 : index
      %get3A_398 = tpu.vector_load %arg9[%get3A_396, %get3A_397] {strides = array<i32>} : memref<32x1024xf32, #tpu.memory_space<vmem>>, vector<1x16xf32>,
      %get3A_399 = vector.shape_cast %get3A_398 : vector<1x16xf32> to vector<16xf32>
      %mul3A_400 = arith.mulf %get3A_87, %get3A_399 : vector<16xf32>
      %add3A_401 = arith.addf %mul3A_395, %mul3A_400 : vector<16xf32>
      %swap3A_402 = arith.index_cast %scan3A_72 : i32 to index
      %swap3A_403 = arith.constant 304 : index
      %swap3A_404 = tpu.vector_load %arg8[%swap3A_402, %swap3A_403] {strides = array<i32>} : memref<32x1024xf32, #tpu.memory_space<vmem>>, vector<1x16xf32>,
      %swap3A_405 = vector.shape_cast %swap3A_404 : vector<1x16xf32> to vector<16xf32>
      %swap3A_406 = vector.shape_cast %add3A_401 : vector<16xf32> to vector<1x16xf32>
      tpu.vector_store %arg8[%swap3A_402, %swap3A_403], %swap3A_406 {strides = array<i32>} : memref<32x1024xf32, #tpu.memory_space<vmem>>, vector<1x16xf32>,
      %get3A_407 = arith.index_cast %scan3A_72 : i32 to index
      %get3A_408 = arith.constant 320 : index
      %get3A_409 = tpu.vector_load %arg8[%get3A_407, %get3A_408] {strides = array<i32>} : memref<32x1024xf32, #tpu.memory_space<vmem>>, vector<1x16xf32>,
      %get3A_410 = vector.shape_cast %get3A_409 : vector<1x16xf32> to vector<16xf32>
      %mul3A_411 = arith.mulf %get3A_79, %get3A_410 : vector<16xf32>
      %get3A_412 = arith.index_cast %scan3A_72 : i32 to index
      %get3A_413 = arith.constant 320 : index
      %get3A_414 = tpu.vector_load %arg9[%get3A_412, %get3A_413] {strides = array<i32>} : memref<32x1024xf32, #tpu.memory_space<vmem>>, vector<1x16xf32>,
      %get3A_415 = vector.shape_cast %get3A_414 : vector<1x16xf32> to vector<16xf32>
      %mul3A_416 = arith.mulf %get3A_87, %get3A_415 : vector<16xf32>
      %add3A_417 = arith.addf %mul3A_411, %mul3A_416 : vector<16xf32>
      %swap3A_418 = arith.index_cast %scan3A_72 : i32 to index
      %swap3A_419 = arith.constant 320 : index
      %swap3A_420 = tpu.vector_load %arg8[%swap3A_418, %swap3A_419] {strides = array<i32>} : memref<32x1024xf32, #tpu.memory_space<vmem>>, vector<1x16xf32>,
      %swap3A_421 = vector.shape_cast %swap3A_420 : vector<1x16xf32> to vector<16xf32>
      %swap3A_422 = vector.shape_cast %add3A_417 : vector<16xf32> to vector<1x16xf32>
      tpu.vector_store %arg8[%swap3A_418, %swap3A_419], %swap3A_422 {strides = array<i32>} : memref<32x1024xf32, #tpu.memory_space<vmem>>, vector<1x16xf32>,
      %get3A_423 = arith.index_cast %scan3A_72 : i32 to index
      %get3A_424 = arith.constant 336 : index
      %get3A_425 = tpu.vector_load %arg8[%get3A_423, %get3A_424] {strides = array<i32>} : memref<32x1024xf32, #tpu.memory_space<vmem>>, vector<1x16xf32>,
      %get3A_426 = vector.shape_cast %get3A_425 : vector<1x16xf32> to vector<16xf32>
      %mul3A_427 = arith.mulf %get3A_79, %get3A_426 : vector<16xf32>
      %get3A_428 = arith.index_cast %scan3A_72 : i32 to index
      %get3A_429 = arith.constant 336 : index
      %get3A_430 = tpu.vector_load %arg9[%get3A_428, %get3A_429] {strides = array<i32>} : memref<32x1024xf32, #tpu.memory_space<vmem>>, vector<1x16xf32>,
      %get3A_431 = vector.shape_cast %get3A_430 : vector<1x16xf32> to vector<16xf32>
      %mul3A_432 = arith.mulf %get3A_87, %get3A_431 : vector<16xf32>
      %add3A_433 = arith.addf %mul3A_427, %mul3A_432 : vector<16xf32>
      %swap3A_434 = arith.index_cast %scan3A_72 : i32 to index
      %swap3A_435 = arith.constant 336 : index
      %swap3A_436 = tpu.vector_load %arg8[%swap3A_434, %swap3A_435] {strides = array<i32>} : memref<32x1024xf32, #tpu.memory_space<vmem>>, vector<1x16xf32>,
      %swap3A_437 = vector.shape_cast %swap3A_436 : vector<1x16xf32> to vector<16xf32>
      %swap3A_438 = vector.shape_cast %add3A_433 : vector<16xf32> to vector<1x16xf32>
      tpu.vector_store %arg8[%swap3A_434, %swap3A_435], %swap3A_438 {strides = array<i32>} : memref<32x1024xf32, #tpu.memory_space<vmem>>, vector<1x16xf32>,
      %get3A_439 = arith.index_cast %scan3A_72 : i32 to index
      %get3A_440 = arith.constant 352 : index
      %get3A_441 = tpu.vector_load %arg8[%get3A_439, %get3A_440] {strides = array<i32>} : memref<32x1024xf32, #tpu.memory_space<vmem>>, vector<1x16xf32>,
      %get3A_442 = vector.shape_cast %get3A_441 : vector<1x16xf32> to vector<16xf32>
      %mul3A_443 = arith.mulf %get3A_79, %get3A_442 : vector<16xf32>
      %get3A_444 = arith.index_cast %scan3A_72 : i32 to index
      %get3A_445 = arith.constant 352 : index
      %get3A_446 = tpu.vector_load %arg9[%get3A_444, %get3A_445] {strides = array<i32>} : memref<32x1024xf32, #tpu.memory_space<vmem>>, vector<1x16xf32>,
      %get3A_447 = vector.shape_cast %get3A_446 : vector<1x16xf32> to vector<16xf32>
      %mul3A_448 = arith.mulf %get3A_87, %get3A_447 : vector<16xf32>
      %add3A_449 = arith.addf %mul3A_443, %mul3A_448 : vector<16xf32>
      %swap3A_450 = arith.index_cast %scan3A_72 : i32 to index
      %swap3A_451 = arith.constant 352 : index
      %swap3A_452 = tpu.vector_load %arg8[%swap3A_450, %swap3A_451] {strides = array<i32>} : memref<32x1024xf32, #tpu.memory_space<vmem>>, vector<1x16xf32>,
      %swap3A_453 = vector.shape_cast %swap3A_452 : vector<1x16xf32> to vector<16xf32>
      %swap3A_454 = vector.shape_cast %add3A_449 : vector<16xf32> to vector<1x16xf32>
      tpu.vector_store %arg8[%swap3A_450, %swap3A_451], %swap3A_454 {strides = array<i32>} : memref<32x1024xf32, #tpu.memory_space<vmem>>, vector<1x16xf32>,
      %get3A_455 = arith.index_cast %scan3A_72 : i32 to index
      %get3A_456 = arith.constant 368 : index
      %get3A_457 = tpu.vector_load %arg8[%get3A_455, %get3A_456] {strides = array<i32>} : memref<32x1024xf32, #tpu.memory_space<vmem>>, vector<1x16xf32>,
      %get3A_458 = vector.shape_cast %get3A_457 : vector<1x16xf32> to vector<16xf32>
      %mul3A_459 = arith.mulf %get3A_79, %get3A_458 : vector<16xf32>
      %get3A_460 = arith.index_cast %scan3A_72 : i32 to index
      %get3A_461 = arith.constant 368 : index
      %get3A_462 = tpu.vector_load %arg9[%get3A_460, %get3A_461] {strides = array<i32>} : memref<32x1024xf32, #tpu.memory_space<vmem>>, vector<1x16xf32>,
      %get3A_463 = vector.shape_cast %get3A_462 : vector<1x16xf32> to vector<16xf32>
      %mul3A_464 = arith.mulf %get3A_87, %get3A_463 : vector<16xf32>
      %add3A_465 = arith.addf %mul3A_459, %mul3A_464 : vector<16xf32>
      %swap3A_466 = arith.index_cast %scan3A_72 : i32 to index
      %swap3A_467 = arith.constant 368 : index
      %swap3A_468 = tpu.vector_load %arg8[%swap3A_466, %swap3A_467] {strides = array<i32>} : memref<32x1024xf32, #tpu.memory_space<vmem>>, vector<1x16xf32>,
      %swap3A_469 = vector.shape_cast %swap3A_468 : vector<1x16xf32> to vector<16xf32>
      %swap3A_470 = vector.shape_cast %add3A_465 : vector<16xf32> to vector<1x16xf32>
      tpu.vector_store %arg8[%swap3A_466, %swap3A_467], %swap3A_470 {strides = array<i32>} : memref<32x1024xf32, #tpu.memory_space<vmem>>, vector<1x16xf32>,
      %get3A_471 = arith.index_cast %scan3A_72 : i32 to index
      %get3A_472 = arith.constant 384 : index
      %get3A_473 = tpu.vector_load %arg8[%get3A_471, %get3A_472] {strides = array<i32>} : memref<32x1024xf32, #tpu.memory_space<vmem>>, vector<1x16xf32>,
      %get3A_474 = vector.shape_cast %get3A_473 : vector<1x16xf32> to vector<16xf32>
      %mul3A_475 = arith.mulf %get3A_79, %get3A_474 : vector<16xf32>
      %get3A_476 = arith.index_cast %scan3A_72 : i32 to index
      %get3A_477 = arith.constant 384 : index
      %get3A_478 = tpu.vector_load %arg9[%get3A_476, %get3A_477] {strides = array<i32>} : memref<32x1024xf32, #tpu.memory_space<vmem>>, vector<1x16xf32>,
      %get3A_479 = vector.shape_cast %get3A_478 : vector<1x16xf32> to vector<16xf32>
      %mul3A_480 = arith.mulf %get3A_87, %get3A_479 : vector<16xf32>
      %add3A_481 = arith.addf %mul3A_475, %mul3A_480 : vector<16xf32>
      %swap3A_482 = arith.index_cast %scan3A_72 : i32 to index
      %swap3A_483 = arith.constant 384 : index
      %swap3A_484 = tpu.vector_load %arg8[%swap3A_482, %swap3A_483] {strides = array<i32>} : memref<32x1024xf32, #tpu.memory_space<vmem>>, vector<1x16xf32>,
      %swap3A_485 = vector.shape_cast %swap3A_484 : vector<1x16xf32> to vector<16xf32>
      %swap3A_486 = vector.shape_cast %add3A_481 : vector<16xf32> to vector<1x16xf32>
      tpu.vector_store %arg8[%swap3A_482, %swap3A_483], %swap3A_486 {strides = array<i32>} : memref<32x1024xf32, #tpu.memory_space<vmem>>, vector<1x16xf32>,
      %get3A_487 = arith.index_cast %scan3A_72 : i32 to index
      %get3A_488 = arith.constant 400 : index
      %get3A_489 = tpu.vector_load %arg8[%get3A_487, %get3A_488] {strides = array<i32>} : memref<32x1024xf32, #tpu.memory_space<vmem>>, vector<1x16xf32>,
      %get3A_490 = vector.shape_cast %get3A_489 : vector<1x16xf32> to vector<16xf32>
      %mul3A_491 = arith.mulf %get3A_79, %get3A_490 : vector<16xf32>
      %get3A_492 = arith.index_cast %scan3A_72 : i32 to index
      %get3A_493 = arith.constant 400 : index
      %get3A_494 = tpu.vector_load %arg9[%get3A_492, %get3A_493] {strides = array<i32>} : memref<32x1024xf32, #tpu.memory_space<vmem>>, vector<1x16xf32>,
      %get3A_495 = vector.shape_cast %get3A_494 : vector<1x16xf32> to vector<16xf32>
      %mul3A_496 = arith.mulf %get3A_87, %get3A_495 : vector<16xf32>
      %add3A_497 = arith.addf %mul3A_491, %mul3A_496 : vector<16xf32>
      %swap3A_498 = arith.index_cast %scan3A_72 : i32 to index
      %swap3A_499 = arith.constant 400 : index
      %swap3A_500 = tpu.vector_load %arg8[%swap3A_498, %swap3A_499] {strides = array<i32>} : memref<32x1024xf32, #tpu.memory_space<vmem>>, vector<1x16xf32>,
      %swap3A_501 = vector.shape_cast %swap3A_500 : vector<1x16xf32> to vector<16xf32>
      %swap3A_502 = vector.shape_cast %add3A_497 : vector<16xf32> to vector<1x16xf32>
      tpu.vector_store %arg8[%swap3A_498, %swap3A_499], %swap3A_502 {strides = array<i32>} : memref<32x1024xf32, #tpu.memory_space<vmem>>, vector<1x16xf32>,
      %get3A_503 = arith.index_cast %scan3A_72 : i32 to index
      %get3A_504 = arith.constant 416 : index
      %get3A_505 = tpu.vector_load %arg8[%get3A_503, %get3A_504] {strides = array<i32>} : memref<32x1024xf32, #tpu.memory_space<vmem>>, vector<1x16xf32>,
      %get3A_506 = vector.shape_cast %get3A_505 : vector<1x16xf32> to vector<16xf32>
      %mul3A_507 = arith.mulf %get3A_79, %get3A_506 : vector<16xf32>
      %get3A_508 = arith.index_cast %scan3A_72 : i32 to index
      %get3A_509 = arith.constant 416 : index
      %get3A_510 = tpu.vector_load %arg9[%get3A_508, %get3A_509] {strides = array<i32>} : memref<32x1024xf32, #tpu.memory_space<vmem>>, vector<1x16xf32>,
      %get3A_511 = vector.shape_cast %get3A_510 : vector<1x16xf32> to vector<16xf32>
      %mul3A_512 = arith.mulf %get3A_87, %get3A_511 : vector<16xf32>
      %add3A_513 = arith.addf %mul3A_507, %mul3A_512 : vector<16xf32>
      %swap3A_514 = arith.index_cast %scan3A_72 : i32 to index
      %swap3A_515 = arith.constant 416 : index
      %swap3A_516 = tpu.vector_load %arg8[%swap3A_514, %swap3A_515] {strides = array<i32>} : memref<32x1024xf32, #tpu.memory_space<vmem>>, vector<1x16xf32>,
      %swap3A_517 = vector.shape_cast %swap3A_516 : vector<1x16xf32> to vector<16xf32>
      %swap3A_518 = vector.shape_cast %add3A_513 : vector<16xf32> to vector<1x16xf32>
      tpu.vector_store %arg8[%swap3A_514, %swap3A_515], %swap3A_518 {strides = array<i32>} : memref<32x1024xf32, #tpu.memory_space<vmem>>, vector<1x16xf32>,
      %get3A_519 = arith.index_cast %scan3A_72 : i32 to index
      %get3A_520 = arith.constant 432 : index
      %get3A_521 = tpu.vector_load %arg8[%get3A_519, %get3A_520] {strides = array<i32>} : memref<32x1024xf32, #tpu.memory_space<vmem>>, vector<1x16xf32>,
      %get3A_522 = vector.shape_cast %get3A_521 : vector<1x16xf32> to vector<16xf32>
      %mul3A_523 = arith.mulf %get3A_79, %get3A_522 : vector<16xf32>
      %get3A_524 = arith.index_cast %scan3A_72 : i32 to index
      %get3A_525 = arith.constant 432 : index
      %get3A_526 = tpu.vector_load %arg9[%get3A_524, %get3A_525] {strides = array<i32>} : memref<32x1024xf32, #tpu.memory_space<vmem>>, vector<1x16xf32>,
      %get3A_527 = vector.shape_cast %get3A_526 : vector<1x16xf32> to vector<16xf32>
      %mul3A_528 = arith.mulf %get3A_87, %get3A_527 : vector<16xf32>
      %add3A_529 = arith.addf %mul3A_523, %mul3A_528 : vector<16xf32>
      %swap3A_530 = arith.index_cast %scan3A_72 : i32 to index
      %swap3A_531 = arith.constant 432 : index
      %swap3A_532 = tpu.vector_load %arg8[%swap3A_530, %swap3A_531] {strides = array<i32>} : memref<32x1024xf32, #tpu.memory_space<vmem>>, vector<1x16xf32>,
      %swap3A_533 = vector.shape_cast %swap3A_532 : vector<1x16xf32> to vector<16xf32>
      %swap3A_534 = vector.shape_cast %add3A_529 : vector<16xf32> to vector<1x16xf32>
      tpu.vector_store %arg8[%swap3A_530, %swap3A_531], %swap3A_534 {strides = array<i32>} : memref<32x1024xf32, #tpu.memory_space<vmem>>, vector<1x16xf32>,
      %get3A_535 = arith.index_cast %scan3A_72 : i32 to index
      %get3A_536 = arith.constant 448 : index
      %get3A_537 = tpu.vector_load %arg8[%get3A_535, %get3A_536] {strides = array<i32>} : memref<32x1024xf32, #tpu.memory_space<vmem>>, vector<1x16xf32>,
      %get3A_538 = vector.shape_cast %get3A_537 : vector<1x16xf32> to vector<16xf32>
      %mul3A_539 = arith.mulf %get3A_79, %get3A_538 : vector<16xf32>
      %get3A_540 = arith.index_cast %scan3A_72 : i32 to index
      %get3A_541 = arith.constant 448 : index
      %get3A_542 = tpu.vector_load %arg9[%get3A_540, %get3A_541] {strides = array<i32>} : memref<32x1024xf32, #tpu.memory_space<vmem>>, vector<1x16xf32>,
      %get3A_543 = vector.shape_cast %get3A_542 : vector<1x16xf32> to vector<16xf32>
      %mul3A_544 = arith.mulf %get3A_87, %get3A_543 : vector<16xf32>
      %add3A_545 = arith.addf %mul3A_539, %mul3A_544 : vector<16xf32>
      %swap3A_546 = arith.index_cast %scan3A_72 : i32 to index
      %swap3A_547 = arith.constant 448 : index
      %swap3A_548 = tpu.vector_load %arg8[%swap3A_546, %swap3A_547] {strides = array<i32>} : memref<32x1024xf32, #tpu.memory_space<vmem>>, vector<1x16xf32>,
      %swap3A_549 = vector.shape_cast %swap3A_548 : vector<1x16xf32> to vector<16xf32>
      %swap3A_550 = vector.shape_cast %add3A_545 : vector<16xf32> to vector<1x16xf32>
      tpu.vector_store %arg8[%swap3A_546, %swap3A_547], %swap3A_550 {strides = array<i32>} : memref<32x1024xf32, #tpu.memory_space<vmem>>, vector<1x16xf32>,
      %get3A_551 = arith.index_cast %scan3A_72 : i32 to index
      %get3A_552 = arith.constant 464 : index
      %get3A_553 = tpu.vector_load %arg8[%get3A_551, %get3A_552] {strides = array<i32>} : memref<32x1024xf32, #tpu.memory_space<vmem>>, vector<1x16xf32>,
      %get3A_554 = vector.shape_cast %get3A_553 : vector<1x16xf32> to vector<16xf32>
      %mul3A_555 = arith.mulf %get3A_79, %get3A_554 : vector<16xf32>
      %get3A_556 = arith.index_cast %scan3A_72 : i32 to index
      %get3A_557 = arith.constant 464 : index
      %get3A_558 = tpu.vector_load %arg9[%get3A_556, %get3A_557] {strides = array<i32>} : memref<32x1024xf32, #tpu.memory_space<vmem>>, vector<1x16xf32>,
      %get3A_559 = vector.shape_cast %get3A_558 : vector<1x16xf32> to vector<16xf32>
      %mul3A_560 = arith.mulf %get3A_87, %get3A_559 : vector<16xf32>
      %add3A_561 = arith.addf %mul3A_555, %mul3A_560 : vector<16xf32>
      %swap3A_562 = arith.index_cast %scan3A_72 : i32 to index
      %swap3A_563 = arith.constant 464 : index
      %swap3A_564 = tpu.vector_load %arg8[%swap3A_562, %swap3A_563] {strides = array<i32>} : memref<32x1024xf32, #tpu.memory_space<vmem>>, vector<1x16xf32>,
      %swap3A_565 = vector.shape_cast %swap3A_564 : vector<1x16xf32> to vector<16xf32>
      %swap3A_566 = vector.shape_cast %add3A_561 : vector<16xf32> to vector<1x16xf32>
      tpu.vector_store %arg8[%swap3A_562, %swap3A_563], %swap3A_566 {strides = array<i32>} : memref<32x1024xf32, #tpu.memory_space<vmem>>, vector<1x16xf32>,
      %get3A_567 = arith.index_cast %scan3A_72 : i32 to index
      %get3A_568 = arith.constant 480 : index
      %get3A_569 = tpu.vector_load %arg8[%get3A_567, %get3A_568] {strides = array<i32>} : memref<32x1024xf32, #tpu.memory_space<vmem>>, vector<1x16xf32>,
      %get3A_570 = vector.shape_cast %get3A_569 : vector<1x16xf32> to vector<16xf32>
      %mul3A_571 = arith.mulf %get3A_79, %get3A_570 : vector<16xf32>
      %get3A_572 = arith.index_cast %scan3A_72 : i32 to index
      %get3A_573 = arith.constant 480 : index
      %get3A_574 = tpu.vector_load %arg9[%get3A_572, %get3A_573] {strides = array<i32>} : memref<32x1024xf32, #tpu.memory_space<vmem>>, vector<1x16xf32>,
      %get3A_575 = vector.shape_cast %get3A_574 : vector<1x16xf32> to vector<16xf32>
      %mul3A_576 = arith.mulf %get3A_87, %get3A_575 : vector<16xf32>
      %add3A_577 = arith.addf %mul3A_571, %mul3A_576 : vector<16xf32>
      %swap3A_578 = arith.index_cast %scan3A_72 : i32 to index
      %swap3A_579 = arith.constant 480 : index
      %swap3A_580 = tpu.vector_load %arg8[%swap3A_578, %swap3A_579] {strides = array<i32>} : memref<32x1024xf32, #tpu.memory_space<vmem>>, vector<1x16xf32>,
      %swap3A_581 = vector.shape_cast %swap3A_580 : vector<1x16xf32> to vector<16xf32>
      %swap3A_582 = vector.shape_cast %add3A_577 : vector<16xf32> to vector<1x16xf32>
      tpu.vector_store %arg8[%swap3A_578, %swap3A_579], %swap3A_582 {strides = array<i32>} : memref<32x1024xf32, #tpu.memory_space<vmem>>, vector<1x16xf32>,
      %get3A_583 = arith.index_cast %scan3A_72 : i32 to index
      %get3A_584 = arith.constant 496 : index
      %get3A_585 = tpu.vector_load %arg8[%get3A_583, %get3A_584] {strides = array<i32>} : memref<32x1024xf32, #tpu.memory_space<vmem>>, vector<1x16xf32>,
      %get3A_586 = vector.shape_cast %get3A_585 : vector<1x16xf32> to vector<16xf32>
      %mul3A_587 = arith.mulf %get3A_79, %get3A_586 : vector<16xf32>
      %get3A_588 = arith.index_cast %scan3A_72 : i32 to index
      %get3A_589 = arith.constant 496 : index
      %get3A_590 = tpu.vector_load %arg9[%get3A_588, %get3A_589] {strides = array<i32>} : memref<32x1024xf32, #tpu.memory_space<vmem>>, vector<1x16xf32>,
      %get3A_591 = vector.shape_cast %get3A_590 : vector<1x16xf32> to vector<16xf32>
      %mul3A_592 = arith.mulf %get3A_87, %get3A_591 : vector<16xf32>
      %add3A_593 = arith.addf %mul3A_587, %mul3A_592 : vector<16xf32>
      %swap3A_594 = arith.index_cast %scan3A_72 : i32 to index
      %swap3A_595 = arith.constant 496 : index
      %swap3A_596 = tpu.vector_load %arg8[%swap3A_594, %swap3A_595] {strides = array<i32>} : memref<32x1024xf32, #tpu.memory_space<vmem>>, vector<1x16xf32>,
      %swap3A_597 = vector.shape_cast %swap3A_596 : vector<1x16xf32> to vector<16xf32>
      %swap3A_598 = vector.shape_cast %add3A_593 : vector<16xf32> to vector<1x16xf32>
      tpu.vector_store %arg8[%swap3A_594, %swap3A_595], %swap3A_598 {strides = array<i32>} : memref<32x1024xf32, #tpu.memory_space<vmem>>, vector<1x16xf32>,
      %get3A_599 = arith.index_cast %scan3A_72 : i32 to index
      %get3A_600 = arith.constant 512 : index
      %get3A_601 = tpu.vector_load %arg8[%get3A_599, %get3A_600] {strides = array<i32>} : memref<32x1024xf32, #tpu.memory_space<vmem>>, vector<1x16xf32>,
      %get3A_602 = vector.shape_cast %get3A_601 : vector<1x16xf32> to vector<16xf32>
      %mul3A_603 = arith.mulf %get3A_79, %get3A_602 : vector<16xf32>
      %get3A_604 = arith.index_cast %scan3A_72 : i32 to index
      %get3A_605 = arith.constant 512 : index
      %get3A_606 = tpu.vector_load %arg9[%get3A_604, %get3A_605] {strides = array<i32>} : memref<32x1024xf32, #tpu.memory_space<vmem>>, vector<1x16xf32>,
      %get3A_607 = vector.shape_cast %get3A_606 : vector<1x16xf32> to vector<16xf32>
      %mul3A_608 = arith.mulf %get3A_87, %get3A_607 : vector<16xf32>
      %add3A_609 = arith.addf %mul3A_603, %mul3A_608 : vector<16xf32>
      %swap3A_610 = arith.index_cast %scan3A_72 : i32 to index
      %swap3A_611 = arith.constant 512 : index
      %swap3A_612 = tpu.vector_load %arg8[%swap3A_610, %swap3A_611] {strides = array<i32>} : memref<32x1024xf32, #tpu.memory_space<vmem>>, vector<1x16xf32>,
      %swap3A_613 = vector.shape_cast %swap3A_612 : vector<1x16xf32> to vector<16xf32>
      %swap3A_614 = vector.shape_cast %add3A_609 : vector<16xf32> to vector<1x16xf32>
      tpu.vector_store %arg8[%swap3A_610, %swap3A_611], %swap3A_614 {strides = array<i32>} : memref<32x1024xf32, #tpu.memory_space<vmem>>, vector<1x16xf32>,
      %get3A_615 = arith.index_cast %scan3A_72 : i32 to index
      %get3A_616 = arith.constant 528 : index
      %get3A_617 = tpu.vector_load %arg8[%get3A_615, %get3A_616] {strides = array<i32>} : memref<32x1024xf32, #tpu.memory_space<vmem>>, vector<1x16xf32>,
      %get3A_618 = vector.shape_cast %get3A_617 : vector<1x16xf32> to vector<16xf32>
      %mul3A_619 = arith.mulf %get3A_79, %get3A_618 : vector<16xf32>
      %get3A_620 = arith.index_cast %scan3A_72 : i32 to index
      %get3A_621 = arith.constant 528 : index
      %get3A_622 = tpu.vector_load %arg9[%get3A_620, %get3A_621] {strides = array<i32>} : memref<32x1024xf32, #tpu.memory_space<vmem>>, vector<1x16xf32>,
      %get3A_623 = vector.shape_cast %get3A_622 : vector<1x16xf32> to vector<16xf32>
      %mul3A_624 = arith.mulf %get3A_87, %get3A_623 : vector<16xf32>
      %add3A_625 = arith.addf %mul3A_619, %mul3A_624 : vector<16xf32>
      %swap3A_626 = arith.index_cast %scan3A_72 : i32 to index
      %swap3A_627 = arith.constant 528 : index
      %swap3A_628 = tpu.vector_load %arg8[%swap3A_626, %swap3A_627] {strides = array<i32>} : memref<32x1024xf32, #tpu.memory_space<vmem>>, vector<1x16xf32>,
      %swap3A_629 = vector.shape_cast %swap3A_628 : vector<1x16xf32> to vector<16xf32>
      %swap3A_630 = vector.shape_cast %add3A_625 : vector<16xf32> to vector<1x16xf32>
      tpu.vector_store %arg8[%swap3A_626, %swap3A_627], %swap3A_630 {strides = array<i32>} : memref<32x1024xf32, #tpu.memory_space<vmem>>, vector<1x16xf32>,
      %get3A_631 = arith.index_cast %scan3A_72 : i32 to index
      %get3A_632 = arith.constant 544 : index
      %get3A_633 = tpu.vector_load %arg8[%get3A_631, %get3A_632] {strides = array<i32>} : memref<32x1024xf32, #tpu.memory_space<vmem>>, vector<1x16xf32>,
      %get3A_634 = vector.shape_cast %get3A_633 : vector<1x16xf32> to vector<16xf32>
      %mul3A_635 = arith.mulf %get3A_79, %get3A_634 : vector<16xf32>
      %get3A_636 = arith.index_cast %scan3A_72 : i32 to index
      %get3A_637 = arith.constant 544 : index
      %get3A_638 = tpu.vector_load %arg9[%get3A_636, %get3A_637] {strides = array<i32>} : memref<32x1024xf32, #tpu.memory_space<vmem>>, vector<1x16xf32>,
      %get3A_639 = vector.shape_cast %get3A_638 : vector<1x16xf32> to vector<16xf32>
      %mul3A_640 = arith.mulf %get3A_87, %get3A_639 : vector<16xf32>
      %add3A_641 = arith.addf %mul3A_635, %mul3A_640 : vector<16xf32>
      %swap3A_642 = arith.index_cast %scan3A_72 : i32 to index
      %swap3A_643 = arith.constant 544 : index
      %swap3A_644 = tpu.vector_load %arg8[%swap3A_642, %swap3A_643] {strides = array<i32>} : memref<32x1024xf32, #tpu.memory_space<vmem>>, vector<1x16xf32>,
      %swap3A_645 = vector.shape_cast %swap3A_644 : vector<1x16xf32> to vector<16xf32>
      %swap3A_646 = vector.shape_cast %add3A_641 : vector<16xf32> to vector<1x16xf32>
      tpu.vector_store %arg8[%swap3A_642, %swap3A_643], %swap3A_646 {strides = array<i32>} : memref<32x1024xf32, #tpu.memory_space<vmem>>, vector<1x16xf32>,
      %get3A_647 = arith.index_cast %scan3A_72 : i32 to index
      %get3A_648 = arith.constant 560 : index
      %get3A_649 = tpu.vector_load %arg8[%get3A_647, %get3A_648] {strides = array<i32>} : memref<32x1024xf32, #tpu.memory_space<vmem>>, vector<1x16xf32>,
      %get3A_650 = vector.shape_cast %get3A_649 : vector<1x16xf32> to vector<16xf32>
      %mul3A_651 = arith.mulf %get3A_79, %get3A_650 : vector<16xf32>
      %get3A_652 = arith.index_cast %scan3A_72 : i32 to index
      %get3A_653 = arith.constant 560 : index
      %get3A_654 = tpu.vector_load %arg9[%get3A_652, %get3A_653] {strides = array<i32>} : memref<32x1024xf32, #tpu.memory_space<vmem>>, vector<1x16xf32>,
      %get3A_655 = vector.shape_cast %get3A_654 : vector<1x16xf32> to vector<16xf32>
      %mul3A_656 = arith.mulf %get3A_87, %get3A_655 : vector<16xf32>
      %add3A_657 = arith.addf %mul3A_651, %mul3A_656 : vector<16xf32>
      %swap3A_658 = arith.index_cast %scan3A_72 : i32 to index
      %swap3A_659 = arith.constant 560 : index
      %swap3A_660 = tpu.vector_load %arg8[%swap3A_658, %swap3A_659] {strides = array<i32>} : memref<32x1024xf32, #tpu.memory_space<vmem>>, vector<1x16xf32>,
      %swap3A_661 = vector.shape_cast %swap3A_660 : vector<1x16xf32> to vector<16xf32>
      %swap3A_662 = vector.shape_cast %add3A_657 : vector<16xf32> to vector<1x16xf32>
      tpu.vector_store %arg8[%swap3A_658, %swap3A_659], %swap3A_662 {strides = array<i32>} : memref<32x1024xf32, #tpu.memory_space<vmem>>, vector<1x16xf32>,
      %get3A_663 = arith.index_cast %scan3A_72 : i32 to index
      %get3A_664 = arith.constant 576 : index
      %get3A_665 = tpu.vector_load %arg8[%get3A_663, %get3A_664] {strides = array<i32>} : memref<32x1024xf32, #tpu.memory_space<vmem>>, vector<1x16xf32>,
      %get3A_666 = vector.shape_cast %get3A_665 : vector<1x16xf32> to vector<16xf32>
      %mul3A_667 = arith.mulf %get3A_79, %get3A_666 : vector<16xf32>
      %get3A_668 = arith.index_cast %scan3A_72 : i32 to index
      %get3A_669 = arith.constant 576 : index
      %get3A_670 = tpu.vector_load %arg9[%get3A_668, %get3A_669] {strides = array<i32>} : memref<32x1024xf32, #tpu.memory_space<vmem>>, vector<1x16xf32>,
      %get3A_671 = vector.shape_cast %get3A_670 : vector<1x16xf32> to vector<16xf32>
      %mul3A_672 = arith.mulf %get3A_87, %get3A_671 : vector<16xf32>
      %add3A_673 = arith.addf %mul3A_667, %mul3A_672 : vector<16xf32>
      %swap3A_674 = arith.index_cast %scan3A_72 : i32 to index
      %swap3A_675 = arith.constant 576 : index
      %swap3A_676 = tpu.vector_load %arg8[%swap3A_674, %swap3A_675] {strides = array<i32>} : memref<32x1024xf32, #tpu.memory_space<vmem>>, vector<1x16xf32>,
      %swap3A_677 = vector.shape_cast %swap3A_676 : vector<1x16xf32> to vector<16xf32>
      %swap3A_678 = vector.shape_cast %add3A_673 : vector<16xf32> to vector<1x16xf32>
      tpu.vector_store %arg8[%swap3A_674, %swap3A_675], %swap3A_678 {strides = array<i32>} : memref<32x1024xf32, #tpu.memory_space<vmem>>, vector<1x16xf32>,
      %get3A_679 = arith.index_cast %scan3A_72 : i32 to index
      %get3A_680 = arith.constant 592 : index
      %get3A_681 = tpu.vector_load %arg8[%get3A_679, %get3A_680] {strides = array<i32>} : memref<32x1024xf32, #tpu.memory_space<vmem>>, vector<1x16xf32>,
      %get3A_682 = vector.shape_cast %get3A_681 : vector<1x16xf32> to vector<16xf32>
      %mul3A_683 = arith.mulf %get3A_79, %get3A_682 : vector<16xf32>
      %get3A_684 = arith.index_cast %scan3A_72 : i32 to index
      %get3A_685 = arith.constant 592 : index
      %get3A_686 = tpu.vector_load %arg9[%get3A_684, %get3A_685] {strides = array<i32>} : memref<32x1024xf32, #tpu.memory_space<vmem>>, vector<1x16xf32>,
      %get3A_687 = vector.shape_cast %get3A_686 : vector<1x16xf32> to vector<16xf32>
      %mul3A_688 = arith.mulf %get3A_87, %get3A_687 : vector<16xf32>
      %add3A_689 = arith.addf %mul3A_683, %mul3A_688 : vector<16xf32>
      %swap3A_690 = arith.index_cast %scan3A_72 : i32 to index
      %swap3A_691 = arith.constant 592 : index
      %swap3A_692 = tpu.vector_load %arg8[%swap3A_690, %swap3A_691] {strides = array<i32>} : memref<32x1024xf32, #tpu.memory_space<vmem>>, vector<1x16xf32>,
      %swap3A_693 = vector.shape_cast %swap3A_692 : vector<1x16xf32> to vector<16xf32>
      %swap3A_694 = vector.shape_cast %add3A_689 : vector<16xf32> to vector<1x16xf32>
      tpu.vector_store %arg8[%swap3A_690, %swap3A_691], %swap3A_694 {strides = array<i32>} : memref<32x1024xf32, #tpu.memory_space<vmem>>, vector<1x16xf32>,
      %get3A_695 = arith.index_cast %scan3A_72 : i32 to index
      %get3A_696 = arith.constant 608 : index
      %get3A_697 = tpu.vector_load %arg8[%get3A_695, %get3A_696] {strides = array<i32>} : memref<32x1024xf32, #tpu.memory_space<vmem>>, vector<1x16xf32>,
      %get3A_698 = vector.shape_cast %get3A_697 : vector<1x16xf32> to vector<16xf32>
      %mul3A_699 = arith.mulf %get3A_79, %get3A_698 : vector<16xf32>
      %get3A_700 = arith.index_cast %scan3A_72 : i32 to index
      %get3A_701 = arith.constant 608 : index
      %get3A_702 = tpu.vector_load %arg9[%get3A_700, %get3A_701] {strides = array<i32>} : memref<32x1024xf32, #tpu.memory_space<vmem>>, vector<1x16xf32>,
      %get3A_703 = vector.shape_cast %get3A_702 : vector<1x16xf32> to vector<16xf32>
      %mul3A_704 = arith.mulf %get3A_87, %get3A_703 : vector<16xf32>
      %add3A_705 = arith.addf %mul3A_699, %mul3A_704 : vector<16xf32>
      %swap3A_706 = arith.index_cast %scan3A_72 : i32 to index
      %swap3A_707 = arith.constant 608 : index
      %swap3A_708 = tpu.vector_load %arg8[%swap3A_706, %swap3A_707] {strides = array<i32>} : memref<32x1024xf32, #tpu.memory_space<vmem>>, vector<1x16xf32>,
      %swap3A_709 = vector.shape_cast %swap3A_708 : vector<1x16xf32> to vector<16xf32>
      %swap3A_710 = vector.shape_cast %add3A_705 : vector<16xf32> to vector<1x16xf32>
      tpu.vector_store %arg8[%swap3A_706, %swap3A_707], %swap3A_710 {strides = array<i32>} : memref<32x1024xf32, #tpu.memory_space<vmem>>, vector<1x16xf32>,
      %get3A_711 = arith.index_cast %scan3A_72 : i32 to index
      %get3A_712 = arith.constant 624 : index
      %get3A_713 = tpu.vector_load %arg8[%get3A_711, %get3A_712] {strides = array<i32>} : memref<32x1024xf32, #tpu.memory_space<vmem>>, vector<1x16xf32>,
      %get3A_714 = vector.shape_cast %get3A_713 : vector<1x16xf32> to vector<16xf32>
      %mul3A_715 = arith.mulf %get3A_79, %get3A_714 : vector<16xf32>
      %get3A_716 = arith.index_cast %scan3A_72 : i32 to index
      %get3A_717 = arith.constant 624 : index
      %get3A_718 = tpu.vector_load %arg9[%get3A_716, %get3A_717] {strides = array<i32>} : memref<32x1024xf32, #tpu.memory_space<vmem>>, vector<1x16xf32>,
      %get3A_719 = vector.shape_cast %get3A_718 : vector<1x16xf32> to vector<16xf32>
      %mul3A_720 = arith.mulf %get3A_87, %get3A_719 : vector<16xf32>
      %add3A_721 = arith.addf %mul3A_715, %mul3A_720 : vector<16xf32>
      %swap3A_722 = arith.index_cast %scan3A_72 : i32 to index
      %swap3A_723 = arith.constant 624 : index
      %swap3A_724 = tpu.vector_load %arg8[%swap3A_722, %swap3A_723] {strides = array<i32>} : memref<32x1024xf32, #tpu.memory_space<vmem>>, vector<1x16xf32>,
      %swap3A_725 = vector.shape_cast %swap3A_724 : vector<1x16xf32> to vector<16xf32>
      %swap3A_726 = vector.shape_cast %add3A_721 : vector<16xf32> to vector<1x16xf32>
      tpu.vector_store %arg8[%swap3A_722, %swap3A_723], %swap3A_726 {strides = array<i32>} : memref<32x1024xf32, #tpu.memory_space<vmem>>, vector<1x16xf32>,
      %get3A_727 = arith.index_cast %scan3A_72 : i32 to index
      %get3A_728 = arith.constant 640 : index
      %get3A_729 = tpu.vector_load %arg8[%get3A_727, %get3A_728] {strides = array<i32>} : memref<32x1024xf32, #tpu.memory_space<vmem>>, vector<1x16xf32>,
      %get3A_730 = vector.shape_cast %get3A_729 : vector<1x16xf32> to vector<16xf32>
      %mul3A_731 = arith.mulf %get3A_79, %get3A_730 : vector<16xf32>
      %get3A_732 = arith.index_cast %scan3A_72 : i32 to index
      %get3A_733 = arith.constant 640 : index
      %get3A_734 = tpu.vector_load %arg9[%get3A_732, %get3A_733] {strides = array<i32>} : memref<32x1024xf32, #tpu.memory_space<vmem>>, vector<1x16xf32>,
      %get3A_735 = vector.shape_cast %get3A_734 : vector<1x16xf32> to vector<16xf32>
      %mul3A_736 = arith.mulf %get3A_87, %get3A_735 : vector<16xf32>
      %add3A_737 = arith.addf %mul3A_731, %mul3A_736 : vector<16xf32>
      %swap3A_738 = arith.index_cast %scan3A_72 : i32 to index
      %swap3A_739 = arith.constant 640 : index
      %swap3A_740 = tpu.vector_load %arg8[%swap3A_738, %swap3A_739] {strides = array<i32>} : memref<32x1024xf32, #tpu.memory_space<vmem>>, vector<1x16xf32>,
      %swap3A_741 = vector.shape_cast %swap3A_740 : vector<1x16xf32> to vector<16xf32>
      %swap3A_742 = vector.shape_cast %add3A_737 : vector<16xf32> to vector<1x16xf32>
      tpu.vector_store %arg8[%swap3A_738, %swap3A_739], %swap3A_742 {strides = array<i32>} : memref<32x1024xf32, #tpu.memory_space<vmem>>, vector<1x16xf32>,
      %get3A_743 = arith.index_cast %scan3A_72 : i32 to index
      %get3A_744 = arith.constant 656 : index
      %get3A_745 = tpu.vector_load %arg8[%get3A_743, %get3A_744] {strides = array<i32>} : memref<32x1024xf32, #tpu.memory_space<vmem>>, vector<1x16xf32>,
      %get3A_746 = vector.shape_cast %get3A_745 : vector<1x16xf32> to vector<16xf32>
      %mul3A_747 = arith.mulf %get3A_79, %get3A_746 : vector<16xf32>
      %get3A_748 = arith.index_cast %scan3A_72 : i32 to index
      %get3A_749 = arith.constant 656 : index
      %get3A_750 = tpu.vector_load %arg9[%get3A_748, %get3A_749] {strides = array<i32>} : memref<32x1024xf32, #tpu.memory_space<vmem>>, vector<1x16xf32>,
      %get3A_751 = vector.shape_cast %get3A_750 : vector<1x16xf32> to vector<16xf32>
      %mul3A_752 = arith.mulf %get3A_87, %get3A_751 : vector<16xf32>
      %add3A_753 = arith.addf %mul3A_747, %mul3A_752 : vector<16xf32>
      %swap3A_754 = arith.index_cast %scan3A_72 : i32 to index
      %swap3A_755 = arith.constant 656 : index
      %swap3A_756 = tpu.vector_load %arg8[%swap3A_754, %swap3A_755] {strides = array<i32>} : memref<32x1024xf32, #tpu.memory_space<vmem>>, vector<1x16xf32>,
      %swap3A_757 = vector.shape_cast %swap3A_756 : vector<1x16xf32> to vector<16xf32>
      %swap3A_758 = vector.shape_cast %add3A_753 : vector<16xf32> to vector<1x16xf32>
      tpu.vector_store %arg8[%swap3A_754, %swap3A_755], %swap3A_758 {strides = array<i32>} : memref<32x1024xf32, #tpu.memory_space<vmem>>, vector<1x16xf32>,
      %get3A_759 = arith.index_cast %scan3A_72 : i32 to index
      %get3A_760 = arith.constant 672 : index
      %get3A_761 = tpu.vector_load %arg8[%get3A_759, %get3A_760] {strides = array<i32>} : memref<32x1024xf32, #tpu.memory_space<vmem>>, vector<1x16xf32>,
      %get3A_762 = vector.shape_cast %get3A_761 : vector<1x16xf32> to vector<16xf32>
      %mul3A_763 = arith.mulf %get3A_79, %get3A_762 : vector<16xf32>
      %get3A_764 = arith.index_cast %scan3A_72 : i32 to index
      %get3A_765 = arith.constant 672 : index
      %get3A_766 = tpu.vector_load %arg9[%get3A_764, %get3A_765] {strides = array<i32>} : memref<32x1024xf32, #tpu.memory_space<vmem>>, vector<1x16xf32>,
      %get3A_767 = vector.shape_cast %get3A_766 : vector<1x16xf32> to vector<16xf32>
      %mul3A_768 = arith.mulf %get3A_87, %get3A_767 : vector<16xf32>
      %add3A_769 = arith.addf %mul3A_763, %mul3A_768 : vector<16xf32>
      %swap3A_770 = arith.index_cast %scan3A_72 : i32 to index
      %swap3A_771 = arith.constant 672 : index
      %swap3A_772 = tpu.vector_load %arg8[%swap3A_770, %swap3A_771] {strides = array<i32>} : memref<32x1024xf32, #tpu.memory_space<vmem>>, vector<1x16xf32>,
      %swap3A_773 = vector.shape_cast %swap3A_772 : vector<1x16xf32> to vector<16xf32>
      %swap3A_774 = vector.shape_cast %add3A_769 : vector<16xf32> to vector<1x16xf32>
      tpu.vector_store %arg8[%swap3A_770, %swap3A_771], %swap3A_774 {strides = array<i32>} : memref<32x1024xf32, #tpu.memory_space<vmem>>, vector<1x16xf32>,
      %get3A_775 = arith.index_cast %scan3A_72 : i32 to index
      %get3A_776 = arith.constant 688 : index
      %get3A_777 = tpu.vector_load %arg8[%get3A_775, %get3A_776] {strides = array<i32>} : memref<32x1024xf32, #tpu.memory_space<vmem>>, vector<1x16xf32>,
      %get3A_778 = vector.shape_cast %get3A_777 : vector<1x16xf32> to vector<16xf32>
      %mul3A_779 = arith.mulf %get3A_79, %get3A_778 : vector<16xf32>
      %get3A_780 = arith.index_cast %scan3A_72 : i32 to index
      %get3A_781 = arith.constant 688 : index
      %get3A_782 = tpu.vector_load %arg9[%get3A_780, %get3A_781] {strides = array<i32>} : memref<32x1024xf32, #tpu.memory_space<vmem>>, vector<1x16xf32>,
      %get3A_783 = vector.shape_cast %get3A_782 : vector<1x16xf32> to vector<16xf32>
      %mul3A_784 = arith.mulf %get3A_87, %get3A_783 : vector<16xf32>
      %add3A_785 = arith.addf %mul3A_779, %mul3A_784 : vector<16xf32>
      %swap3A_786 = arith.index_cast %scan3A_72 : i32 to index
      %swap3A_787 = arith.constant 688 : index
      %swap3A_788 = tpu.vector_load %arg8[%swap3A_786, %swap3A_787] {strides = array<i32>} : memref<32x1024xf32, #tpu.memory_space<vmem>>, vector<1x16xf32>,
      %swap3A_789 = vector.shape_cast %swap3A_788 : vector<1x16xf32> to vector<16xf32>
      %swap3A_790 = vector.shape_cast %add3A_785 : vector<16xf32> to vector<1x16xf32>
      tpu.vector_store %arg8[%swap3A_786, %swap3A_787], %swap3A_790 {strides = array<i32>} : memref<32x1024xf32, #tpu.memory_space<vmem>>, vector<1x16xf32>,
      %get3A_791 = arith.index_cast %scan3A_72 : i32 to index
      %get3A_792 = arith.constant 704 : index
      %get3A_793 = tpu.vector_load %arg8[%get3A_791, %get3A_792] {strides = array<i32>} : memref<32x1024xf32, #tpu.memory_space<vmem>>, vector<1x16xf32>,
      %get3A_794 = vector.shape_cast %get3A_793 : vector<1x16xf32> to vector<16xf32>
      %mul3A_795 = arith.mulf %get3A_79, %get3A_794 : vector<16xf32>
      %get3A_796 = arith.index_cast %scan3A_72 : i32 to index
      %get3A_797 = arith.constant 704 : index
      %get3A_798 = tpu.vector_load %arg9[%get3A_796, %get3A_797] {strides = array<i32>} : memref<32x1024xf32, #tpu.memory_space<vmem>>, vector<1x16xf32>,
      %get3A_799 = vector.shape_cast %get3A_798 : vector<1x16xf32> to vector<16xf32>
      %mul3A_800 = arith.mulf %get3A_87, %get3A_799 : vector<16xf32>
      %add3A_801 = arith.addf %mul3A_795, %mul3A_800 : vector<16xf32>
      %swap3A_802 = arith.index_cast %scan3A_72 : i32 to index
      %swap3A_803 = arith.constant 704 : index
      %swap3A_804 = tpu.vector_load %arg8[%swap3A_802, %swap3A_803] {strides = array<i32>} : memref<32x1024xf32, #tpu.memory_space<vmem>>, vector<1x16xf32>,
      %swap3A_805 = vector.shape_cast %swap3A_804 : vector<1x16xf32> to vector<16xf32>
      %swap3A_806 = vector.shape_cast %add3A_801 : vector<16xf32> to vector<1x16xf32>
      tpu.vector_store %arg8[%swap3A_802, %swap3A_803], %swap3A_806 {strides = array<i32>} : memref<32x1024xf32, #tpu.memory_space<vmem>>, vector<1x16xf32>,
      %get3A_807 = arith.index_cast %scan3A_72 : i32 to index
      %get3A_808 = arith.constant 720 : index
      %get3A_809 = tpu.vector_load %arg8[%get3A_807, %get3A_808] {strides = array<i32>} : memref<32x1024xf32, #tpu.memory_space<vmem>>, vector<1x16xf32>,
      %get3A_810 = vector.shape_cast %get3A_809 : vector<1x16xf32> to vector<16xf32>
      %mul3A_811 = arith.mulf %get3A_79, %get3A_810 : vector<16xf32>
      %get3A_812 = arith.index_cast %scan3A_72 : i32 to index
      %get3A_813 = arith.constant 720 : index
      %get3A_814 = tpu.vector_load %arg9[%get3A_812, %get3A_813] {strides = array<i32>} : memref<32x1024xf32, #tpu.memory_space<vmem>>, vector<1x16xf32>,
      %get3A_815 = vector.shape_cast %get3A_814 : vector<1x16xf32> to vector<16xf32>
      %mul3A_816 = arith.mulf %get3A_87, %get3A_815 : vector<16xf32>
      %add3A_817 = arith.addf %mul3A_811, %mul3A_816 : vector<16xf32>
      %swap3A_818 = arith.index_cast %scan3A_72 : i32 to index
      %swap3A_819 = arith.constant 720 : index
      %swap3A_820 = tpu.vector_load %arg8[%swap3A_818, %swap3A_819] {strides = array<i32>} : memref<32x1024xf32, #tpu.memory_space<vmem>>, vector<1x16xf32>,
      %swap3A_821 = vector.shape_cast %swap3A_820 : vector<1x16xf32> to vector<16xf32>
      %swap3A_822 = vector.shape_cast %add3A_817 : vector<16xf32> to vector<1x16xf32>
      tpu.vector_store %arg8[%swap3A_818, %swap3A_819], %swap3A_822 {strides = array<i32>} : memref<32x1024xf32, #tpu.memory_space<vmem>>, vector<1x16xf32>,
      %get3A_823 = arith.index_cast %scan3A_72 : i32 to index
      %get3A_824 = arith.constant 736 : index
      %get3A_825 = tpu.vector_load %arg8[%get3A_823, %get3A_824] {strides = array<i32>} : memref<32x1024xf32, #tpu.memory_space<vmem>>, vector<1x16xf32>,
      %get3A_826 = vector.shape_cast %get3A_825 : vector<1x16xf32> to vector<16xf32>
      %mul3A_827 = arith.mulf %get3A_79, %get3A_826 : vector<16xf32>
      %get3A_828 = arith.index_cast %scan3A_72 : i32 to index
      %get3A_829 = arith.constant 736 : index
      %get3A_830 = tpu.vector_load %arg9[%get3A_828, %get3A_829] {strides = array<i32>} : memref<32x1024xf32, #tpu.memory_space<vmem>>, vector<1x16xf32>,
      %get3A_831 = vector.shape_cast %get3A_830 : vector<1x16xf32> to vector<16xf32>
      %mul3A_832 = arith.mulf %get3A_87, %get3A_831 : vector<16xf32>
      %add3A_833 = arith.addf %mul3A_827, %mul3A_832 : vector<16xf32>
      %swap3A_834 = arith.index_cast %scan3A_72 : i32 to index
      %swap3A_835 = arith.constant 736 : index
      %swap3A_836 = tpu.vector_load %arg8[%swap3A_834, %swap3A_835] {strides = array<i32>} : memref<32x1024xf32, #tpu.memory_space<vmem>>, vector<1x16xf32>,
      %swap3A_837 = vector.shape_cast %swap3A_836 : vector<1x16xf32> to vector<16xf32>
      %swap3A_838 = vector.shape_cast %add3A_833 : vector<16xf32> to vector<1x16xf32>
      tpu.vector_store %arg8[%swap3A_834, %swap3A_835], %swap3A_838 {strides = array<i32>} : memref<32x1024xf32, #tpu.memory_space<vmem>>, vector<1x16xf32>,
      %get3A_839 = arith.index_cast %scan3A_72 : i32 to index
      %get3A_840 = arith.constant 752 : index
      %get3A_841 = tpu.vector_load %arg8[%get3A_839, %get3A_840] {strides = array<i32>} : memref<32x1024xf32, #tpu.memory_space<vmem>>, vector<1x16xf32>,
      %get3A_842 = vector.shape_cast %get3A_841 : vector<1x16xf32> to vector<16xf32>
      %mul3A_843 = arith.mulf %get3A_79, %get3A_842 : vector<16xf32>
      %get3A_844 = arith.index_cast %scan3A_72 : i32 to index
      %get3A_845 = arith.constant 752 : index
      %get3A_846 = tpu.vector_load %arg9[%get3A_844, %get3A_845] {strides = array<i32>} : memref<32x1024xf32, #tpu.memory_space<vmem>>, vector<1x16xf32>,
      %get3A_847 = vector.shape_cast %get3A_846 : vector<1x16xf32> to vector<16xf32>
      %mul3A_848 = arith.mulf %get3A_87, %get3A_847 : vector<16xf32>
      %add3A_849 = arith.addf %mul3A_843, %mul3A_848 : vector<16xf32>
      %swap3A_850 = arith.index_cast %scan3A_72 : i32 to index
      %swap3A_851 = arith.constant 752 : index
      %swap3A_852 = tpu.vector_load %arg8[%swap3A_850, %swap3A_851] {strides = array<i32>} : memref<32x1024xf32, #tpu.memory_space<vmem>>, vector<1x16xf32>,
      %swap3A_853 = vector.shape_cast %swap3A_852 : vector<1x16xf32> to vector<16xf32>
      %swap3A_854 = vector.shape_cast %add3A_849 : vector<16xf32> to vector<1x16xf32>
      tpu.vector_store %arg8[%swap3A_850, %swap3A_851], %swap3A_854 {strides = array<i32>} : memref<32x1024xf32, #tpu.memory_space<vmem>>, vector<1x16xf32>,
      %get3A_855 = arith.index_cast %scan3A_72 : i32 to index
      %get3A_856 = arith.constant 768 : index
      %get3A_857 = tpu.vector_load %arg8[%get3A_855, %get3A_856] {strides = array<i32>} : memref<32x1024xf32, #tpu.memory_space<vmem>>, vector<1x16xf32>,
      %get3A_858 = vector.shape_cast %get3A_857 : vector<1x16xf32> to vector<16xf32>
      %mul3A_859 = arith.mulf %get3A_79, %get3A_858 : vector<16xf32>
      %get3A_860 = arith.index_cast %scan3A_72 : i32 to index
      %get3A_861 = arith.constant 768 : index
      %get3A_862 = tpu.vector_load %arg9[%get3A_860, %get3A_861] {strides = array<i32>} : memref<32x1024xf32, #tpu.memory_space<vmem>>, vector<1x16xf32>,
      %get3A_863 = vector.shape_cast %get3A_862 : vector<1x16xf32> to vector<16xf32>
      %mul3A_864 = arith.mulf %get3A_87, %get3A_863 : vector<16xf32>
      %add3A_865 = arith.addf %mul3A_859, %mul3A_864 : vector<16xf32>
      %swap3A_866 = arith.index_cast %scan3A_72 : i32 to index
      %swap3A_867 = arith.constant 768 : index
      %swap3A_868 = tpu.vector_load %arg8[%swap3A_866, %swap3A_867] {strides = array<i32>} : memref<32x1024xf32, #tpu.memory_space<vmem>>, vector<1x16xf32>,
      %swap3A_869 = vector.shape_cast %swap3A_868 : vector<1x16xf32> to vector<16xf32>
      %swap3A_870 = vector.shape_cast %add3A_865 : vector<16xf32> to vector<1x16xf32>
      tpu.vector_store %arg8[%swap3A_866, %swap3A_867], %swap3A_870 {strides = array<i32>} : memref<32x1024xf32, #tpu.memory_space<vmem>>, vector<1x16xf32>,
      %get3A_871 = arith.index_cast %scan3A_72 : i32 to index
      %get3A_872 = arith.constant 784 : index
      %get3A_873 = tpu.vector_load %arg8[%get3A_871, %get3A_872] {strides = array<i32>} : memref<32x1024xf32, #tpu.memory_space<vmem>>, vector<1x16xf32>,
      %get3A_874 = vector.shape_cast %get3A_873 : vector<1x16xf32> to vector<16xf32>
      %mul3A_875 = arith.mulf %get3A_79, %get3A_874 : vector<16xf32>
      %get3A_876 = arith.index_cast %scan3A_72 : i32 to index
      %get3A_877 = arith.constant 784 : index
      %get3A_878 = tpu.vector_load %arg9[%get3A_876, %get3A_877] {strides = array<i32>} : memref<32x1024xf32, #tpu.memory_space<vmem>>, vector<1x16xf32>,
      %get3A_879 = vector.shape_cast %get3A_878 : vector<1x16xf32> to vector<16xf32>
      %mul3A_880 = arith.mulf %get3A_87, %get3A_879 : vector<16xf32>
      %add3A_881 = arith.addf %mul3A_875, %mul3A_880 : vector<16xf32>
      %swap3A_882 = arith.index_cast %scan3A_72 : i32 to index
      %swap3A_883 = arith.constant 784 : index
      %swap3A_884 = tpu.vector_load %arg8[%swap3A_882, %swap3A_883] {strides = array<i32>} : memref<32x1024xf32, #tpu.memory_space<vmem>>, vector<1x16xf32>,
      %swap3A_885 = vector.shape_cast %swap3A_884 : vector<1x16xf32> to vector<16xf32>
      %swap3A_886 = vector.shape_cast %add3A_881 : vector<16xf32> to vector<1x16xf32>
      tpu.vector_store %arg8[%swap3A_882, %swap3A_883], %swap3A_886 {strides = array<i32>} : memref<32x1024xf32, #tpu.memory_space<vmem>>, vector<1x16xf32>,
      %get3A_887 = arith.index_cast %scan3A_72 : i32 to index
      %get3A_888 = arith.constant 800 : index
      %get3A_889 = tpu.vector_load %arg8[%get3A_887, %get3A_888] {strides = array<i32>} : memref<32x1024xf32, #tpu.memory_space<vmem>>, vector<1x16xf32>,
      %get3A_890 = vector.shape_cast %get3A_889 : vector<1x16xf32> to vector<16xf32>
      %mul3A_891 = arith.mulf %get3A_79, %get3A_890 : vector<16xf32>
      %get3A_892 = arith.index_cast %scan3A_72 : i32 to index
      %get3A_893 = arith.constant 800 : index
      %get3A_894 = tpu.vector_load %arg9[%get3A_892, %get3A_893] {strides = array<i32>} : memref<32x1024xf32, #tpu.memory_space<vmem>>, vector<1x16xf32>,
      %get3A_895 = vector.shape_cast %get3A_894 : vector<1x16xf32> to vector<16xf32>
      %mul3A_896 = arith.mulf %get3A_87, %get3A_895 : vector<16xf32>
      %add3A_897 = arith.addf %mul3A_891, %mul3A_896 : vector<16xf32>
      %swap3A_898 = arith.index_cast %scan3A_72 : i32 to index
      %swap3A_899 = arith.constant 800 : index
      %swap3A_900 = tpu.vector_load %arg8[%swap3A_898, %swap3A_899] {strides = array<i32>} : memref<32x1024xf32, #tpu.memory_space<vmem>>, vector<1x16xf32>,
      %swap3A_901 = vector.shape_cast %swap3A_900 : vector<1x16xf32> to vector<16xf32>
      %swap3A_902 = vector.shape_cast %add3A_897 : vector<16xf32> to vector<1x16xf32>
      tpu.vector_store %arg8[%swap3A_898, %swap3A_899], %swap3A_902 {strides = array<i32>} : memref<32x1024xf32, #tpu.memory_space<vmem>>, vector<1x16xf32>,
      %get3A_903 = arith.index_cast %scan3A_72 : i32 to index
      %get3A_904 = arith.constant 816 : index
      %get3A_905 = tpu.vector_load %arg8[%get3A_903, %get3A_904] {strides = array<i32>} : memref<32x1024xf32, #tpu.memory_space<vmem>>, vector<1x16xf32>,
      %get3A_906 = vector.shape_cast %get3A_905 : vector<1x16xf32> to vector<16xf32>
      %mul3A_907 = arith.mulf %get3A_79, %get3A_906 : vector<16xf32>
      %get3A_908 = arith.index_cast %scan3A_72 : i32 to index
      %get3A_909 = arith.constant 816 : index
      %get3A_910 = tpu.vector_load %arg9[%get3A_908, %get3A_909] {strides = array<i32>} : memref<32x1024xf32, #tpu.memory_space<vmem>>, vector<1x16xf32>,
      %get3A_911 = vector.shape_cast %get3A_910 : vector<1x16xf32> to vector<16xf32>
      %mul3A_912 = arith.mulf %get3A_87, %get3A_911 : vector<16xf32>
      %add3A_913 = arith.addf %mul3A_907, %mul3A_912 : vector<16xf32>
      %swap3A_914 = arith.index_cast %scan3A_72 : i32 to index
      %swap3A_915 = arith.constant 816 : index
      %swap3A_916 = tpu.vector_load %arg8[%swap3A_914, %swap3A_915] {strides = array<i32>} : memref<32x1024xf32, #tpu.memory_space<vmem>>, vector<1x16xf32>,
      %swap3A_917 = vector.shape_cast %swap3A_916 : vector<1x16xf32> to vector<16xf32>
      %swap3A_918 = vector.shape_cast %add3A_913 : vector<16xf32> to vector<1x16xf32>
      tpu.vector_store %arg8[%swap3A_914, %swap3A_915], %swap3A_918 {strides = array<i32>} : memref<32x1024xf32, #tpu.memory_space<vmem>>, vector<1x16xf32>,
      %get3A_919 = arith.index_cast %scan3A_72 : i32 to index
      %get3A_920 = arith.constant 832 : index
      %get3A_921 = tpu.vector_load %arg8[%get3A_919, %get3A_920] {strides = array<i32>} : memref<32x1024xf32, #tpu.memory_space<vmem>>, vector<1x16xf32>,
      %get3A_922 = vector.shape_cast %get3A_921 : vector<1x16xf32> to vector<16xf32>
      %mul3A_923 = arith.mulf %get3A_79, %get3A_922 : vector<16xf32>
      %get3A_924 = arith.index_cast %scan3A_72 : i32 to index
      %get3A_925 = arith.constant 832 : index
      %get3A_926 = tpu.vector_load %arg9[%get3A_924, %get3A_925] {strides = array<i32>} : memref<32x1024xf32, #tpu.memory_space<vmem>>, vector<1x16xf32>,
      %get3A_927 = vector.shape_cast %get3A_926 : vector<1x16xf32> to vector<16xf32>
      %mul3A_928 = arith.mulf %get3A_87, %get3A_927 : vector<16xf32>
      %add3A_929 = arith.addf %mul3A_923, %mul3A_928 : vector<16xf32>
      %swap3A_930 = arith.index_cast %scan3A_72 : i32 to index
      %swap3A_931 = arith.constant 832 : index
      %swap3A_932 = tpu.vector_load %arg8[%swap3A_930, %swap3A_931] {strides = array<i32>} : memref<32x1024xf32, #tpu.memory_space<vmem>>, vector<1x16xf32>,
      %swap3A_933 = vector.shape_cast %swap3A_932 : vector<1x16xf32> to vector<16xf32>
      %swap3A_934 = vector.shape_cast %add3A_929 : vector<16xf32> to vector<1x16xf32>
      tpu.vector_store %arg8[%swap3A_930, %swap3A_931], %swap3A_934 {strides = array<i32>} : memref<32x1024xf32, #tpu.memory_space<vmem>>, vector<1x16xf32>,
      %get3A_935 = arith.index_cast %scan3A_72 : i32 to index
      %get3A_936 = arith.constant 848 : index
      %get3A_937 = tpu.vector_load %arg8[%get3A_935, %get3A_936] {strides = array<i32>} : memref<32x1024xf32, #tpu.memory_space<vmem>>, vector<1x16xf32>,
      %get3A_938 = vector.shape_cast %get3A_937 : vector<1x16xf32> to vector<16xf32>
      %mul3A_939 = arith.mulf %get3A_79, %get3A_938 : vector<16xf32>
      %get3A_940 = arith.index_cast %scan3A_72 : i32 to index
      %get3A_941 = arith.constant 848 : index
      %get3A_942 = tpu.vector_load %arg9[%get3A_940, %get3A_941] {strides = array<i32>} : memref<32x1024xf32, #tpu.memory_space<vmem>>, vector<1x16xf32>,
      %get3A_943 = vector.shape_cast %get3A_942 : vector<1x16xf32> to vector<16xf32>
      %mul3A_944 = arith.mulf %get3A_87, %get3A_943 : vector<16xf32>
      %add3A_945 = arith.addf %mul3A_939, %mul3A_944 : vector<16xf32>
      %swap3A_946 = arith.index_cast %scan3A_72 : i32 to index
      %swap3A_947 = arith.constant 848 : index
      %swap3A_948 = tpu.vector_load %arg8[%swap3A_946, %swap3A_947] {strides = array<i32>} : memref<32x1024xf32, #tpu.memory_space<vmem>>, vector<1x16xf32>,
      %swap3A_949 = vector.shape_cast %swap3A_948 : vector<1x16xf32> to vector<16xf32>
      %swap3A_950 = vector.shape_cast %add3A_945 : vector<16xf32> to vector<1x16xf32>
      tpu.vector_store %arg8[%swap3A_946, %swap3A_947], %swap3A_950 {strides = array<i32>} : memref<32x1024xf32, #tpu.memory_space<vmem>>, vector<1x16xf32>,
      %get3A_951 = arith.index_cast %scan3A_72 : i32 to index
      %get3A_952 = arith.constant 864 : index
      %get3A_953 = tpu.vector_load %arg8[%get3A_951, %get3A_952] {strides = array<i32>} : memref<32x1024xf32, #tpu.memory_space<vmem>>, vector<1x16xf32>,
      %get3A_954 = vector.shape_cast %get3A_953 : vector<1x16xf32> to vector<16xf32>
      %mul3A_955 = arith.mulf %get3A_79, %get3A_954 : vector<16xf32>
      %get3A_956 = arith.index_cast %scan3A_72 : i32 to index
      %get3A_957 = arith.constant 864 : index
      %get3A_958 = tpu.vector_load %arg9[%get3A_956, %get3A_957] {strides = array<i32>} : memref<32x1024xf32, #tpu.memory_space<vmem>>, vector<1x16xf32>,
      %get3A_959 = vector.shape_cast %get3A_958 : vector<1x16xf32> to vector<16xf32>
      %mul3A_960 = arith.mulf %get3A_87, %get3A_959 : vector<16xf32>
      %add3A_961 = arith.addf %mul3A_955, %mul3A_960 : vector<16xf32>
      %swap3A_962 = arith.index_cast %scan3A_72 : i32 to index
      %swap3A_963 = arith.constant 864 : index
      %swap3A_964 = tpu.vector_load %arg8[%swap3A_962, %swap3A_963] {strides = array<i32>} : memref<32x1024xf32, #tpu.memory_space<vmem>>, vector<1x16xf32>,
      %swap3A_965 = vector.shape_cast %swap3A_964 : vector<1x16xf32> to vector<16xf32>
      %swap3A_966 = vector.shape_cast %add3A_961 : vector<16xf32> to vector<1x16xf32>
      tpu.vector_store %arg8[%swap3A_962, %swap3A_963], %swap3A_966 {strides = array<i32>} : memref<32x1024xf32, #tpu.memory_space<vmem>>, vector<1x16xf32>,
      %get3A_967 = arith.index_cast %scan3A_72 : i32 to index
      %get3A_968 = arith.constant 880 : index
      %get3A_969 = tpu.vector_load %arg8[%get3A_967, %get3A_968] {strides = array<i32>} : memref<32x1024xf32, #tpu.memory_space<vmem>>, vector<1x16xf32>,
      %get3A_970 = vector.shape_cast %get3A_969 : vector<1x16xf32> to vector<16xf32>
      %mul3A_971 = arith.mulf %get3A_79, %get3A_970 : vector<16xf32>
      %get3A_972 = arith.index_cast %scan3A_72 : i32 to index
      %get3A_973 = arith.constant 880 : index
      %get3A_974 = tpu.vector_load %arg9[%get3A_972, %get3A_973] {strides = array<i32>} : memref<32x1024xf32, #tpu.memory_space<vmem>>, vector<1x16xf32>,
      %get3A_975 = vector.shape_cast %get3A_974 : vector<1x16xf32> to vector<16xf32>
      %mul3A_976 = arith.mulf %get3A_87, %get3A_975 : vector<16xf32>
      %add3A_977 = arith.addf %mul3A_971, %mul3A_976 : vector<16xf32>
      %swap3A_978 = arith.index_cast %scan3A_72 : i32 to index
      %swap3A_979 = arith.constant 880 : index
      %swap3A_980 = tpu.vector_load %arg8[%swap3A_978, %swap3A_979] {strides = array<i32>} : memref<32x1024xf32, #tpu.memory_space<vmem>>, vector<1x16xf32>,
      %swap3A_981 = vector.shape_cast %swap3A_980 : vector<1x16xf32> to vector<16xf32>
      %swap3A_982 = vector.shape_cast %add3A_977 : vector<16xf32> to vector<1x16xf32>
      tpu.vector_store %arg8[%swap3A_978, %swap3A_979], %swap3A_982 {strides = array<i32>} : memref<32x1024xf32, #tpu.memory_space<vmem>>, vector<1x16xf32>,
      %get3A_983 = arith.index_cast %scan3A_72 : i32 to index
      %get3A_984 = arith.constant 896 : index
      %get3A_985 = tpu.vector_load %arg8[%get3A_983, %get3A_984] {strides = array<i32>} : memref<32x1024xf32, #tpu.memory_space<vmem>>, vector<1x16xf32>,
      %get3A_986 = vector.shape_cast %get3A_985 : vector<1x16xf32> to vector<16xf32>
      %mul3A_987 = arith.mulf %get3A_79, %get3A_986 : vector<16xf32>
      %get3A_988 = arith.index_cast %scan3A_72 : i32 to index
      %get3A_989 = arith.constant 896 : index
      %get3A_990 = tpu.vector_load %arg9[%get3A_988, %get3A_989] {strides = array<i32>} : memref<32x1024xf32, #tpu.memory_space<vmem>>, vector<1x16xf32>,
      %get3A_991 = vector.shape_cast %get3A_990 : vector<1x16xf32> to vector<16xf32>
      %mul3A_992 = arith.mulf %get3A_87, %get3A_991 : vector<16xf32>
      %add3A_993 = arith.addf %mul3A_987, %mul3A_992 : vector<16xf32>
      %swap3A_994 = arith.index_cast %scan3A_72 : i32 to index
      %swap3A_995 = arith.constant 896 : index
      %swap3A_996 = tpu.vector_load %arg8[%swap3A_994, %swap3A_995] {strides = array<i32>} : memref<32x1024xf32, #tpu.memory_space<vmem>>, vector<1x16xf32>,
      %swap3A_997 = vector.shape_cast %swap3A_996 : vector<1x16xf32> to vector<16xf32>
      %swap3A_998 = vector.shape_cast %add3A_993 : vector<16xf32> to vector<1x16xf32>
      tpu.vector_store %arg8[%swap3A_994, %swap3A_995], %swap3A_998 {strides = array<i32>} : memref<32x1024xf32, #tpu.memory_space<vmem>>, vector<1x16xf32>,
      %get3A_999 = arith.index_cast %scan3A_72 : i32 to index
      %get3A_1000 = arith.constant 912 : index
      %get3A_1001 = tpu.vector_load %arg8[%get3A_999, %get3A_1000] {strides = array<i32>} : memref<32x1024xf32, #tpu.memory_space<vmem>>, vector<1x16xf32>,
      %get3A_1002 = vector.shape_cast %get3A_1001 : vector<1x16xf32> to vector<16xf32>
      %mul3A_1003 = arith.mulf %get3A_79, %get3A_1002 : vector<16xf32>
      %get3A_1004 = arith.index_cast %scan3A_72 : i32 to index
      %get3A_1005 = arith.constant 912 : index
      %get3A_1006 = tpu.vector_load %arg9[%get3A_1004, %get3A_1005] {strides = array<i32>} : memref<32x1024xf32, #tpu.memory_space<vmem>>, vector<1x16xf32>,
      %get3A_1007 = vector.shape_cast %get3A_1006 : vector<1x16xf32> to vector<16xf32>
      %mul3A_1008 = arith.mulf %get3A_87, %get3A_1007 : vector<16xf32>
      %add3A_1009 = arith.addf %mul3A_1003, %mul3A_1008 : vector<16xf32>
      %swap3A_1010 = arith.index_cast %scan3A_72 : i32 to index
      %swap3A_1011 = arith.constant 912 : index
      %swap3A_1012 = tpu.vector_load %arg8[%swap3A_1010, %swap3A_1011] {strides = array<i32>} : memref<32x1024xf32, #tpu.memory_space<vmem>>, vector<1x16xf32>,
      %swap3A_1013 = vector.shape_cast %swap3A_1012 : vector<1x16xf32> to vector<16xf32>
      %swap3A_1014 = vector.shape_cast %add3A_1009 : vector<16xf32> to vector<1x16xf32>
      tpu.vector_store %arg8[%swap3A_1010, %swap3A_1011], %swap3A_1014 {strides = array<i32>} : memref<32x1024xf32, #tpu.memory_space<vmem>>, vector<1x16xf32>,
      %get3A_1015 = arith.index_cast %scan3A_72 : i32 to index
      %get3A_1016 = arith.constant 928 : index
      %get3A_1017 = tpu.vector_load %arg8[%get3A_1015, %get3A_1016] {strides = array<i32>} : memref<32x1024xf32, #tpu.memory_space<vmem>>, vector<1x16xf32>,
      %get3A_1018 = vector.shape_cast %get3A_1017 : vector<1x16xf32> to vector<16xf32>
      %mul3A_1019 = arith.mulf %get3A_79, %get3A_1018 : vector<16xf32>
      %get3A_1020 = arith.index_cast %scan3A_72 : i32 to index
      %get3A_1021 = arith.constant 928 : index
      %get3A_1022 = tpu.vector_load %arg9[%get3A_1020, %get3A_1021] {strides = array<i32>} : memref<32x1024xf32, #tpu.memory_space<vmem>>, vector<1x16xf32>,
      %get3A_1023 = vector.shape_cast %get3A_1022 : vector<1x16xf32> to vector<16xf32>
      %mul3A_1024 = arith.mulf %get3A_87, %get3A_1023 : vector<16xf32>
      %add3A_1025 = arith.addf %mul3A_1019, %mul3A_1024 : vector<16xf32>
      %swap3A_1026 = arith.index_cast %scan3A_72 : i32 to index
      %swap3A_1027 = arith.constant 928 : index
      %swap3A_1028 = tpu.vector_load %arg8[%swap3A_1026, %swap3A_1027] {strides = array<i32>} : memref<32x1024xf32, #tpu.memory_space<vmem>>, vector<1x16xf32>,
      %swap3A_1029 = vector.shape_cast %swap3A_1028 : vector<1x16xf32> to vector<16xf32>
      %swap3A_1030 = vector.shape_cast %add3A_1025 : vector<16xf32> to vector<1x16xf32>
      tpu.vector_store %arg8[%swap3A_1026, %swap3A_1027], %swap3A_1030 {strides = array<i32>} : memref<32x1024xf32, #tpu.memory_space<vmem>>, vector<1x16xf32>,
      %get3A_1031 = arith.index_cast %scan3A_72 : i32 to index
      %get3A_1032 = arith.constant 944 : index
      %get3A_1033 = tpu.vector_load %arg8[%get3A_1031, %get3A_1032] {strides = array<i32>} : memref<32x1024xf32, #tpu.memory_space<vmem>>, vector<1x16xf32>,
      %get3A_1034 = vector.shape_cast %get3A_1033 : vector<1x16xf32> to vector<16xf32>
      %mul3A_1035 = arith.mulf %get3A_79, %get3A_1034 : vector<16xf32>
      %get3A_1036 = arith.index_cast %scan3A_72 : i32 to index
      %get3A_1037 = arith.constant 944 : index
      %get3A_1038 = tpu.vector_load %arg9[%get3A_1036, %get3A_1037] {strides = array<i32>} : memref<32x1024xf32, #tpu.memory_space<vmem>>, vector<1x16xf32>,
      %get3A_1039 = vector.shape_cast %get3A_1038 : vector<1x16xf32> to vector<16xf32>
      %mul3A_1040 = arith.mulf %get3A_87, %get3A_1039 : vector<16xf32>
      %add3A_1041 = arith.addf %mul3A_1035, %mul3A_1040 : vector<16xf32>
      %swap3A_1042 = arith.index_cast %scan3A_72 : i32 to index
      %swap3A_1043 = arith.constant 944 : index
      %swap3A_1044 = tpu.vector_load %arg8[%swap3A_1042, %swap3A_1043] {strides = array<i32>} : memref<32x1024xf32, #tpu.memory_space<vmem>>, vector<1x16xf32>,
      %swap3A_1045 = vector.shape_cast %swap3A_1044 : vector<1x16xf32> to vector<16xf32>
      %swap3A_1046 = vector.shape_cast %add3A_1041 : vector<16xf32> to vector<1x16xf32>
      tpu.vector_store %arg8[%swap3A_1042, %swap3A_1043], %swap3A_1046 {strides = array<i32>} : memref<32x1024xf32, #tpu.memory_space<vmem>>, vector<1x16xf32>,
      %get3A_1047 = arith.index_cast %scan3A_72 : i32 to index
      %get3A_1048 = arith.constant 960 : index
      %get3A_1049 = tpu.vector_load %arg8[%get3A_1047, %get3A_1048] {strides = array<i32>} : memref<32x1024xf32, #tpu.memory_space<vmem>>, vector<1x16xf32>,
      %get3A_1050 = vector.shape_cast %get3A_1049 : vector<1x16xf32> to vector<16xf32>
      %mul3A_1051 = arith.mulf %get3A_79, %get3A_1050 : vector<16xf32>
      %get3A_1052 = arith.index_cast %scan3A_72 : i32 to index
      %get3A_1053 = arith.constant 960 : index
      %get3A_1054 = tpu.vector_load %arg9[%get3A_1052, %get3A_1053] {strides = array<i32>} : memref<32x1024xf32, #tpu.memory_space<vmem>>, vector<1x16xf32>,
      %get3A_1055 = vector.shape_cast %get3A_1054 : vector<1x16xf32> to vector<16xf32>
      %mul3A_1056 = arith.mulf %get3A_87, %get3A_1055 : vector<16xf32>
      %add3A_1057 = arith.addf %mul3A_1051, %mul3A_1056 : vector<16xf32>
      %swap3A_1058 = arith.index_cast %scan3A_72 : i32 to index
      %swap3A_1059 = arith.constant 960 : index
      %swap3A_1060 = tpu.vector_load %arg8[%swap3A_1058, %swap3A_1059] {strides = array<i32>} : memref<32x1024xf32, #tpu.memory_space<vmem>>, vector<1x16xf32>,
      %swap3A_1061 = vector.shape_cast %swap3A_1060 : vector<1x16xf32> to vector<16xf32>
      %swap3A_1062 = vector.shape_cast %add3A_1057 : vector<16xf32> to vector<1x16xf32>
      tpu.vector_store %arg8[%swap3A_1058, %swap3A_1059], %swap3A_1062 {strides = array<i32>} : memref<32x1024xf32, #tpu.memory_space<vmem>>, vector<1x16xf32>,
      %get3A_1063 = arith.index_cast %scan3A_72 : i32 to index
      %get3A_1064 = arith.constant 976 : index
      %get3A_1065 = tpu.vector_load %arg8[%get3A_1063, %get3A_1064] {strides = array<i32>} : memref<32x1024xf32, #tpu.memory_space<vmem>>, vector<1x16xf32>,
      %get3A_1066 = vector.shape_cast %get3A_1065 : vector<1x16xf32> to vector<16xf32>
      %mul3A_1067 = arith.mulf %get3A_79, %get3A_1066 : vector<16xf32>
      %get3A_1068 = arith.index_cast %scan3A_72 : i32 to index
      %get3A_1069 = arith.constant 976 : index
      %get3A_1070 = tpu.vector_load %arg9[%get3A_1068, %get3A_1069] {strides = array<i32>} : memref<32x1024xf32, #tpu.memory_space<vmem>>, vector<1x16xf32>,
      %get3A_1071 = vector.shape_cast %get3A_1070 : vector<1x16xf32> to vector<16xf32>
      %mul3A_1072 = arith.mulf %get3A_87, %get3A_1071 : vector<16xf32>
      %add3A_1073 = arith.addf %mul3A_1067, %mul3A_1072 : vector<16xf32>
      %swap3A_1074 = arith.index_cast %scan3A_72 : i32 to index
      %swap3A_1075 = arith.constant 976 : index
      %swap3A_1076 = tpu.vector_load %arg8[%swap3A_1074, %swap3A_1075] {strides = array<i32>} : memref<32x1024xf32, #tpu.memory_space<vmem>>, vector<1x16xf32>,
      %swap3A_1077 = vector.shape_cast %swap3A_1076 : vector<1x16xf32> to vector<16xf32>
      %swap3A_1078 = vector.shape_cast %add3A_1073 : vector<16xf32> to vector<1x16xf32>
      tpu.vector_store %arg8[%swap3A_1074, %swap3A_1075], %swap3A_1078 {strides = array<i32>} : memref<32x1024xf32, #tpu.memory_space<vmem>>, vector<1x16xf32>,
      %get3A_1079 = arith.index_cast %scan3A_72 : i32 to index
      %get3A_1080 = arith.constant 992 : index
      %get3A_1081 = tpu.vector_load %arg8[%get3A_1079, %get3A_1080] {strides = array<i32>} : memref<32x1024xf32, #tpu.memory_space<vmem>>, vector<1x16xf32>,
      %get3A_1082 = vector.shape_cast %get3A_1081 : vector<1x16xf32> to vector<16xf32>
      %mul3A_1083 = arith.mulf %get3A_79, %get3A_1082 : vector<16xf32>
      %get3A_1084 = arith.index_cast %scan3A_72 : i32 to index
      %get3A_1085 = arith.constant 992 : index
      %get3A_1086 = tpu.vector_load %arg9[%get3A_1084, %get3A_1085] {strides = array<i32>} : memref<32x1024xf32, #tpu.memory_space<vmem>>, vector<1x16xf32>,
      %get3A_1087 = vector.shape_cast %get3A_1086 : vector<1x16xf32> to vector<16xf32>
      %mul3A_1088 = arith.mulf %get3A_87, %get3A_1087 : vector<16xf32>
      %add3A_1089 = arith.addf %mul3A_1083, %mul3A_1088 : vector<16xf32>
      %swap3A_1090 = arith.index_cast %scan3A_72 : i32 to index
      %swap3A_1091 = arith.constant 992 : index
      %swap3A_1092 = tpu.vector_load %arg8[%swap3A_1090, %swap3A_1091] {strides = array<i32>} : memref<32x1024xf32, #tpu.memory_space<vmem>>, vector<1x16xf32>,
      %swap3A_1093 = vector.shape_cast %swap3A_1092 : vector<1x16xf32> to vector<16xf32>
      %swap3A_1094 = vector.shape_cast %add3A_1089 : vector<16xf32> to vector<1x16xf32>
      tpu.vector_store %arg8[%swap3A_1090, %swap3A_1091], %swap3A_1094 {strides = array<i32>} : memref<32x1024xf32, #tpu.memory_space<vmem>>, vector<1x16xf32>,
      %get3A_1095 = arith.index_cast %scan3A_72 : i32 to index
      %get3A_1096 = arith.constant 1008 : index
      %get3A_1097 = tpu.vector_load %arg8[%get3A_1095, %get3A_1096] {strides = array<i32>} : memref<32x1024xf32, #tpu.memory_space<vmem>>, vector<1x16xf32>,
      %get3A_1098 = vector.shape_cast %get3A_1097 : vector<1x16xf32> to vector<16xf32>
      %mul3A_1099 = arith.mulf %get3A_79, %get3A_1098 : vector<16xf32>
      %get3A_1100 = arith.index_cast %scan3A_72 : i32 to index
      %get3A_1101 = arith.constant 1008 : index
      %get3A_1102 = tpu.vector_load %arg9[%get3A_1100, %get3A_1101] {strides = array<i32>} : memref<32x1024xf32, #tpu.memory_space<vmem>>, vector<1x16xf32>,
      %get3A_1103 = vector.shape_cast %get3A_1102 : vector<1x16xf32> to vector<16xf32>
      %mul3A_1104 = arith.mulf %get3A_87, %get3A_1103 : vector<16xf32>
      %add3A_1105 = arith.addf %mul3A_1099, %mul3A_1104 : vector<16xf32>
      %swap3A_1106 = arith.index_cast %scan3A_72 : i32 to index
      %swap3A_1107 = arith.constant 1008 : index
      %swap3A_1108 = tpu.vector_load %arg8[%swap3A_1106, %swap3A_1107] {strides = array<i32>} : memref<32x1024xf32, #tpu.memory_space<vmem>>, vector<1x16xf32>,
      %swap3A_1109 = vector.shape_cast %swap3A_1108 : vector<1x16xf32> to vector<16xf32>
      %swap3A_1110 = vector.shape_cast %add3A_1105 : vector<16xf32> to vector<1x16xf32>
      tpu.vector_store %arg8[%swap3A_1106, %swap3A_1107], %swap3A_1110 {strides = array<i32>} : memref<32x1024xf32, #tpu.memory_space<vmem>>, vector<1x16xf32>,
    }
    %scan3A_33 = arith.constant 32 : i32
    %add3A_34 = arith.constant 0 : i32
    %add3A_35 = arith.addi %mul3A_2, %add3A_34 : i32
    "tpu.region"() ({
      %run_scoped3A = tpu.sem_alloc : memref<!tpu.dma_semaphore, #tpu.memory_space<semaphore_mem>>
      %dma_start3A_72 = arith.constant 0 : i32
      %dma_start3A_73 = tpu.memref_slice %arg5[%add3A_35, %dma_start3A_72] : memref<2048x1024xf32, #tpu.memory_space<hbm>> -> memref<32x1024xf32, #tpu.memory_space<hbm>>
      %dma_start3A_74 = arith.constant 0 : i32
      %dma_start3A_75 = tpu.memref_slice %arg5[%add3A_35, %dma_start3A_74] : memref<2048x1024xf32, #tpu.memory_space<hbm>> -> memref<32x1024xf32, #tpu.memory_space<hbm>>
      tpu.enqueue_dma source(%arg8 : memref<32x1024xf32, #tpu.memory_space<vmem>>) target(%dma_start3A_75 : memref<32x1024xf32, #tpu.memory_space<hbm>>) target_semaphore(%run_scoped3A : memref<!tpu.dma_semaphore, #tpu.memory_space<semaphore_mem>>)
      %dma_wait3A_76 = arith.constant 0 : i32
      %dma_wait3A_77 = tpu.memref_slice %arg5[%add3A_35, %dma_wait3A_76] : memref<2048x1024xf32, #tpu.memory_space<hbm>> -> memref<32x1024xf32, #tpu.memory_space<hbm>>
      %dma_wait3A_78 = arith.constant 0 : i32
      %dma_wait3A_79 = tpu.memref_slice %arg5[%add3A_35, %dma_wait3A_78] : memref<2048x1024xf32, #tpu.memory_space<hbm>> -> memref<32x1024xf32, #tpu.memory_space<hbm>>
      tpu.wait_dma2 semaphore(%run_scoped3A : memref<!tpu.dma_semaphore, #tpu.memory_space<semaphore_mem>>) src(%arg8 : memref<32x1024xf32, #tpu.memory_space<vmem>>) dst(%dma_wait3A_79 : memref<32x1024xf32, #tpu.memory_space<hbm>>)
      tpu.yield
    }) : () -> ()
    %dma_start3A_36 = arith.constant 1 : i32
    %dma_start3A_37 = arith.constant 0 : i32
    %dma_start3A_38 = tpu.memref_slice %arg6[%dma_start3A_36, %dma_start3A_37] : memref<4x32xi32, #tpu.memory_space<vmem>> -> memref<1x32xi32, #tpu.memory_space<vmem>>
    %dma_start3A_39 = tpu.memref_squeeze %dma_start3A_38 : memref<1x32xi32, #tpu.memory_space<vmem>> -> memref<32xi32, #tpu.memory_space<vmem>>
    %dma_start3A_40 = arith.constant 0 : i32
    %dma_start3A_41 = arith.constant 0 : i32
    %dma_start3A_42 = tpu.memref_slice %arg2[%dma_start3A_40, %dma_start3A_41] : memref<8960x1024xf32, #tpu.memory_space<hbm>> -> memref<8960x1024xf32, #tpu.memory_space<hbm>>
    tpu.enqueue_indirect_dma source(%dma_start3A_42 : memref<8960x1024xf32, #tpu.memory_space<hbm>>) target(%arg8 : memref<32x1024xf32, #tpu.memory_space<vmem>>) offsets(%dma_start3A_39 : memref<32xi32, #tpu.memory_space<vmem>>) semaphore(%arg10 : memref<!tpu.dma_semaphore, #tpu.memory_space<semaphore_mem>>)
    %dma_wait3A_43 = arith.constant 1 : i32
    %dma_wait3A_44 = arith.constant 0 : i32
    %dma_wait3A_45 = tpu.memref_slice %arg6[%dma_wait3A_43, %dma_wait3A_44] : memref<4x32xi32, #tpu.memory_space<vmem>> -> memref<1x32xi32, #tpu.memory_space<vmem>>
    %dma_wait3A_46 = tpu.memref_squeeze %dma_wait3A_45 : memref<1x32xi32, #tpu.memory_space<vmem>> -> memref<32xi32, #tpu.memory_space<vmem>>
    %dma_wait3A_47 = arith.constant 0 : i32
    %dma_wait3A_48 = arith.constant 0 : i32
    %dma_wait3A_49 = tpu.memref_slice %arg2[%dma_wait3A_47, %dma_wait3A_48] : memref<8960x1024xf32, #tpu.memory_space<hbm>> -> memref<8960x1024xf32, #tpu.memory_space<hbm>>
    tpu.wait_indirect_dma semaphore(%arg10 : memref<!tpu.dma_semaphore, #tpu.memory_space<semaphore_mem>>) src(%dma_wait3A_49 : memref<8960x1024xf32, #tpu.memory_space<hbm>>) dst(%arg8 : memref<32x1024xf32, #tpu.memory_space<vmem>>)
    %dma_start3A_50 = arith.constant 3 : i32
    %dma_start3A_51 = arith.constant 0 : i32
    %dma_start3A_52 = tpu.memref_slice %arg6[%dma_start3A_50, %dma_start3A_51] : memref<4x32xi32, #tpu.memory_space<vmem>> -> memref<1x32xi32, #tpu.memory_space<vmem>>
    %dma_start3A_53 = tpu.memref_squeeze %dma_start3A_52 : memref<1x32xi32, #tpu.memory_space<vmem>> -> memref<32xi32, #tpu.memory_space<vmem>>
    %dma_start3A_54 = arith.constant 0 : i32
    %dma_start3A_55 = arith.constant 0 : i32
    %dma_start3A_56 = tpu.memref_slice %arg2[%dma_start3A_54, %dma_start3A_55] : memref<8960x1024xf32, #tpu.memory_space<hbm>> -> memref<8960x1024xf32, #tpu.memory_space<hbm>>
    tpu.enqueue_indirect_dma source(%dma_start3A_56 : memref<8960x1024xf32, #tpu.memory_space<hbm>>) target(%arg9 : memref<32x1024xf32, #tpu.memory_space<vmem>>) offsets(%dma_start3A_53 : memref<32xi32, #tpu.memory_space<vmem>>) semaphore(%arg10 : memref<!tpu.dma_semaphore, #tpu.memory_space<semaphore_mem>>)
    %dma_wait3A_57 = arith.constant 3 : i32
    %dma_wait3A_58 = arith.constant 0 : i32
    %dma_wait3A_59 = tpu.memref_slice %arg6[%dma_wait3A_57, %dma_wait3A_58] : memref<4x32xi32, #tpu.memory_space<vmem>> -> memref<1x32xi32, #tpu.memory_space<vmem>>
    %dma_wait3A_60 = tpu.memref_squeeze %dma_wait3A_59 : memref<1x32xi32, #tpu.memory_space<vmem>> -> memref<32xi32, #tpu.memory_space<vmem>>
    %dma_wait3A_61 = arith.constant 0 : i32
    %dma_wait3A_62 = arith.constant 0 : i32
    %dma_wait3A_63 = tpu.memref_slice %arg2[%dma_wait3A_61, %dma_wait3A_62] : memref<8960x1024xf32, #tpu.memory_space<hbm>> -> memref<8960x1024xf32, #tpu.memory_space<hbm>>
    tpu.wait_indirect_dma semaphore(%arg10 : memref<!tpu.dma_semaphore, #tpu.memory_space<semaphore_mem>>) src(%dma_wait3A_63 : memref<8960x1024xf32, #tpu.memory_space<hbm>>) dst(%arg9 : memref<32x1024xf32, #tpu.memory_space<vmem>>)
    %scan3A_64 = arith.constant 0 : i32
    %scan3A_65 = arith.constant 0 : i32
    %scan3A_66 = arith.constant 32 : i32
    %scan3A_67 = arith.addi %scan3A_65, %scan3A_66 : i32
    %scan3A_68 = arith.constant 1 : i32
    scf.for %scan3A_72 = %scan3A_65 to %scan3A_67 step %scan3A_68  : i32 {
      %add3A_73 = arith.constant 32 : i32
      %add3A_74 = arith.addi %add3A_73, %scan3A_72 : i32
      %get3A = arith.constant 0 : i32
      %get3A_75 = arith.index_cast %get3A : i32 to index
      %get3A_76 = arith.index_cast %add3A_74 : i32 to index
      %get3A_77 = arith.constant 0 : index
      %get3A_78 = tpu.vector_load %arg7[%get3A_75, %get3A_76, %get3A_77] {strides = array<i32>} : memref<2x64x16xf32, #tpu.memory_space<vmem>>, vector<1x1x16xf32>,
      %get3A_79 = vector.shape_cast %get3A_78 : vector<1x1x16xf32> to vector<16xf32>
      %add3A_80 = arith.constant 32 : i32
      %add3A_81 = arith.addi %add3A_80, %scan3A_72 : i32
      %get3A_82 = arith.constant 1 : i32
      %get3A_83 = arith.index_cast %get3A_82 : i32 to index
      %get3A_84 = arith.index_cast %add3A_81 : i32 to index
      %get3A_85 = arith.constant 0 : index
      %get3A_86 = tpu.vector_load %arg7[%get3A_83, %get3A_84, %get3A_85] {strides = array<i32>} : memref<2x64x16xf32, #tpu.memory_space<vmem>>, vector<1x1x16xf32>,
      %get3A_87 = vector.shape_cast %get3A_86 : vector<1x1x16xf32> to vector<16xf32>
      %get3A_88 = arith.index_cast %scan3A_72 : i32 to index
      %get3A_89 = arith.constant 0 : index
      %get3A_90 = tpu.vector_load %arg8[%get3A_88, %get3A_89] {strides = array<i32>} : memref<32x1024xf32, #tpu.memory_space<vmem>>, vector<1x16xf32>,
      %get3A_91 = vector.shape_cast %get3A_90 : vector<1x16xf32> to vector<16xf32>
      %mul3A_92 = arith.mulf %get3A_79, %get3A_91 : vector<16xf32>
      %get3A_93 = arith.index_cast %scan3A_72 : i32 to index
      %get3A_94 = arith.constant 0 : index
      %get3A_95 = tpu.vector_load %arg9[%get3A_93, %get3A_94] {strides = array<i32>} : memref<32x1024xf32, #tpu.memory_space<vmem>>, vector<1x16xf32>,
      %get3A_96 = vector.shape_cast %get3A_95 : vector<1x16xf32> to vector<16xf32>
      %mul3A_97 = arith.mulf %get3A_87, %get3A_96 : vector<16xf32>
      %add3A_98 = arith.addf %mul3A_92, %mul3A_97 : vector<16xf32>
      %swap3A = arith.index_cast %scan3A_72 : i32 to index
      %swap3A_99 = arith.constant 0 : index
      %swap3A_100 = tpu.vector_load %arg8[%swap3A, %swap3A_99] {strides = array<i32>} : memref<32x1024xf32, #tpu.memory_space<vmem>>, vector<1x16xf32>,
      %swap3A_101 = vector.shape_cast %swap3A_100 : vector<1x16xf32> to vector<16xf32>
      %swap3A_102 = vector.shape_cast %add3A_98 : vector<16xf32> to vector<1x16xf32>
      tpu.vector_store %arg8[%swap3A, %swap3A_99], %swap3A_102 {strides = array<i32>} : memref<32x1024xf32, #tpu.memory_space<vmem>>, vector<1x16xf32>,
      %get3A_103 = arith.index_cast %scan3A_72 : i32 to index
      %get3A_104 = arith.constant 16 : index
      %get3A_105 = tpu.vector_load %arg8[%get3A_103, %get3A_104] {strides = array<i32>} : memref<32x1024xf32, #tpu.memory_space<vmem>>, vector<1x16xf32>,
      %get3A_106 = vector.shape_cast %get3A_105 : vector<1x16xf32> to vector<16xf32>
      %mul3A_107 = arith.mulf %get3A_79, %get3A_106 : vector<16xf32>
      %get3A_108 = arith.index_cast %scan3A_72 : i32 to index
      %get3A_109 = arith.constant 16 : index
      %get3A_110 = tpu.vector_load %arg9[%get3A_108, %get3A_109] {strides = array<i32>} : memref<32x1024xf32, #tpu.memory_space<vmem>>, vector<1x16xf32>,
      %get3A_111 = vector.shape_cast %get3A_110 : vector<1x16xf32> to vector<16xf32>
      %mul3A_112 = arith.mulf %get3A_87, %get3A_111 : vector<16xf32>
      %add3A_113 = arith.addf %mul3A_107, %mul3A_112 : vector<16xf32>
      %swap3A_114 = arith.index_cast %scan3A_72 : i32 to index
      %swap3A_115 = arith.constant 16 : index
      %swap3A_116 = tpu.vector_load %arg8[%swap3A_114, %swap3A_115] {strides = array<i32>} : memref<32x1024xf32, #tpu.memory_space<vmem>>, vector<1x16xf32>,
      %swap3A_117 = vector.shape_cast %swap3A_116 : vector<1x16xf32> to vector<16xf32>
      %swap3A_118 = vector.shape_cast %add3A_113 : vector<16xf32> to vector<1x16xf32>
      tpu.vector_store %arg8[%swap3A_114, %swap3A_115], %swap3A_118 {strides = array<i32>} : memref<32x1024xf32, #tpu.memory_space<vmem>>, vector<1x16xf32>,
      %get3A_119 = arith.index_cast %scan3A_72 : i32 to index
      %get3A_120 = arith.constant 32 : index
      %get3A_121 = tpu.vector_load %arg8[%get3A_119, %get3A_120] {strides = array<i32>} : memref<32x1024xf32, #tpu.memory_space<vmem>>, vector<1x16xf32>,
      %get3A_122 = vector.shape_cast %get3A_121 : vector<1x16xf32> to vector<16xf32>
      %mul3A_123 = arith.mulf %get3A_79, %get3A_122 : vector<16xf32>
      %get3A_124 = arith.index_cast %scan3A_72 : i32 to index
      %get3A_125 = arith.constant 32 : index
      %get3A_126 = tpu.vector_load %arg9[%get3A_124, %get3A_125] {strides = array<i32>} : memref<32x1024xf32, #tpu.memory_space<vmem>>, vector<1x16xf32>,
      %get3A_127 = vector.shape_cast %get3A_126 : vector<1x16xf32> to vector<16xf32>
      %mul3A_128 = arith.mulf %get3A_87, %get3A_127 : vector<16xf32>
      %add3A_129 = arith.addf %mul3A_123, %mul3A_128 : vector<16xf32>
      %swap3A_130 = arith.index_cast %scan3A_72 : i32 to index
      %swap3A_131 = arith.constant 32 : index
      %swap3A_132 = tpu.vector_load %arg8[%swap3A_130, %swap3A_131] {strides = array<i32>} : memref<32x1024xf32, #tpu.memory_space<vmem>>, vector<1x16xf32>,
      %swap3A_133 = vector.shape_cast %swap3A_132 : vector<1x16xf32> to vector<16xf32>
      %swap3A_134 = vector.shape_cast %add3A_129 : vector<16xf32> to vector<1x16xf32>
      tpu.vector_store %arg8[%swap3A_130, %swap3A_131], %swap3A_134 {strides = array<i32>} : memref<32x1024xf32, #tpu.memory_space<vmem>>, vector<1x16xf32>,
      %get3A_135 = arith.index_cast %scan3A_72 : i32 to index
      %get3A_136 = arith.constant 48 : index
      %get3A_137 = tpu.vector_load %arg8[%get3A_135, %get3A_136] {strides = array<i32>} : memref<32x1024xf32, #tpu.memory_space<vmem>>, vector<1x16xf32>,
      %get3A_138 = vector.shape_cast %get3A_137 : vector<1x16xf32> to vector<16xf32>
      %mul3A_139 = arith.mulf %get3A_79, %get3A_138 : vector<16xf32>
      %get3A_140 = arith.index_cast %scan3A_72 : i32 to index
      %get3A_141 = arith.constant 48 : index
      %get3A_142 = tpu.vector_load %arg9[%get3A_140, %get3A_141] {strides = array<i32>} : memref<32x1024xf32, #tpu.memory_space<vmem>>, vector<1x16xf32>,
      %get3A_143 = vector.shape_cast %get3A_142 : vector<1x16xf32> to vector<16xf32>
      %mul3A_144 = arith.mulf %get3A_87, %get3A_143 : vector<16xf32>
      %add3A_145 = arith.addf %mul3A_139, %mul3A_144 : vector<16xf32>
      %swap3A_146 = arith.index_cast %scan3A_72 : i32 to index
      %swap3A_147 = arith.constant 48 : index
      %swap3A_148 = tpu.vector_load %arg8[%swap3A_146, %swap3A_147] {strides = array<i32>} : memref<32x1024xf32, #tpu.memory_space<vmem>>, vector<1x16xf32>,
      %swap3A_149 = vector.shape_cast %swap3A_148 : vector<1x16xf32> to vector<16xf32>
      %swap3A_150 = vector.shape_cast %add3A_145 : vector<16xf32> to vector<1x16xf32>
      tpu.vector_store %arg8[%swap3A_146, %swap3A_147], %swap3A_150 {strides = array<i32>} : memref<32x1024xf32, #tpu.memory_space<vmem>>, vector<1x16xf32>,
      %get3A_151 = arith.index_cast %scan3A_72 : i32 to index
      %get3A_152 = arith.constant 64 : index
      %get3A_153 = tpu.vector_load %arg8[%get3A_151, %get3A_152] {strides = array<i32>} : memref<32x1024xf32, #tpu.memory_space<vmem>>, vector<1x16xf32>,
      %get3A_154 = vector.shape_cast %get3A_153 : vector<1x16xf32> to vector<16xf32>
      %mul3A_155 = arith.mulf %get3A_79, %get3A_154 : vector<16xf32>
      %get3A_156 = arith.index_cast %scan3A_72 : i32 to index
      %get3A_157 = arith.constant 64 : index
      %get3A_158 = tpu.vector_load %arg9[%get3A_156, %get3A_157] {strides = array<i32>} : memref<32x1024xf32, #tpu.memory_space<vmem>>, vector<1x16xf32>,
      %get3A_159 = vector.shape_cast %get3A_158 : vector<1x16xf32> to vector<16xf32>
      %mul3A_160 = arith.mulf %get3A_87, %get3A_159 : vector<16xf32>
      %add3A_161 = arith.addf %mul3A_155, %mul3A_160 : vector<16xf32>
      %swap3A_162 = arith.index_cast %scan3A_72 : i32 to index
      %swap3A_163 = arith.constant 64 : index
      %swap3A_164 = tpu.vector_load %arg8[%swap3A_162, %swap3A_163] {strides = array<i32>} : memref<32x1024xf32, #tpu.memory_space<vmem>>, vector<1x16xf32>,
      %swap3A_165 = vector.shape_cast %swap3A_164 : vector<1x16xf32> to vector<16xf32>
      %swap3A_166 = vector.shape_cast %add3A_161 : vector<16xf32> to vector<1x16xf32>
      tpu.vector_store %arg8[%swap3A_162, %swap3A_163], %swap3A_166 {strides = array<i32>} : memref<32x1024xf32, #tpu.memory_space<vmem>>, vector<1x16xf32>,
      %get3A_167 = arith.index_cast %scan3A_72 : i32 to index
      %get3A_168 = arith.constant 80 : index
      %get3A_169 = tpu.vector_load %arg8[%get3A_167, %get3A_168] {strides = array<i32>} : memref<32x1024xf32, #tpu.memory_space<vmem>>, vector<1x16xf32>,
      %get3A_170 = vector.shape_cast %get3A_169 : vector<1x16xf32> to vector<16xf32>
      %mul3A_171 = arith.mulf %get3A_79, %get3A_170 : vector<16xf32>
      %get3A_172 = arith.index_cast %scan3A_72 : i32 to index
      %get3A_173 = arith.constant 80 : index
      %get3A_174 = tpu.vector_load %arg9[%get3A_172, %get3A_173] {strides = array<i32>} : memref<32x1024xf32, #tpu.memory_space<vmem>>, vector<1x16xf32>,
      %get3A_175 = vector.shape_cast %get3A_174 : vector<1x16xf32> to vector<16xf32>
      %mul3A_176 = arith.mulf %get3A_87, %get3A_175 : vector<16xf32>
      %add3A_177 = arith.addf %mul3A_171, %mul3A_176 : vector<16xf32>
      %swap3A_178 = arith.index_cast %scan3A_72 : i32 to index
      %swap3A_179 = arith.constant 80 : index
      %swap3A_180 = tpu.vector_load %arg8[%swap3A_178, %swap3A_179] {strides = array<i32>} : memref<32x1024xf32, #tpu.memory_space<vmem>>, vector<1x16xf32>,
      %swap3A_181 = vector.shape_cast %swap3A_180 : vector<1x16xf32> to vector<16xf32>
      %swap3A_182 = vector.shape_cast %add3A_177 : vector<16xf32> to vector<1x16xf32>
      tpu.vector_store %arg8[%swap3A_178, %swap3A_179], %swap3A_182 {strides = array<i32>} : memref<32x1024xf32, #tpu.memory_space<vmem>>, vector<1x16xf32>,
      %get3A_183 = arith.index_cast %scan3A_72 : i32 to index
      %get3A_184 = arith.constant 96 : index
      %get3A_185 = tpu.vector_load %arg8[%get3A_183, %get3A_184] {strides = array<i32>} : memref<32x1024xf32, #tpu.memory_space<vmem>>, vector<1x16xf32>,
      %get3A_186 = vector.shape_cast %get3A_185 : vector<1x16xf32> to vector<16xf32>
      %mul3A_187 = arith.mulf %get3A_79, %get3A_186 : vector<16xf32>
      %get3A_188 = arith.index_cast %scan3A_72 : i32 to index
      %get3A_189 = arith.constant 96 : index
      %get3A_190 = tpu.vector_load %arg9[%get3A_188, %get3A_189] {strides = array<i32>} : memref<32x1024xf32, #tpu.memory_space<vmem>>, vector<1x16xf32>,
      %get3A_191 = vector.shape_cast %get3A_190 : vector<1x16xf32> to vector<16xf32>
      %mul3A_192 = arith.mulf %get3A_87, %get3A_191 : vector<16xf32>
      %add3A_193 = arith.addf %mul3A_187, %mul3A_192 : vector<16xf32>
      %swap3A_194 = arith.index_cast %scan3A_72 : i32 to index
      %swap3A_195 = arith.constant 96 : index
      %swap3A_196 = tpu.vector_load %arg8[%swap3A_194, %swap3A_195] {strides = array<i32>} : memref<32x1024xf32, #tpu.memory_space<vmem>>, vector<1x16xf32>,
      %swap3A_197 = vector.shape_cast %swap3A_196 : vector<1x16xf32> to vector<16xf32>
      %swap3A_198 = vector.shape_cast %add3A_193 : vector<16xf32> to vector<1x16xf32>
      tpu.vector_store %arg8[%swap3A_194, %swap3A_195], %swap3A_198 {strides = array<i32>} : memref<32x1024xf32, #tpu.memory_space<vmem>>, vector<1x16xf32>,
      %get3A_199 = arith.index_cast %scan3A_72 : i32 to index
      %get3A_200 = arith.constant 112 : index
      %get3A_201 = tpu.vector_load %arg8[%get3A_199, %get3A_200] {strides = array<i32>} : memref<32x1024xf32, #tpu.memory_space<vmem>>, vector<1x16xf32>,
      %get3A_202 = vector.shape_cast %get3A_201 : vector<1x16xf32> to vector<16xf32>
      %mul3A_203 = arith.mulf %get3A_79, %get3A_202 : vector<16xf32>
      %get3A_204 = arith.index_cast %scan3A_72 : i32 to index
      %get3A_205 = arith.constant 112 : index
      %get3A_206 = tpu.vector_load %arg9[%get3A_204, %get3A_205] {strides = array<i32>} : memref<32x1024xf32, #tpu.memory_space<vmem>>, vector<1x16xf32>,
      %get3A_207 = vector.shape_cast %get3A_206 : vector<1x16xf32> to vector<16xf32>
      %mul3A_208 = arith.mulf %get3A_87, %get3A_207 : vector<16xf32>
      %add3A_209 = arith.addf %mul3A_203, %mul3A_208 : vector<16xf32>
      %swap3A_210 = arith.index_cast %scan3A_72 : i32 to index
      %swap3A_211 = arith.constant 112 : index
      %swap3A_212 = tpu.vector_load %arg8[%swap3A_210, %swap3A_211] {strides = array<i32>} : memref<32x1024xf32, #tpu.memory_space<vmem>>, vector<1x16xf32>,
      %swap3A_213 = vector.shape_cast %swap3A_212 : vector<1x16xf32> to vector<16xf32>
      %swap3A_214 = vector.shape_cast %add3A_209 : vector<16xf32> to vector<1x16xf32>
      tpu.vector_store %arg8[%swap3A_210, %swap3A_211], %swap3A_214 {strides = array<i32>} : memref<32x1024xf32, #tpu.memory_space<vmem>>, vector<1x16xf32>,
      %get3A_215 = arith.index_cast %scan3A_72 : i32 to index
      %get3A_216 = arith.constant 128 : index
      %get3A_217 = tpu.vector_load %arg8[%get3A_215, %get3A_216] {strides = array<i32>} : memref<32x1024xf32, #tpu.memory_space<vmem>>, vector<1x16xf32>,
      %get3A_218 = vector.shape_cast %get3A_217 : vector<1x16xf32> to vector<16xf32>
      %mul3A_219 = arith.mulf %get3A_79, %get3A_218 : vector<16xf32>
      %get3A_220 = arith.index_cast %scan3A_72 : i32 to index
      %get3A_221 = arith.constant 128 : index
      %get3A_222 = tpu.vector_load %arg9[%get3A_220, %get3A_221] {strides = array<i32>} : memref<32x1024xf32, #tpu.memory_space<vmem>>, vector<1x16xf32>,
      %get3A_223 = vector.shape_cast %get3A_222 : vector<1x16xf32> to vector<16xf32>
      %mul3A_224 = arith.mulf %get3A_87, %get3A_223 : vector<16xf32>
      %add3A_225 = arith.addf %mul3A_219, %mul3A_224 : vector<16xf32>
      %swap3A_226 = arith.index_cast %scan3A_72 : i32 to index
      %swap3A_227 = arith.constant 128 : index
      %swap3A_228 = tpu.vector_load %arg8[%swap3A_226, %swap3A_227] {strides = array<i32>} : memref<32x1024xf32, #tpu.memory_space<vmem>>, vector<1x16xf32>,
      %swap3A_229 = vector.shape_cast %swap3A_228 : vector<1x16xf32> to vector<16xf32>
      %swap3A_230 = vector.shape_cast %add3A_225 : vector<16xf32> to vector<1x16xf32>
      tpu.vector_store %arg8[%swap3A_226, %swap3A_227], %swap3A_230 {strides = array<i32>} : memref<32x1024xf32, #tpu.memory_space<vmem>>, vector<1x16xf32>,
      %get3A_231 = arith.index_cast %scan3A_72 : i32 to index
      %get3A_232 = arith.constant 144 : index
      %get3A_233 = tpu.vector_load %arg8[%get3A_231, %get3A_232] {strides = array<i32>} : memref<32x1024xf32, #tpu.memory_space<vmem>>, vector<1x16xf32>,
      %get3A_234 = vector.shape_cast %get3A_233 : vector<1x16xf32> to vector<16xf32>
      %mul3A_235 = arith.mulf %get3A_79, %get3A_234 : vector<16xf32>
      %get3A_236 = arith.index_cast %scan3A_72 : i32 to index
      %get3A_237 = arith.constant 144 : index
      %get3A_238 = tpu.vector_load %arg9[%get3A_236, %get3A_237] {strides = array<i32>} : memref<32x1024xf32, #tpu.memory_space<vmem>>, vector<1x16xf32>,
      %get3A_239 = vector.shape_cast %get3A_238 : vector<1x16xf32> to vector<16xf32>
      %mul3A_240 = arith.mulf %get3A_87, %get3A_239 : vector<16xf32>
      %add3A_241 = arith.addf %mul3A_235, %mul3A_240 : vector<16xf32>
      %swap3A_242 = arith.index_cast %scan3A_72 : i32 to index
      %swap3A_243 = arith.constant 144 : index
      %swap3A_244 = tpu.vector_load %arg8[%swap3A_242, %swap3A_243] {strides = array<i32>} : memref<32x1024xf32, #tpu.memory_space<vmem>>, vector<1x16xf32>,
      %swap3A_245 = vector.shape_cast %swap3A_244 : vector<1x16xf32> to vector<16xf32>
      %swap3A_246 = vector.shape_cast %add3A_241 : vector<16xf32> to vector<1x16xf32>
      tpu.vector_store %arg8[%swap3A_242, %swap3A_243], %swap3A_246 {strides = array<i32>} : memref<32x1024xf32, #tpu.memory_space<vmem>>, vector<1x16xf32>,
      %get3A_247 = arith.index_cast %scan3A_72 : i32 to index
      %get3A_248 = arith.constant 160 : index
      %get3A_249 = tpu.vector_load %arg8[%get3A_247, %get3A_248] {strides = array<i32>} : memref<32x1024xf32, #tpu.memory_space<vmem>>, vector<1x16xf32>,
      %get3A_250 = vector.shape_cast %get3A_249 : vector<1x16xf32> to vector<16xf32>
      %mul3A_251 = arith.mulf %get3A_79, %get3A_250 : vector<16xf32>
      %get3A_252 = arith.index_cast %scan3A_72 : i32 to index
      %get3A_253 = arith.constant 160 : index
      %get3A_254 = tpu.vector_load %arg9[%get3A_252, %get3A_253] {strides = array<i32>} : memref<32x1024xf32, #tpu.memory_space<vmem>>, vector<1x16xf32>,
      %get3A_255 = vector.shape_cast %get3A_254 : vector<1x16xf32> to vector<16xf32>
      %mul3A_256 = arith.mulf %get3A_87, %get3A_255 : vector<16xf32>
      %add3A_257 = arith.addf %mul3A_251, %mul3A_256 : vector<16xf32>
      %swap3A_258 = arith.index_cast %scan3A_72 : i32 to index
      %swap3A_259 = arith.constant 160 : index
      %swap3A_260 = tpu.vector_load %arg8[%swap3A_258, %swap3A_259] {strides = array<i32>} : memref<32x1024xf32, #tpu.memory_space<vmem>>, vector<1x16xf32>,
      %swap3A_261 = vector.shape_cast %swap3A_260 : vector<1x16xf32> to vector<16xf32>
      %swap3A_262 = vector.shape_cast %add3A_257 : vector<16xf32> to vector<1x16xf32>
      tpu.vector_store %arg8[%swap3A_258, %swap3A_259], %swap3A_262 {strides = array<i32>} : memref<32x1024xf32, #tpu.memory_space<vmem>>, vector<1x16xf32>,
      %get3A_263 = arith.index_cast %scan3A_72 : i32 to index
      %get3A_264 = arith.constant 176 : index
      %get3A_265 = tpu.vector_load %arg8[%get3A_263, %get3A_264] {strides = array<i32>} : memref<32x1024xf32, #tpu.memory_space<vmem>>, vector<1x16xf32>,
      %get3A_266 = vector.shape_cast %get3A_265 : vector<1x16xf32> to vector<16xf32>
      %mul3A_267 = arith.mulf %get3A_79, %get3A_266 : vector<16xf32>
      %get3A_268 = arith.index_cast %scan3A_72 : i32 to index
      %get3A_269 = arith.constant 176 : index
      %get3A_270 = tpu.vector_load %arg9[%get3A_268, %get3A_269] {strides = array<i32>} : memref<32x1024xf32, #tpu.memory_space<vmem>>, vector<1x16xf32>,
      %get3A_271 = vector.shape_cast %get3A_270 : vector<1x16xf32> to vector<16xf32>
      %mul3A_272 = arith.mulf %get3A_87, %get3A_271 : vector<16xf32>
      %add3A_273 = arith.addf %mul3A_267, %mul3A_272 : vector<16xf32>
      %swap3A_274 = arith.index_cast %scan3A_72 : i32 to index
      %swap3A_275 = arith.constant 176 : index
      %swap3A_276 = tpu.vector_load %arg8[%swap3A_274, %swap3A_275] {strides = array<i32>} : memref<32x1024xf32, #tpu.memory_space<vmem>>, vector<1x16xf32>,
      %swap3A_277 = vector.shape_cast %swap3A_276 : vector<1x16xf32> to vector<16xf32>
      %swap3A_278 = vector.shape_cast %add3A_273 : vector<16xf32> to vector<1x16xf32>
      tpu.vector_store %arg8[%swap3A_274, %swap3A_275], %swap3A_278 {strides = array<i32>} : memref<32x1024xf32, #tpu.memory_space<vmem>>, vector<1x16xf32>,
      %get3A_279 = arith.index_cast %scan3A_72 : i32 to index
      %get3A_280 = arith.constant 192 : index
      %get3A_281 = tpu.vector_load %arg8[%get3A_279, %get3A_280] {strides = array<i32>} : memref<32x1024xf32, #tpu.memory_space<vmem>>, vector<1x16xf32>,
      %get3A_282 = vector.shape_cast %get3A_281 : vector<1x16xf32> to vector<16xf32>
      %mul3A_283 = arith.mulf %get3A_79, %get3A_282 : vector<16xf32>
      %get3A_284 = arith.index_cast %scan3A_72 : i32 to index
      %get3A_285 = arith.constant 192 : index
      %get3A_286 = tpu.vector_load %arg9[%get3A_284, %get3A_285] {strides = array<i32>} : memref<32x1024xf32, #tpu.memory_space<vmem>>, vector<1x16xf32>,
      %get3A_287 = vector.shape_cast %get3A_286 : vector<1x16xf32> to vector<16xf32>
      %mul3A_288 = arith.mulf %get3A_87, %get3A_287 : vector<16xf32>
      %add3A_289 = arith.addf %mul3A_283, %mul3A_288 : vector<16xf32>
      %swap3A_290 = arith.index_cast %scan3A_72 : i32 to index
      %swap3A_291 = arith.constant 192 : index
      %swap3A_292 = tpu.vector_load %arg8[%swap3A_290, %swap3A_291] {strides = array<i32>} : memref<32x1024xf32, #tpu.memory_space<vmem>>, vector<1x16xf32>,
      %swap3A_293 = vector.shape_cast %swap3A_292 : vector<1x16xf32> to vector<16xf32>
      %swap3A_294 = vector.shape_cast %add3A_289 : vector<16xf32> to vector<1x16xf32>
      tpu.vector_store %arg8[%swap3A_290, %swap3A_291], %swap3A_294 {strides = array<i32>} : memref<32x1024xf32, #tpu.memory_space<vmem>>, vector<1x16xf32>,
      %get3A_295 = arith.index_cast %scan3A_72 : i32 to index
      %get3A_296 = arith.constant 208 : index
      %get3A_297 = tpu.vector_load %arg8[%get3A_295, %get3A_296] {strides = array<i32>} : memref<32x1024xf32, #tpu.memory_space<vmem>>, vector<1x16xf32>,
      %get3A_298 = vector.shape_cast %get3A_297 : vector<1x16xf32> to vector<16xf32>
      %mul3A_299 = arith.mulf %get3A_79, %get3A_298 : vector<16xf32>
      %get3A_300 = arith.index_cast %scan3A_72 : i32 to index
      %get3A_301 = arith.constant 208 : index
      %get3A_302 = tpu.vector_load %arg9[%get3A_300, %get3A_301] {strides = array<i32>} : memref<32x1024xf32, #tpu.memory_space<vmem>>, vector<1x16xf32>,
      %get3A_303 = vector.shape_cast %get3A_302 : vector<1x16xf32> to vector<16xf32>
      %mul3A_304 = arith.mulf %get3A_87, %get3A_303 : vector<16xf32>
      %add3A_305 = arith.addf %mul3A_299, %mul3A_304 : vector<16xf32>
      %swap3A_306 = arith.index_cast %scan3A_72 : i32 to index
      %swap3A_307 = arith.constant 208 : index
      %swap3A_308 = tpu.vector_load %arg8[%swap3A_306, %swap3A_307] {strides = array<i32>} : memref<32x1024xf32, #tpu.memory_space<vmem>>, vector<1x16xf32>,
      %swap3A_309 = vector.shape_cast %swap3A_308 : vector<1x16xf32> to vector<16xf32>
      %swap3A_310 = vector.shape_cast %add3A_305 : vector<16xf32> to vector<1x16xf32>
      tpu.vector_store %arg8[%swap3A_306, %swap3A_307], %swap3A_310 {strides = array<i32>} : memref<32x1024xf32, #tpu.memory_space<vmem>>, vector<1x16xf32>,
      %get3A_311 = arith.index_cast %scan3A_72 : i32 to index
      %get3A_312 = arith.constant 224 : index
      %get3A_313 = tpu.vector_load %arg8[%get3A_311, %get3A_312] {strides = array<i32>} : memref<32x1024xf32, #tpu.memory_space<vmem>>, vector<1x16xf32>,
      %get3A_314 = vector.shape_cast %get3A_313 : vector<1x16xf32> to vector<16xf32>
      %mul3A_315 = arith.mulf %get3A_79, %get3A_314 : vector<16xf32>
      %get3A_316 = arith.index_cast %scan3A_72 : i32 to index
      %get3A_317 = arith.constant 224 : index
      %get3A_318 = tpu.vector_load %arg9[%get3A_316, %get3A_317] {strides = array<i32>} : memref<32x1024xf32, #tpu.memory_space<vmem>>, vector<1x16xf32>,
      %get3A_319 = vector.shape_cast %get3A_318 : vector<1x16xf32> to vector<16xf32>
      %mul3A_320 = arith.mulf %get3A_87, %get3A_319 : vector<16xf32>
      %add3A_321 = arith.addf %mul3A_315, %mul3A_320 : vector<16xf32>
      %swap3A_322 = arith.index_cast %scan3A_72 : i32 to index
      %swap3A_323 = arith.constant 224 : index
      %swap3A_324 = tpu.vector_load %arg8[%swap3A_322, %swap3A_323] {strides = array<i32>} : memref<32x1024xf32, #tpu.memory_space<vmem>>, vector<1x16xf32>,
      %swap3A_325 = vector.shape_cast %swap3A_324 : vector<1x16xf32> to vector<16xf32>
      %swap3A_326 = vector.shape_cast %add3A_321 : vector<16xf32> to vector<1x16xf32>
      tpu.vector_store %arg8[%swap3A_322, %swap3A_323], %swap3A_326 {strides = array<i32>} : memref<32x1024xf32, #tpu.memory_space<vmem>>, vector<1x16xf32>,
      %get3A_327 = arith.index_cast %scan3A_72 : i32 to index
      %get3A_328 = arith.constant 240 : index
      %get3A_329 = tpu.vector_load %arg8[%get3A_327, %get3A_328] {strides = array<i32>} : memref<32x1024xf32, #tpu.memory_space<vmem>>, vector<1x16xf32>,
      %get3A_330 = vector.shape_cast %get3A_329 : vector<1x16xf32> to vector<16xf32>
      %mul3A_331 = arith.mulf %get3A_79, %get3A_330 : vector<16xf32>
      %get3A_332 = arith.index_cast %scan3A_72 : i32 to index
      %get3A_333 = arith.constant 240 : index
      %get3A_334 = tpu.vector_load %arg9[%get3A_332, %get3A_333] {strides = array<i32>} : memref<32x1024xf32, #tpu.memory_space<vmem>>, vector<1x16xf32>,
      %get3A_335 = vector.shape_cast %get3A_334 : vector<1x16xf32> to vector<16xf32>
      %mul3A_336 = arith.mulf %get3A_87, %get3A_335 : vector<16xf32>
      %add3A_337 = arith.addf %mul3A_331, %mul3A_336 : vector<16xf32>
      %swap3A_338 = arith.index_cast %scan3A_72 : i32 to index
      %swap3A_339 = arith.constant 240 : index
      %swap3A_340 = tpu.vector_load %arg8[%swap3A_338, %swap3A_339] {strides = array<i32>} : memref<32x1024xf32, #tpu.memory_space<vmem>>, vector<1x16xf32>,
      %swap3A_341 = vector.shape_cast %swap3A_340 : vector<1x16xf32> to vector<16xf32>
      %swap3A_342 = vector.shape_cast %add3A_337 : vector<16xf32> to vector<1x16xf32>
      tpu.vector_store %arg8[%swap3A_338, %swap3A_339], %swap3A_342 {strides = array<i32>} : memref<32x1024xf32, #tpu.memory_space<vmem>>, vector<1x16xf32>,
      %get3A_343 = arith.index_cast %scan3A_72 : i32 to index
      %get3A_344 = arith.constant 256 : index
      %get3A_345 = tpu.vector_load %arg8[%get3A_343, %get3A_344] {strides = array<i32>} : memref<32x1024xf32, #tpu.memory_space<vmem>>, vector<1x16xf32>,
      %get3A_346 = vector.shape_cast %get3A_345 : vector<1x16xf32> to vector<16xf32>
      %mul3A_347 = arith.mulf %get3A_79, %get3A_346 : vector<16xf32>
      %get3A_348 = arith.index_cast %scan3A_72 : i32 to index
      %get3A_349 = arith.constant 256 : index
      %get3A_350 = tpu.vector_load %arg9[%get3A_348, %get3A_349] {strides = array<i32>} : memref<32x1024xf32, #tpu.memory_space<vmem>>, vector<1x16xf32>,
      %get3A_351 = vector.shape_cast %get3A_350 : vector<1x16xf32> to vector<16xf32>
      %mul3A_352 = arith.mulf %get3A_87, %get3A_351 : vector<16xf32>
      %add3A_353 = arith.addf %mul3A_347, %mul3A_352 : vector<16xf32>
      %swap3A_354 = arith.index_cast %scan3A_72 : i32 to index
      %swap3A_355 = arith.constant 256 : index
      %swap3A_356 = tpu.vector_load %arg8[%swap3A_354, %swap3A_355] {strides = array<i32>} : memref<32x1024xf32, #tpu.memory_space<vmem>>, vector<1x16xf32>,
      %swap3A_357 = vector.shape_cast %swap3A_356 : vector<1x16xf32> to vector<16xf32>
      %swap3A_358 = vector.shape_cast %add3A_353 : vector<16xf32> to vector<1x16xf32>
      tpu.vector_store %arg8[%swap3A_354, %swap3A_355], %swap3A_358 {strides = array<i32>} : memref<32x1024xf32, #tpu.memory_space<vmem>>, vector<1x16xf32>,
      %get3A_359 = arith.index_cast %scan3A_72 : i32 to index
      %get3A_360 = arith.constant 272 : index
      %get3A_361 = tpu.vector_load %arg8[%get3A_359, %get3A_360] {strides = array<i32>} : memref<32x1024xf32, #tpu.memory_space<vmem>>, vector<1x16xf32>,
      %get3A_362 = vector.shape_cast %get3A_361 : vector<1x16xf32> to vector<16xf32>
      %mul3A_363 = arith.mulf %get3A_79, %get3A_362 : vector<16xf32>
      %get3A_364 = arith.index_cast %scan3A_72 : i32 to index
      %get3A_365 = arith.constant 272 : index
      %get3A_366 = tpu.vector_load %arg9[%get3A_364, %get3A_365] {strides = array<i32>} : memref<32x1024xf32, #tpu.memory_space<vmem>>, vector<1x16xf32>,
      %get3A_367 = vector.shape_cast %get3A_366 : vector<1x16xf32> to vector<16xf32>
      %mul3A_368 = arith.mulf %get3A_87, %get3A_367 : vector<16xf32>
      %add3A_369 = arith.addf %mul3A_363, %mul3A_368 : vector<16xf32>
      %swap3A_370 = arith.index_cast %scan3A_72 : i32 to index
      %swap3A_371 = arith.constant 272 : index
      %swap3A_372 = tpu.vector_load %arg8[%swap3A_370, %swap3A_371] {strides = array<i32>} : memref<32x1024xf32, #tpu.memory_space<vmem>>, vector<1x16xf32>,
      %swap3A_373 = vector.shape_cast %swap3A_372 : vector<1x16xf32> to vector<16xf32>
      %swap3A_374 = vector.shape_cast %add3A_369 : vector<16xf32> to vector<1x16xf32>
      tpu.vector_store %arg8[%swap3A_370, %swap3A_371], %swap3A_374 {strides = array<i32>} : memref<32x1024xf32, #tpu.memory_space<vmem>>, vector<1x16xf32>,
      %get3A_375 = arith.index_cast %scan3A_72 : i32 to index
      %get3A_376 = arith.constant 288 : index
      %get3A_377 = tpu.vector_load %arg8[%get3A_375, %get3A_376] {strides = array<i32>} : memref<32x1024xf32, #tpu.memory_space<vmem>>, vector<1x16xf32>,
      %get3A_378 = vector.shape_cast %get3A_377 : vector<1x16xf32> to vector<16xf32>
      %mul3A_379 = arith.mulf %get3A_79, %get3A_378 : vector<16xf32>
      %get3A_380 = arith.index_cast %scan3A_72 : i32 to index
      %get3A_381 = arith.constant 288 : index
      %get3A_382 = tpu.vector_load %arg9[%get3A_380, %get3A_381] {strides = array<i32>} : memref<32x1024xf32, #tpu.memory_space<vmem>>, vector<1x16xf32>,
      %get3A_383 = vector.shape_cast %get3A_382 : vector<1x16xf32> to vector<16xf32>
      %mul3A_384 = arith.mulf %get3A_87, %get3A_383 : vector<16xf32>
      %add3A_385 = arith.addf %mul3A_379, %mul3A_384 : vector<16xf32>
      %swap3A_386 = arith.index_cast %scan3A_72 : i32 to index
      %swap3A_387 = arith.constant 288 : index
      %swap3A_388 = tpu.vector_load %arg8[%swap3A_386, %swap3A_387] {strides = array<i32>} : memref<32x1024xf32, #tpu.memory_space<vmem>>, vector<1x16xf32>,
      %swap3A_389 = vector.shape_cast %swap3A_388 : vector<1x16xf32> to vector<16xf32>
      %swap3A_390 = vector.shape_cast %add3A_385 : vector<16xf32> to vector<1x16xf32>
      tpu.vector_store %arg8[%swap3A_386, %swap3A_387], %swap3A_390 {strides = array<i32>} : memref<32x1024xf32, #tpu.memory_space<vmem>>, vector<1x16xf32>,
      %get3A_391 = arith.index_cast %scan3A_72 : i32 to index
      %get3A_392 = arith.constant 304 : index
      %get3A_393 = tpu.vector_load %arg8[%get3A_391, %get3A_392] {strides = array<i32>} : memref<32x1024xf32, #tpu.memory_space<vmem>>, vector<1x16xf32>,
      %get3A_394 = vector.shape_cast %get3A_393 : vector<1x16xf32> to vector<16xf32>
      %mul3A_395 = arith.mulf %get3A_79, %get3A_394 : vector<16xf32>
      %get3A_396 = arith.index_cast %scan3A_72 : i32 to index
      %get3A_397 = arith.constant 304 : index
      %get3A_398 = tpu.vector_load %arg9[%get3A_396, %get3A_397] {strides = array<i32>} : memref<32x1024xf32, #tpu.memory_space<vmem>>, vector<1x16xf32>,
      %get3A_399 = vector.shape_cast %get3A_398 : vector<1x16xf32> to vector<16xf32>
      %mul3A_400 = arith.mulf %get3A_87, %get3A_399 : vector<16xf32>
      %add3A_401 = arith.addf %mul3A_395, %mul3A_400 : vector<16xf32>
      %swap3A_402 = arith.index_cast %scan3A_72 : i32 to index
      %swap3A_403 = arith.constant 304 : index
      %swap3A_404 = tpu.vector_load %arg8[%swap3A_402, %swap3A_403] {strides = array<i32>} : memref<32x1024xf32, #tpu.memory_space<vmem>>, vector<1x16xf32>,
      %swap3A_405 = vector.shape_cast %swap3A_404 : vector<1x16xf32> to vector<16xf32>
      %swap3A_406 = vector.shape_cast %add3A_401 : vector<16xf32> to vector<1x16xf32>
      tpu.vector_store %arg8[%swap3A_402, %swap3A_403], %swap3A_406 {strides = array<i32>} : memref<32x1024xf32, #tpu.memory_space<vmem>>, vector<1x16xf32>,
      %get3A_407 = arith.index_cast %scan3A_72 : i32 to index
      %get3A_408 = arith.constant 320 : index
      %get3A_409 = tpu.vector_load %arg8[%get3A_407, %get3A_408] {strides = array<i32>} : memref<32x1024xf32, #tpu.memory_space<vmem>>, vector<1x16xf32>,
      %get3A_410 = vector.shape_cast %get3A_409 : vector<1x16xf32> to vector<16xf32>
      %mul3A_411 = arith.mulf %get3A_79, %get3A_410 : vector<16xf32>
      %get3A_412 = arith.index_cast %scan3A_72 : i32 to index
      %get3A_413 = arith.constant 320 : index
      %get3A_414 = tpu.vector_load %arg9[%get3A_412, %get3A_413] {strides = array<i32>} : memref<32x1024xf32, #tpu.memory_space<vmem>>, vector<1x16xf32>,
      %get3A_415 = vector.shape_cast %get3A_414 : vector<1x16xf32> to vector<16xf32>
      %mul3A_416 = arith.mulf %get3A_87, %get3A_415 : vector<16xf32>
      %add3A_417 = arith.addf %mul3A_411, %mul3A_416 : vector<16xf32>
      %swap3A_418 = arith.index_cast %scan3A_72 : i32 to index
      %swap3A_419 = arith.constant 320 : index
      %swap3A_420 = tpu.vector_load %arg8[%swap3A_418, %swap3A_419] {strides = array<i32>} : memref<32x1024xf32, #tpu.memory_space<vmem>>, vector<1x16xf32>,
      %swap3A_421 = vector.shape_cast %swap3A_420 : vector<1x16xf32> to vector<16xf32>
      %swap3A_422 = vector.shape_cast %add3A_417 : vector<16xf32> to vector<1x16xf32>
      tpu.vector_store %arg8[%swap3A_418, %swap3A_419], %swap3A_422 {strides = array<i32>} : memref<32x1024xf32, #tpu.memory_space<vmem>>, vector<1x16xf32>,
      %get3A_423 = arith.index_cast %scan3A_72 : i32 to index
      %get3A_424 = arith.constant 336 : index
      %get3A_425 = tpu.vector_load %arg8[%get3A_423, %get3A_424] {strides = array<i32>} : memref<32x1024xf32, #tpu.memory_space<vmem>>, vector<1x16xf32>,
      %get3A_426 = vector.shape_cast %get3A_425 : vector<1x16xf32> to vector<16xf32>
      %mul3A_427 = arith.mulf %get3A_79, %get3A_426 : vector<16xf32>
      %get3A_428 = arith.index_cast %scan3A_72 : i32 to index
      %get3A_429 = arith.constant 336 : index
      %get3A_430 = tpu.vector_load %arg9[%get3A_428, %get3A_429] {strides = array<i32>} : memref<32x1024xf32, #tpu.memory_space<vmem>>, vector<1x16xf32>,
      %get3A_431 = vector.shape_cast %get3A_430 : vector<1x16xf32> to vector<16xf32>
      %mul3A_432 = arith.mulf %get3A_87, %get3A_431 : vector<16xf32>
      %add3A_433 = arith.addf %mul3A_427, %mul3A_432 : vector<16xf32>
      %swap3A_434 = arith.index_cast %scan3A_72 : i32 to index
      %swap3A_435 = arith.constant 336 : index
      %swap3A_436 = tpu.vector_load %arg8[%swap3A_434, %swap3A_435] {strides = array<i32>} : memref<32x1024xf32, #tpu.memory_space<vmem>>, vector<1x16xf32>,
      %swap3A_437 = vector.shape_cast %swap3A_436 : vector<1x16xf32> to vector<16xf32>
      %swap3A_438 = vector.shape_cast %add3A_433 : vector<16xf32> to vector<1x16xf32>
      tpu.vector_store %arg8[%swap3A_434, %swap3A_435], %swap3A_438 {strides = array<i32>} : memref<32x1024xf32, #tpu.memory_space<vmem>>, vector<1x16xf32>,
      %get3A_439 = arith.index_cast %scan3A_72 : i32 to index
      %get3A_440 = arith.constant 352 : index
      %get3A_441 = tpu.vector_load %arg8[%get3A_439, %get3A_440] {strides = array<i32>} : memref<32x1024xf32, #tpu.memory_space<vmem>>, vector<1x16xf32>,
      %get3A_442 = vector.shape_cast %get3A_441 : vector<1x16xf32> to vector<16xf32>
      %mul3A_443 = arith.mulf %get3A_79, %get3A_442 : vector<16xf32>
      %get3A_444 = arith.index_cast %scan3A_72 : i32 to index
      %get3A_445 = arith.constant 352 : index
      %get3A_446 = tpu.vector_load %arg9[%get3A_444, %get3A_445] {strides = array<i32>} : memref<32x1024xf32, #tpu.memory_space<vmem>>, vector<1x16xf32>,
      %get3A_447 = vector.shape_cast %get3A_446 : vector<1x16xf32> to vector<16xf32>
      %mul3A_448 = arith.mulf %get3A_87, %get3A_447 : vector<16xf32>
      %add3A_449 = arith.addf %mul3A_443, %mul3A_448 : vector<16xf32>
      %swap3A_450 = arith.index_cast %scan3A_72 : i32 to index
      %swap3A_451 = arith.constant 352 : index
      %swap3A_452 = tpu.vector_load %arg8[%swap3A_450, %swap3A_451] {strides = array<i32>} : memref<32x1024xf32, #tpu.memory_space<vmem>>, vector<1x16xf32>,
      %swap3A_453 = vector.shape_cast %swap3A_452 : vector<1x16xf32> to vector<16xf32>
      %swap3A_454 = vector.shape_cast %add3A_449 : vector<16xf32> to vector<1x16xf32>
      tpu.vector_store %arg8[%swap3A_450, %swap3A_451], %swap3A_454 {strides = array<i32>} : memref<32x1024xf32, #tpu.memory_space<vmem>>, vector<1x16xf32>,
      %get3A_455 = arith.index_cast %scan3A_72 : i32 to index
      %get3A_456 = arith.constant 368 : index
      %get3A_457 = tpu.vector_load %arg8[%get3A_455, %get3A_456] {strides = array<i32>} : memref<32x1024xf32, #tpu.memory_space<vmem>>, vector<1x16xf32>,
      %get3A_458 = vector.shape_cast %get3A_457 : vector<1x16xf32> to vector<16xf32>
      %mul3A_459 = arith.mulf %get3A_79, %get3A_458 : vector<16xf32>
      %get3A_460 = arith.index_cast %scan3A_72 : i32 to index
      %get3A_461 = arith.constant 368 : index
      %get3A_462 = tpu.vector_load %arg9[%get3A_460, %get3A_461] {strides = array<i32>} : memref<32x1024xf32, #tpu.memory_space<vmem>>, vector<1x16xf32>,
      %get3A_463 = vector.shape_cast %get3A_462 : vector<1x16xf32> to vector<16xf32>
      %mul3A_464 = arith.mulf %get3A_87, %get3A_463 : vector<16xf32>
      %add3A_465 = arith.addf %mul3A_459, %mul3A_464 : vector<16xf32>
      %swap3A_466 = arith.index_cast %scan3A_72 : i32 to index
      %swap3A_467 = arith.constant 368 : index
      %swap3A_468 = tpu.vector_load %arg8[%swap3A_466, %swap3A_467] {strides = array<i32>} : memref<32x1024xf32, #tpu.memory_space<vmem>>, vector<1x16xf32>,
      %swap3A_469 = vector.shape_cast %swap3A_468 : vector<1x16xf32> to vector<16xf32>
      %swap3A_470 = vector.shape_cast %add3A_465 : vector<16xf32> to vector<1x16xf32>
      tpu.vector_store %arg8[%swap3A_466, %swap3A_467], %swap3A_470 {strides = array<i32>} : memref<32x1024xf32, #tpu.memory_space<vmem>>, vector<1x16xf32>,
      %get3A_471 = arith.index_cast %scan3A_72 : i32 to index
      %get3A_472 = arith.constant 384 : index
      %get3A_473 = tpu.vector_load %arg8[%get3A_471, %get3A_472] {strides = array<i32>} : memref<32x1024xf32, #tpu.memory_space<vmem>>, vector<1x16xf32>,
      %get3A_474 = vector.shape_cast %get3A_473 : vector<1x16xf32> to vector<16xf32>
      %mul3A_475 = arith.mulf %get3A_79, %get3A_474 : vector<16xf32>
      %get3A_476 = arith.index_cast %scan3A_72 : i32 to index
      %get3A_477 = arith.constant 384 : index
      %get3A_478 = tpu.vector_load %arg9[%get3A_476, %get3A_477] {strides = array<i32>} : memref<32x1024xf32, #tpu.memory_space<vmem>>, vector<1x16xf32>,
      %get3A_479 = vector.shape_cast %get3A_478 : vector<1x16xf32> to vector<16xf32>
      %mul3A_480 = arith.mulf %get3A_87, %get3A_479 : vector<16xf32>
      %add3A_481 = arith.addf %mul3A_475, %mul3A_480 : vector<16xf32>
      %swap3A_482 = arith.index_cast %scan3A_72 : i32 to index
      %swap3A_483 = arith.constant 384 : index
      %swap3A_484 = tpu.vector_load %arg8[%swap3A_482, %swap3A_483] {strides = array<i32>} : memref<32x1024xf32, #tpu.memory_space<vmem>>, vector<1x16xf32>,
      %swap3A_485 = vector.shape_cast %swap3A_484 : vector<1x16xf32> to vector<16xf32>
      %swap3A_486 = vector.shape_cast %add3A_481 : vector<16xf32> to vector<1x16xf32>
      tpu.vector_store %arg8[%swap3A_482, %swap3A_483], %swap3A_486 {strides = array<i32>} : memref<32x1024xf32, #tpu.memory_space<vmem>>, vector<1x16xf32>,
      %get3A_487 = arith.index_cast %scan3A_72 : i32 to index
      %get3A_488 = arith.constant 400 : index
      %get3A_489 = tpu.vector_load %arg8[%get3A_487, %get3A_488] {strides = array<i32>} : memref<32x1024xf32, #tpu.memory_space<vmem>>, vector<1x16xf32>,
      %get3A_490 = vector.shape_cast %get3A_489 : vector<1x16xf32> to vector<16xf32>
      %mul3A_491 = arith.mulf %get3A_79, %get3A_490 : vector<16xf32>
      %get3A_492 = arith.index_cast %scan3A_72 : i32 to index
      %get3A_493 = arith.constant 400 : index
      %get3A_494 = tpu.vector_load %arg9[%get3A_492, %get3A_493] {strides = array<i32>} : memref<32x1024xf32, #tpu.memory_space<vmem>>, vector<1x16xf32>,
      %get3A_495 = vector.shape_cast %get3A_494 : vector<1x16xf32> to vector<16xf32>
      %mul3A_496 = arith.mulf %get3A_87, %get3A_495 : vector<16xf32>
      %add3A_497 = arith.addf %mul3A_491, %mul3A_496 : vector<16xf32>
      %swap3A_498 = arith.index_cast %scan3A_72 : i32 to index
      %swap3A_499 = arith.constant 400 : index
      %swap3A_500 = tpu.vector_load %arg8[%swap3A_498, %swap3A_499] {strides = array<i32>} : memref<32x1024xf32, #tpu.memory_space<vmem>>, vector<1x16xf32>,
      %swap3A_501 = vector.shape_cast %swap3A_500 : vector<1x16xf32> to vector<16xf32>
      %swap3A_502 = vector.shape_cast %add3A_497 : vector<16xf32> to vector<1x16xf32>
      tpu.vector_store %arg8[%swap3A_498, %swap3A_499], %swap3A_502 {strides = array<i32>} : memref<32x1024xf32, #tpu.memory_space<vmem>>, vector<1x16xf32>,
      %get3A_503 = arith.index_cast %scan3A_72 : i32 to index
      %get3A_504 = arith.constant 416 : index
      %get3A_505 = tpu.vector_load %arg8[%get3A_503, %get3A_504] {strides = array<i32>} : memref<32x1024xf32, #tpu.memory_space<vmem>>, vector<1x16xf32>,
      %get3A_506 = vector.shape_cast %get3A_505 : vector<1x16xf32> to vector<16xf32>
      %mul3A_507 = arith.mulf %get3A_79, %get3A_506 : vector<16xf32>
      %get3A_508 = arith.index_cast %scan3A_72 : i32 to index
      %get3A_509 = arith.constant 416 : index
      %get3A_510 = tpu.vector_load %arg9[%get3A_508, %get3A_509] {strides = array<i32>} : memref<32x1024xf32, #tpu.memory_space<vmem>>, vector<1x16xf32>,
      %get3A_511 = vector.shape_cast %get3A_510 : vector<1x16xf32> to vector<16xf32>
      %mul3A_512 = arith.mulf %get3A_87, %get3A_511 : vector<16xf32>
      %add3A_513 = arith.addf %mul3A_507, %mul3A_512 : vector<16xf32>
      %swap3A_514 = arith.index_cast %scan3A_72 : i32 to index
      %swap3A_515 = arith.constant 416 : index
      %swap3A_516 = tpu.vector_load %arg8[%swap3A_514, %swap3A_515] {strides = array<i32>} : memref<32x1024xf32, #tpu.memory_space<vmem>>, vector<1x16xf32>,
      %swap3A_517 = vector.shape_cast %swap3A_516 : vector<1x16xf32> to vector<16xf32>
      %swap3A_518 = vector.shape_cast %add3A_513 : vector<16xf32> to vector<1x16xf32>
      tpu.vector_store %arg8[%swap3A_514, %swap3A_515], %swap3A_518 {strides = array<i32>} : memref<32x1024xf32, #tpu.memory_space<vmem>>, vector<1x16xf32>,
      %get3A_519 = arith.index_cast %scan3A_72 : i32 to index
      %get3A_520 = arith.constant 432 : index
      %get3A_521 = tpu.vector_load %arg8[%get3A_519, %get3A_520] {strides = array<i32>} : memref<32x1024xf32, #tpu.memory_space<vmem>>, vector<1x16xf32>,
      %get3A_522 = vector.shape_cast %get3A_521 : vector<1x16xf32> to vector<16xf32>
      %mul3A_523 = arith.mulf %get3A_79, %get3A_522 : vector<16xf32>
      %get3A_524 = arith.index_cast %scan3A_72 : i32 to index
      %get3A_525 = arith.constant 432 : index
      %get3A_526 = tpu.vector_load %arg9[%get3A_524, %get3A_525] {strides = array<i32>} : memref<32x1024xf32, #tpu.memory_space<vmem>>, vector<1x16xf32>,
      %get3A_527 = vector.shape_cast %get3A_526 : vector<1x16xf32> to vector<16xf32>
      %mul3A_528 = arith.mulf %get3A_87, %get3A_527 : vector<16xf32>
      %add3A_529 = arith.addf %mul3A_523, %mul3A_528 : vector<16xf32>
      %swap3A_530 = arith.index_cast %scan3A_72 : i32 to index
      %swap3A_531 = arith.constant 432 : index
      %swap3A_532 = tpu.vector_load %arg8[%swap3A_530, %swap3A_531] {strides = array<i32>} : memref<32x1024xf32, #tpu.memory_space<vmem>>, vector<1x16xf32>,
      %swap3A_533 = vector.shape_cast %swap3A_532 : vector<1x16xf32> to vector<16xf32>
      %swap3A_534 = vector.shape_cast %add3A_529 : vector<16xf32> to vector<1x16xf32>
      tpu.vector_store %arg8[%swap3A_530, %swap3A_531], %swap3A_534 {strides = array<i32>} : memref<32x1024xf32, #tpu.memory_space<vmem>>, vector<1x16xf32>,
      %get3A_535 = arith.index_cast %scan3A_72 : i32 to index
      %get3A_536 = arith.constant 448 : index
      %get3A_537 = tpu.vector_load %arg8[%get3A_535, %get3A_536] {strides = array<i32>} : memref<32x1024xf32, #tpu.memory_space<vmem>>, vector<1x16xf32>,
      %get3A_538 = vector.shape_cast %get3A_537 : vector<1x16xf32> to vector<16xf32>
      %mul3A_539 = arith.mulf %get3A_79, %get3A_538 : vector<16xf32>
      %get3A_540 = arith.index_cast %scan3A_72 : i32 to index
      %get3A_541 = arith.constant 448 : index
      %get3A_542 = tpu.vector_load %arg9[%get3A_540, %get3A_541] {strides = array<i32>} : memref<32x1024xf32, #tpu.memory_space<vmem>>, vector<1x16xf32>,
      %get3A_543 = vector.shape_cast %get3A_542 : vector<1x16xf32> to vector<16xf32>
      %mul3A_544 = arith.mulf %get3A_87, %get3A_543 : vector<16xf32>
      %add3A_545 = arith.addf %mul3A_539, %mul3A_544 : vector<16xf32>
      %swap3A_546 = arith.index_cast %scan3A_72 : i32 to index
      %swap3A_547 = arith.constant 448 : index
      %swap3A_548 = tpu.vector_load %arg8[%swap3A_546, %swap3A_547] {strides = array<i32>} : memref<32x1024xf32, #tpu.memory_space<vmem>>, vector<1x16xf32>,
      %swap3A_549 = vector.shape_cast %swap3A_548 : vector<1x16xf32> to vector<16xf32>
      %swap3A_550 = vector.shape_cast %add3A_545 : vector<16xf32> to vector<1x16xf32>
      tpu.vector_store %arg8[%swap3A_546, %swap3A_547], %swap3A_550 {strides = array<i32>} : memref<32x1024xf32, #tpu.memory_space<vmem>>, vector<1x16xf32>,
      %get3A_551 = arith.index_cast %scan3A_72 : i32 to index
      %get3A_552 = arith.constant 464 : index
      %get3A_553 = tpu.vector_load %arg8[%get3A_551, %get3A_552] {strides = array<i32>} : memref<32x1024xf32, #tpu.memory_space<vmem>>, vector<1x16xf32>,
      %get3A_554 = vector.shape_cast %get3A_553 : vector<1x16xf32> to vector<16xf32>
      %mul3A_555 = arith.mulf %get3A_79, %get3A_554 : vector<16xf32>
      %get3A_556 = arith.index_cast %scan3A_72 : i32 to index
      %get3A_557 = arith.constant 464 : index
      %get3A_558 = tpu.vector_load %arg9[%get3A_556, %get3A_557] {strides = array<i32>} : memref<32x1024xf32, #tpu.memory_space<vmem>>, vector<1x16xf32>,
      %get3A_559 = vector.shape_cast %get3A_558 : vector<1x16xf32> to vector<16xf32>
      %mul3A_560 = arith.mulf %get3A_87, %get3A_559 : vector<16xf32>
      %add3A_561 = arith.addf %mul3A_555, %mul3A_560 : vector<16xf32>
      %swap3A_562 = arith.index_cast %scan3A_72 : i32 to index
      %swap3A_563 = arith.constant 464 : index
      %swap3A_564 = tpu.vector_load %arg8[%swap3A_562, %swap3A_563] {strides = array<i32>} : memref<32x1024xf32, #tpu.memory_space<vmem>>, vector<1x16xf32>,
      %swap3A_565 = vector.shape_cast %swap3A_564 : vector<1x16xf32> to vector<16xf32>
      %swap3A_566 = vector.shape_cast %add3A_561 : vector<16xf32> to vector<1x16xf32>
      tpu.vector_store %arg8[%swap3A_562, %swap3A_563], %swap3A_566 {strides = array<i32>} : memref<32x1024xf32, #tpu.memory_space<vmem>>, vector<1x16xf32>,
      %get3A_567 = arith.index_cast %scan3A_72 : i32 to index
      %get3A_568 = arith.constant 480 : index
      %get3A_569 = tpu.vector_load %arg8[%get3A_567, %get3A_568] {strides = array<i32>} : memref<32x1024xf32, #tpu.memory_space<vmem>>, vector<1x16xf32>,
      %get3A_570 = vector.shape_cast %get3A_569 : vector<1x16xf32> to vector<16xf32>
      %mul3A_571 = arith.mulf %get3A_79, %get3A_570 : vector<16xf32>
      %get3A_572 = arith.index_cast %scan3A_72 : i32 to index
      %get3A_573 = arith.constant 480 : index
      %get3A_574 = tpu.vector_load %arg9[%get3A_572, %get3A_573] {strides = array<i32>} : memref<32x1024xf32, #tpu.memory_space<vmem>>, vector<1x16xf32>,
      %get3A_575 = vector.shape_cast %get3A_574 : vector<1x16xf32> to vector<16xf32>
      %mul3A_576 = arith.mulf %get3A_87, %get3A_575 : vector<16xf32>
      %add3A_577 = arith.addf %mul3A_571, %mul3A_576 : vector<16xf32>
      %swap3A_578 = arith.index_cast %scan3A_72 : i32 to index
      %swap3A_579 = arith.constant 480 : index
      %swap3A_580 = tpu.vector_load %arg8[%swap3A_578, %swap3A_579] {strides = array<i32>} : memref<32x1024xf32, #tpu.memory_space<vmem>>, vector<1x16xf32>,
      %swap3A_581 = vector.shape_cast %swap3A_580 : vector<1x16xf32> to vector<16xf32>
      %swap3A_582 = vector.shape_cast %add3A_577 : vector<16xf32> to vector<1x16xf32>
      tpu.vector_store %arg8[%swap3A_578, %swap3A_579], %swap3A_582 {strides = array<i32>} : memref<32x1024xf32, #tpu.memory_space<vmem>>, vector<1x16xf32>,
      %get3A_583 = arith.index_cast %scan3A_72 : i32 to index
      %get3A_584 = arith.constant 496 : index
      %get3A_585 = tpu.vector_load %arg8[%get3A_583, %get3A_584] {strides = array<i32>} : memref<32x1024xf32, #tpu.memory_space<vmem>>, vector<1x16xf32>,
      %get3A_586 = vector.shape_cast %get3A_585 : vector<1x16xf32> to vector<16xf32>
      %mul3A_587 = arith.mulf %get3A_79, %get3A_586 : vector<16xf32>
      %get3A_588 = arith.index_cast %scan3A_72 : i32 to index
      %get3A_589 = arith.constant 496 : index
      %get3A_590 = tpu.vector_load %arg9[%get3A_588, %get3A_589] {strides = array<i32>} : memref<32x1024xf32, #tpu.memory_space<vmem>>, vector<1x16xf32>,
      %get3A_591 = vector.shape_cast %get3A_590 : vector<1x16xf32> to vector<16xf32>
      %mul3A_592 = arith.mulf %get3A_87, %get3A_591 : vector<16xf32>
      %add3A_593 = arith.addf %mul3A_587, %mul3A_592 : vector<16xf32>
      %swap3A_594 = arith.index_cast %scan3A_72 : i32 to index
      %swap3A_595 = arith.constant 496 : index
      %swap3A_596 = tpu.vector_load %arg8[%swap3A_594, %swap3A_595] {strides = array<i32>} : memref<32x1024xf32, #tpu.memory_space<vmem>>, vector<1x16xf32>,
      %swap3A_597 = vector.shape_cast %swap3A_596 : vector<1x16xf32> to vector<16xf32>
      %swap3A_598 = vector.shape_cast %add3A_593 : vector<16xf32> to vector<1x16xf32>
      tpu.vector_store %arg8[%swap3A_594, %swap3A_595], %swap3A_598 {strides = array<i32>} : memref<32x1024xf32, #tpu.memory_space<vmem>>, vector<1x16xf32>,
      %get3A_599 = arith.index_cast %scan3A_72 : i32 to index
      %get3A_600 = arith.constant 512 : index
      %get3A_601 = tpu.vector_load %arg8[%get3A_599, %get3A_600] {strides = array<i32>} : memref<32x1024xf32, #tpu.memory_space<vmem>>, vector<1x16xf32>,
      %get3A_602 = vector.shape_cast %get3A_601 : vector<1x16xf32> to vector<16xf32>
      %mul3A_603 = arith.mulf %get3A_79, %get3A_602 : vector<16xf32>
      %get3A_604 = arith.index_cast %scan3A_72 : i32 to index
      %get3A_605 = arith.constant 512 : index
      %get3A_606 = tpu.vector_load %arg9[%get3A_604, %get3A_605] {strides = array<i32>} : memref<32x1024xf32, #tpu.memory_space<vmem>>, vector<1x16xf32>,
      %get3A_607 = vector.shape_cast %get3A_606 : vector<1x16xf32> to vector<16xf32>
      %mul3A_608 = arith.mulf %get3A_87, %get3A_607 : vector<16xf32>
      %add3A_609 = arith.addf %mul3A_603, %mul3A_608 : vector<16xf32>
      %swap3A_610 = arith.index_cast %scan3A_72 : i32 to index
      %swap3A_611 = arith.constant 512 : index
      %swap3A_612 = tpu.vector_load %arg8[%swap3A_610, %swap3A_611] {strides = array<i32>} : memref<32x1024xf32, #tpu.memory_space<vmem>>, vector<1x16xf32>,
      %swap3A_613 = vector.shape_cast %swap3A_612 : vector<1x16xf32> to vector<16xf32>
      %swap3A_614 = vector.shape_cast %add3A_609 : vector<16xf32> to vector<1x16xf32>
      tpu.vector_store %arg8[%swap3A_610, %swap3A_611], %swap3A_614 {strides = array<i32>} : memref<32x1024xf32, #tpu.memory_space<vmem>>, vector<1x16xf32>,
      %get3A_615 = arith.index_cast %scan3A_72 : i32 to index
      %get3A_616 = arith.constant 528 : index
      %get3A_617 = tpu.vector_load %arg8[%get3A_615, %get3A_616] {strides = array<i32>} : memref<32x1024xf32, #tpu.memory_space<vmem>>, vector<1x16xf32>,
      %get3A_618 = vector.shape_cast %get3A_617 : vector<1x16xf32> to vector<16xf32>
      %mul3A_619 = arith.mulf %get3A_79, %get3A_618 : vector<16xf32>
      %get3A_620 = arith.index_cast %scan3A_72 : i32 to index
      %get3A_621 = arith.constant 528 : index
      %get3A_622 = tpu.vector_load %arg9[%get3A_620, %get3A_621] {strides = array<i32>} : memref<32x1024xf32, #tpu.memory_space<vmem>>, vector<1x16xf32>,
      %get3A_623 = vector.shape_cast %get3A_622 : vector<1x16xf32> to vector<16xf32>
      %mul3A_624 = arith.mulf %get3A_87, %get3A_623 : vector<16xf32>
      %add3A_625 = arith.addf %mul3A_619, %mul3A_624 : vector<16xf32>
      %swap3A_626 = arith.index_cast %scan3A_72 : i32 to index
      %swap3A_627 = arith.constant 528 : index
      %swap3A_628 = tpu.vector_load %arg8[%swap3A_626, %swap3A_627] {strides = array<i32>} : memref<32x1024xf32, #tpu.memory_space<vmem>>, vector<1x16xf32>,
      %swap3A_629 = vector.shape_cast %swap3A_628 : vector<1x16xf32> to vector<16xf32>
      %swap3A_630 = vector.shape_cast %add3A_625 : vector<16xf32> to vector<1x16xf32>
      tpu.vector_store %arg8[%swap3A_626, %swap3A_627], %swap3A_630 {strides = array<i32>} : memref<32x1024xf32, #tpu.memory_space<vmem>>, vector<1x16xf32>,
      %get3A_631 = arith.index_cast %scan3A_72 : i32 to index
      %get3A_632 = arith.constant 544 : index
      %get3A_633 = tpu.vector_load %arg8[%get3A_631, %get3A_632] {strides = array<i32>} : memref<32x1024xf32, #tpu.memory_space<vmem>>, vector<1x16xf32>,
      %get3A_634 = vector.shape_cast %get3A_633 : vector<1x16xf32> to vector<16xf32>
      %mul3A_635 = arith.mulf %get3A_79, %get3A_634 : vector<16xf32>
      %get3A_636 = arith.index_cast %scan3A_72 : i32 to index
      %get3A_637 = arith.constant 544 : index
      %get3A_638 = tpu.vector_load %arg9[%get3A_636, %get3A_637] {strides = array<i32>} : memref<32x1024xf32, #tpu.memory_space<vmem>>, vector<1x16xf32>,
      %get3A_639 = vector.shape_cast %get3A_638 : vector<1x16xf32> to vector<16xf32>
      %mul3A_640 = arith.mulf %get3A_87, %get3A_639 : vector<16xf32>
      %add3A_641 = arith.addf %mul3A_635, %mul3A_640 : vector<16xf32>
      %swap3A_642 = arith.index_cast %scan3A_72 : i32 to index
      %swap3A_643 = arith.constant 544 : index
      %swap3A_644 = tpu.vector_load %arg8[%swap3A_642, %swap3A_643] {strides = array<i32>} : memref<32x1024xf32, #tpu.memory_space<vmem>>, vector<1x16xf32>,
      %swap3A_645 = vector.shape_cast %swap3A_644 : vector<1x16xf32> to vector<16xf32>
      %swap3A_646 = vector.shape_cast %add3A_641 : vector<16xf32> to vector<1x16xf32>
      tpu.vector_store %arg8[%swap3A_642, %swap3A_643], %swap3A_646 {strides = array<i32>} : memref<32x1024xf32, #tpu.memory_space<vmem>>, vector<1x16xf32>,
      %get3A_647 = arith.index_cast %scan3A_72 : i32 to index
      %get3A_648 = arith.constant 560 : index
      %get3A_649 = tpu.vector_load %arg8[%get3A_647, %get3A_648] {strides = array<i32>} : memref<32x1024xf32, #tpu.memory_space<vmem>>, vector<1x16xf32>,
      %get3A_650 = vector.shape_cast %get3A_649 : vector<1x16xf32> to vector<16xf32>
      %mul3A_651 = arith.mulf %get3A_79, %get3A_650 : vector<16xf32>
      %get3A_652 = arith.index_cast %scan3A_72 : i32 to index
      %get3A_653 = arith.constant 560 : index
      %get3A_654 = tpu.vector_load %arg9[%get3A_652, %get3A_653] {strides = array<i32>} : memref<32x1024xf32, #tpu.memory_space<vmem>>, vector<1x16xf32>,
      %get3A_655 = vector.shape_cast %get3A_654 : vector<1x16xf32> to vector<16xf32>
      %mul3A_656 = arith.mulf %get3A_87, %get3A_655 : vector<16xf32>
      %add3A_657 = arith.addf %mul3A_651, %mul3A_656 : vector<16xf32>
      %swap3A_658 = arith.index_cast %scan3A_72 : i32 to index
      %swap3A_659 = arith.constant 560 : index
      %swap3A_660 = tpu.vector_load %arg8[%swap3A_658, %swap3A_659] {strides = array<i32>} : memref<32x1024xf32, #tpu.memory_space<vmem>>, vector<1x16xf32>,
      %swap3A_661 = vector.shape_cast %swap3A_660 : vector<1x16xf32> to vector<16xf32>
      %swap3A_662 = vector.shape_cast %add3A_657 : vector<16xf32> to vector<1x16xf32>
      tpu.vector_store %arg8[%swap3A_658, %swap3A_659], %swap3A_662 {strides = array<i32>} : memref<32x1024xf32, #tpu.memory_space<vmem>>, vector<1x16xf32>,
      %get3A_663 = arith.index_cast %scan3A_72 : i32 to index
      %get3A_664 = arith.constant 576 : index
      %get3A_665 = tpu.vector_load %arg8[%get3A_663, %get3A_664] {strides = array<i32>} : memref<32x1024xf32, #tpu.memory_space<vmem>>, vector<1x16xf32>,
      %get3A_666 = vector.shape_cast %get3A_665 : vector<1x16xf32> to vector<16xf32>
      %mul3A_667 = arith.mulf %get3A_79, %get3A_666 : vector<16xf32>
      %get3A_668 = arith.index_cast %scan3A_72 : i32 to index
      %get3A_669 = arith.constant 576 : index
      %get3A_670 = tpu.vector_load %arg9[%get3A_668, %get3A_669] {strides = array<i32>} : memref<32x1024xf32, #tpu.memory_space<vmem>>, vector<1x16xf32>,
      %get3A_671 = vector.shape_cast %get3A_670 : vector<1x16xf32> to vector<16xf32>
      %mul3A_672 = arith.mulf %get3A_87, %get3A_671 : vector<16xf32>
      %add3A_673 = arith.addf %mul3A_667, %mul3A_672 : vector<16xf32>
      %swap3A_674 = arith.index_cast %scan3A_72 : i32 to index
      %swap3A_675 = arith.constant 576 : index
      %swap3A_676 = tpu.vector_load %arg8[%swap3A_674, %swap3A_675] {strides = array<i32>} : memref<32x1024xf32, #tpu.memory_space<vmem>>, vector<1x16xf32>,
      %swap3A_677 = vector.shape_cast %swap3A_676 : vector<1x16xf32> to vector<16xf32>
      %swap3A_678 = vector.shape_cast %add3A_673 : vector<16xf32> to vector<1x16xf32>
      tpu.vector_store %arg8[%swap3A_674, %swap3A_675], %swap3A_678 {strides = array<i32>} : memref<32x1024xf32, #tpu.memory_space<vmem>>, vector<1x16xf32>,
      %get3A_679 = arith.index_cast %scan3A_72 : i32 to index
      %get3A_680 = arith.constant 592 : index
      %get3A_681 = tpu.vector_load %arg8[%get3A_679, %get3A_680] {strides = array<i32>} : memref<32x1024xf32, #tpu.memory_space<vmem>>, vector<1x16xf32>,
      %get3A_682 = vector.shape_cast %get3A_681 : vector<1x16xf32> to vector<16xf32>
      %mul3A_683 = arith.mulf %get3A_79, %get3A_682 : vector<16xf32>
      %get3A_684 = arith.index_cast %scan3A_72 : i32 to index
      %get3A_685 = arith.constant 592 : index
      %get3A_686 = tpu.vector_load %arg9[%get3A_684, %get3A_685] {strides = array<i32>} : memref<32x1024xf32, #tpu.memory_space<vmem>>, vector<1x16xf32>,
      %get3A_687 = vector.shape_cast %get3A_686 : vector<1x16xf32> to vector<16xf32>
      %mul3A_688 = arith.mulf %get3A_87, %get3A_687 : vector<16xf32>
      %add3A_689 = arith.addf %mul3A_683, %mul3A_688 : vector<16xf32>
      %swap3A_690 = arith.index_cast %scan3A_72 : i32 to index
      %swap3A_691 = arith.constant 592 : index
      %swap3A_692 = tpu.vector_load %arg8[%swap3A_690, %swap3A_691] {strides = array<i32>} : memref<32x1024xf32, #tpu.memory_space<vmem>>, vector<1x16xf32>,
      %swap3A_693 = vector.shape_cast %swap3A_692 : vector<1x16xf32> to vector<16xf32>
      %swap3A_694 = vector.shape_cast %add3A_689 : vector<16xf32> to vector<1x16xf32>
      tpu.vector_store %arg8[%swap3A_690, %swap3A_691], %swap3A_694 {strides = array<i32>} : memref<32x1024xf32, #tpu.memory_space<vmem>>, vector<1x16xf32>,
      %get3A_695 = arith.index_cast %scan3A_72 : i32 to index
      %get3A_696 = arith.constant 608 : index
      %get3A_697 = tpu.vector_load %arg8[%get3A_695, %get3A_696] {strides = array<i32>} : memref<32x1024xf32, #tpu.memory_space<vmem>>, vector<1x16xf32>,
      %get3A_698 = vector.shape_cast %get3A_697 : vector<1x16xf32> to vector<16xf32>
      %mul3A_699 = arith.mulf %get3A_79, %get3A_698 : vector<16xf32>
      %get3A_700 = arith.index_cast %scan3A_72 : i32 to index
      %get3A_701 = arith.constant 608 : index
      %get3A_702 = tpu.vector_load %arg9[%get3A_700, %get3A_701] {strides = array<i32>} : memref<32x1024xf32, #tpu.memory_space<vmem>>, vector<1x16xf32>,
      %get3A_703 = vector.shape_cast %get3A_702 : vector<1x16xf32> to vector<16xf32>
      %mul3A_704 = arith.mulf %get3A_87, %get3A_703 : vector<16xf32>
      %add3A_705 = arith.addf %mul3A_699, %mul3A_704 : vector<16xf32>
      %swap3A_706 = arith.index_cast %scan3A_72 : i32 to index
      %swap3A_707 = arith.constant 608 : index
      %swap3A_708 = tpu.vector_load %arg8[%swap3A_706, %swap3A_707] {strides = array<i32>} : memref<32x1024xf32, #tpu.memory_space<vmem>>, vector<1x16xf32>,
      %swap3A_709 = vector.shape_cast %swap3A_708 : vector<1x16xf32> to vector<16xf32>
      %swap3A_710 = vector.shape_cast %add3A_705 : vector<16xf32> to vector<1x16xf32>
      tpu.vector_store %arg8[%swap3A_706, %swap3A_707], %swap3A_710 {strides = array<i32>} : memref<32x1024xf32, #tpu.memory_space<vmem>>, vector<1x16xf32>,
      %get3A_711 = arith.index_cast %scan3A_72 : i32 to index
      %get3A_712 = arith.constant 624 : index
      %get3A_713 = tpu.vector_load %arg8[%get3A_711, %get3A_712] {strides = array<i32>} : memref<32x1024xf32, #tpu.memory_space<vmem>>, vector<1x16xf32>,
      %get3A_714 = vector.shape_cast %get3A_713 : vector<1x16xf32> to vector<16xf32>
      %mul3A_715 = arith.mulf %get3A_79, %get3A_714 : vector<16xf32>
      %get3A_716 = arith.index_cast %scan3A_72 : i32 to index
      %get3A_717 = arith.constant 624 : index
      %get3A_718 = tpu.vector_load %arg9[%get3A_716, %get3A_717] {strides = array<i32>} : memref<32x1024xf32, #tpu.memory_space<vmem>>, vector<1x16xf32>,
      %get3A_719 = vector.shape_cast %get3A_718 : vector<1x16xf32> to vector<16xf32>
      %mul3A_720 = arith.mulf %get3A_87, %get3A_719 : vector<16xf32>
      %add3A_721 = arith.addf %mul3A_715, %mul3A_720 : vector<16xf32>
      %swap3A_722 = arith.index_cast %scan3A_72 : i32 to index
      %swap3A_723 = arith.constant 624 : index
      %swap3A_724 = tpu.vector_load %arg8[%swap3A_722, %swap3A_723] {strides = array<i32>} : memref<32x1024xf32, #tpu.memory_space<vmem>>, vector<1x16xf32>,
      %swap3A_725 = vector.shape_cast %swap3A_724 : vector<1x16xf32> to vector<16xf32>
      %swap3A_726 = vector.shape_cast %add3A_721 : vector<16xf32> to vector<1x16xf32>
      tpu.vector_store %arg8[%swap3A_722, %swap3A_723], %swap3A_726 {strides = array<i32>} : memref<32x1024xf32, #tpu.memory_space<vmem>>, vector<1x16xf32>,
      %get3A_727 = arith.index_cast %scan3A_72 : i32 to index
      %get3A_728 = arith.constant 640 : index
      %get3A_729 = tpu.vector_load %arg8[%get3A_727, %get3A_728] {strides = array<i32>} : memref<32x1024xf32, #tpu.memory_space<vmem>>, vector<1x16xf32>,
      %get3A_730 = vector.shape_cast %get3A_729 : vector<1x16xf32> to vector<16xf32>
      %mul3A_731 = arith.mulf %get3A_79, %get3A_730 : vector<16xf32>
      %get3A_732 = arith.index_cast %scan3A_72 : i32 to index
      %get3A_733 = arith.constant 640 : index
      %get3A_734 = tpu.vector_load %arg9[%get3A_732, %get3A_733] {strides = array<i32>} : memref<32x1024xf32, #tpu.memory_space<vmem>>, vector<1x16xf32>,
      %get3A_735 = vector.shape_cast %get3A_734 : vector<1x16xf32> to vector<16xf32>
      %mul3A_736 = arith.mulf %get3A_87, %get3A_735 : vector<16xf32>
      %add3A_737 = arith.addf %mul3A_731, %mul3A_736 : vector<16xf32>
      %swap3A_738 = arith.index_cast %scan3A_72 : i32 to index
      %swap3A_739 = arith.constant 640 : index
      %swap3A_740 = tpu.vector_load %arg8[%swap3A_738, %swap3A_739] {strides = array<i32>} : memref<32x1024xf32, #tpu.memory_space<vmem>>, vector<1x16xf32>,
      %swap3A_741 = vector.shape_cast %swap3A_740 : vector<1x16xf32> to vector<16xf32>
      %swap3A_742 = vector.shape_cast %add3A_737 : vector<16xf32> to vector<1x16xf32>
      tpu.vector_store %arg8[%swap3A_738, %swap3A_739], %swap3A_742 {strides = array<i32>} : memref<32x1024xf32, #tpu.memory_space<vmem>>, vector<1x16xf32>,
      %get3A_743 = arith.index_cast %scan3A_72 : i32 to index
      %get3A_744 = arith.constant 656 : index
      %get3A_745 = tpu.vector_load %arg8[%get3A_743, %get3A_744] {strides = array<i32>} : memref<32x1024xf32, #tpu.memory_space<vmem>>, vector<1x16xf32>,
      %get3A_746 = vector.shape_cast %get3A_745 : vector<1x16xf32> to vector<16xf32>
      %mul3A_747 = arith.mulf %get3A_79, %get3A_746 : vector<16xf32>
      %get3A_748 = arith.index_cast %scan3A_72 : i32 to index
      %get3A_749 = arith.constant 656 : index
      %get3A_750 = tpu.vector_load %arg9[%get3A_748, %get3A_749] {strides = array<i32>} : memref<32x1024xf32, #tpu.memory_space<vmem>>, vector<1x16xf32>,
      %get3A_751 = vector.shape_cast %get3A_750 : vector<1x16xf32> to vector<16xf32>
      %mul3A_752 = arith.mulf %get3A_87, %get3A_751 : vector<16xf32>
      %add3A_753 = arith.addf %mul3A_747, %mul3A_752 : vector<16xf32>
      %swap3A_754 = arith.index_cast %scan3A_72 : i32 to index
      %swap3A_755 = arith.constant 656 : index
      %swap3A_756 = tpu.vector_load %arg8[%swap3A_754, %swap3A_755] {strides = array<i32>} : memref<32x1024xf32, #tpu.memory_space<vmem>>, vector<1x16xf32>,
      %swap3A_757 = vector.shape_cast %swap3A_756 : vector<1x16xf32> to vector<16xf32>
      %swap3A_758 = vector.shape_cast %add3A_753 : vector<16xf32> to vector<1x16xf32>
      tpu.vector_store %arg8[%swap3A_754, %swap3A_755], %swap3A_758 {strides = array<i32>} : memref<32x1024xf32, #tpu.memory_space<vmem>>, vector<1x16xf32>,
      %get3A_759 = arith.index_cast %scan3A_72 : i32 to index
      %get3A_760 = arith.constant 672 : index
      %get3A_761 = tpu.vector_load %arg8[%get3A_759, %get3A_760] {strides = array<i32>} : memref<32x1024xf32, #tpu.memory_space<vmem>>, vector<1x16xf32>,
      %get3A_762 = vector.shape_cast %get3A_761 : vector<1x16xf32> to vector<16xf32>
      %mul3A_763 = arith.mulf %get3A_79, %get3A_762 : vector<16xf32>
      %get3A_764 = arith.index_cast %scan3A_72 : i32 to index
      %get3A_765 = arith.constant 672 : index
      %get3A_766 = tpu.vector_load %arg9[%get3A_764, %get3A_765] {strides = array<i32>} : memref<32x1024xf32, #tpu.memory_space<vmem>>, vector<1x16xf32>,
      %get3A_767 = vector.shape_cast %get3A_766 : vector<1x16xf32> to vector<16xf32>
      %mul3A_768 = arith.mulf %get3A_87, %get3A_767 : vector<16xf32>
      %add3A_769 = arith.addf %mul3A_763, %mul3A_768 : vector<16xf32>
      %swap3A_770 = arith.index_cast %scan3A_72 : i32 to index
      %swap3A_771 = arith.constant 672 : index
      %swap3A_772 = tpu.vector_load %arg8[%swap3A_770, %swap3A_771] {strides = array<i32>} : memref<32x1024xf32, #tpu.memory_space<vmem>>, vector<1x16xf32>,
      %swap3A_773 = vector.shape_cast %swap3A_772 : vector<1x16xf32> to vector<16xf32>
      %swap3A_774 = vector.shape_cast %add3A_769 : vector<16xf32> to vector<1x16xf32>
      tpu.vector_store %arg8[%swap3A_770, %swap3A_771], %swap3A_774 {strides = array<i32>} : memref<32x1024xf32, #tpu.memory_space<vmem>>, vector<1x16xf32>,
      %get3A_775 = arith.index_cast %scan3A_72 : i32 to index
      %get3A_776 = arith.constant 688 : index
      %get3A_777 = tpu.vector_load %arg8[%get3A_775, %get3A_776] {strides = array<i32>} : memref<32x1024xf32, #tpu.memory_space<vmem>>, vector<1x16xf32>,
      %get3A_778 = vector.shape_cast %get3A_777 : vector<1x16xf32> to vector<16xf32>
      %mul3A_779 = arith.mulf %get3A_79, %get3A_778 : vector<16xf32>
      %get3A_780 = arith.index_cast %scan3A_72 : i32 to index
      %get3A_781 = arith.constant 688 : index
      %get3A_782 = tpu.vector_load %arg9[%get3A_780, %get3A_781] {strides = array<i32>} : memref<32x1024xf32, #tpu.memory_space<vmem>>, vector<1x16xf32>,
      %get3A_783 = vector.shape_cast %get3A_782 : vector<1x16xf32> to vector<16xf32>
      %mul3A_784 = arith.mulf %get3A_87, %get3A_783 : vector<16xf32>
      %add3A_785 = arith.addf %mul3A_779, %mul3A_784 : vector<16xf32>
      %swap3A_786 = arith.index_cast %scan3A_72 : i32 to index
      %swap3A_787 = arith.constant 688 : index
      %swap3A_788 = tpu.vector_load %arg8[%swap3A_786, %swap3A_787] {strides = array<i32>} : memref<32x1024xf32, #tpu.memory_space<vmem>>, vector<1x16xf32>,
      %swap3A_789 = vector.shape_cast %swap3A_788 : vector<1x16xf32> to vector<16xf32>
      %swap3A_790 = vector.shape_cast %add3A_785 : vector<16xf32> to vector<1x16xf32>
      tpu.vector_store %arg8[%swap3A_786, %swap3A_787], %swap3A_790 {strides = array<i32>} : memref<32x1024xf32, #tpu.memory_space<vmem>>, vector<1x16xf32>,
      %get3A_791 = arith.index_cast %scan3A_72 : i32 to index
      %get3A_792 = arith.constant 704 : index
      %get3A_793 = tpu.vector_load %arg8[%get3A_791, %get3A_792] {strides = array<i32>} : memref<32x1024xf32, #tpu.memory_space<vmem>>, vector<1x16xf32>,
      %get3A_794 = vector.shape_cast %get3A_793 : vector<1x16xf32> to vector<16xf32>
      %mul3A_795 = arith.mulf %get3A_79, %get3A_794 : vector<16xf32>
      %get3A_796 = arith.index_cast %scan3A_72 : i32 to index
      %get3A_797 = arith.constant 704 : index
      %get3A_798 = tpu.vector_load %arg9[%get3A_796, %get3A_797] {strides = array<i32>} : memref<32x1024xf32, #tpu.memory_space<vmem>>, vector<1x16xf32>,
      %get3A_799 = vector.shape_cast %get3A_798 : vector<1x16xf32> to vector<16xf32>
      %mul3A_800 = arith.mulf %get3A_87, %get3A_799 : vector<16xf32>
      %add3A_801 = arith.addf %mul3A_795, %mul3A_800 : vector<16xf32>
      %swap3A_802 = arith.index_cast %scan3A_72 : i32 to index
      %swap3A_803 = arith.constant 704 : index
      %swap3A_804 = tpu.vector_load %arg8[%swap3A_802, %swap3A_803] {strides = array<i32>} : memref<32x1024xf32, #tpu.memory_space<vmem>>, vector<1x16xf32>,
      %swap3A_805 = vector.shape_cast %swap3A_804 : vector<1x16xf32> to vector<16xf32>
      %swap3A_806 = vector.shape_cast %add3A_801 : vector<16xf32> to vector<1x16xf32>
      tpu.vector_store %arg8[%swap3A_802, %swap3A_803], %swap3A_806 {strides = array<i32>} : memref<32x1024xf32, #tpu.memory_space<vmem>>, vector<1x16xf32>,
      %get3A_807 = arith.index_cast %scan3A_72 : i32 to index
      %get3A_808 = arith.constant 720 : index
      %get3A_809 = tpu.vector_load %arg8[%get3A_807, %get3A_808] {strides = array<i32>} : memref<32x1024xf32, #tpu.memory_space<vmem>>, vector<1x16xf32>,
      %get3A_810 = vector.shape_cast %get3A_809 : vector<1x16xf32> to vector<16xf32>
      %mul3A_811 = arith.mulf %get3A_79, %get3A_810 : vector<16xf32>
      %get3A_812 = arith.index_cast %scan3A_72 : i32 to index
      %get3A_813 = arith.constant 720 : index
      %get3A_814 = tpu.vector_load %arg9[%get3A_812, %get3A_813] {strides = array<i32>} : memref<32x1024xf32, #tpu.memory_space<vmem>>, vector<1x16xf32>,
      %get3A_815 = vector.shape_cast %get3A_814 : vector<1x16xf32> to vector<16xf32>
      %mul3A_816 = arith.mulf %get3A_87, %get3A_815 : vector<16xf32>
      %add3A_817 = arith.addf %mul3A_811, %mul3A_816 : vector<16xf32>
      %swap3A_818 = arith.index_cast %scan3A_72 : i32 to index
      %swap3A_819 = arith.constant 720 : index
      %swap3A_820 = tpu.vector_load %arg8[%swap3A_818, %swap3A_819] {strides = array<i32>} : memref<32x1024xf32, #tpu.memory_space<vmem>>, vector<1x16xf32>,
      %swap3A_821 = vector.shape_cast %swap3A_820 : vector<1x16xf32> to vector<16xf32>
      %swap3A_822 = vector.shape_cast %add3A_817 : vector<16xf32> to vector<1x16xf32>
      tpu.vector_store %arg8[%swap3A_818, %swap3A_819], %swap3A_822 {strides = array<i32>} : memref<32x1024xf32, #tpu.memory_space<vmem>>, vector<1x16xf32>,
      %get3A_823 = arith.index_cast %scan3A_72 : i32 to index
      %get3A_824 = arith.constant 736 : index
      %get3A_825 = tpu.vector_load %arg8[%get3A_823, %get3A_824] {strides = array<i32>} : memref<32x1024xf32, #tpu.memory_space<vmem>>, vector<1x16xf32>,
      %get3A_826 = vector.shape_cast %get3A_825 : vector<1x16xf32> to vector<16xf32>
      %mul3A_827 = arith.mulf %get3A_79, %get3A_826 : vector<16xf32>
      %get3A_828 = arith.index_cast %scan3A_72 : i32 to index
      %get3A_829 = arith.constant 736 : index
      %get3A_830 = tpu.vector_load %arg9[%get3A_828, %get3A_829] {strides = array<i32>} : memref<32x1024xf32, #tpu.memory_space<vmem>>, vector<1x16xf32>,
      %get3A_831 = vector.shape_cast %get3A_830 : vector<1x16xf32> to vector<16xf32>
      %mul3A_832 = arith.mulf %get3A_87, %get3A_831 : vector<16xf32>
      %add3A_833 = arith.addf %mul3A_827, %mul3A_832 : vector<16xf32>
      %swap3A_834 = arith.index_cast %scan3A_72 : i32 to index
      %swap3A_835 = arith.constant 736 : index
      %swap3A_836 = tpu.vector_load %arg8[%swap3A_834, %swap3A_835] {strides = array<i32>} : memref<32x1024xf32, #tpu.memory_space<vmem>>, vector<1x16xf32>,
      %swap3A_837 = vector.shape_cast %swap3A_836 : vector<1x16xf32> to vector<16xf32>
      %swap3A_838 = vector.shape_cast %add3A_833 : vector<16xf32> to vector<1x16xf32>
      tpu.vector_store %arg8[%swap3A_834, %swap3A_835], %swap3A_838 {strides = array<i32>} : memref<32x1024xf32, #tpu.memory_space<vmem>>, vector<1x16xf32>,
      %get3A_839 = arith.index_cast %scan3A_72 : i32 to index
      %get3A_840 = arith.constant 752 : index
      %get3A_841 = tpu.vector_load %arg8[%get3A_839, %get3A_840] {strides = array<i32>} : memref<32x1024xf32, #tpu.memory_space<vmem>>, vector<1x16xf32>,
      %get3A_842 = vector.shape_cast %get3A_841 : vector<1x16xf32> to vector<16xf32>
      %mul3A_843 = arith.mulf %get3A_79, %get3A_842 : vector<16xf32>
      %get3A_844 = arith.index_cast %scan3A_72 : i32 to index
      %get3A_845 = arith.constant 752 : index
      %get3A_846 = tpu.vector_load %arg9[%get3A_844, %get3A_845] {strides = array<i32>} : memref<32x1024xf32, #tpu.memory_space<vmem>>, vector<1x16xf32>,
      %get3A_847 = vector.shape_cast %get3A_846 : vector<1x16xf32> to vector<16xf32>
      %mul3A_848 = arith.mulf %get3A_87, %get3A_847 : vector<16xf32>
      %add3A_849 = arith.addf %mul3A_843, %mul3A_848 : vector<16xf32>
      %swap3A_850 = arith.index_cast %scan3A_72 : i32 to index
      %swap3A_851 = arith.constant 752 : index
      %swap3A_852 = tpu.vector_load %arg8[%swap3A_850, %swap3A_851] {strides = array<i32>} : memref<32x1024xf32, #tpu.memory_space<vmem>>, vector<1x16xf32>,
      %swap3A_853 = vector.shape_cast %swap3A_852 : vector<1x16xf32> to vector<16xf32>
      %swap3A_854 = vector.shape_cast %add3A_849 : vector<16xf32> to vector<1x16xf32>
      tpu.vector_store %arg8[%swap3A_850, %swap3A_851], %swap3A_854 {strides = array<i32>} : memref<32x1024xf32, #tpu.memory_space<vmem>>, vector<1x16xf32>,
      %get3A_855 = arith.index_cast %scan3A_72 : i32 to index
      %get3A_856 = arith.constant 768 : index
      %get3A_857 = tpu.vector_load %arg8[%get3A_855, %get3A_856] {strides = array<i32>} : memref<32x1024xf32, #tpu.memory_space<vmem>>, vector<1x16xf32>,
      %get3A_858 = vector.shape_cast %get3A_857 : vector<1x16xf32> to vector<16xf32>
      %mul3A_859 = arith.mulf %get3A_79, %get3A_858 : vector<16xf32>
      %get3A_860 = arith.index_cast %scan3A_72 : i32 to index
      %get3A_861 = arith.constant 768 : index
      %get3A_862 = tpu.vector_load %arg9[%get3A_860, %get3A_861] {strides = array<i32>} : memref<32x1024xf32, #tpu.memory_space<vmem>>, vector<1x16xf32>,
      %get3A_863 = vector.shape_cast %get3A_862 : vector<1x16xf32> to vector<16xf32>
      %mul3A_864 = arith.mulf %get3A_87, %get3A_863 : vector<16xf32>
      %add3A_865 = arith.addf %mul3A_859, %mul3A_864 : vector<16xf32>
      %swap3A_866 = arith.index_cast %scan3A_72 : i32 to index
      %swap3A_867 = arith.constant 768 : index
      %swap3A_868 = tpu.vector_load %arg8[%swap3A_866, %swap3A_867] {strides = array<i32>} : memref<32x1024xf32, #tpu.memory_space<vmem>>, vector<1x16xf32>,
      %swap3A_869 = vector.shape_cast %swap3A_868 : vector<1x16xf32> to vector<16xf32>
      %swap3A_870 = vector.shape_cast %add3A_865 : vector<16xf32> to vector<1x16xf32>
      tpu.vector_store %arg8[%swap3A_866, %swap3A_867], %swap3A_870 {strides = array<i32>} : memref<32x1024xf32, #tpu.memory_space<vmem>>, vector<1x16xf32>,
      %get3A_871 = arith.index_cast %scan3A_72 : i32 to index
      %get3A_872 = arith.constant 784 : index
      %get3A_873 = tpu.vector_load %arg8[%get3A_871, %get3A_872] {strides = array<i32>} : memref<32x1024xf32, #tpu.memory_space<vmem>>, vector<1x16xf32>,
      %get3A_874 = vector.shape_cast %get3A_873 : vector<1x16xf32> to vector<16xf32>
      %mul3A_875 = arith.mulf %get3A_79, %get3A_874 : vector<16xf32>
      %get3A_876 = arith.index_cast %scan3A_72 : i32 to index
      %get3A_877 = arith.constant 784 : index
      %get3A_878 = tpu.vector_load %arg9[%get3A_876, %get3A_877] {strides = array<i32>} : memref<32x1024xf32, #tpu.memory_space<vmem>>, vector<1x16xf32>,
      %get3A_879 = vector.shape_cast %get3A_878 : vector<1x16xf32> to vector<16xf32>
      %mul3A_880 = arith.mulf %get3A_87, %get3A_879 : vector<16xf32>
      %add3A_881 = arith.addf %mul3A_875, %mul3A_880 : vector<16xf32>
      %swap3A_882 = arith.index_cast %scan3A_72 : i32 to index
      %swap3A_883 = arith.constant 784 : index
      %swap3A_884 = tpu.vector_load %arg8[%swap3A_882, %swap3A_883] {strides = array<i32>} : memref<32x1024xf32, #tpu.memory_space<vmem>>, vector<1x16xf32>,
      %swap3A_885 = vector.shape_cast %swap3A_884 : vector<1x16xf32> to vector<16xf32>
      %swap3A_886 = vector.shape_cast %add3A_881 : vector<16xf32> to vector<1x16xf32>
      tpu.vector_store %arg8[%swap3A_882, %swap3A_883], %swap3A_886 {strides = array<i32>} : memref<32x1024xf32, #tpu.memory_space<vmem>>, vector<1x16xf32>,
      %get3A_887 = arith.index_cast %scan3A_72 : i32 to index
      %get3A_888 = arith.constant 800 : index
      %get3A_889 = tpu.vector_load %arg8[%get3A_887, %get3A_888] {strides = array<i32>} : memref<32x1024xf32, #tpu.memory_space<vmem>>, vector<1x16xf32>,
      %get3A_890 = vector.shape_cast %get3A_889 : vector<1x16xf32> to vector<16xf32>
      %mul3A_891 = arith.mulf %get3A_79, %get3A_890 : vector<16xf32>
      %get3A_892 = arith.index_cast %scan3A_72 : i32 to index
      %get3A_893 = arith.constant 800 : index
      %get3A_894 = tpu.vector_load %arg9[%get3A_892, %get3A_893] {strides = array<i32>} : memref<32x1024xf32, #tpu.memory_space<vmem>>, vector<1x16xf32>,
      %get3A_895 = vector.shape_cast %get3A_894 : vector<1x16xf32> to vector<16xf32>
      %mul3A_896 = arith.mulf %get3A_87, %get3A_895 : vector<16xf32>
      %add3A_897 = arith.addf %mul3A_891, %mul3A_896 : vector<16xf32>
      %swap3A_898 = arith.index_cast %scan3A_72 : i32 to index
      %swap3A_899 = arith.constant 800 : index
      %swap3A_900 = tpu.vector_load %arg8[%swap3A_898, %swap3A_899] {strides = array<i32>} : memref<32x1024xf32, #tpu.memory_space<vmem>>, vector<1x16xf32>,
      %swap3A_901 = vector.shape_cast %swap3A_900 : vector<1x16xf32> to vector<16xf32>
      %swap3A_902 = vector.shape_cast %add3A_897 : vector<16xf32> to vector<1x16xf32>
      tpu.vector_store %arg8[%swap3A_898, %swap3A_899], %swap3A_902 {strides = array<i32>} : memref<32x1024xf32, #tpu.memory_space<vmem>>, vector<1x16xf32>,
      %get3A_903 = arith.index_cast %scan3A_72 : i32 to index
      %get3A_904 = arith.constant 816 : index
      %get3A_905 = tpu.vector_load %arg8[%get3A_903, %get3A_904] {strides = array<i32>} : memref<32x1024xf32, #tpu.memory_space<vmem>>, vector<1x16xf32>,
      %get3A_906 = vector.shape_cast %get3A_905 : vector<1x16xf32> to vector<16xf32>
      %mul3A_907 = arith.mulf %get3A_79, %get3A_906 : vector<16xf32>
      %get3A_908 = arith.index_cast %scan3A_72 : i32 to index
      %get3A_909 = arith.constant 816 : index
      %get3A_910 = tpu.vector_load %arg9[%get3A_908, %get3A_909] {strides = array<i32>} : memref<32x1024xf32, #tpu.memory_space<vmem>>, vector<1x16xf32>,
      %get3A_911 = vector.shape_cast %get3A_910 : vector<1x16xf32> to vector<16xf32>
      %mul3A_912 = arith.mulf %get3A_87, %get3A_911 : vector<16xf32>
      %add3A_913 = arith.addf %mul3A_907, %mul3A_912 : vector<16xf32>
      %swap3A_914 = arith.index_cast %scan3A_72 : i32 to index
      %swap3A_915 = arith.constant 816 : index
      %swap3A_916 = tpu.vector_load %arg8[%swap3A_914, %swap3A_915] {strides = array<i32>} : memref<32x1024xf32, #tpu.memory_space<vmem>>, vector<1x16xf32>,
      %swap3A_917 = vector.shape_cast %swap3A_916 : vector<1x16xf32> to vector<16xf32>
      %swap3A_918 = vector.shape_cast %add3A_913 : vector<16xf32> to vector<1x16xf32>
      tpu.vector_store %arg8[%swap3A_914, %swap3A_915], %swap3A_918 {strides = array<i32>} : memref<32x1024xf32, #tpu.memory_space<vmem>>, vector<1x16xf32>,
      %get3A_919 = arith.index_cast %scan3A_72 : i32 to index
      %get3A_920 = arith.constant 832 : index
      %get3A_921 = tpu.vector_load %arg8[%get3A_919, %get3A_920] {strides = array<i32>} : memref<32x1024xf32, #tpu.memory_space<vmem>>, vector<1x16xf32>,
      %get3A_922 = vector.shape_cast %get3A_921 : vector<1x16xf32> to vector<16xf32>
      %mul3A_923 = arith.mulf %get3A_79, %get3A_922 : vector<16xf32>
      %get3A_924 = arith.index_cast %scan3A_72 : i32 to index
      %get3A_925 = arith.constant 832 : index
      %get3A_926 = tpu.vector_load %arg9[%get3A_924, %get3A_925] {strides = array<i32>} : memref<32x1024xf32, #tpu.memory_space<vmem>>, vector<1x16xf32>,
      %get3A_927 = vector.shape_cast %get3A_926 : vector<1x16xf32> to vector<16xf32>
      %mul3A_928 = arith.mulf %get3A_87, %get3A_927 : vector<16xf32>
      %add3A_929 = arith.addf %mul3A_923, %mul3A_928 : vector<16xf32>
      %swap3A_930 = arith.index_cast %scan3A_72 : i32 to index
      %swap3A_931 = arith.constant 832 : index
      %swap3A_932 = tpu.vector_load %arg8[%swap3A_930, %swap3A_931] {strides = array<i32>} : memref<32x1024xf32, #tpu.memory_space<vmem>>, vector<1x16xf32>,
      %swap3A_933 = vector.shape_cast %swap3A_932 : vector<1x16xf32> to vector<16xf32>
      %swap3A_934 = vector.shape_cast %add3A_929 : vector<16xf32> to vector<1x16xf32>
      tpu.vector_store %arg8[%swap3A_930, %swap3A_931], %swap3A_934 {strides = array<i32>} : memref<32x1024xf32, #tpu.memory_space<vmem>>, vector<1x16xf32>,
      %get3A_935 = arith.index_cast %scan3A_72 : i32 to index
      %get3A_936 = arith.constant 848 : index
      %get3A_937 = tpu.vector_load %arg8[%get3A_935, %get3A_936] {strides = array<i32>} : memref<32x1024xf32, #tpu.memory_space<vmem>>, vector<1x16xf32>,
      %get3A_938 = vector.shape_cast %get3A_937 : vector<1x16xf32> to vector<16xf32>
      %mul3A_939 = arith.mulf %get3A_79, %get3A_938 : vector<16xf32>
      %get3A_940 = arith.index_cast %scan3A_72 : i32 to index
      %get3A_941 = arith.constant 848 : index
      %get3A_942 = tpu.vector_load %arg9[%get3A_940, %get3A_941] {strides = array<i32>} : memref<32x1024xf32, #tpu.memory_space<vmem>>, vector<1x16xf32>,
      %get3A_943 = vector.shape_cast %get3A_942 : vector<1x16xf32> to vector<16xf32>
      %mul3A_944 = arith.mulf %get3A_87, %get3A_943 : vector<16xf32>
      %add3A_945 = arith.addf %mul3A_939, %mul3A_944 : vector<16xf32>
      %swap3A_946 = arith.index_cast %scan3A_72 : i32 to index
      %swap3A_947 = arith.constant 848 : index
      %swap3A_948 = tpu.vector_load %arg8[%swap3A_946, %swap3A_947] {strides = array<i32>} : memref<32x1024xf32, #tpu.memory_space<vmem>>, vector<1x16xf32>,
      %swap3A_949 = vector.shape_cast %swap3A_948 : vector<1x16xf32> to vector<16xf32>
      %swap3A_950 = vector.shape_cast %add3A_945 : vector<16xf32> to vector<1x16xf32>
      tpu.vector_store %arg8[%swap3A_946, %swap3A_947], %swap3A_950 {strides = array<i32>} : memref<32x1024xf32, #tpu.memory_space<vmem>>, vector<1x16xf32>,
      %get3A_951 = arith.index_cast %scan3A_72 : i32 to index
      %get3A_952 = arith.constant 864 : index
      %get3A_953 = tpu.vector_load %arg8[%get3A_951, %get3A_952] {strides = array<i32>} : memref<32x1024xf32, #tpu.memory_space<vmem>>, vector<1x16xf32>,
      %get3A_954 = vector.shape_cast %get3A_953 : vector<1x16xf32> to vector<16xf32>
      %mul3A_955 = arith.mulf %get3A_79, %get3A_954 : vector<16xf32>
      %get3A_956 = arith.index_cast %scan3A_72 : i32 to index
      %get3A_957 = arith.constant 864 : index
      %get3A_958 = tpu.vector_load %arg9[%get3A_956, %get3A_957] {strides = array<i32>} : memref<32x1024xf32, #tpu.memory_space<vmem>>, vector<1x16xf32>,
      %get3A_959 = vector.shape_cast %get3A_958 : vector<1x16xf32> to vector<16xf32>
      %mul3A_960 = arith.mulf %get3A_87, %get3A_959 : vector<16xf32>
      %add3A_961 = arith.addf %mul3A_955, %mul3A_960 : vector<16xf32>
      %swap3A_962 = arith.index_cast %scan3A_72 : i32 to index
      %swap3A_963 = arith.constant 864 : index
      %swap3A_964 = tpu.vector_load %arg8[%swap3A_962, %swap3A_963] {strides = array<i32>} : memref<32x1024xf32, #tpu.memory_space<vmem>>, vector<1x16xf32>,
      %swap3A_965 = vector.shape_cast %swap3A_964 : vector<1x16xf32> to vector<16xf32>
      %swap3A_966 = vector.shape_cast %add3A_961 : vector<16xf32> to vector<1x16xf32>
      tpu.vector_store %arg8[%swap3A_962, %swap3A_963], %swap3A_966 {strides = array<i32>} : memref<32x1024xf32, #tpu.memory_space<vmem>>, vector<1x16xf32>,
      %get3A_967 = arith.index_cast %scan3A_72 : i32 to index
      %get3A_968 = arith.constant 880 : index
      %get3A_969 = tpu.vector_load %arg8[%get3A_967, %get3A_968] {strides = array<i32>} : memref<32x1024xf32, #tpu.memory_space<vmem>>, vector<1x16xf32>,
      %get3A_970 = vector.shape_cast %get3A_969 : vector<1x16xf32> to vector<16xf32>
      %mul3A_971 = arith.mulf %get3A_79, %get3A_970 : vector<16xf32>
      %get3A_972 = arith.index_cast %scan3A_72 : i32 to index
      %get3A_973 = arith.constant 880 : index
      %get3A_974 = tpu.vector_load %arg9[%get3A_972, %get3A_973] {strides = array<i32>} : memref<32x1024xf32, #tpu.memory_space<vmem>>, vector<1x16xf32>,
      %get3A_975 = vector.shape_cast %get3A_974 : vector<1x16xf32> to vector<16xf32>
      %mul3A_976 = arith.mulf %get3A_87, %get3A_975 : vector<16xf32>
      %add3A_977 = arith.addf %mul3A_971, %mul3A_976 : vector<16xf32>
      %swap3A_978 = arith.index_cast %scan3A_72 : i32 to index
      %swap3A_979 = arith.constant 880 : index
      %swap3A_980 = tpu.vector_load %arg8[%swap3A_978, %swap3A_979] {strides = array<i32>} : memref<32x1024xf32, #tpu.memory_space<vmem>>, vector<1x16xf32>,
      %swap3A_981 = vector.shape_cast %swap3A_980 : vector<1x16xf32> to vector<16xf32>
      %swap3A_982 = vector.shape_cast %add3A_977 : vector<16xf32> to vector<1x16xf32>
      tpu.vector_store %arg8[%swap3A_978, %swap3A_979], %swap3A_982 {strides = array<i32>} : memref<32x1024xf32, #tpu.memory_space<vmem>>, vector<1x16xf32>,
      %get3A_983 = arith.index_cast %scan3A_72 : i32 to index
      %get3A_984 = arith.constant 896 : index
      %get3A_985 = tpu.vector_load %arg8[%get3A_983, %get3A_984] {strides = array<i32>} : memref<32x1024xf32, #tpu.memory_space<vmem>>, vector<1x16xf32>,
      %get3A_986 = vector.shape_cast %get3A_985 : vector<1x16xf32> to vector<16xf32>
      %mul3A_987 = arith.mulf %get3A_79, %get3A_986 : vector<16xf32>
      %get3A_988 = arith.index_cast %scan3A_72 : i32 to index
      %get3A_989 = arith.constant 896 : index
      %get3A_990 = tpu.vector_load %arg9[%get3A_988, %get3A_989] {strides = array<i32>} : memref<32x1024xf32, #tpu.memory_space<vmem>>, vector<1x16xf32>,
      %get3A_991 = vector.shape_cast %get3A_990 : vector<1x16xf32> to vector<16xf32>
      %mul3A_992 = arith.mulf %get3A_87, %get3A_991 : vector<16xf32>
      %add3A_993 = arith.addf %mul3A_987, %mul3A_992 : vector<16xf32>
      %swap3A_994 = arith.index_cast %scan3A_72 : i32 to index
      %swap3A_995 = arith.constant 896 : index
      %swap3A_996 = tpu.vector_load %arg8[%swap3A_994, %swap3A_995] {strides = array<i32>} : memref<32x1024xf32, #tpu.memory_space<vmem>>, vector<1x16xf32>,
      %swap3A_997 = vector.shape_cast %swap3A_996 : vector<1x16xf32> to vector<16xf32>
      %swap3A_998 = vector.shape_cast %add3A_993 : vector<16xf32> to vector<1x16xf32>
      tpu.vector_store %arg8[%swap3A_994, %swap3A_995], %swap3A_998 {strides = array<i32>} : memref<32x1024xf32, #tpu.memory_space<vmem>>, vector<1x16xf32>,
      %get3A_999 = arith.index_cast %scan3A_72 : i32 to index
      %get3A_1000 = arith.constant 912 : index
      %get3A_1001 = tpu.vector_load %arg8[%get3A_999, %get3A_1000] {strides = array<i32>} : memref<32x1024xf32, #tpu.memory_space<vmem>>, vector<1x16xf32>,
      %get3A_1002 = vector.shape_cast %get3A_1001 : vector<1x16xf32> to vector<16xf32>
      %mul3A_1003 = arith.mulf %get3A_79, %get3A_1002 : vector<16xf32>
      %get3A_1004 = arith.index_cast %scan3A_72 : i32 to index
      %get3A_1005 = arith.constant 912 : index
      %get3A_1006 = tpu.vector_load %arg9[%get3A_1004, %get3A_1005] {strides = array<i32>} : memref<32x1024xf32, #tpu.memory_space<vmem>>, vector<1x16xf32>,
      %get3A_1007 = vector.shape_cast %get3A_1006 : vector<1x16xf32> to vector<16xf32>
      %mul3A_1008 = arith.mulf %get3A_87, %get3A_1007 : vector<16xf32>
      %add3A_1009 = arith.addf %mul3A_1003, %mul3A_1008 : vector<16xf32>
      %swap3A_1010 = arith.index_cast %scan3A_72 : i32 to index
      %swap3A_1011 = arith.constant 912 : index
      %swap3A_1012 = tpu.vector_load %arg8[%swap3A_1010, %swap3A_1011] {strides = array<i32>} : memref<32x1024xf32, #tpu.memory_space<vmem>>, vector<1x16xf32>,
      %swap3A_1013 = vector.shape_cast %swap3A_1012 : vector<1x16xf32> to vector<16xf32>
      %swap3A_1014 = vector.shape_cast %add3A_1009 : vector<16xf32> to vector<1x16xf32>
      tpu.vector_store %arg8[%swap3A_1010, %swap3A_1011], %swap3A_1014 {strides = array<i32>} : memref<32x1024xf32, #tpu.memory_space<vmem>>, vector<1x16xf32>,
      %get3A_1015 = arith.index_cast %scan3A_72 : i32 to index
      %get3A_1016 = arith.constant 928 : index
      %get3A_1017 = tpu.vector_load %arg8[%get3A_1015, %get3A_1016] {strides = array<i32>} : memref<32x1024xf32, #tpu.memory_space<vmem>>, vector<1x16xf32>,
      %get3A_1018 = vector.shape_cast %get3A_1017 : vector<1x16xf32> to vector<16xf32>
      %mul3A_1019 = arith.mulf %get3A_79, %get3A_1018 : vector<16xf32>
      %get3A_1020 = arith.index_cast %scan3A_72 : i32 to index
      %get3A_1021 = arith.constant 928 : index
      %get3A_1022 = tpu.vector_load %arg9[%get3A_1020, %get3A_1021] {strides = array<i32>} : memref<32x1024xf32, #tpu.memory_space<vmem>>, vector<1x16xf32>,
      %get3A_1023 = vector.shape_cast %get3A_1022 : vector<1x16xf32> to vector<16xf32>
      %mul3A_1024 = arith.mulf %get3A_87, %get3A_1023 : vector<16xf32>
      %add3A_1025 = arith.addf %mul3A_1019, %mul3A_1024 : vector<16xf32>
      %swap3A_1026 = arith.index_cast %scan3A_72 : i32 to index
      %swap3A_1027 = arith.constant 928 : index
      %swap3A_1028 = tpu.vector_load %arg8[%swap3A_1026, %swap3A_1027] {strides = array<i32>} : memref<32x1024xf32, #tpu.memory_space<vmem>>, vector<1x16xf32>,
      %swap3A_1029 = vector.shape_cast %swap3A_1028 : vector<1x16xf32> to vector<16xf32>
      %swap3A_1030 = vector.shape_cast %add3A_1025 : vector<16xf32> to vector<1x16xf32>
      tpu.vector_store %arg8[%swap3A_1026, %swap3A_1027], %swap3A_1030 {strides = array<i32>} : memref<32x1024xf32, #tpu.memory_space<vmem>>, vector<1x16xf32>,
      %get3A_1031 = arith.index_cast %scan3A_72 : i32 to index
      %get3A_1032 = arith.constant 944 : index
      %get3A_1033 = tpu.vector_load %arg8[%get3A_1031, %get3A_1032] {strides = array<i32>} : memref<32x1024xf32, #tpu.memory_space<vmem>>, vector<1x16xf32>,
      %get3A_1034 = vector.shape_cast %get3A_1033 : vector<1x16xf32> to vector<16xf32>
      %mul3A_1035 = arith.mulf %get3A_79, %get3A_1034 : vector<16xf32>
      %get3A_1036 = arith.index_cast %scan3A_72 : i32 to index
      %get3A_1037 = arith.constant 944 : index
      %get3A_1038 = tpu.vector_load %arg9[%get3A_1036, %get3A_1037] {strides = array<i32>} : memref<32x1024xf32, #tpu.memory_space<vmem>>, vector<1x16xf32>,
      %get3A_1039 = vector.shape_cast %get3A_1038 : vector<1x16xf32> to vector<16xf32>
      %mul3A_1040 = arith.mulf %get3A_87, %get3A_1039 : vector<16xf32>
      %add3A_1041 = arith.addf %mul3A_1035, %mul3A_1040 : vector<16xf32>
      %swap3A_1042 = arith.index_cast %scan3A_72 : i32 to index
      %swap3A_1043 = arith.constant 944 : index
      %swap3A_1044 = tpu.vector_load %arg8[%swap3A_1042, %swap3A_1043] {strides = array<i32>} : memref<32x1024xf32, #tpu.memory_space<vmem>>, vector<1x16xf32>,
      %swap3A_1045 = vector.shape_cast %swap3A_1044 : vector<1x16xf32> to vector<16xf32>
      %swap3A_1046 = vector.shape_cast %add3A_1041 : vector<16xf32> to vector<1x16xf32>
      tpu.vector_store %arg8[%swap3A_1042, %swap3A_1043], %swap3A_1046 {strides = array<i32>} : memref<32x1024xf32, #tpu.memory_space<vmem>>, vector<1x16xf32>,
      %get3A_1047 = arith.index_cast %scan3A_72 : i32 to index
      %get3A_1048 = arith.constant 960 : index
      %get3A_1049 = tpu.vector_load %arg8[%get3A_1047, %get3A_1048] {strides = array<i32>} : memref<32x1024xf32, #tpu.memory_space<vmem>>, vector<1x16xf32>,
      %get3A_1050 = vector.shape_cast %get3A_1049 : vector<1x16xf32> to vector<16xf32>
      %mul3A_1051 = arith.mulf %get3A_79, %get3A_1050 : vector<16xf32>
      %get3A_1052 = arith.index_cast %scan3A_72 : i32 to index
      %get3A_1053 = arith.constant 960 : index
      %get3A_1054 = tpu.vector_load %arg9[%get3A_1052, %get3A_1053] {strides = array<i32>} : memref<32x1024xf32, #tpu.memory_space<vmem>>, vector<1x16xf32>,
      %get3A_1055 = vector.shape_cast %get3A_1054 : vector<1x16xf32> to vector<16xf32>
      %mul3A_1056 = arith.mulf %get3A_87, %get3A_1055 : vector<16xf32>
      %add3A_1057 = arith.addf %mul3A_1051, %mul3A_1056 : vector<16xf32>
      %swap3A_1058 = arith.index_cast %scan3A_72 : i32 to index
      %swap3A_1059 = arith.constant 960 : index
      %swap3A_1060 = tpu.vector_load %arg8[%swap3A_1058, %swap3A_1059] {strides = array<i32>} : memref<32x1024xf32, #tpu.memory_space<vmem>>, vector<1x16xf32>,
      %swap3A_1061 = vector.shape_cast %swap3A_1060 : vector<1x16xf32> to vector<16xf32>
      %swap3A_1062 = vector.shape_cast %add3A_1057 : vector<16xf32> to vector<1x16xf32>
      tpu.vector_store %arg8[%swap3A_1058, %swap3A_1059], %swap3A_1062 {strides = array<i32>} : memref<32x1024xf32, #tpu.memory_space<vmem>>, vector<1x16xf32>,
      %get3A_1063 = arith.index_cast %scan3A_72 : i32 to index
      %get3A_1064 = arith.constant 976 : index
      %get3A_1065 = tpu.vector_load %arg8[%get3A_1063, %get3A_1064] {strides = array<i32>} : memref<32x1024xf32, #tpu.memory_space<vmem>>, vector<1x16xf32>,
      %get3A_1066 = vector.shape_cast %get3A_1065 : vector<1x16xf32> to vector<16xf32>
      %mul3A_1067 = arith.mulf %get3A_79, %get3A_1066 : vector<16xf32>
      %get3A_1068 = arith.index_cast %scan3A_72 : i32 to index
      %get3A_1069 = arith.constant 976 : index
      %get3A_1070 = tpu.vector_load %arg9[%get3A_1068, %get3A_1069] {strides = array<i32>} : memref<32x1024xf32, #tpu.memory_space<vmem>>, vector<1x16xf32>,
      %get3A_1071 = vector.shape_cast %get3A_1070 : vector<1x16xf32> to vector<16xf32>
      %mul3A_1072 = arith.mulf %get3A_87, %get3A_1071 : vector<16xf32>
      %add3A_1073 = arith.addf %mul3A_1067, %mul3A_1072 : vector<16xf32>
      %swap3A_1074 = arith.index_cast %scan3A_72 : i32 to index
      %swap3A_1075 = arith.constant 976 : index
      %swap3A_1076 = tpu.vector_load %arg8[%swap3A_1074, %swap3A_1075] {strides = array<i32>} : memref<32x1024xf32, #tpu.memory_space<vmem>>, vector<1x16xf32>,
      %swap3A_1077 = vector.shape_cast %swap3A_1076 : vector<1x16xf32> to vector<16xf32>
      %swap3A_1078 = vector.shape_cast %add3A_1073 : vector<16xf32> to vector<1x16xf32>
      tpu.vector_store %arg8[%swap3A_1074, %swap3A_1075], %swap3A_1078 {strides = array<i32>} : memref<32x1024xf32, #tpu.memory_space<vmem>>, vector<1x16xf32>,
      %get3A_1079 = arith.index_cast %scan3A_72 : i32 to index
      %get3A_1080 = arith.constant 992 : index
      %get3A_1081 = tpu.vector_load %arg8[%get3A_1079, %get3A_1080] {strides = array<i32>} : memref<32x1024xf32, #tpu.memory_space<vmem>>, vector<1x16xf32>,
      %get3A_1082 = vector.shape_cast %get3A_1081 : vector<1x16xf32> to vector<16xf32>
      %mul3A_1083 = arith.mulf %get3A_79, %get3A_1082 : vector<16xf32>
      %get3A_1084 = arith.index_cast %scan3A_72 : i32 to index
      %get3A_1085 = arith.constant 992 : index
      %get3A_1086 = tpu.vector_load %arg9[%get3A_1084, %get3A_1085] {strides = array<i32>} : memref<32x1024xf32, #tpu.memory_space<vmem>>, vector<1x16xf32>,
      %get3A_1087 = vector.shape_cast %get3A_1086 : vector<1x16xf32> to vector<16xf32>
      %mul3A_1088 = arith.mulf %get3A_87, %get3A_1087 : vector<16xf32>
      %add3A_1089 = arith.addf %mul3A_1083, %mul3A_1088 : vector<16xf32>
      %swap3A_1090 = arith.index_cast %scan3A_72 : i32 to index
      %swap3A_1091 = arith.constant 992 : index
      %swap3A_1092 = tpu.vector_load %arg8[%swap3A_1090, %swap3A_1091] {strides = array<i32>} : memref<32x1024xf32, #tpu.memory_space<vmem>>, vector<1x16xf32>,
      %swap3A_1093 = vector.shape_cast %swap3A_1092 : vector<1x16xf32> to vector<16xf32>
      %swap3A_1094 = vector.shape_cast %add3A_1089 : vector<16xf32> to vector<1x16xf32>
      tpu.vector_store %arg8[%swap3A_1090, %swap3A_1091], %swap3A_1094 {strides = array<i32>} : memref<32x1024xf32, #tpu.memory_space<vmem>>, vector<1x16xf32>,
      %get3A_1095 = arith.index_cast %scan3A_72 : i32 to index
      %get3A_1096 = arith.constant 1008 : index
      %get3A_1097 = tpu.vector_load %arg8[%get3A_1095, %get3A_1096] {strides = array<i32>} : memref<32x1024xf32, #tpu.memory_space<vmem>>, vector<1x16xf32>,
      %get3A_1098 = vector.shape_cast %get3A_1097 : vector<1x16xf32> to vector<16xf32>
      %mul3A_1099 = arith.mulf %get3A_79, %get3A_1098 : vector<16xf32>
      %get3A_1100 = arith.index_cast %scan3A_72 : i32 to index
      %get3A_1101 = arith.constant 1008 : index
      %get3A_1102 = tpu.vector_load %arg9[%get3A_1100, %get3A_1101] {strides = array<i32>} : memref<32x1024xf32, #tpu.memory_space<vmem>>, vector<1x16xf32>,
      %get3A_1103 = vector.shape_cast %get3A_1102 : vector<1x16xf32> to vector<16xf32>
      %mul3A_1104 = arith.mulf %get3A_87, %get3A_1103 : vector<16xf32>
      %add3A_1105 = arith.addf %mul3A_1099, %mul3A_1104 : vector<16xf32>
      %swap3A_1106 = arith.index_cast %scan3A_72 : i32 to index
      %swap3A_1107 = arith.constant 1008 : index
      %swap3A_1108 = tpu.vector_load %arg8[%swap3A_1106, %swap3A_1107] {strides = array<i32>} : memref<32x1024xf32, #tpu.memory_space<vmem>>, vector<1x16xf32>,
      %swap3A_1109 = vector.shape_cast %swap3A_1108 : vector<1x16xf32> to vector<16xf32>
      %swap3A_1110 = vector.shape_cast %add3A_1105 : vector<16xf32> to vector<1x16xf32>
      tpu.vector_store %arg8[%swap3A_1106, %swap3A_1107], %swap3A_1110 {strides = array<i32>} : memref<32x1024xf32, #tpu.memory_space<vmem>>, vector<1x16xf32>,
    }
    %scan3A_69 = arith.constant 32 : i32
    %add3A_70 = arith.constant 32 : i32
    %add3A_71 = arith.addi %mul3A_2, %add3A_70 : i32
    "tpu.region"() ({
      %run_scoped3A = tpu.sem_alloc : memref<!tpu.dma_semaphore, #tpu.memory_space<semaphore_mem>>
      %dma_start3A_72 = arith.constant 0 : i32
      %dma_start3A_73 = tpu.memref_slice %arg5[%add3A_71, %dma_start3A_72] : memref<2048x1024xf32, #tpu.memory_space<hbm>> -> memref<32x1024xf32, #tpu.memory_space<hbm>>
      %dma_start3A_74 = arith.constant 0 : i32
      %dma_start3A_75 = tpu.memref_slice %arg5[%add3A_71, %dma_start3A_74] : memref<2048x1024xf32, #tpu.memory_space<hbm>> -> memref<32x1024xf32, #tpu.memory_space<hbm>>
      tpu.enqueue_dma source(%arg8 : memref<32x1024xf32, #tpu.memory_space<vmem>>) target(%dma_start3A_75 : memref<32x1024xf32, #tpu.memory_space<hbm>>) target_semaphore(%run_scoped3A : memref<!tpu.dma_semaphore, #tpu.memory_space<semaphore_mem>>)
      %dma_wait3A_76 = arith.constant 0 : i32
      %dma_wait3A_77 = tpu.memref_slice %arg5[%add3A_71, %dma_wait3A_76] : memref<2048x1024xf32, #tpu.memory_space<hbm>> -> memref<32x1024xf32, #tpu.memory_space<hbm>>
      %dma_wait3A_78 = arith.constant 0 : i32
      %dma_wait3A_79 = tpu.memref_slice %arg5[%add3A_71, %dma_wait3A_78] : memref<2048x1024xf32, #tpu.memory_space<hbm>> -> memref<32x1024xf32, #tpu.memory_space<hbm>>
      tpu.wait_dma2 semaphore(%run_scoped3A : memref<!tpu.dma_semaphore, #tpu.memory_space<semaphore_mem>>) src(%arg8 : memref<32x1024xf32, #tpu.memory_space<vmem>>) dst(%dma_wait3A_79 : memref<32x1024xf32, #tpu.memory_space<hbm>>)
      tpu.yield
    }) : () -> ()
    return
  }
}

#map = affine_map<(d0, d1) -> (0, 0)>
#map1 = affine_map<(d0, d1) -> (0, 0, 0)>
module attributes {stable_mosaic.version = 14 : i64} {
  func.func @_sc_dispatch_body(%arg0: i32, %arg1: i32, %arg2: memref<2048x1024xf32, #tpu.memory_space<hbm>>, %arg3: memref<32x2x64xi32, #tpu.memory_space<hbm>>, %arg4: memref<8960x1024xf32, #tpu.memory_space<hbm>>, %arg5: memref<2x64xi32, #tpu.memory_space<vmem>>, %arg6: memref<64x1024xf32, #tpu.memory_space<vmem>>, %arg7: memref<!tpu.dma_semaphore, #tpu.memory_space<semaphore_mem>>) attributes {dimension_semantics = [#tpu.dimension_semantics<core_parallel>, #tpu.dimension_semantics<subcore_parallel>], iteration_bounds = array<i64: 2, 16>, scalar_prefetch = 0 : i64, scratch_operands = 3 : i64, tpu.core_type = #tpu.core_type<sc_vector_subcore>, window_params = [{transform_indices = #map}, {transform_indices = #map1}, {transform_indices = #map}]} {
    %mul3A = arith.constant 2 : i32
    %mul3A_0 = arith.muli %arg1, %mul3A : i32
    %add3A = arith.addi %mul3A_0, %arg0 : i32
    %mul3A_1 = arith.constant 64 : i32
    %mul3A_2 = arith.muli %add3A, %mul3A_1 : i32
    "tpu.region"() ({
      %run_scoped3A = tpu.sem_alloc : memref<!tpu.dma_semaphore, #tpu.memory_space<semaphore_mem>>
      %dma_start3A_29 = arith.constant 0 : i32
      %dma_start3A_30 = arith.constant 0 : i32
      %dma_start3A_31 = tpu.memref_slice %arg3[%add3A, %dma_start3A_29, %dma_start3A_30] : memref<32x2x64xi32, #tpu.memory_space<hbm>> -> memref<1x2x64xi32, #tpu.memory_space<hbm>>
      %dma_start3A_32 = tpu.memref_squeeze %dma_start3A_31 : memref<1x2x64xi32, #tpu.memory_space<hbm>> -> memref<2x64xi32, #tpu.memory_space<hbm>>
      %dma_start3A_33 = arith.constant 0 : i32
      %dma_start3A_34 = arith.constant 0 : i32
      %dma_start3A_35 = tpu.memref_slice %arg3[%add3A, %dma_start3A_33, %dma_start3A_34] : memref<32x2x64xi32, #tpu.memory_space<hbm>> -> memref<1x2x64xi32, #tpu.memory_space<hbm>>
      %dma_start3A_36 = tpu.memref_squeeze %dma_start3A_35 : memref<1x2x64xi32, #tpu.memory_space<hbm>> -> memref<2x64xi32, #tpu.memory_space<hbm>>
      tpu.enqueue_dma source(%dma_start3A_36 : memref<2x64xi32, #tpu.memory_space<hbm>>) target(%arg5 : memref<2x64xi32, #tpu.memory_space<vmem>>) target_semaphore(%run_scoped3A : memref<!tpu.dma_semaphore, #tpu.memory_space<semaphore_mem>>)
      %dma_wait3A_37 = arith.constant 0 : i32
      %dma_wait3A_38 = arith.constant 0 : i32
      %dma_wait3A_39 = tpu.memref_slice %arg3[%add3A, %dma_wait3A_37, %dma_wait3A_38] : memref<32x2x64xi32, #tpu.memory_space<hbm>> -> memref<1x2x64xi32, #tpu.memory_space<hbm>>
      %dma_wait3A_40 = tpu.memref_squeeze %dma_wait3A_39 : memref<1x2x64xi32, #tpu.memory_space<hbm>> -> memref<2x64xi32, #tpu.memory_space<hbm>>
      %dma_wait3A_41 = arith.constant 0 : i32
      %dma_wait3A_42 = arith.constant 0 : i32
      %dma_wait3A_43 = tpu.memref_slice %arg3[%add3A, %dma_wait3A_41, %dma_wait3A_42] : memref<32x2x64xi32, #tpu.memory_space<hbm>> -> memref<1x2x64xi32, #tpu.memory_space<hbm>>
      %dma_wait3A_44 = tpu.memref_squeeze %dma_wait3A_43 : memref<1x2x64xi32, #tpu.memory_space<hbm>> -> memref<2x64xi32, #tpu.memory_space<hbm>>
      tpu.wait_dma2 semaphore(%run_scoped3A : memref<!tpu.dma_semaphore, #tpu.memory_space<semaphore_mem>>) src(%dma_wait3A_44 : memref<2x64xi32, #tpu.memory_space<hbm>>) dst(%arg5 : memref<2x64xi32, #tpu.memory_space<vmem>>)
      tpu.yield
    }) : () -> ()
    "tpu.region"() ({
      %run_scoped3A = tpu.sem_alloc : memref<!tpu.dma_semaphore, #tpu.memory_space<semaphore_mem>>
      %dma_start3A_29 = arith.constant 0 : i32
      %dma_start3A_30 = tpu.memref_slice %arg2[%mul3A_2, %dma_start3A_29] : memref<2048x1024xf32, #tpu.memory_space<hbm>> -> memref<64x1024xf32, #tpu.memory_space<hbm>>
      %dma_start3A_31 = arith.constant 0 : i32
      %dma_start3A_32 = tpu.memref_slice %arg2[%mul3A_2, %dma_start3A_31] : memref<2048x1024xf32, #tpu.memory_space<hbm>> -> memref<64x1024xf32, #tpu.memory_space<hbm>>
      tpu.enqueue_dma source(%dma_start3A_32 : memref<64x1024xf32, #tpu.memory_space<hbm>>) target(%arg6 : memref<64x1024xf32, #tpu.memory_space<vmem>>) target_semaphore(%run_scoped3A : memref<!tpu.dma_semaphore, #tpu.memory_space<semaphore_mem>>)
      %dma_wait3A_33 = arith.constant 0 : i32
      %dma_wait3A_34 = tpu.memref_slice %arg2[%mul3A_2, %dma_wait3A_33] : memref<2048x1024xf32, #tpu.memory_space<hbm>> -> memref<64x1024xf32, #tpu.memory_space<hbm>>
      %dma_wait3A_35 = arith.constant 0 : i32
      %dma_wait3A_36 = tpu.memref_slice %arg2[%mul3A_2, %dma_wait3A_35] : memref<2048x1024xf32, #tpu.memory_space<hbm>> -> memref<64x1024xf32, #tpu.memory_space<hbm>>
      tpu.wait_dma2 semaphore(%run_scoped3A : memref<!tpu.dma_semaphore, #tpu.memory_space<semaphore_mem>>) src(%dma_wait3A_36 : memref<64x1024xf32, #tpu.memory_space<hbm>>) dst(%arg6 : memref<64x1024xf32, #tpu.memory_space<vmem>>)
      tpu.yield
    }) : () -> ()
    %dma_start3A = arith.constant 0 : i32
    %dma_start3A_3 = arith.constant 0 : i32
    %dma_start3A_4 = tpu.memref_slice %arg5[%dma_start3A, %dma_start3A_3] : memref<2x64xi32, #tpu.memory_space<vmem>> -> memref<1x64xi32, #tpu.memory_space<vmem>>
    %dma_start3A_5 = tpu.memref_squeeze %dma_start3A_4 : memref<1x64xi32, #tpu.memory_space<vmem>> -> memref<64xi32, #tpu.memory_space<vmem>>
    %dma_start3A_6 = arith.constant 0 : i32
    %dma_start3A_7 = arith.constant 0 : i32
    %dma_start3A_8 = tpu.memref_slice %arg4[%dma_start3A_6, %dma_start3A_7] : memref<8960x1024xf32, #tpu.memory_space<hbm>> -> memref<8960x1024xf32, #tpu.memory_space<hbm>>
    tpu.enqueue_indirect_dma source(%arg6 : memref<64x1024xf32, #tpu.memory_space<vmem>>) target(%dma_start3A_8 : memref<8960x1024xf32, #tpu.memory_space<hbm>>) offsets(%dma_start3A_5 : memref<64xi32, #tpu.memory_space<vmem>>) semaphore(%arg7 : memref<!tpu.dma_semaphore, #tpu.memory_space<semaphore_mem>>)
    %dma_wait3A = arith.constant 0 : i32
    %dma_wait3A_9 = arith.constant 0 : i32
    %dma_wait3A_10 = tpu.memref_slice %arg5[%dma_wait3A, %dma_wait3A_9] : memref<2x64xi32, #tpu.memory_space<vmem>> -> memref<1x64xi32, #tpu.memory_space<vmem>>
    %dma_wait3A_11 = tpu.memref_squeeze %dma_wait3A_10 : memref<1x64xi32, #tpu.memory_space<vmem>> -> memref<64xi32, #tpu.memory_space<vmem>>
    %dma_wait3A_12 = arith.constant 0 : i32
    %dma_wait3A_13 = arith.constant 0 : i32
    %dma_wait3A_14 = tpu.memref_slice %arg4[%dma_wait3A_12, %dma_wait3A_13] : memref<8960x1024xf32, #tpu.memory_space<hbm>> -> memref<8960x1024xf32, #tpu.memory_space<hbm>>
    tpu.wait_indirect_dma semaphore(%arg7 : memref<!tpu.dma_semaphore, #tpu.memory_space<semaphore_mem>>) src(%arg6 : memref<64x1024xf32, #tpu.memory_space<vmem>>) dst(%dma_wait3A_14 : memref<8960x1024xf32, #tpu.memory_space<hbm>>)
    %dma_start3A_15 = arith.constant 1 : i32
    %dma_start3A_16 = arith.constant 0 : i32
    %dma_start3A_17 = tpu.memref_slice %arg5[%dma_start3A_15, %dma_start3A_16] : memref<2x64xi32, #tpu.memory_space<vmem>> -> memref<1x64xi32, #tpu.memory_space<vmem>>
    %dma_start3A_18 = tpu.memref_squeeze %dma_start3A_17 : memref<1x64xi32, #tpu.memory_space<vmem>> -> memref<64xi32, #tpu.memory_space<vmem>>
    %dma_start3A_19 = arith.constant 0 : i32
    %dma_start3A_20 = arith.constant 0 : i32
    %dma_start3A_21 = tpu.memref_slice %arg4[%dma_start3A_19, %dma_start3A_20] : memref<8960x1024xf32, #tpu.memory_space<hbm>> -> memref<8960x1024xf32, #tpu.memory_space<hbm>>
    tpu.enqueue_indirect_dma source(%arg6 : memref<64x1024xf32, #tpu.memory_space<vmem>>) target(%dma_start3A_21 : memref<8960x1024xf32, #tpu.memory_space<hbm>>) offsets(%dma_start3A_18 : memref<64xi32, #tpu.memory_space<vmem>>) semaphore(%arg7 : memref<!tpu.dma_semaphore, #tpu.memory_space<semaphore_mem>>)
    %dma_wait3A_22 = arith.constant 1 : i32
    %dma_wait3A_23 = arith.constant 0 : i32
    %dma_wait3A_24 = tpu.memref_slice %arg5[%dma_wait3A_22, %dma_wait3A_23] : memref<2x64xi32, #tpu.memory_space<vmem>> -> memref<1x64xi32, #tpu.memory_space<vmem>>
    %dma_wait3A_25 = tpu.memref_squeeze %dma_wait3A_24 : memref<1x64xi32, #tpu.memory_space<vmem>> -> memref<64xi32, #tpu.memory_space<vmem>>
    %dma_wait3A_26 = arith.constant 0 : i32
    %dma_wait3A_27 = arith.constant 0 : i32
    %dma_wait3A_28 = tpu.memref_slice %arg4[%dma_wait3A_26, %dma_wait3A_27] : memref<8960x1024xf32, #tpu.memory_space<hbm>> -> memref<8960x1024xf32, #tpu.memory_space<hbm>>
    tpu.wait_indirect_dma semaphore(%arg7 : memref<!tpu.dma_semaphore, #tpu.memory_space<semaphore_mem>>) src(%arg6 : memref<64x1024xf32, #tpu.memory_space<vmem>>) dst(%dma_wait3A_28 : memref<8960x1024xf32, #tpu.memory_space<hbm>>)
    return
  }
}

module attributes {stable_mosaic.version = 14 : i64} {
  func.func @_router_kernel(%arg0: memref<2048x1024xf32, #tpu.memory_space<vmem>>, %arg1: memref<8x1024xf32, #tpu.memory_space<vmem>>, %arg2: memref<2048x1xi32, #tpu.memory_space<vmem>>, %arg3: memref<2048x1xi32, #tpu.memory_space<vmem>>, %arg4: memref<2048x16xf32, #tpu.memory_space<vmem>>, %arg5: memref<2048x16xf32, #tpu.memory_space<vmem>>, %arg6: memref<14x1xi32, #tpu.memory_space<vmem>>, %arg7: memref<14x1xi32, #tpu.memory_space<vmem>>, %arg8: memref<14x1xi32, #tpu.memory_space<vmem>>) attributes {dimension_semantics = [], scalar_prefetch = 0 : i64, scratch_operands = 0 : i64, tpu.core_type = #tpu.core_type<tc>} {
    %get3A = arith.constant 0 : index
    %get3A_0 = arith.constant 0 : index
    %get3A_1 = vector.load %arg0[%get3A, %get3A_0] : memref<2048x1024xf32, #tpu.memory_space<vmem>>, vector<2048x1024xf32>
    %get3A_2 = arith.constant 0 : index
    %get3A_3 = arith.constant 0 : index
    %get3A_4 = vector.load %arg1[%get3A_2, %get3A_3] : memref<8x1024xf32, #tpu.memory_space<vmem>>, vector<8x1024xf32>
    %dot_general3A = arith.constant dense<0.000000e+00> : vector<2048x8xf32>
    %dot_general3A_5 = tpu.matmul %get3A_1, %get3A_4, %dot_general3A {dimension_numbers = #tpu.dot_dimension_numbers<[1], [1], [0], [0], [0, 0, 1, 0], [], []>, transpose_lhs_hint = false} : vector<2048x1024xf32>, vector<8x1024xf32>, vector<2048x8xf32> -> vector<2048x8xf32>
    %reduce_max3A = arith.constant dense<0xFF800000> : vector<2048xf32>
    %reduce_max3A_6 = vector.multi_reduction <maximumf>, %dot_general3A_5, %reduce_max3A [1] : vector<2048x8xf32> to vector<2048xf32>
    %broadcast_in_dim3A = vector.shape_cast %reduce_max3A_6 : vector<2048xf32> to vector<2048x1xf32>
    %sub3A = vector.broadcast %broadcast_in_dim3A : vector<2048x1xf32> to vector<2048x8xf32>
    %sub3A_7 = arith.subf %dot_general3A_5, %sub3A : vector<2048x8xf32>
    %exp3A = math.exp %sub3A_7 : vector<2048x8xf32>
    %reduce_sum3A = arith.constant dense<0.000000e+00> : vector<2048xf32>
    %reduce_sum3A_8 = vector.multi_reduction <add>, %exp3A, %reduce_sum3A [1] : vector<2048x8xf32> to vector<2048xf32>
    %broadcast_in_dim3A_9 = vector.shape_cast %reduce_sum3A_8 : vector<2048xf32> to vector<2048x1xf32>
    %div3A = vector.broadcast %broadcast_in_dim3A_9 : vector<2048x1xf32> to vector<2048x8xf32>
    %div3A_10 = arith.divf %exp3A, %div3A : vector<2048x8xf32>
    %iota3A = tpu.iota {dimensions = array<i32: 1>} : vector<2048x8xi32>
    %reduce_max3A_11 = arith.constant dense<0xFF800000> : vector<2048xf32>
    %reduce_max3A_12 = vector.multi_reduction <maximumf>, %div3A_10, %reduce_max3A_11 [1] : vector<2048x8xf32> to vector<2048xf32>
    %broadcast_in_dim3A_13 = vector.shape_cast %reduce_max3A_12 : vector<2048xf32> to vector<2048x1xf32>
    %eq3A = vector.broadcast %broadcast_in_dim3A_13 : vector<2048x1xf32> to vector<2048x8xf32>
    %eq3A_14 = arith.cmpf oeq, %div3A_10, %eq3A : vector<2048x8xf32>
    %jit3A = arith.constant 8 : i32
    %broadcast_in_dim3A_15 = vector.broadcast %jit3A : i32 to vector<2048x8xi32>
    %select_n3A = arith.select %eq3A_14, %iota3A, %broadcast_in_dim3A_15 : vector<2048x8xi1>, vector<2048x8xi32>
    %reduce_min3A = arith.constant dense<2147483647> : vector<2048xi32>
    %reduce_min3A_16 = vector.multi_reduction <minsi>, %select_n3A, %reduce_min3A [1] : vector<2048x8xi32> to vector<2048xi32>
    %broadcast_in_dim3A_17 = vector.shape_cast %reduce_min3A_16 : vector<2048xi32> to vector<2048x1xi32>
    %eq3A_18 = vector.broadcast %broadcast_in_dim3A_17 : vector<2048x1xi32> to vector<2048x8xi32>
    %eq3A_19 = arith.cmpi eq, %iota3A, %eq3A_18 : vector<2048x8xi32>
    %jit3A_20 = arith.constant -1.000000e+00 : f32
    %broadcast_in_dim3A_21 = vector.broadcast %jit3A_20 : f32 to vector<2048x8xf32>
    %select_n3A_22 = arith.select %eq3A_19, %broadcast_in_dim3A_21, %div3A_10 : vector<2048x8xi1>, vector<2048x8xf32>
    %reduce_max3A_23 = arith.constant dense<0xFF800000> : vector<2048xf32>
    %reduce_max3A_24 = vector.multi_reduction <maximumf>, %select_n3A_22, %reduce_max3A_23 [1] : vector<2048x8xf32> to vector<2048xf32>
    %broadcast_in_dim3A_25 = vector.shape_cast %reduce_max3A_24 : vector<2048xf32> to vector<2048x1xf32>
    %eq3A_26 = vector.broadcast %broadcast_in_dim3A_25 : vector<2048x1xf32> to vector<2048x8xf32>
    %eq3A_27 = arith.cmpf oeq, %select_n3A_22, %eq3A_26 : vector<2048x8xf32>
    %jit3A_28 = arith.constant 8 : i32
    %broadcast_in_dim3A_29 = vector.broadcast %jit3A_28 : i32 to vector<2048x8xi32>
    %select_n3A_30 = arith.select %eq3A_27, %iota3A, %broadcast_in_dim3A_29 : vector<2048x8xi1>, vector<2048x8xi32>
    %reduce_min3A_31 = arith.constant dense<2147483647> : vector<2048xi32>
    %reduce_min3A_32 = vector.multi_reduction <minsi>, %select_n3A_30, %reduce_min3A_31 [1] : vector<2048x8xi32> to vector<2048xi32>
    %broadcast_in_dim3A_33 = vector.shape_cast %reduce_min3A_32 : vector<2048xi32> to vector<2048x1xi32>
    %add3A = arith.addf %broadcast_in_dim3A_13, %broadcast_in_dim3A_25 : vector<2048x1xf32>
    %div3A_34 = arith.divf %broadcast_in_dim3A_13, %add3A : vector<2048x1xf32>
    %broadcast_in_dim3A_35 = vector.shape_cast %div3A_34 : vector<2048x1xf32> to vector<2048x1xf32>
    %broadcast_in_dim3A_36 = vector.broadcast %broadcast_in_dim3A_35 : vector<2048x1xf32> to vector<2048x16xf32>
    %swap3A = arith.constant 0 : index
    %swap3A_37 = arith.constant 0 : index
    %swap3A_38 = vector.load %arg4[%swap3A, %swap3A_37] : memref<2048x16xf32, #tpu.memory_space<vmem>>, vector<2048x16xf32>
    tpu.vector_store %arg4[%swap3A, %swap3A_37], %broadcast_in_dim3A_36 {strides = array<i32>} : memref<2048x16xf32, #tpu.memory_space<vmem>>, vector<2048x16xf32>,
    %div3A_39 = arith.divf %broadcast_in_dim3A_25, %add3A : vector<2048x1xf32>
    %broadcast_in_dim3A_40 = vector.shape_cast %div3A_39 : vector<2048x1xf32> to vector<2048x1xf32>
    %broadcast_in_dim3A_41 = vector.broadcast %broadcast_in_dim3A_40 : vector<2048x1xf32> to vector<2048x16xf32>
    %swap3A_42 = arith.constant 0 : index
    %swap3A_43 = arith.constant 0 : index
    %swap3A_44 = vector.load %arg5[%swap3A_42, %swap3A_43] : memref<2048x16xf32, #tpu.memory_space<vmem>>, vector<2048x16xf32>
    tpu.vector_store %arg5[%swap3A_42, %swap3A_43], %broadcast_in_dim3A_41 {strides = array<i32>} : memref<2048x16xf32, #tpu.memory_space<vmem>>, vector<2048x16xf32>,
    %eq3A_45 = vector.broadcast %broadcast_in_dim3A_17 : vector<2048x1xi32> to vector<2048x8xi32>
    %eq3A_46 = arith.cmpi eq, %iota3A, %eq3A_45 : vector<2048x8xi32>
    %eq3A_47 = vector.broadcast %broadcast_in_dim3A_33 : vector<2048x1xi32> to vector<2048x8xi32>
    %eq3A_48 = arith.cmpi eq, %iota3A, %eq3A_47 : vector<2048x8xi32>
    %or3A = arith.ori %eq3A_46, %eq3A_48 : vector<2048x8xi1>
    %convert_element_type3A = arith.extui %or3A : vector<2048x8xi1> to vector<2048x8xi32>
    %convert_element_type3A_49 = arith.sitofp %convert_element_type3A : vector<2048x8xi32> to vector<2048x8xf32>
    %iota3A_50 = tpu.iota {dimensions = array<i32: 0>} : vector<2048x2048xi32>
    %iota3A_51 = tpu.iota {dimensions = array<i32: 1>} : vector<2048x2048xi32>
    %lt3A = arith.cmpi slt, %iota3A_51, %iota3A_50 : vector<2048x2048xi32>
    %convert_element_type3A_52 = arith.extui %lt3A : vector<2048x2048xi1> to vector<2048x2048xi32>
    %convert_element_type3A_53 = arith.sitofp %convert_element_type3A_52 : vector<2048x2048xi32> to vector<2048x2048xf32>
    %dot_general3A_54 = arith.constant dense<0.000000e+00> : vector<2048x8xf32>
    %dot_general3A_55 = tpu.matmul %convert_element_type3A_53, %convert_element_type3A_49, %dot_general3A_54 {dimension_numbers = #tpu.dot_dimension_numbers<[1], [0], [0], [1], [0, 0, 1, 1], [], []>, transpose_lhs_hint = false} : vector<2048x2048xf32>, vector<2048x8xf32>, vector<2048x8xf32> -> vector<2048x8xf32>
    %reduce_sum3A_56 = arith.constant dense<0.000000e+00> : vector<8xf32>
    %reduce_sum3A_57 = vector.multi_reduction <add>, %convert_element_type3A_49, %reduce_sum3A_56 [0] : vector<2048x8xf32> to vector<8xf32>
    %broadcast_in_dim3A_58 = vector.shape_cast %reduce_sum3A_57 : vector<8xf32> to vector<1x8xf32>
    %add3A_59 = arith.constant 6.390000e+02 : f32
    %add3A_60 = vector.broadcast %add3A_59 : f32 to vector<1x8xf32>
    %add3A_61 = arith.addf %broadcast_in_dim3A_58, %add3A_60 : vector<1x8xf32>
    %mul3A = arith.constant 1.562500e-03 : f32
    %mul3A_62 = vector.broadcast %mul3A : f32 to vector<1x8xf32>
    %mul3A_63 = arith.mulf %add3A_61, %mul3A_62 : vector<1x8xf32>
    %floor3A = math.floor %mul3A_63 : vector<1x8xf32>
    %iota3A_64 = tpu.iota {dimensions = array<i32: 0>} : vector<8x8xi32>
    %iota3A_65 = tpu.iota {dimensions = array<i32: 1>} : vector<8x8xi32>
    %lt3A_66 = arith.cmpi slt, %iota3A_64, %iota3A_65 : vector<8x8xi32>
    %convert_element_type3A_67 = arith.extui %lt3A_66 : vector<8x8xi1> to vector<8x8xi32>
    %convert_element_type3A_68 = arith.sitofp %convert_element_type3A_67 : vector<8x8xi32> to vector<8x8xf32>
    %dot_general3A_69 = arith.constant dense<0.000000e+00> : vector<1x8xf32>
    %dot_general3A_70 = tpu.matmul %floor3A, %convert_element_type3A_68, %dot_general3A_69 {dimension_numbers = #tpu.dot_dimension_numbers<[1], [0], [0], [1], [0, 0, 1, 1], [], []>, transpose_lhs_hint = false} : vector<1x8xf32>, vector<8x8xf32>, vector<1x8xf32> -> vector<1x8xf32>
    %reduce_sum3A_71 = arith.constant dense<0.000000e+00> : vector<1xf32>
    %reduce_sum3A_72 = vector.multi_reduction <add>, %floor3A, %reduce_sum3A_71 [1] : vector<1x8xf32> to vector<1xf32>
    %broadcast_in_dim3A_73 = vector.shape_cast %reduce_sum3A_72 : vector<1xf32> to vector<1x1xf32>
    %mul3A_74 = arith.constant 6.400000e+02 : f32
    %mul3A_75 = vector.broadcast %mul3A_74 : f32 to vector<1x8xf32>
    %mul3A_76 = arith.mulf %dot_general3A_70, %mul3A_75 : vector<1x8xf32>
    %jit3A_77 = arith.constant 0.000000e+00 : f32
    %broadcast_in_dim3A_78 = vector.broadcast %jit3A_77 : f32 to vector<2048x8xf32>
    %select_n3A_79 = arith.select %eq3A_46, %dot_general3A_55, %broadcast_in_dim3A_78 : vector<2048x8xi1>, vector<2048x8xf32>
    %reduce_sum3A_80 = arith.constant dense<0.000000e+00> : vector<2048xf32>
    %reduce_sum3A_81 = vector.multi_reduction <add>, %select_n3A_79, %reduce_sum3A_80 [1] : vector<2048x8xf32> to vector<2048xf32>
    %broadcast_in_dim3A_82 = vector.shape_cast %reduce_sum3A_81 : vector<2048xf32> to vector<2048x1xf32>
    %jit3A_83 = arith.constant 0.000000e+00 : f32
    %broadcast_in_dim3A_84 = vector.broadcast %jit3A_83 : f32 to vector<2048x8xf32>
    %select_n3A_85 = arith.select %eq3A_48, %dot_general3A_55, %broadcast_in_dim3A_84 : vector<2048x8xi1>, vector<2048x8xf32>
    %reduce_sum3A_86 = arith.constant dense<0.000000e+00> : vector<2048xf32>
    %reduce_sum3A_87 = vector.multi_reduction <add>, %select_n3A_85, %reduce_sum3A_86 [1] : vector<2048x8xf32> to vector<2048xf32>
    %broadcast_in_dim3A_88 = vector.shape_cast %reduce_sum3A_87 : vector<2048xf32> to vector<2048x1xf32>
    %jit3A_89 = arith.constant 0.000000e+00 : f32
    %broadcast_in_dim3A_90 = vector.shape_cast %mul3A_76 : vector<1x8xf32> to vector<1x8xf32>
    %broadcast_in_dim3A_91 = vector.broadcast %broadcast_in_dim3A_90 : vector<1x8xf32> to vector<2048x8xf32>
    %broadcast_in_dim3A_92 = vector.broadcast %jit3A_89 : f32 to vector<2048x8xf32>
    %select_n3A_93 = arith.select %eq3A_46, %broadcast_in_dim3A_91, %broadcast_in_dim3A_92 : vector<2048x8xi1>, vector<2048x8xf32>
    %reduce_sum3A_94 = arith.constant dense<0.000000e+00> : vector<2048xf32>
    %reduce_sum3A_95 = vector.multi_reduction <add>, %select_n3A_93, %reduce_sum3A_94 [1] : vector<2048x8xf32> to vector<2048xf32>
    %broadcast_in_dim3A_96 = vector.shape_cast %reduce_sum3A_95 : vector<2048xf32> to vector<2048x1xf32>
    %jit3A_97 = arith.constant 0.000000e+00 : f32
    %broadcast_in_dim3A_98 = vector.shape_cast %mul3A_76 : vector<1x8xf32> to vector<1x8xf32>
    %broadcast_in_dim3A_99 = vector.broadcast %broadcast_in_dim3A_98 : vector<1x8xf32> to vector<2048x8xf32>
    %broadcast_in_dim3A_100 = vector.broadcast %jit3A_97 : f32 to vector<2048x8xf32>
    %select_n3A_101 = arith.select %eq3A_48, %broadcast_in_dim3A_99, %broadcast_in_dim3A_100 : vector<2048x8xi1>, vector<2048x8xf32>
    %reduce_sum3A_102 = arith.constant dense<0.000000e+00> : vector<2048xf32>
    %reduce_sum3A_103 = vector.multi_reduction <add>, %select_n3A_101, %reduce_sum3A_102 [1] : vector<2048x8xf32> to vector<2048xf32>
    %broadcast_in_dim3A_104 = vector.shape_cast %reduce_sum3A_103 : vector<2048xf32> to vector<2048x1xf32>
    %add3A_105 = arith.addf %broadcast_in_dim3A_96, %broadcast_in_dim3A_82 : vector<2048x1xf32>
    %convert_element_type3A_106 = arith.fptosi %add3A_105 : vector<2048x1xf32> to vector<2048x1xi32>
    %swap3A_107 = arith.constant 0 : index
    %swap3A_108 = arith.constant 0 : index
    %swap3A_109 = vector.load %arg2[%swap3A_107, %swap3A_108] : memref<2048x1xi32, #tpu.memory_space<vmem>>, vector<2048x1xi32>
    tpu.vector_store %arg2[%swap3A_107, %swap3A_108], %convert_element_type3A_106 {strides = array<i32>} : memref<2048x1xi32, #tpu.memory_space<vmem>>, vector<2048x1xi32>,
    %add3A_110 = arith.addf %broadcast_in_dim3A_104, %broadcast_in_dim3A_88 : vector<2048x1xf32>
    %convert_element_type3A_111 = arith.fptosi %add3A_110 : vector<2048x1xf32> to vector<2048x1xi32>
    %swap3A_112 = arith.constant 0 : index
    %swap3A_113 = arith.constant 0 : index
    %swap3A_114 = vector.load %arg3[%swap3A_112, %swap3A_113] : memref<2048x1xi32, #tpu.memory_space<vmem>>, vector<2048x1xi32>
    tpu.vector_store %arg3[%swap3A_112, %swap3A_113], %convert_element_type3A_111 {strides = array<i32>} : memref<2048x1xi32, #tpu.memory_space<vmem>>, vector<2048x1xi32>,
    %iota3A_115 = tpu.iota {dimensions = array<i32: 0>} : vector<14x8xi32>
    %convert_element_type3A_116 = arith.fptosi %broadcast_in_dim3A_73 : vector<1x1xf32> to vector<1x1xi32>
    %sub3A_117 = arith.constant 1 : i32
    %sub3A_118 = vector.broadcast %sub3A_117 : i32 to vector<1x1xi32>
    %sub3A_119 = arith.subi %convert_element_type3A_116, %sub3A_118 : vector<1x1xi32>
    %min3A = vector.broadcast %sub3A_119 : vector<1x1xi32> to vector<14x8xi32>
    %min3A_120 = arith.minsi %iota3A_115, %min3A : vector<14x8xi32>
    %convert_element_type3A_121 = arith.fptosi %dot_general3A_70 : vector<1x8xf32> to vector<1x8xi32>
    %le3A = vector.broadcast %convert_element_type3A_121 : vector<1x8xi32> to vector<14x8xi32>
    %le3A_122 = arith.cmpi sle, %le3A, %min3A_120 : vector<14x8xi32>
    %convert_element_type3A_123 = arith.extui %le3A_122 : vector<14x8xi1> to vector<14x8xi32>
    %reduce_sum3A_124 = arith.constant dense<0> : vector<14xi32>
    %reduce_sum3A_125 = vector.multi_reduction <add>, %convert_element_type3A_123, %reduce_sum3A_124 [1] : vector<14x8xi32> to vector<14xi32>
    %broadcast_in_dim3A_126 = vector.shape_cast %reduce_sum3A_125 : vector<14xi32> to vector<14x1xi32>
    %sub3A_127 = arith.constant 1 : i32
    %sub3A_128 = vector.broadcast %sub3A_127 : i32 to vector<14x1xi32>
    %sub3A_129 = arith.subi %broadcast_in_dim3A_126, %sub3A_128 : vector<14x1xi32>
    %swap3A_130 = arith.constant 0 : index
    %swap3A_131 = arith.constant 0 : index
    %swap3A_132 = vector.load %arg6[%swap3A_130, %swap3A_131] : memref<14x1xi32, #tpu.memory_space<vmem>>, vector<14x1xi32>
    tpu.vector_store %arg6[%swap3A_130, %swap3A_131], %sub3A_129 {strides = array<i32>} : memref<14x1xi32, #tpu.memory_space<vmem>>, vector<14x1xi32>,
    %slice3A = vector.extract_strided_slice %iota3A_115 {offsets = [0, 0], sizes = [14, 1], strides = [1, 1]} : vector<14x8xi32> to vector<14x1xi32>
    %lt3A_133 = vector.broadcast %convert_element_type3A_116 : vector<1x1xi32> to vector<14x1xi32>
    %lt3A_134 = arith.cmpi slt, %slice3A, %lt3A_133 : vector<14x1xi32>
    %convert_element_type3A_135 = arith.extui %lt3A_134 : vector<14x1xi1> to vector<14x1xi32>
    %swap3A_136 = arith.constant 0 : index
    %swap3A_137 = arith.constant 0 : index
    %swap3A_138 = vector.load %arg7[%swap3A_136, %swap3A_137] : memref<14x1xi32, #tpu.memory_space<vmem>>, vector<14x1xi32>
    tpu.vector_store %arg7[%swap3A_136, %swap3A_137], %convert_element_type3A_135 {strides = array<i32>} : memref<14x1xi32, #tpu.memory_space<vmem>>, vector<14x1xi32>,
    %slice3A_139 = vector.extract_strided_slice %min3A_120 {offsets = [0, 0], sizes = [14, 1], strides = [1, 1]} : vector<14x8xi32> to vector<14x1xi32>
    %swap3A_140 = arith.constant 0 : index
    %swap3A_141 = arith.constant 0 : index
    %swap3A_142 = vector.load %arg8[%swap3A_140, %swap3A_141] : memref<14x1xi32, #tpu.memory_space<vmem>>, vector<14x1xi32>
    tpu.vector_store %arg8[%swap3A_140, %swap3A_141], %slice3A_139 {strides = array<i32>} : memref<14x1xi32, #tpu.memory_space<vmem>>, vector<14x1xi32>,
    return
  }
}

module attributes {stable_mosaic.version = 14 : i64} {
  func.func @_mlp_kernel(%arg0: i32, %arg1: i32, %arg2: memref<14xi32, #tpu.memory_space<smem>>, %arg3: memref<14xi32, #tpu.memory_space<smem>>, %arg4: memref<14xi32, #tpu.memory_space<smem>>, %arg5: memref<640x1024xf32, #tpu.memory_space<vmem>>, %arg6: memref<1x1792x1024xf32, #tpu.memory_space<vmem>>, %arg7: memref<1x1792x1024xf32, #tpu.memory_space<vmem>>, %arg8: memref<1x1024x1792xf32, #tpu.memory_space<vmem>>, %arg9: memref<640x1024xf32, #tpu.memory_space<vmem>>, %arg10: memref<640x1024xf32, #tpu.memory_space<vmem>>) attributes {dimension_semantics = [#tpu.dimension_semantics<arbitrary>, #tpu.dimension_semantics<arbitrary>], iteration_bounds = array<i64: 14, 2>, scalar_prefetch = 3 : i64, scratch_operands = 1 : i64, tpu.core_type = #tpu.core_type<tc>, window_params = [{transform_indices = @transform_0, window_bounds = array<i64: 640, 1024>}, {transform_indices = @transform_1, window_bounds = array<i64: 1, 1792, 1024>}, {transform_indices = @transform_2, window_bounds = array<i64: 1, 1792, 1024>}, {transform_indices = @transform_3, window_bounds = array<i64: 1, 1024, 1792>}, {transform_indices = @transform_4, window_bounds = array<i64: 640, 1024>}]} {
    %get3A = arith.index_cast %arg0 : i32 to index
    %get3A_0 = memref.load %arg3[%get3A] : memref<14xi32, #tpu.memory_space<smem>>
    %ne3A = arith.constant 0 : i32
    %ne3A_1 = arith.cmpi ne, %get3A_0, %ne3A : i32
    %convert_element_type3A = arith.extui %ne3A_1 : i1 to i32
    %cond3A = arith.constant 0 : i32
    %cond3A_2 = arith.cmpi ne, %convert_element_type3A, %cond3A : i32
    scf.if %cond3A_2 {
      %get3A_3 = arith.constant 0 : index
      %get3A_4 = arith.constant 0 : index
      %get3A_5 = vector.load %arg5[%get3A_3, %get3A_4] : memref<640x1024xf32, #tpu.memory_space<vmem>>, vector<640x1024xf32>
      %get3A_6 = arith.constant 0 : index
      %get3A_7 = arith.constant 0 : index
      %get3A_8 = arith.constant 0 : index
      %get3A_9 = vector.load %arg6[%get3A_6, %get3A_7, %get3A_8] : memref<1x1792x1024xf32, #tpu.memory_space<vmem>>, vector<1x1792x1024xf32>
      %get3A_10 = vector.shape_cast %get3A_9 : vector<1x1792x1024xf32> to vector<1792x1024xf32>
      %get3A_11 = arith.constant 0 : index
      %get3A_12 = arith.constant 0 : index
      %get3A_13 = arith.constant 0 : index
      %get3A_14 = vector.load %arg7[%get3A_11, %get3A_12, %get3A_13] : memref<1x1792x1024xf32, #tpu.memory_space<vmem>>, vector<1x1792x1024xf32>
      %get3A_15 = vector.shape_cast %get3A_14 : vector<1x1792x1024xf32> to vector<1792x1024xf32>
      %dot_general3A = arith.constant dense<0.000000e+00> : vector<640x1792xf32>
      %dot_general3A_16 = tpu.matmul %get3A_5, %get3A_10, %dot_general3A {dimension_numbers = #tpu.dot_dimension_numbers<[1], [1], [0], [0], [0, 0, 1, 0], [], []>, transpose_lhs_hint = false} : vector<640x1024xf32>, vector<1792x1024xf32>, vector<640x1792xf32> -> vector<640x1792xf32>
      %dot_general3A_17 = arith.constant dense<0.000000e+00> : vector<640x1792xf32>
      %dot_general3A_18 = tpu.matmul %get3A_5, %get3A_15, %dot_general3A_17 {dimension_numbers = #tpu.dot_dimension_numbers<[1], [1], [0], [0], [0, 0, 1, 0], [], []>, transpose_lhs_hint = false} : vector<640x1024xf32>, vector<1792x1024xf32>, vector<640x1792xf32> -> vector<640x1792xf32>
      %logistic3A = arith.negf %dot_general3A_16 : vector<640x1792xf32>
      %logistic3A_19 = math.exp %logistic3A : vector<640x1792xf32>
      %logistic3A_20 = arith.constant 1.000000e+00 : f32
      %logistic3A_21 = vector.broadcast %logistic3A_20 : f32 to vector<640x1792xf32>
      %logistic3A_22 = arith.addf %logistic3A_21, %logistic3A_19 : vector<640x1792xf32>
      %logistic3A_23 = arith.divf %logistic3A_21, %logistic3A_22 : vector<640x1792xf32>
      %mul3A = arith.mulf %dot_general3A_16, %logistic3A_23 : vector<640x1792xf32>
      %mul3A_24 = arith.mulf %mul3A, %dot_general3A_18 : vector<640x1792xf32>
      %get3A_25 = arith.constant 0 : index
      %get3A_26 = arith.constant 0 : index
      %get3A_27 = arith.constant 0 : index
      %get3A_28 = vector.load %arg8[%get3A_25, %get3A_26, %get3A_27] : memref<1x1024x1792xf32, #tpu.memory_space<vmem>>, vector<1x1024x1792xf32>
      %get3A_29 = vector.shape_cast %get3A_28 : vector<1x1024x1792xf32> to vector<1024x1792xf32>
      %dot_general3A_30 = arith.constant dense<0.000000e+00> : vector<640x1024xf32>
      %dot_general3A_31 = tpu.matmul %mul3A_24, %get3A_29, %dot_general3A_30 {dimension_numbers = #tpu.dot_dimension_numbers<[1], [1], [0], [0], [0, 0, 1, 0], [], []>, transpose_lhs_hint = false} : vector<640x1792xf32>, vector<1024x1792xf32>, vector<640x1024xf32> -> vector<640x1024xf32>
      %eq3A = arith.constant 0 : i32
      %eq3A_32 = arith.cmpi eq, %arg1, %eq3A : i32
      %convert_element_type3A_33 = arith.extui %eq3A_32 : i1 to i32
      %cond3A_34 = arith.constant 0 : i32
      %cond3A_35 = arith.cmpi ne, %convert_element_type3A_33, %cond3A_34 : i32
      scf.if %cond3A_35 {
        %swap3A = arith.constant 0 : index
        %swap3A_45 = arith.constant 0 : index
        %swap3A_46 = vector.load %arg10[%swap3A, %swap3A_45] : memref<640x1024xf32, #tpu.memory_space<vmem>>, vector<640x1024xf32>
        tpu.vector_store %arg10[%swap3A, %swap3A_45], %dot_general3A_31 {strides = array<i32>} : memref<640x1024xf32, #tpu.memory_space<vmem>>, vector<640x1024xf32>,
      } else {
      }
      %gt3A = arith.constant 0 : i32
      %gt3A_36 = arith.cmpi sgt, %arg1, %gt3A : i32
      %convert_element_type3A_37 = arith.extui %gt3A_36 : i1 to i32
      %cond3A_38 = arith.constant 0 : i32
      %cond3A_39 = arith.cmpi ne, %convert_element_type3A_37, %cond3A_38 : i32
      scf.if %cond3A_39 {
        %get3A_45 = arith.constant 0 : index
        %get3A_46 = arith.constant 0 : index
        %get3A_47 = vector.load %arg10[%get3A_45, %get3A_46] : memref<640x1024xf32, #tpu.memory_space<vmem>>, vector<640x1024xf32>
        %add3A = arith.addf %get3A_47, %dot_general3A_31 : vector<640x1024xf32>
        %swap3A = arith.constant 0 : index
        %swap3A_48 = arith.constant 0 : index
        %swap3A_49 = vector.load %arg10[%swap3A, %swap3A_48] : memref<640x1024xf32, #tpu.memory_space<vmem>>, vector<640x1024xf32>
        tpu.vector_store %arg10[%swap3A, %swap3A_48], %add3A {strides = array<i32>} : memref<640x1024xf32, #tpu.memory_space<vmem>>, vector<640x1024xf32>,
      } else {
      }
      %eq3A_40 = arith.constant 1 : i32
      %eq3A_41 = arith.cmpi eq, %arg1, %eq3A_40 : i32
      %convert_element_type3A_42 = arith.extui %eq3A_41 : i1 to i32
      %cond3A_43 = arith.constant 0 : i32
      %cond3A_44 = arith.cmpi ne, %convert_element_type3A_42, %cond3A_43 : i32
      scf.if %cond3A_44 {
        %get3A_45 = arith.constant 0 : index
        %get3A_46 = arith.constant 0 : index
        %get3A_47 = vector.load %arg10[%get3A_45, %get3A_46] : memref<640x1024xf32, #tpu.memory_space<vmem>>, vector<640x1024xf32>
        %swap3A = arith.constant 0 : index
        %swap3A_48 = arith.constant 0 : index
        %swap3A_49 = vector.load %arg9[%swap3A, %swap3A_48] : memref<640x1024xf32, #tpu.memory_space<vmem>>, vector<640x1024xf32>
        tpu.vector_store %arg9[%swap3A, %swap3A_48], %get3A_47 {strides = array<i32>} : memref<640x1024xf32, #tpu.memory_space<vmem>>, vector<640x1024xf32>,
      } else {
      }
    } else {
    }
    return
  }
  func.func @transform_0(%arg0: i32, %arg1: i32, %arg2: memref<14xi32, #tpu.memory_space<smem>>, %arg3: memref<14xi32, #tpu.memory_space<smem>>, %arg4: memref<14xi32, #tpu.memory_space<smem>>) -> (i32, i32) {
    %get3A = arith.index_cast %arg0 : i32 to index
    %get3A_0 = memref.load %arg4[%get3A] : memref<14xi32, #tpu.memory_space<smem>>
    %c0_i32 = arith.constant 0 : i32
    %c0_i32_1 = arith.constant 0 : i32
    return %get3A_0, %c0_i32 : i32, i32
  }
  func.func @transform_1(%arg0: i32, %arg1: i32, %arg2: memref<14xi32, #tpu.memory_space<smem>>, %arg3: memref<14xi32, #tpu.memory_space<smem>>, %arg4: memref<14xi32, #tpu.memory_space<smem>>) -> (i32, i32, i32) {
    %get3A = arith.index_cast %arg0 : i32 to index
    %get3A_0 = memref.load %arg2[%get3A] : memref<14xi32, #tpu.memory_space<smem>>
    %c0_i32 = arith.constant 0 : i32
    %c0_i32_1 = arith.constant 0 : i32
    return %get3A_0, %arg1, %c0_i32 : i32, i32, i32
  }
  func.func @transform_2(%arg0: i32, %arg1: i32, %arg2: memref<14xi32, #tpu.memory_space<smem>>, %arg3: memref<14xi32, #tpu.memory_space<smem>>, %arg4: memref<14xi32, #tpu.memory_space<smem>>) -> (i32, i32, i32) {
    %get3A = arith.index_cast %arg0 : i32 to index
    %get3A_0 = memref.load %arg2[%get3A] : memref<14xi32, #tpu.memory_space<smem>>
    %c0_i32 = arith.constant 0 : i32
    %c0_i32_1 = arith.constant 0 : i32
    return %get3A_0, %arg1, %c0_i32 : i32, i32, i32
  }
  func.func @transform_3(%arg0: i32, %arg1: i32, %arg2: memref<14xi32, #tpu.memory_space<smem>>, %arg3: memref<14xi32, #tpu.memory_space<smem>>, %arg4: memref<14xi32, #tpu.memory_space<smem>>) -> (i32, i32, i32) {
    %get3A = arith.index_cast %arg0 : i32 to index
    %get3A_0 = memref.load %arg2[%get3A] : memref<14xi32, #tpu.memory_space<smem>>
    %c0_i32 = arith.constant 0 : i32
    %c0_i32_1 = arith.constant 0 : i32
    return %get3A_0, %c0_i32, %arg1 : i32, i32, i32
  }
  func.func @transform_4(%arg0: i32, %arg1: i32, %arg2: memref<14xi32, #tpu.memory_space<smem>>, %arg3: memref<14xi32, #tpu.memory_space<smem>>, %arg4: memref<14xi32, #tpu.memory_space<smem>>) -> (i32, i32) {
    %get3A = arith.index_cast %arg0 : i32 to index
    %get3A_0 = memref.load %arg4[%get3A] : memref<14xi32, #tpu.memory_space<smem>>
    %c0_i32 = arith.constant 0 : i32
    %c0_i32_1 = arith.constant 0 : i32
    return %get3A_0, %c0_i32 : i32, i32
  }
}

</mosaic_0001>

<sc_bundles>
// kernel: kernel.6.cloned.1.call-start
scs
__scs_entry_jumppad:
0x0: {  	(pc) =	sbr.rel $0x88, $3  }
0x1: {  	(tag) =	ssettag $0x0;
	lr =	simm.s32 $0x1  }
0x2: {  	[smem:$0x3F9C] =	sst lr;
	_ =	strace $0xD0000000  }
0x3: {  	_ = 	snop  }
0x4: {  	_ = 	snop  }
0x5: {  	_ = 	snop  }
0x6: {  	_ = 	snop  }
0x7: {  	_ = 	snop  }
__scs_overlays_trampoline_lowered:
0x8: {  	[smem:$0x3FAB] =	sst s0  }
0x9: {  	[smem:$0x3FAC] =	sst s1  }
0xa: {  	[smem:$0x3FAD] =	sst s2  }
0xb: {  	[smem:$0x3FAE] =	sst s3  }
0xc: {  	[smem:$0x3FAF] =	sst s4  }
0xd: {  	[smem:$0x3FB0] =	sst s5  }
0xe: {  	[smem:$0x3FB1] =	sst s6  }
0xf: {  	[smem:$0x3FB2] =	sst s7  }
0x10: {  	[smem:$0x3FB3] =	sst s8  }
0x11: {  	[smem:$0x3FB4] =	sst s9;
	s0 =	simm.s32 @!p0 $0x0  }
0x12: {  	s1 =	sld [smem:$0x3F9A];
	s0 =	simm.s32 @p0 $0x1  }
0x13: {  	[smem:$0x3FB5] =	sst s0;
	s0 =	simm.s32 @!p1 $0x0  }
0x14: {  	s2 =	sld [smem:$0x3F99];
	s0 =	simm.s32 @p1 $0x1  }
0x15: {  	[smem:$0x3FB6] =	sst s0;
	s0 =	simm.s32 @!p2 $0x0  }
0x16: {  	s3 =	sld [smem:$0x3FDB];
	s0 =	simm.s32 @p2 $0x1  }
0x17: {  	s4 =	simm.s32 $0x1BF5;
	[smem:$0x3FB8] =	sst s0  }
0x18: {  	s0 =	sld [smem:$0x3F9B];
	_ =	swait.ge [sflag:s4], $0x0  }
0x19: {  	s7 =	sld [smem:$0x3F9C]  }
0x1a: {  	s8 =	sadd.s32 $0xFFFFE003, lr  }
0x1b: {  	s9 =	sadd.s32 $0xFFFFFEF7, lr;
	s5 =	simm.s32 $0xFFFFFFFF;
	p2 =	slt.u32 s8, $0xFFFFF086  }
0x1c: {  	p1 =	slt.u32 s9, $0xF7A;
	s5 =	simm.s32 @!p2 $0x0  }
0x1d: {  	s5 =	simm.s32 @p1 $0x1;
	p0 =	seq.s32 s7, s2  }
0x1e: {  	s7 =	smul.u32 @!p0 $0xF7A, s2;
	p2 =	seq.s32 @!p0 s5, $0x0  }
0x1f: {  	s9 =	smul.u32 $0xF7A, s1;
	s8 =	simm.s32 @!p0 $0x1BF5;
	p2 =	por !p2, p0  }
0x20: {  	[sflag:s8] =	ssyncset.s32 @!p0 $0xFFFFF086;
	s6 =	sadd.s32 @!p0 s3, s7;
	s7 =	simm.s32 @!p0 $0x108  }
0x21: {  	s3 =	sadd.s32 s3, s9;
	s6 =	sadd.s32 @!p0 $0x88, s6;
	s7 =	simm.s32 @p2 $0x1082  }
0x22: {  	[simem:s7], [sflag:s8] =	dma.local @!p0 [hbm:s6], $0xF7A  }
0x23: {  	s9 =	sor.u32 $0xD0000000, s2;
	s6 =	simm.s32 $0x108;
	_ =	swait.ge @!p0 [sflag:s8], $0x0  }
0x24: {  	s3 =	sadd.s32 $0x88, s3;
	s6 =	simm.s32 @!p1 $0x1082;
	[sflag:s4] =	ssyncset.s32 $0xFFFFF086  }
0x25: {  	[simem:s6], [sflag:s4] =	dma.local [hbm:s3], $0xF7A  }
0x26: {  	[smem:$0x3F9C] =	sst s1;
	(tag) =	ssettag s2;
	_ =	strace s9  }
0x27: {  	s1 =	sld [smem:$0x3FAC]  }
0x28: {  	s2 =	sld [smem:$0x3FAD]  }
0x29: {  	s4 =	sld [smem:$0x3FAF]  }
0x2a: {  	p0 =	seq.s32 s5, $0x0;
	s5 =	sld [smem:$0x3FB0]  }
0x2b: {  	s6 =	sld [smem:$0x3FB1]  }
0x2c: {  	s7 =	sld [smem:$0x3FB2]  }
0x2d: {  	s3 =	simm.s32 $0x108;
	s8 =	sld [smem:$0x3FB3]  }
0x2e: {  	s3 =	simm.s32 @!p0 $0x1082;
	s9 =	sld [smem:$0x3FB4]  }
0x2f: {  	lr =	sadd.s32 s0, s3;
	s0 =	sld [smem:$0x3FAB]  }
0x30: {  	s3 =	sld [smem:$0x3FAE]  }
0x31: {  	[smem:$0x3FB7] =	sst s10  }
0x32: {  	s10 =	sld [smem:$0x3FB5];
	_ =	sdelay $0x3  }
0x33: {  	p0 =	seq.s32 s10, $0x1;
	s10 =	sld [smem:$0x3FB7];
	_ =	sdelay $0x3  }
0x34: {  	[smem:$0x3FB7] =	sst s10  }
0x35: {  	s10 =	sld [smem:$0x3FB6];
	_ =	sdelay $0x3  }
0x36: {  	p1 =	seq.s32 s10, $0x1;
	s10 =	sld [smem:$0x3FB7];
	_ =	sdelay $0x3  }
0x37: {  	[smem:$0x3FB7] =	sst s10  }
0x38: {  	s10 =	sld [smem:$0x3FB8]  }
0x39: {  	_ = 	snop;
	(pc) =	sbr.ind lr, $3  }
0x3a: {  	_ = 	snop  }
0x3b: {  	_ = 	snop  }
0x3c: {  	p2 =	seq.s32 s10, $0x1;
	s10 =	sld [smem:$0x3FB7]  }
0x3d: {  	_ =	shalt  }
0x3e: {  	_ =	shalt  }
0x3f: {  	_ =	shalt  }
0x40: {  	_ =	shalt  }
0x41: {  	_ =	shalt  }
0x42: {  	_ =	shalt  }
0x43: {  	_ =	shalt  }
0x44: {  	_ =	shalt  }
0x45: {  	_ =	shalt  }
0x46: {  	_ =	shalt  }
0x47: {  	_ =	shalt  }
0x48: {  	_ =	shalt  }
0x49: {  	_ =	shalt  }
0x4a: {  	_ =	shalt  }
0x4b: {  	_ =	shalt  }
0x4c: {  	_ =	shalt  }
0x4d: {  	_ =	shalt  }
0x4e: {  	_ =	shalt  }
0x4f: {  	_ =	shalt  }
0x50: {  	_ =	shalt  }
0x51: {  	_ =	shalt  }
0x52: {  	_ =	shalt  }
0x53: {  	_ =	shalt  }
0x54: {  	_ =	shalt  }
0x55: {  	_ =	shalt  }
0x56: {  	_ =	shalt  }
0x57: {  	_ =	shalt  }
0x58: {  	_ =	shalt  }
0x59: {  	_ =	shalt  }
0x5a: {  	_ =	shalt  }
0x5b: {  	_ =	shalt  }
0x5c: {  	_ =	shalt  }
0x5d: {  	_ =	shalt  }
0x5e: {  	_ =	shalt  }
0x5f: {  	_ =	shalt  }
0x60: {  	_ =	shalt  }
0x61: {  	_ =	shalt  }
0x62: {  	_ =	shalt  }
0x63: {  	_ =	shalt  }
0x64: {  	_ =	shalt  }
0x65: {  	_ =	shalt  }
0x66: {  	_ =	shalt  }
0x67: {  	_ =	shalt  }
0x68: {  	_ =	shalt  }
0x69: {  	_ =	shalt  }
0x6a: {  	_ =	shalt  }
0x6b: {  	_ =	shalt  }
0x6c: {  	_ =	shalt  }
0x6d: {  	_ =	shalt  }
0x6e: {  	_ =	shalt  }
0x6f: {  	_ =	shalt  }
0x70: {  	_ =	shalt  }
0x71: {  	_ =	shalt  }
0x72: {  	_ =	shalt  }
0x73: {  	_ =	shalt  }
0x74: {  	_ =	shalt  }
0x75: {  	_ =	shalt  }
0x76: {  	_ =	shalt  }
0x77: {  	_ =	shalt  }
0x78: {  	_ =	shalt  }
0x79: {  	_ =	shalt  }
0x7a: {  	_ =	shalt  }
0x7b: {  	_ =	shalt  }
0x7c: {  	_ =	shalt  }
0x7d: {  	_ =	shalt  }
0x7e: {  	_ =	shalt  }
0x7f: {  	_ =	shalt  }
0x80: {  	_ =	shalt  }
0x81: {  	_ =	shalt  }
0x82: {  	_ =	shalt  }
0x83: {  	_ =	shalt  }
0x84: {  	_ =	shalt  }
0x85: {  	_ =	shalt  }
0x86: {  	_ =	shalt  }
0x87: {  	_ =	shalt  }
.Lfunc_end0:
.L_simem_size_0:
called_computation_lowered:
.L_overlay_start_0:
0x88: {  	s2 =	sld [smem:$0x3FD9]  }
0x89: {  	s3 =	sld [smem:$0x3FFE];
	_ =	sdelay $0x1  }
0x8a: {  	s1 =	srdreg.scid  }
0x8b: {  	s0 =	sand.u32 $0x1, s1  }
0x8c: {  	s17 =	sshll.u32 s0, $0xA;
	s2 =	sadd.s32 s3, s2  }
0x8d: {  	s2 =	sadd.s32 s2, s17  }
0x8e: {  	[smem:$0x3FC3] =	sst s2  }
0x8f: {  	_ = 	snop  }
0x90: {  	s2 =	sld [smem:$0x3FC9]  }
0x91: {  	s18 =	sld [smem:$0x3FD0];
	(tm) =	ssettm $0x1  }
0x92: {  	s4 =	sld [smem:$0x3FFB];
	_ =	sdelay $0x3  }
0x93: {  	_ =	strace s4  }
0x94: {  	s4 =	sld [smem:$0x3FFC];
	_ =	sdelay $0x3  }
0x95: {  	_ =	strace s4  }
0x96: {  	s4 =	sld [smem:$0x3FFD];
	_ =	sdelay $0x3  }
0x97: {  	_ =	strace s4  }
0x98: {  	_ =	strace $0x8FFFFFFF  }
0x99: {  	s19 =	sld [smem:$0x3FDB];
	_ =	sdelay $0x1  }
0x9a: {  	s5 =	simm.s32 $_scs_section_size  }
0x9b: {  	s6 =	simm.s32 $_size__tile_overlayer_lowered;
	s7 =	simm.s32 $_tile_overlayer_lowered  }
0x9c: {  	s22 =	simm.s32 $0x1BFF;
	s21 =	sshll.u32 s7, $0x1;
	s4 =	sadd.s32 s5, s19  }
0x9d: {  	s8 =	simm.s32 $0x0;
	s20 =	sshll.u32 s6, $0x1;
	s6 =	sadd.s32 s21, s4  }
0x9e: {  	[timem:s8], [sflag:s22] =	dma.local [hbm:s6], s20  }
0x9f: {  	_ =	swait.ge [sflag:s22], s20  }
0xa0: {  	s5 =	ssub.s32 $0x0, s20;
	[sflag:s22] =	ssyncset.done $0x0  }
0xa1: {  	[sflag:s22] =	ssyncadd.s32 s5;
	_ =	sdelay $0x1  }
0xa2: {  	s23 =	simm.s32 $0x1B8B  }
0xa3: {  	_ =	swait.ge [sflag:s23], $0x1  }
0xa4: {  	[sflag:s23] =	ssyncset.done $0x0  }
0xa5: {  	s25 =	simm.s32 $0x1B8E;
	s24 =	sld [smem:$0x3FFE];
	[sflag:s23] =	ssyncadd.s32 $0xFFFFFFFF  }
0xa6: {  	s26 =	simm.s32 $execute0_lowered;
	[smem:$0x3FD2] =	sst s25  }
0xa7: {  	s6 =	sshll.u32 s26, $0x1;
	_ =	strace $0x80000046;
	[dreg:$0x1] =	wrdreg $0xFFFFFFFF  }
0xa8: {  	s28 =	simm.s32 $_size_execute0_lowered;
	s4 =	sadd.s32 s4, s6;
	[dreg:$0x0] =	wrdreg $0x0  }
0xa9: {  	s6 =	sshll.u32 s28, $0x1;
	[dreg:$0x2] =	wrdreg s4  }
0xaa: {  	[dreg:$0x3] =	wrdreg s6  }
0xab: {  	[dreg:$0x4] =	wrdreg $0xC0  }
0xac: {  	_ =	task [dreg:s8], $0x5FFFF  }
0xad: {  	[dreg:$0x1] =	wrdreg $0xFFFFFFFF  }
0xae: {  	[dreg:$0x0] =	wrdreg $0x60  }
0xaf: {  	[dreg:$0x2] =	wrdreg s2  }
0xb0: {  	[dreg:$0x3] =	wrdreg s18  }
0xb1: {  	[dreg:$0x4] =	wrdreg s24  }
0xb2: {  	[dreg:$0x5] =	wrdreg $0x9  }
0xb3: {  	_ =	task.clear_ibuf [dreg:s8], $0x6FFFF;
	_ =	strace $0x90000046  }
0xb4: {  	s29 =	simm.s32 $0x9;
	_ =	strace $0x80000048  }
0xb5: {  	_ =	swait.ge [sflag:s29], $0x1  }
0xb6: {  	[sflag:s29] =	ssyncadd.s32 $0xFFFFFFFF  }
0xb7: {  	_ =	strace $0x90000048  }
0xb8: {  	_ =	sfence  }
0xb9: {  	s30 =	sld [smem:$0x0];
	_ =	sdelay $0x2  }
0xba: {  	s31 =	sshll.u32 s1, $0xD;
	s1 =	sshrl.u32 s1, $0x2  }
0xbb: {  	s3 =	sand.u32 $0x4000, s31;
	s1 =	sadd.s32 s1, s30  }
0xbc: {  	s0 =	sor.u32 s3, s0;
	s1 =	sshll.u32 s1, $0x11  }
0xbd: {  	s0 =	sor.u32 s1, s0  }
0xbe: {  	s0 =	sadd.s32 $0x8F2B, s0  }
0xbf: {  	[sflag:s0] =	ssyncadd.remote.s32 $0x1  }
0xc0: {  	_ =	sfence.sel $0xFFFF  }
0xc1: {  	[dreg:$0x0] =	wrdreg $0xFFFFFFFF;
	(pc) =	sbr.abs _section_cstart, $3  }
0xc2: {  	[dreg:$0x1] =	wrdreg $0xFFFFFFFF  }
0xc3: {  	_ =	task.clear_ibuf [dreg:s8], $0x2FFFF;
	_ =	strace $0x9FFFFFFF  }
0xc4: {  	(tm) =	ssettm $0x7FFFFFFF  }
0xc5: {  	_ =	shalt  }
tec
execute0_lowered:
.L_overlay_start_1:
0x0: {  	(tag) =	ssettag $0x1  }
0x1: {  	s0 =	rddreg [dreg:$0x0]  }
0x2: {  	s1 =	rddreg [dreg:$0x1]  }
0x3: {  	s2 =	rddreg [dreg:$0x2]  }
0x4: {  	s4 =	srdreg.scid;
	s5 =	stileid.u32;
	s3 =	simm.s32 $0x0  }
0x5: {  	s18 =	simm.s32 $0x1;
	s20 =	simm.s32 $0x1100;
	s21 =	simm.s32 $0x1900  }
0x6: {  	s22 =	simm.s32 $0x2100;
	s23 =	simm.s32 $0x2900;
	s24 =	simm.s32 $0x3100  }
0x7: {  	s25 =	simm.s32 $0x3900;
	s26 =	simm.s32 $0x4100;
	s28 =	simm.s32 $0x4900  }
0x8: {  	s29 =	simm.s32 $0x5100;
	s30 =	simm.s32 $0x5900;
	s31 =	simm.s32 $0x6100  }
0x9: {  	s10 =	simm.s32 $0x7900;
	s11 =	simm.s32 $0x8100;
	s12 =	simm.s32 $0x8900  }
0xa: {  	s13 =	simm.s32 $0x9100;
	s14 =	simm.s32 $0x9900;
	s15 =	simm.s32 $0xA100  }
0xb: {  	s16 =	simm.s32 $0xA900;
	s17 =	simm.s32 $0xB100;
	s9 =	simm.s32 $0xB900  }
0xc: {  	s4 =	sand.u32 $0x1, s4;
	s5 =	sshll.u32 s5, $0x1;
	[smem:$0x7FF] =	sst s3  }
0xd: {  	s5 =	sor.u32 s4, s5;
	_ =	strace $0x80000047;
	s4 =	ssub.s32 $0x2, s4  }
0xe: {  	s6 =	sshll.u32 s5, $0x5;
	s7 =	sshrl.u32 s4, $0x1;
	s5 =	sshll.u32 s5, $0xD  }
0xf: {  	v2 =	vlaneseq.u32;
	s1 =	sadd.s32 s1, s6;
	s7 =	ssub.s32 s4, s7;
	s0 =	sadd.s32 s0, s5  }
0x10: {  	vm0 =	vmmov $0xffff;
	v1 =	vshrl.u32 v2, $0x3;
	s4 =	sadd.s32 $0x100, s2;
	s5 =	sadd.s32 $0x200, s2;
	[dreg:$0x4] =	wrdreg s1  }
0x11: {  	v0 =	vand.u32 $0x7, v2;
	v2 =	vor.u32 $0x8, v2;
	v1 =	vmul.u32 $0x8, v1;
	s6 =	sadd.s32 $0x300, s2;
	[dreg:$0x5] =	wrdreg s0;
	s7 =	smax.u32 s7, $0x1  }
.LBB2_1:
0x12: {  	s19 =	rddreg [dreg:$0x4];
	s0 =	simm.s32 $0x2  }
0x13: {  	[tilespmem:s3], [sflag:$0x2] =	stream.linear.gather [hbm4b:s19+s3], $0x100, $0x38;
	[tilespmem:$0x10100] =	vst v63  }
0x14: {  	_ =	swait.ge [sflag:s0], $0x100  }
0x15: {  	[sflag:s0] =	ssyncset.done $0x0  }
0x16: {  	s8 =	simm.s32 $0x100;
	s1 =	rddreg [dreg:$0x5];
	[sflag:s0] =	ssyncadd.s32 $0xFFFFFF00  }
0x17: {  	[tilespmem:s8], [sflag:$0x2] =	stream.linear.gather [hbm4b:s1+s3], $0x10000, $0x38;
	[tilespmem:$0x10100] =	vst v63  }
0x18: {  	_ =	swait.ge [sflag:s0], $0x10000  }
0x19: {  	[sflag:s0] =	ssyncset.done $0x0  }
0x1a: {  	[sflag:s0] =	ssyncadd.s32 $0xFFFF0000  }
0x1b: {  	v3 =	vld [tilespmem:$0x0];
	_ =	sdelay $0x4  }
0x1c: {  	v4 =	vshll.u32 v3, $0x3  }
0x1d: {  	v3 =	vand.u32 $0x7, v3;
	v4 =	vand.u32 $0xFFFFFFC0, v4  }
0x1e: {  	v3 =	vor.u32 v3, v4  }
0x1f: {  	v4 =	vperm.xlane v3, v0;
	_ =	sdelay $0x1  }
0x20: {  	v4 =	vadd.s32 v1, v4;
	_ =	sdelay $0x4  }
0x21: {  	[hbm4b:s2+s3] =	stream.indirect_vreg.scatter [tilespmem:s8], [sflag:$0x1], $0x80, v4, vm0, $0xb8;
	[tilespmem:$0x10100] =	vst v63  }
0x22: {  	s19 =	simm.s32 $0x900;
	v3 =	vperm.xlane v3, v2  }
0x23: {  	[hbm4b:s4+s3] =	stream.indirect_vreg.scatter [tilespmem:s19], [sflag:$0x1], $0x80, v4, vm0, $0xb8;
	[tilespmem:$0x10100] =	vst v63  }
0x24: {  	v3 =	vadd.s32 v1, v3  }
0x25: {  	[hbm4b:s5+s3] =	stream.indirect_vreg.scatter [tilespmem:s20], [sflag:$0x1], $0x80, v4, vm0, $0xb8;
	[tilespmem:$0x10100] =	vst v63  }
0x26: {  	_ = 	snop  }
0x27: {  	[hbm4b:s6+s3] =	stream.indirect_vreg.scatter [tilespmem:s21], [sflag:$0x1], $0x80, v4, vm0, $0xb8;
	[tilespmem:$0x10100] =	vst v63  }
0x28: {  	_ = 	snop  }
0x29: {  	[hbm4b:s2+s3] =	stream.indirect_vreg.scatter [tilespmem:s22], [sflag:$0x1], $0x80, v3, vm0, $0xb8;
	[tilespmem:$0x10100] =	vst v63  }
0x2a: {  	_ = 	snop  }
0x2b: {  	[hbm4b:s4+s3] =	stream.indirect_vreg.scatter [tilespmem:s23], [sflag:$0x1], $0x80, v3, vm0, $0xb8;
	[tilespmem:$0x10100] =	vst v63  }
0x2c: {  	_ = 	snop  }
0x2d: {  	[hbm4b:s5+s3] =	stream.indirect_vreg.scatter [tilespmem:s24], [sflag:$0x1], $0x80, v3, vm0, $0xb8;
	[tilespmem:$0x10100] =	vst v63  }
0x2e: {  	_ = 	snop  }
0x2f: {  	[hbm4b:s6+s3] =	stream.indirect_vreg.scatter [tilespmem:s25], [sflag:$0x1], $0x80, v3, vm0, $0xb8;
	[tilespmem:$0x10100] =	vst v63  }
0x30: {  	v3 =	vld [tilespmem:$0x10];
	_ =	sdelay $0x4  }
0x31: {  	v57 =	vshll.u32 v3, $0x3  }
0x32: {  	v3 =	vand.u32 $0x7, v3;
	v4 =	vand.u32 $0xFFFFFFC0, v57  }
0x33: {  	v3 =	vor.u32 v3, v4  }
0x34: {  	v4 =	vperm.xlane v3, v0;
	_ =	sdelay $0x1  }
0x35: {  	v4 =	vadd.s32 v1, v4;
	_ =	sdelay $0x4  }
0x36: {  	[hbm4b:s2+s3] =	stream.indirect_vreg.scatter [tilespmem:s26], [sflag:$0x1], $0x80, v4, vm0, $0xb8;
	[tilespmem:$0x10100] =	vst v63  }
0x37: {  	v3 =	vperm.xlane v3, v2  }
0x38: {  	[hbm4b:s4+s3] =	stream.indirect_vreg.scatter [tilespmem:s28], [sflag:$0x1], $0x80, v4, vm0, $0xb8;
	[tilespmem:$0x10100] =	vst v63  }
0x39: {  	v3 =	vadd.s32 v1, v3  }
0x3a: {  	[hbm4b:s5+s3] =	stream.indirect_vreg.scatter [tilespmem:s29], [sflag:$0x1], $0x80, v4, vm0, $0xb8;
	[tilespmem:$0x10100] =	vst v63  }
0x3b: {  	_ = 	snop  }
0x3c: {  	[hbm4b:s6+s3] =	stream.indirect_vreg.scatter [tilespmem:s30], [sflag:$0x1], $0x80, v4, vm0, $0xb8;
	[tilespmem:$0x10100] =	vst v63  }
0x3d: {  	_ = 	snop  }
0x3e: {  	[hbm4b:s2+s3] =	stream.indirect_vreg.scatter [tilespmem:s31], [sflag:$0x1], $0x80, v3, vm0, $0xb8;
	[tilespmem:$0x10100] =	vst v63  }
0x3f: {  	s1 =	simm.s32 $0x6900  }
0x40: {  	[hbm4b:s4+s3] =	stream.indirect_vreg.scatter [tilespmem:s1], [sflag:$0x1], $0x80, v3, vm0, $0xb8;
	[tilespmem:$0x10100] =	vst v63  }
0x41: {  	s1 =	simm.s32 $0x7100  }
0x42: {  	[hbm4b:s5+s3] =	stream.indirect_vreg.scatter [tilespmem:s1], [sflag:$0x1], $0x80, v3, vm0, $0xb8;
	[tilespmem:$0x10100] =	vst v63  }
0x43: {  	_ = 	snop  }
0x44: {  	[hbm4b:s6+s3] =	stream.indirect_vreg.scatter [tilespmem:s10], [sflag:$0x1], $0x80, v3, vm0, $0xb8;
	[tilespmem:$0x10100] =	vst v63  }
0x45: {  	v3 =	vld [tilespmem:$0x20];
	_ =	sdelay $0x4  }
0x46: {  	v58 =	vshll.u32 v3, $0x3  }
0x47: {  	v3 =	vand.u32 $0x7, v3;
	v4 =	vand.u32 $0xFFFFFFC0, v58  }
0x48: {  	v3 =	vor.u32 v3, v4  }
0x49: {  	v4 =	vperm.xlane v3, v0;
	_ =	sdelay $0x1  }
0x4a: {  	v4 =	vadd.s32 v1, v4;
	_ =	sdelay $0x4  }
0x4b: {  	[hbm4b:s2+s3] =	stream.indirect_vreg.scatter [tilespmem:s11], [sflag:$0x1], $0x80, v4, vm0, $0xb8;
	[tilespmem:$0x10100] =	vst v63  }
0x4c: {  	v3 =	vperm.xlane v3, v2  }
0x4d: {  	[hbm4b:s4+s3] =	stream.indirect_vreg.scatter [tilespmem:s12], [sflag:$0x1], $0x80, v4, vm0, $0xb8;
	[tilespmem:$0x10100] =	vst v63  }
0x4e: {  	v3 =	vadd.s32 v1, v3  }
0x4f: {  	[hbm4b:s5+s3] =	stream.indirect_vreg.scatter [tilespmem:s13], [sflag:$0x1], $0x80, v4, vm0, $0xb8;
	[tilespmem:$0x10100] =	vst v63  }
0x50: {  	_ = 	snop  }
0x51: {  	[hbm4b:s6+s3] =	stream.indirect_vreg.scatter [tilespmem:s14], [sflag:$0x1], $0x80, v4, vm0, $0xb8;
	[tilespmem:$0x10100] =	vst v63  }
0x52: {  	_ = 	snop  }
0x53: {  	[hbm4b:s2+s3] =	stream.indirect_vreg.scatter [tilespmem:s15], [sflag:$0x1], $0x80, v3, vm0, $0xb8;
	[tilespmem:$0x10100] =	vst v63  }
0x54: {  	_ = 	snop  }
0x55: {  	[hbm4b:s4+s3] =	stream.indirect_vreg.scatter [tilespmem:s16], [sflag:$0x1], $0x80, v3, vm0, $0xb8;
	[tilespmem:$0x10100] =	vst v63  }
0x56: {  	_ = 	snop  }
0x57: {  	[hbm4b:s5+s3] =	stream.indirect_vreg.scatter [tilespmem:s17], [sflag:$0x1], $0x80, v3, vm0, $0xb8;
	[tilespmem:$0x10100] =	vst v63  }
0x58: {  	_ = 	snop  }
0x59: {  	[hbm4b:s6+s3] =	stream.indirect_vreg.scatter [tilespmem:s9], [sflag:$0x1], $0x80, v3, vm0, $0xb8;
	[tilespmem:$0x10100] =	vst v63  }
0x5a: {  	v3 =	vld [tilespmem:$0x30];
	_ =	sdelay $0x4  }
0x5b: {  	v59 =	vshll.u32 v3, $0x3  }
0x5c: {  	v3 =	vand.u32 $0x7, v3;
	v4 =	vand.u32 $0xFFFFFFC0, v59  }
0x5d: {  	v3 =	vor.u32 v3, v4  }
0x5e: {  	v4 =	vperm.xlane v3, v0;
	_ =	sdelay $0x1  }
0x5f: {  	v4 =	vadd.s32 v1, v4;
	_ =	sdelay $0x3  }
0x60: {  	s0 =	simm.s32 $0xC100  }
0x61: {  	[hbm4b:s2+s3] =	stream.indirect_vreg.scatter [tilespmem:s0], [sflag:$0x1], $0x80, v4, vm0, $0xb8;
	[tilespmem:$0x10100] =	vst v63  }
0x62: {  	v3 =	vperm.xlane v3, v2;
	s0 =	simm.s32 $0xC900  }
0x63: {  	[hbm4b:s4+s3] =	stream.indirect_vreg.scatter [tilespmem:s0], [sflag:$0x1], $0x80, v4, vm0, $0xb8;
	[tilespmem:$0x10100] =	vst v63  }
0x64: {  	v3 =	vadd.s32 v1, v3;
	s0 =	simm.s32 $0xD100  }
0x65: {  	[hbm4b:s5+s3] =	stream.indirect_vreg.scatter [tilespmem:s0], [sflag:$0x1], $0x80, v4, vm0, $0xb8;
	[tilespmem:$0x10100] =	vst v63  }
0x66: {  	s0 =	simm.s32 $0xD900  }
0x67: {  	[hbm4b:s6+s3] =	stream.indirect_vreg.scatter [tilespmem:s0], [sflag:$0x1], $0x80, v4, vm0, $0xb8;
	[tilespmem:$0x10100] =	vst v63  }
0x68: {  	s0 =	simm.s32 $0xE100  }
0x69: {  	[hbm4b:s2+s3] =	stream.indirect_vreg.scatter [tilespmem:s0], [sflag:$0x1], $0x80, v3, vm0, $0xb8;
	[tilespmem:$0x10100] =	vst v63  }
0x6a: {  	s0 =	simm.s32 $0xE900  }
0x6b: {  	[hbm4b:s4+s3] =	stream.indirect_vreg.scatter [tilespmem:s0], [sflag:$0x1], $0x80, v3, vm0, $0xb8;
	[tilespmem:$0x10100] =	vst v63  }
0x6c: {  	s0 =	simm.s32 $0xF100  }
0x6d: {  	[hbm4b:s5+s3] =	stream.indirect_vreg.scatter [tilespmem:s0], [sflag:$0x1], $0x80, v3, vm0, $0xb8;
	[tilespmem:$0x10100] =	vst v63  }
0x6e: {  	s0 =	simm.s32 $0xF900  }
0x6f: {  	[hbm4b:s6+s3] =	stream.indirect_vreg.scatter [tilespmem:s0], [sflag:$0x1], $0x80, v3, vm0, $0xb8;
	[tilespmem:$0x10100] =	vst v63  }
0x70: {  	_ =	swait.ge [sflag:s18], $0x10000  }
0x71: {  	[sflag:s18] =	ssyncset.done $0x0  }
0x72: {  	[sflag:s18] =	ssyncadd.s32 $0xFFFF0000  }
0x73: {  	v3 =	vld [tilespmem:$0x80];
	_ =	sdelay $0x4  }
0x74: {  	v60 =	vshll.u32 v3, $0x3  }
0x75: {  	v3 =	vand.u32 $0x7, v3;
	v4 =	vand.u32 $0xFFFFFFC0, v60  }
0x76: {  	v3 =	vor.u32 v3, v4  }
0x77: {  	v4 =	vperm.xlane v3, v0;
	_ =	sdelay $0x1  }
0x78: {  	v4 =	vadd.s32 v1, v4;
	_ =	sdelay $0x4  }
0x79: {  	[hbm4b:s2+s3] =	stream.indirect_vreg.scatter [tilespmem:s8], [sflag:$0x1], $0x80, v4, vm0, $0xb8;
	[tilespmem:$0x10100] =	vst v63  }
0x7a: {  	v3 =	vperm.xlane v3, v2  }
0x7b: {  	[hbm4b:s4+s3] =	stream.indirect_vreg.scatter [tilespmem:s19], [sflag:$0x1], $0x80, v4, vm0, $0xb8;
	[tilespmem:$0x10100] =	vst v63  }
0x7c: {  	v3 =	vadd.s32 v1, v3  }
0x7d: {  	[hbm4b:s5+s3] =	stream.indirect_vreg.scatter [tilespmem:s20], [sflag:$0x1], $0x80, v4, vm0, $0xb8;
	[tilespmem:$0x10100] =	vst v63  }
0x7e: {  	_ = 	snop  }
0x7f: {  	[hbm4b:s6+s3] =	stream.indirect_vreg.scatter [tilespmem:s21], [sflag:$0x1], $0x80, v4, vm0, $0xb8;
	[tilespmem:$0x10100] =	vst v63  }
0x80: {  	_ = 	snop  }
0x81: {  	[hbm4b:s2+s3] =	stream.indirect_vreg.scatter [tilespmem:s22], [sflag:$0x1], $0x80, v3, vm0, $0xb8;
	[tilespmem:$0x10100] =	vst v63  }
0x82: {  	_ = 	snop  }
0x83: {  	[hbm4b:s4+s3] =	stream.indirect_vreg.scatter [tilespmem:s23], [sflag:$0x1], $0x80, v3, vm0, $0xb8;
	[tilespmem:$0x10100] =	vst v63  }
0x84: {  	_ = 	snop  }
0x85: {  	[hbm4b:s5+s3] =	stream.indirect_vreg.scatter [tilespmem:s24], [sflag:$0x1], $0x80, v3, vm0, $0xb8;
	[tilespmem:$0x10100] =	vst v63  }
0x86: {  	_ = 	snop  }
0x87: {  	[hbm4b:s6+s3] =	stream.indirect_vreg.scatter [tilespmem:s25], [sflag:$0x1], $0x80, v3, vm0, $0xb8;
	[tilespmem:$0x10100] =	vst v63  }
0x88: {  	v3 =	vld [tilespmem:$0x90];
	_ =	sdelay $0x4  }
0x89: {  	v61 =	vshll.u32 v3, $0x3  }
0x8a: {  	v3 =	vand.u32 $0x7, v3;
	v4 =	vand.u32 $0xFFFFFFC0, v61  }
0x8b: {  	v3 =	vor.u32 v3, v4  }
0x8c: {  	v4 =	vperm.xlane v3, v0;
	_ =	sdelay $0x1  }
0x8d: {  	v4 =	vadd.s32 v1, v4;
	_ =	sdelay $0x4  }
0x8e: {  	[hbm4b:s2+s3] =	stream.indirect_vreg.scatter [tilespmem:s26], [sflag:$0x1], $0x80, v4, vm0, $0xb8;
	[tilespmem:$0x10100] =	vst v63  }
0x8f: {  	v3 =	vperm.xlane v3, v2  }
0x90: {  	[hbm4b:s4+s3] =	stream.indirect_vreg.scatter [tilespmem:s28], [sflag:$0x1], $0x80, v4, vm0, $0xb8;
	[tilespmem:$0x10100] =	vst v63  }
0x91: {  	v3 =	vadd.s32 v1, v3  }
0x92: {  	[hbm4b:s5+s3] =	stream.indirect_vreg.scatter [tilespmem:s29], [sflag:$0x1], $0x80, v4, vm0, $0xb8;
	[tilespmem:$0x10100] =	vst v63  }
0x93: {  	_ = 	snop  }
0x94: {  	[hbm4b:s6+s3] =	stream.indirect_vreg.scatter [tilespmem:s30], [sflag:$0x1], $0x80, v4, vm0, $0xb8;
	[tilespmem:$0x10100] =	vst v63  }
0x95: {  	_ = 	snop  }
0x96: {  	[hbm4b:s2+s3] =	stream.indirect_vreg.scatter [tilespmem:s31], [sflag:$0x1], $0x80, v3, vm0, $0xb8;
	[tilespmem:$0x10100] =	vst v63  }
0x97: {  	s19 =	simm.s32 $0x6900  }
0x98: {  	[hbm4b:s4+s3] =	stream.indirect_vreg.scatter [tilespmem:s19], [sflag:$0x1], $0x80, v3, vm0, $0xb8;
	[tilespmem:$0x10100] =	vst v63  }
0x99: {  	_ = 	snop  }
0x9a: {  	[hbm4b:s5+s3] =	stream.indirect_vreg.scatter [tilespmem:s1], [sflag:$0x1], $0x80, v3, vm0, $0xb8;
	[tilespmem:$0x10100] =	vst v63  }
0x9b: {  	_ = 	snop  }
0x9c: {  	[hbm4b:s6+s3] =	stream.indirect_vreg.scatter [tilespmem:s10], [sflag:$0x1], $0x80, v3, vm0, $0xb8;
	[tilespmem:$0x10100] =	vst v63  }
0x9d: {  	v3 =	vld [tilespmem:$0xA0];
	_ =	sdelay $0x4  }
0x9e: {  	v62 =	vshll.u32 v3, $0x3  }
0x9f: {  	v3 =	vand.u32 $0x7, v3;
	v4 =	vand.u32 $0xFFFFFFC0, v62  }
0xa0: {  	v3 =	vor.u32 v3, v4  }
0xa1: {  	v4 =	vperm.xlane v3, v0;
	_ =	sdelay $0x1  }
0xa2: {  	v4 =	vadd.s32 v1, v4;
	_ =	sdelay $0x4  }
0xa3: {  	[hbm4b:s2+s3] =	stream.indirect_vreg.scatter [tilespmem:s11], [sflag:$0x1], $0x80, v4, vm0, $0xb8;
	[tilespmem:$0x10100] =	vst v63  }
0xa4: {  	v3 =	vperm.xlane v3, v2  }
0xa5: {  	[hbm4b:s4+s3] =	stream.indirect_vreg.scatter [tilespmem:s12], [sflag:$0x1], $0x80, v4, vm0, $0xb8;
	[tilespmem:$0x10100] =	vst v63  }
0xa6: {  	v3 =	vadd.s32 v1, v3  }
0xa7: {  	[hbm4b:s5+s3] =	stream.indirect_vreg.scatter [tilespmem:s13], [sflag:$0x1], $0x80, v4, vm0, $0xb8;
	[tilespmem:$0x10100] =	vst v63  }
0xa8: {  	_ = 	snop  }
0xa9: {  	[hbm4b:s6+s3] =	stream.indirect_vreg.scatter [tilespmem:s14], [sflag:$0x1], $0x80, v4, vm0, $0xb8;
	[tilespmem:$0x10100] =	vst v63  }
0xaa: {  	_ = 	snop  }
0xab: {  	[hbm4b:s2+s3] =	stream.indirect_vreg.scatter [tilespmem:s15], [sflag:$0x1], $0x80, v3, vm0, $0xb8;
	[tilespmem:$0x10100] =	vst v63  }
0xac: {  	_ = 	snop  }
0xad: {  	[hbm4b:s4+s3] =	stream.indirect_vreg.scatter [tilespmem:s16], [sflag:$0x1], $0x80, v3, vm0, $0xb8;
	[tilespmem:$0x10100] =	vst v63  }
0xae: {  	_ = 	snop  }
0xaf: {  	[hbm4b:s5+s3] =	stream.indirect_vreg.scatter [tilespmem:s17], [sflag:$0x1], $0x80, v3, vm0, $0xb8;
	[tilespmem:$0x10100] =	vst v63  }
0xb0: {  	_ = 	snop  }
0xb1: {  	[hbm4b:s6+s3] =	stream.indirect_vreg.scatter [tilespmem:s9], [sflag:$0x1], $0x80, v3, vm0, $0xb8;
	[tilespmem:$0x10100] =	vst v63  }
0xb2: {  	v3 =	vld [tilespmem:$0xB0];
	_ =	sdelay $0x4  }
0xb3: {  	v63 =	vshll.u32 v3, $0x3  }
0xb4: {  	v3 =	vand.u32 $0x7, v3;
	v4 =	vand.u32 $0xFFFFFFC0, v63  }
0xb5: {  	v3 =	vor.u32 v3, v4  }
0xb6: {  	v4 =	vperm.xlane v3, v0;
	_ =	sdelay $0x1  }
0xb7: {  	v4 =	vadd.s32 v1, v4;
	_ =	sdelay $0x3  }
0xb8: {  	s19 =	simm.s32 $0xC100  }
0xb9: {  	[hbm4b:s2+s3] =	stream.indirect_vreg.scatter [tilespmem:s19], [sflag:$0x1], $0x80, v4, vm0, $0xb8;
	[tilespmem:$0x10100] =	vst v63  }
0xba: {  	s8 =	simm.s32 $0xC900;
	v3 =	vperm.xlane v3, v2  }
0xbb: {  	[hbm4b:s4+s3] =	stream.indirect_vreg.scatter [tilespmem:s8], [sflag:$0x1], $0x80, v4, vm0, $0xb8;
	[tilespmem:$0x10100] =	vst v63  }
0xbc: {  	v3 =	vadd.s32 v1, v3;
	s19 =	simm.s32 $0xD100  }
0xbd: {  	[hbm4b:s5+s3] =	stream.indirect_vreg.scatter [tilespmem:s19], [sflag:$0x1], $0x80, v4, vm0, $0xb8;
	[tilespmem:$0x10100] =	vst v63  }
0xbe: {  	s8 =	simm.s32 $0xD900  }
0xbf: {  	[hbm4b:s6+s3] =	stream.indirect_vreg.scatter [tilespmem:s8], [sflag:$0x1], $0x80, v4, vm0, $0xb8;
	[tilespmem:$0x10100] =	vst v63  }
0xc0: {  	s19 =	simm.s32 $0xE100  }
0xc1: {  	[hbm4b:s2+s3] =	stream.indirect_vreg.scatter [tilespmem:s19], [sflag:$0x1], $0x80, v3, vm0, $0xb8;
	[tilespmem:$0x10100] =	vst v63  }
0xc2: {  	s8 =	simm.s32 $0xE900  }
0xc3: {  	[hbm4b:s4+s3] =	stream.indirect_vreg.scatter [tilespmem:s8], [sflag:$0x1], $0x80, v3, vm0, $0xb8;
	[tilespmem:$0x10100] =	vst v63  }
0xc4: {  	p0 =	sne.s32 s7, $0x1;
	s19 =	simm.s32 $0xF100  }
0xc5: {  	[hbm4b:s5+s3] =	stream.indirect_vreg.scatter [tilespmem:s19], [sflag:$0x1], $0x80, v3, vm0, $0xb8;
	[tilespmem:$0x10100] =	vst v63  }
.Ltmp0:
0xc6: {  	_ = 	snop;
	(pc) =	sbr.rel @p0 .LBB2_1-.Ltmp0, $4  }
0xc7: {  	[hbm4b:s6+s3] =	stream.indirect_vreg.scatter [tilespmem:s0], [sflag:$0x1], $0x80, v3, vm0, $0xb8;
	[tilespmem:$0x10100] =	vst v63  }
0xc8: {  	_ =	swait.ge [sflag:s18], $0x10000  }
0xc9: {  	[sflag:s18] =	ssyncset.done $0x0  }
0xca: {  	s7 =	sadd.s32 $0xFFFFFFFF, s7;
	[sflag:s18] =	ssyncadd.s32 $0xFFFF0000  }
0xcb: {  	_ =	sfence.sel $0x180000  }
0xcc: {  	[bflag:$0x0] =	sbarrier.arrive $0xFFFF  }
0xcd: {  	_ =	strace $0x90000047  }
0xce: {  	s0 =	stileid.u32;
	[bflag:$0x2] =	sbarrier.arrive $0xFFFF  }
0xcf: {  	p0 =	sne.s32 s0, $0x0;
	s0 =	rddreg [dreg:$0x3]  }
0xd0: {  	s0 =	sadd.s32 @!p0 $0x100000, s0  }
0xd1: {  	[sflag:s0] =	ssyncadd.tile.s32 @!p0 $0x1;
	_ =	shalt  }
.Lfunc_end2:
_tile_overlayer_lowered:
.L_overlay_start_2:
0xd2: {  	(tag) =	ssettag $0x2  }
0xd3: {  	s0 =	rddreg [dreg:$0x0];
	s2 =	stileid.u32  }
0xd4: {  	s1 =	rddreg [dreg:$0x1];
	p0 =	sne.s32 s2, $0x0  }
0xd5: {  	s3 =	rddreg [dreg:$0x2];
	[bflag:$0x3] =	sbarrier.arrive $0xFFFF;
	s2 =	simm.s32 @!p0 $0x1C02  }
0xd6: {  	[timem:s3], [sflag:s2] =	dma.local @!p0 [hbm:s0], s1  }
0xd7: {  	s0 =	simm.s32 @!p0 $0x2  }
0xd8: {  	_ =	swait.ge @!p0 [sflag:s0], s1  }
0xd9: {  	s1 =	ssub.s32 @!p0 $0x0, s1;
	[sflag:s0] =	ssyncset.done @!p0 $0x0  }
0xda: {  	[sflag:s0] =	ssyncadd.s32 @!p0 s1  }
0xdb: {  	[bflag:$0x3] =	sbarrier.arrive $0xFFFF  }
0xdc: {  	_ =	shalt  }

// kernel: kernel.9.cloned.1.call-start
scs
__scs_entry_jumppad:
0x0: {  	(pc) =	sbr.rel $0x88, $3  }
0x1: {  	(tag) =	ssettag $0x0;
	lr =	simm.s32 $0x1  }
0x2: {  	[smem:$0x3F9C] =	sst lr;
	_ =	strace $0xD0000000  }
0x3: {  	_ = 	snop  }
0x4: {  	_ = 	snop  }
0x5: {  	_ = 	snop  }
0x6: {  	_ = 	snop  }
0x7: {  	_ = 	snop  }
__scs_overlays_trampoline_lowered:
0x8: {  	[smem:$0x3FAB] =	sst s0  }
0x9: {  	[smem:$0x3FAC] =	sst s1  }
0xa: {  	[smem:$0x3FAD] =	sst s2  }
0xb: {  	[smem:$0x3FAE] =	sst s3  }
0xc: {  	[smem:$0x3FAF] =	sst s4  }
0xd: {  	[smem:$0x3FB0] =	sst s5  }
0xe: {  	[smem:$0x3FB1] =	sst s6  }
0xf: {  	[smem:$0x3FB2] =	sst s7  }
0x10: {  	[smem:$0x3FB3] =	sst s8  }
0x11: {  	[smem:$0x3FB4] =	sst s9;
	s0 =	simm.s32 @!p0 $0x0  }
0x12: {  	s1 =	sld [smem:$0x3F9A];
	s0 =	simm.s32 @p0 $0x1  }
0x13: {  	[smem:$0x3FB5] =	sst s0;
	s0 =	simm.s32 @!p1 $0x0  }
0x14: {  	s2 =	sld [smem:$0x3F99];
	s0 =	simm.s32 @p1 $0x1  }
0x15: {  	[smem:$0x3FB6] =	sst s0;
	s0 =	simm.s32 @!p2 $0x0  }
0x16: {  	s3 =	sld [smem:$0x3FDB];
	s0 =	simm.s32 @p2 $0x1  }
0x17: {  	s4 =	simm.s32 $0x1BF5;
	[smem:$0x3FB8] =	sst s0  }
0x18: {  	s0 =	sld [smem:$0x3F9B];
	_ =	swait.ge [sflag:s4], $0x0  }
0x19: {  	s7 =	sld [smem:$0x3F9C]  }
0x1a: {  	s8 =	sadd.s32 $0xFFFFE003, lr  }
0x1b: {  	s9 =	sadd.s32 $0xFFFFFEF7, lr;
	s5 =	simm.s32 $0xFFFFFFFF;
	p2 =	slt.u32 s8, $0xFFFFF086  }
0x1c: {  	p1 =	slt.u32 s9, $0xF7A;
	s5 =	simm.s32 @!p2 $0x0  }
0x1d: {  	s5 =	simm.s32 @p1 $0x1;
	p0 =	seq.s32 s7, s2  }
0x1e: {  	s7 =	smul.u32 @!p0 $0xF7A, s2;
	p2 =	seq.s32 @!p0 s5, $0x0  }
0x1f: {  	s9 =	smul.u32 $0xF7A, s1;
	s8 =	simm.s32 @!p0 $0x1BF5;
	p2 =	por !p2, p0  }
0x20: {  	[sflag:s8] =	ssyncset.s32 @!p0 $0xFFFFF086;
	s6 =	sadd.s32 @!p0 s3, s7;
	s7 =	simm.s32 @!p0 $0x108  }
0x21: {  	s3 =	sadd.s32 s3, s9;
	s6 =	sadd.s32 @!p0 $0x88, s6;
	s7 =	simm.s32 @p2 $0x1082  }
0x22: {  	[simem:s7], [sflag:s8] =	dma.local @!p0 [hbm:s6], $0xF7A  }
0x23: {  	s9 =	sor.u32 $0xD0000000, s2;
	s6 =	simm.s32 $0x108;
	_ =	swait.ge @!p0 [sflag:s8], $0x0  }
0x24: {  	s3 =	sadd.s32 $0x88, s3;
	s6 =	simm.s32 @!p1 $0x1082;
	[sflag:s4] =	ssyncset.s32 $0xFFFFF086  }
0x25: {  	[simem:s6], [sflag:s4] =	dma.local [hbm:s3], $0xF7A  }
0x26: {  	[smem:$0x3F9C] =	sst s1;
	(tag) =	ssettag s2;
	_ =	strace s9  }
0x27: {  	s1 =	sld [smem:$0x3FAC]  }
0x28: {  	s2 =	sld [smem:$0x3FAD]  }
0x29: {  	s4 =	sld [smem:$0x3FAF]  }
0x2a: {  	p0 =	seq.s32 s5, $0x0;
	s5 =	sld [smem:$0x3FB0]  }
0x2b: {  	s6 =	sld [smem:$0x3FB1]  }
0x2c: {  	s7 =	sld [smem:$0x3FB2]  }
0x2d: {  	s3 =	simm.s32 $0x108;
	s8 =	sld [smem:$0x3FB3]  }
0x2e: {  	s3 =	simm.s32 @!p0 $0x1082;
	s9 =	sld [smem:$0x3FB4]  }
0x2f: {  	lr =	sadd.s32 s0, s3;
	s0 =	sld [smem:$0x3FAB]  }
0x30: {  	s3 =	sld [smem:$0x3FAE]  }
0x31: {  	[smem:$0x3FB7] =	sst s10  }
0x32: {  	s10 =	sld [smem:$0x3FB5];
	_ =	sdelay $0x3  }
0x33: {  	p0 =	seq.s32 s10, $0x1;
	s10 =	sld [smem:$0x3FB7];
	_ =	sdelay $0x3  }
0x34: {  	[smem:$0x3FB7] =	sst s10  }
0x35: {  	s10 =	sld [smem:$0x3FB6];
	_ =	sdelay $0x3  }
0x36: {  	p1 =	seq.s32 s10, $0x1;
	s10 =	sld [smem:$0x3FB7];
	_ =	sdelay $0x3  }
0x37: {  	[smem:$0x3FB7] =	sst s10  }
0x38: {  	s10 =	sld [smem:$0x3FB8]  }
0x39: {  	_ = 	snop;
	(pc) =	sbr.ind lr, $3  }
0x3a: {  	_ = 	snop  }
0x3b: {  	_ = 	snop  }
0x3c: {  	p2 =	seq.s32 s10, $0x1;
	s10 =	sld [smem:$0x3FB7]  }
0x3d: {  	_ =	shalt  }
0x3e: {  	_ =	shalt  }
0x3f: {  	_ =	shalt  }
0x40: {  	_ =	shalt  }
0x41: {  	_ =	shalt  }
0x42: {  	_ =	shalt  }
0x43: {  	_ =	shalt  }
0x44: {  	_ =	shalt  }
0x45: {  	_ =	shalt  }
0x46: {  	_ =	shalt  }
0x47: {  	_ =	shalt  }
0x48: {  	_ =	shalt  }
0x49: {  	_ =	shalt  }
0x4a: {  	_ =	shalt  }
0x4b: {  	_ =	shalt  }
0x4c: {  	_ =	shalt  }
0x4d: {  	_ =	shalt  }
0x4e: {  	_ =	shalt  }
0x4f: {  	_ =	shalt  }
0x50: {  	_ =	shalt  }
0x51: {  	_ =	shalt  }
0x52: {  	_ =	shalt  }
0x53: {  	_ =	shalt  }
0x54: {  	_ =	shalt  }
0x55: {  	_ =	shalt  }
0x56: {  	_ =	shalt  }
0x57: {  	_ =	shalt  }
0x58: {  	_ =	shalt  }
0x59: {  	_ =	shalt  }
0x5a: {  	_ =	shalt  }
0x5b: {  	_ =	shalt  }
0x5c: {  	_ =	shalt  }
0x5d: {  	_ =	shalt  }
0x5e: {  	_ =	shalt  }
0x5f: {  	_ =	shalt  }
0x60: {  	_ =	shalt  }
0x61: {  	_ =	shalt  }
0x62: {  	_ =	shalt  }
0x63: {  	_ =	shalt  }
0x64: {  	_ =	shalt  }
0x65: {  	_ =	shalt  }
0x66: {  	_ =	shalt  }
0x67: {  	_ =	shalt  }
0x68: {  	_ =	shalt  }
0x69: {  	_ =	shalt  }
0x6a: {  	_ =	shalt  }
0x6b: {  	_ =	shalt  }
0x6c: {  	_ =	shalt  }
0x6d: {  	_ =	shalt  }
0x6e: {  	_ =	shalt  }
0x6f: {  	_ =	shalt  }
0x70: {  	_ =	shalt  }
0x71: {  	_ =	shalt  }
0x72: {  	_ =	shalt  }
0x73: {  	_ =	shalt  }
0x74: {  	_ =	shalt  }
0x75: {  	_ =	shalt  }
0x76: {  	_ =	shalt  }
0x77: {  	_ =	shalt  }
0x78: {  	_ =	shalt  }
0x79: {  	_ =	shalt  }
0x7a: {  	_ =	shalt  }
0x7b: {  	_ =	shalt  }
0x7c: {  	_ =	shalt  }
0x7d: {  	_ =	shalt  }
0x7e: {  	_ =	shalt  }
0x7f: {  	_ =	shalt  }
0x80: {  	_ =	shalt  }
0x81: {  	_ =	shalt  }
0x82: {  	_ =	shalt  }
0x83: {  	_ =	shalt  }
0x84: {  	_ =	shalt  }
0x85: {  	_ =	shalt  }
0x86: {  	_ =	shalt  }
0x87: {  	_ =	shalt  }
.Lfunc_end0:
.L_simem_size_0:
called_computation.1_lowered:
.L_overlay_start_0:
0x88: {  	s2 =	sld [smem:$0x3FD9]  }
0x89: {  	s3 =	sld [smem:$0x3FFE];
	_ =	sdelay $0x1  }
0x8a: {  	s1 =	srdreg.scid  }
0x8b: {  	s0 =	sand.u32 $0x1, s1  }
0x8c: {  	s17 =	sshll.u32 s0, $0xA;
	s2 =	sadd.s32 s3, s2  }
0x8d: {  	s2 =	sadd.s32 s2, s17  }
0x8e: {  	[smem:$0x3FC3] =	sst s2  }
0x8f: {  	_ = 	snop  }
0x90: {  	s2 =	sld [smem:$0x3FD0];
	(tm) =	ssettm $0x1  }
0x91: {  	s18 =	sld [smem:$0x3FFB];
	_ =	sdelay $0x3  }
0x92: {  	_ =	strace s18  }
0x93: {  	s3 =	sld [smem:$0x3FFC];
	_ =	sdelay $0x3  }
0x94: {  	_ =	strace s3  }
0x95: {  	s3 =	sld [smem:$0x3FFD];
	_ =	sdelay $0x3  }
0x96: {  	_ =	strace s3  }
0x97: {  	_ =	strace $0x8FFFFFFF  }
0x98: {  	s19 =	sld [smem:$0x3FDB];
	_ =	sdelay $0x1  }
0x99: {  	s4 =	simm.s32 $_scs_section_size  }
0x9a: {  	s5 =	simm.s32 $_size__tile_overlayer_lowered;
	s6 =	simm.s32 $_tile_overlayer_lowered  }
0x9b: {  	s22 =	simm.s32 $0x1BFF;
	s21 =	sshll.u32 s6, $0x1;
	s3 =	sadd.s32 s4, s19  }
0x9c: {  	s7 =	simm.s32 $0x0;
	s20 =	sshll.u32 s5, $0x1;
	s5 =	sadd.s32 s21, s3  }
0x9d: {  	[timem:s7], [sflag:s22] =	dma.local [hbm:s5], s20  }
0x9e: {  	_ =	swait.ge [sflag:s22], s20  }
0x9f: {  	s4 =	ssub.s32 $0x0, s20;
	[sflag:s22] =	ssyncset.done $0x0  }
0xa0: {  	[sflag:s22] =	ssyncadd.s32 s4;
	_ =	sdelay $0x1  }
0xa1: {  	s23 =	simm.s32 $0x1B8B  }
0xa2: {  	_ =	swait.ge [sflag:s23], $0x1  }
0xa3: {  	[sflag:s23] =	ssyncset.done $0x0  }
0xa4: {  	s25 =	simm.s32 $0x1B8E;
	s24 =	sld [smem:$0x3FFE];
	[sflag:s23] =	ssyncadd.s32 $0xFFFFFFFF  }
0xa5: {  	s26 =	simm.s32 $execute0_lowered;
	[smem:$0x3FD2] =	sst s25  }
0xa6: {  	s5 =	sshll.u32 s26, $0x1;
	_ =	strace $0x80000049;
	[dreg:$0x1] =	wrdreg $0xFFFFFFFF  }
0xa7: {  	s28 =	simm.s32 $_size_execute0_lowered;
	s3 =	sadd.s32 s3, s5;
	[dreg:$0x0] =	wrdreg $0x0  }
0xa8: {  	s5 =	sshll.u32 s28, $0x1;
	[dreg:$0x2] =	wrdreg s3  }
0xa9: {  	[dreg:$0x3] =	wrdreg s5  }
0xaa: {  	[dreg:$0x4] =	wrdreg $0xC0  }
0xab: {  	_ =	task [dreg:s7], $0x5FFFF  }
0xac: {  	[dreg:$0x1] =	wrdreg $0xFFFFFFFF  }
0xad: {  	[dreg:$0x0] =	wrdreg $0x60  }
0xae: {  	[dreg:$0x2] =	wrdreg s24  }
0xaf: {  	[dreg:$0x3] =	wrdreg s2  }
0xb0: {  	[dreg:$0x4] =	wrdreg $0x9  }
0xb1: {  	_ =	task.clear_ibuf [dreg:s7], $0x5FFFF;
	_ =	strace $0x90000049  }
0xb2: {  	s29 =	simm.s32 $0x9;
	_ =	strace $0x8000004B  }
0xb3: {  	_ =	swait.ge [sflag:s29], $0x1  }
0xb4: {  	[sflag:s29] =	ssyncadd.s32 $0xFFFFFFFF  }
0xb5: {  	_ =	strace $0x9000004B  }
0xb6: {  	_ =	sfence  }
0xb7: {  	s30 =	sld [smem:$0x0];
	_ =	sdelay $0x2  }
0xb8: {  	s31 =	sshll.u32 s1, $0xD;
	s1 =	sshrl.u32 s1, $0x2  }
0xb9: {  	s3 =	sand.u32 $0x4000, s31;
	s1 =	sadd.s32 s1, s30  }
0xba: {  	s0 =	sor.u32 s3, s0;
	s1 =	sshll.u32 s1, $0x11  }
0xbb: {  	s0 =	sor.u32 s1, s0  }
0xbc: {  	s0 =	sadd.s32 $0x8F2B, s0  }
0xbd: {  	[sflag:s0] =	ssyncadd.remote.s32 $0x1  }
0xbe: {  	_ =	sfence.sel $0xFFFF  }
0xbf: {  	[dreg:$0x0] =	wrdreg $0xFFFFFFFF;
	(pc) =	sbr.abs _section_cstart, $3  }
0xc0: {  	[dreg:$0x1] =	wrdreg $0xFFFFFFFF  }
0xc1: {  	_ =	task.clear_ibuf [dreg:s7], $0x2FFFF;
	_ =	strace $0x9FFFFFFF  }
0xc2: {  	(tm) =	ssettm $0x7FFFFFFF  }
0xc3: {  	_ =	shalt  }
tec
execute0_lowered:
.L_overlay_start_1:
0x0: {  	(tag) =	ssettag $0x1  }
0x1: {  	s0 =	rddreg [dreg:$0x0]  }
0x2: {  	s1 =	rddreg [dreg:$0x1]  }
0x3: {  	s3 =	srdreg.scid;
	s5 =	stileid.u32  }
0x4: {  	s2 =	simm.s32 $0x0;
	s12 =	simm.s32 $0x2;
	s14 =	simm.s32 $0x4200  }
0x5: {  	s31 =	simm.s32 $0x1;
	s13 =	simm.s32 $0xD200;
	s15 =	simm.s32 $0xDA00  }
0x6: {  	s16 =	simm.s32 $0xE200;
	s17 =	simm.s32 $0xEA00;
	s18 =	simm.s32 $0xF200  }
0x7: {  	s19 =	simm.s32 $0x10200;
	s20 =	simm.s32 $0x10A00;
	s21 =	simm.s32 $0x11A00  }
0x8: {  	s22 =	simm.s32 $0x12200;
	s23 =	simm.s32 $0x12A00;
	s24 =	simm.s32 $0x13200  }
0x9: {  	s25 =	simm.s32 $0x13A00;
	s4 =	sand.u32 $0x1, s3;
	[smem:$0x7FF] =	sst s2  }
0xa: {  	s26 =	sshll.u32 s5, $0x1;
	s3 =	sadd.s32 $0x128E00, s0;
	s9 =	sadd.s32 $0x129100, s0  }
0xb: {  	s5 =	sor.u32 s4, s26;
	_ =	strace $0x8000004A;
	s4 =	ssub.s32 $0x2, s4  }
0xc: {  	s26 =	simm.s32 $0x0;
	s6 =	sshll.u32 s5, $0x6;
	s7 =	sshll.u32 s5, $0xB  }
0xd: {  	s8 =	sshrl.u32 s4, $0x1;
	s5 =	sshll.u32 s5, $0xD;
	s6 =	sadd.s32 s6, s0  }
0xe: {  	v2 =	vlaneseq.u32;
	s7 =	sadd.s32 s7, s0;
	s4 =	ssub.s32 s4, s8;
	s6 =	sadd.s32 $0x118600, s6  }
0xf: {  	v0 =	vand.u32 $0x7, v2;
	v1 =	vshrl.u32 v2, $0x3;
	s8 =	sadd.s32 s1, s5;
	s28 =	sadd.s32 $0x118E00, s7;
	[dreg:$0x3] =	wrdreg s6  }
0x10: {  	v63 =	vor.u32 $0x8, v2;
	[tilespmem:$0x1FFD0] =	vst v0;
	v62 =	vmul.u32 $0x8, v1;
	s5 =	simm.s32 $0x11200;
	s29 =	sadd.s32 $0x1000, s8;
	[dreg:$0x4] =	wrdreg s28  }
0x11: {  	[tilespmem:$0x1FFF0] =	vst v63;
	s7 =	sadd.s32 $0x129000, s0;
	s30 =	smax.u32 s4, $0x1;
	[dreg:$0x5] =	wrdreg s29  }
0x12: {  	vm0 =	vmmov $0xffff;
	[tilespmem:$0x1FFE0] =	vst v62;
	s4 =	simm.s32 $0xFA00;
	s6 =	sadd.s32 $0x128F00, s0;
	[dreg:$0x6] =	wrdreg s30  }
.LBB2_1:
0x13: {  	s0 =	rddreg [dreg:$0x3]  }
0x14: {  	[tilespmem:s2], [sflag:$0x2] =	stream.linear.gather [hbm4b:s0+s2], $0x200, $0x38;
	[tilespmem:$0x14200] =	vst v63  }
0x15: {  	_ =	swait.ge [sflag:s12], $0x200  }
0x16: {  	[sflag:s12] =	ssyncset.done $0x0  }
0x17: {  	s1 =	simm.s32 $0x200;
	s11 =	rddreg [dreg:$0x4];
	[sflag:s12] =	ssyncadd.s32 $0xFFFFFE00  }
0x18: {  	[tilespmem:s1], [sflag:$0x2] =	stream.linear.gather [hbm4b:s11+s2], $0x4000, $0x38;
	[tilespmem:$0x14200] =	vst v63  }
0x19: {  	_ =	swait.ge [sflag:s12], $0x4000  }
0x1a: {  	[sflag:s12] =	ssyncset.done $0x0  }
0x1b: {  	[sflag:s12] =	ssyncadd.s32 $0xFFFFC000  }
0x1c: {  	v3 =	vld [tilespmem:$0x0];
	_ =	sdelay $0x2  }
0x1d: {  	v0 =	vld [tilespmem:$0x1FFD0];
	_ =	sdelay $0x1  }
0x1e: {  	v1 =	vld [tilespmem:$0x1FFE0];
	v4 =	vshll.u32 v3, $0x3  }
0x1f: {  	v3 =	vand.u32 $0x7, v3;
	v4 =	vand.u32 $0xFFFFFFC0, v4  }
0x20: {  	v3 =	vor.u32 v3, v4  }
0x21: {  	v4 =	vperm.xlane v3, v0;
	_ =	sdelay $0x1  }
0x22: {  	v4 =	vadd.s32 v1, v4  }
0x23: {  	v2 =	vld [tilespmem:$0x1FFF0];
	_ =	sdelay $0x3  }
0x24: {  	[tilespmem:s14], [sflag:$0x1] =	stream.indirect_vreg.gather [hbm4b:s3+s2], $0x80, v4, vm0, $0xb8;
	[tilespmem:$0x14200] =	vst v63  }
0x25: {  	s30 =	simm.s32 $0x4A00;
	v3 =	vperm.xlane v3, v2  }
0x26: {  	[tilespmem:s30], [sflag:$0x1] =	stream.indirect_vreg.gather [hbm4b:s6+s2], $0x80, v4, vm0, $0xb8;
	[tilespmem:$0x14200] =	vst v63  }
0x27: {  	s1 =	simm.s32 $0x5200;
	v3 =	vadd.s32 v1, v3  }
0x28: {  	[tilespmem:s1], [sflag:$0x1] =	stream.indirect_vreg.gather [hbm4b:s7+s2], $0x80, v4, vm0, $0xb8;
	[tilespmem:$0x14200] =	vst v63  }
0x29: {  	s10 =	simm.s32 $0x5A00  }
0x2a: {  	[tilespmem:s10], [sflag:$0x1] =	stream.indirect_vreg.gather [hbm4b:s9+s2], $0x80, v4, vm0, $0xb8;
	[tilespmem:$0x14200] =	vst v63  }
0x2b: {  	s11 =	simm.s32 $0x6200  }
0x2c: {  	[tilespmem:s11], [sflag:$0x1] =	stream.indirect_vreg.gather [hbm4b:s3+s2], $0x80, v3, vm0, $0xb8;
	[tilespmem:$0x14200] =	vst v63  }
0x2d: {  	s30 =	simm.s32 $0x6A00  }
0x2e: {  	[tilespmem:s30], [sflag:$0x1] =	stream.indirect_vreg.gather [hbm4b:s6+s2], $0x80, v3, vm0, $0xb8;
	[tilespmem:$0x14200] =	vst v63  }
0x2f: {  	s1 =	simm.s32 $0x7200  }
0x30: {  	[tilespmem:s1], [sflag:$0x1] =	stream.indirect_vreg.gather [hbm4b:s7+s2], $0x80, v3, vm0, $0xb8;
	[tilespmem:$0x14200] =	vst v63  }
0x31: {  	s10 =	simm.s32 $0x7A00  }
0x32: {  	[tilespmem:s10], [sflag:$0x1] =	stream.indirect_vreg.gather [hbm4b:s9+s2], $0x80, v3, vm0, $0xb8;
	[tilespmem:$0x14200] =	vst v63  }
0x33: {  	v3 =	vld [tilespmem:$0x10];
	_ =	sdelay $0x4  }
0x34: {  	v60 =	vshll.u32 v3, $0x3  }
0x35: {  	v3 =	vand.u32 $0x7, v3;
	v4 =	vand.u32 $0xFFFFFFC0, v60  }
0x36: {  	v3 =	vor.u32 v3, v4  }
0x37: {  	v4 =	vperm.xlane v3, v0;
	_ =	sdelay $0x1  }
0x38: {  	v4 =	vadd.s32 v1, v4;
	_ =	sdelay $0x3  }
0x39: {  	s11 =	simm.s32 $0x8200  }
0x3a: {  	[tilespmem:s11], [sflag:$0x1] =	stream.indirect_vreg.gather [hbm4b:s3+s2], $0x80, v4, vm0, $0xb8;
	[tilespmem:$0x14200] =	vst v63  }
0x3b: {  	s30 =	simm.s32 $0x8A00;
	v3 =	vperm.xlane v3, v2  }
0x3c: {  	[tilespmem:s30], [sflag:$0x1] =	stream.indirect_vreg.gather [hbm4b:s6+s2], $0x80, v4, vm0, $0xb8;
	[tilespmem:$0x14200] =	vst v63  }
0x3d: {  	s1 =	simm.s32 $0x9200;
	v3 =	vadd.s32 v1, v3  }
0x3e: {  	[tilespmem:s1], [sflag:$0x1] =	stream.indirect_vreg.gather [hbm4b:s7+s2], $0x80, v4, vm0, $0xb8;
	[tilespmem:$0x14200] =	vst v63  }
0x3f: {  	s10 =	simm.s32 $0x9A00  }
0x40: {  	[tilespmem:s10], [sflag:$0x1] =	stream.indirect_vreg.gather [hbm4b:s9+s2], $0x80, v4, vm0, $0xb8;
	[tilespmem:$0x14200] =	vst v63  }
0x41: {  	s11 =	simm.s32 $0xA200  }
0x42: {  	[tilespmem:s11], [sflag:$0x1] =	stream.indirect_vreg.gather [hbm4b:s3+s2], $0x80, v3, vm0, $0xb8;
	[tilespmem:$0x14200] =	vst v63  }
0x43: {  	s30 =	simm.s32 $0xAA00  }
0x44: {  	[tilespmem:s30], [sflag:$0x1] =	stream.indirect_vreg.gather [hbm4b:s6+s2], $0x80, v3, vm0, $0xb8;
	[tilespmem:$0x14200] =	vst v63  }
0x45: {  	s1 =	simm.s32 $0xB200  }
0x46: {  	[tilespmem:s1], [sflag:$0x1] =	stream.indirect_vreg.gather [hbm4b:s7+s2], $0x80, v3, vm0, $0xb8;
	[tilespmem:$0x14200] =	vst v63  }
0x47: {  	s10 =	simm.s32 $0xBA00  }
0x48: {  	[tilespmem:s10], [sflag:$0x1] =	stream.indirect_vreg.gather [hbm4b:s9+s2], $0x80, v3, vm0, $0xb8;
	[tilespmem:$0x14200] =	vst v63  }
0x49: {  	_ =	swait.ge [sflag:s31], $0x8000  }
0x4a: {  	[sflag:s31] =	ssyncset.done $0x0  }
0x4b: {  	[sflag:s31] =	ssyncadd.s32 $0xFFFF8000  }
0x4c: {  	v61 =	vld [tilespmem:$0x100];
	_ =	sdelay $0x4  }
0x4d: {  	v62 =	vshll.u32 v61, $0x3  }
0x4e: {  	v3 =	vand.u32 $0x7, v61;
	v4 =	vand.u32 $0xFFFFFFC0, v62  }
0x4f: {  	v3 =	vor.u32 v3, v4  }
0x50: {  	v4 =	vperm.xlane v3, v0;
	_ =	sdelay $0x1  }
0x51: {  	v4 =	vadd.s32 v1, v4;
	_ =	sdelay $0x3  }
0x52: {  	s11 =	simm.s32 $0xC200  }
0x53: {  	[tilespmem:s11], [sflag:$0x1] =	stream.indirect_vreg.gather [hbm4b:s3+s2], $0x80, v4, vm0, $0xb8;
	[tilespmem:$0x14200] =	vst v63  }
0x54: {  	s30 =	simm.s32 $0xCA00;
	v3 =	vperm.xlane v3, v2  }
0x55: {  	[tilespmem:s30], [sflag:$0x1] =	stream.indirect_vreg.gather [hbm4b:s6+s2], $0x80, v4, vm0, $0xb8;
	[tilespmem:$0x14200] =	vst v63  }
0x56: {  	v3 =	vadd.s32 v1, v3  }
0x57: {  	[tilespmem:s13], [sflag:$0x1] =	stream.indirect_vreg.gather [hbm4b:s7+s2], $0x80, v4, vm0, $0xb8;
	[tilespmem:$0x14200] =	vst v63  }
0x58: {  	_ = 	snop  }
0x59: {  	[tilespmem:s15], [sflag:$0x1] =	stream.indirect_vreg.gather [hbm4b:s9+s2], $0x80, v4, vm0, $0xb8;
	[tilespmem:$0x14200] =	vst v63  }
0x5a: {  	_ = 	snop  }
0x5b: {  	[tilespmem:s16], [sflag:$0x1] =	stream.indirect_vreg.gather [hbm4b:s3+s2], $0x80, v3, vm0, $0xb8;
	[tilespmem:$0x14200] =	vst v63  }
0x5c: {  	_ = 	snop  }
0x5d: {  	[tilespmem:s17], [sflag:$0x1] =	stream.indirect_vreg.gather [hbm4b:s6+s2], $0x80, v3, vm0, $0xb8;
	[tilespmem:$0x14200] =	vst v63  }
0x5e: {  	_ = 	snop  }
0x5f: {  	[tilespmem:s18], [sflag:$0x1] =	stream.indirect_vreg.gather [hbm4b:s7+s2], $0x80, v3, vm0, $0xb8;
	[tilespmem:$0x14200] =	vst v63  }
0x60: {  	_ = 	snop  }
0x61: {  	[tilespmem:s4], [sflag:$0x1] =	stream.indirect_vreg.gather [hbm4b:s9+s2], $0x80, v3, vm0, $0xb8;
	[tilespmem:$0x14200] =	vst v63  }
0x62: {  	v3 =	vld [tilespmem:$0x110];
	_ =	sdelay $0x4  }
0x63: {  	v63 =	vshll.u32 v3, $0x3  }
0x64: {  	v3 =	vand.u32 $0x7, v3;
	v4 =	vand.u32 $0xFFFFFFC0, v63  }
0x65: {  	v3 =	vor.u32 v3, v4  }
0x66: {  	v4 =	vperm.xlane v3, v0;
	_ =	sdelay $0x1  }
0x67: {  	v4 =	vadd.s32 v1, v4;
	_ =	sdelay $0x4  }
0x68: {  	[tilespmem:s19], [sflag:$0x1] =	stream.indirect_vreg.gather [hbm4b:s3+s2], $0x80, v4, vm0, $0xb8;
	[tilespmem:$0x14200] =	vst v63  }
0x69: {  	v3 =	vperm.xlane v3, v2  }
0x6a: {  	[tilespmem:s20], [sflag:$0x1] =	stream.indirect_vreg.gather [hbm4b:s6+s2], $0x80, v4, vm0, $0xb8;
	[tilespmem:$0x14200] =	vst v63  }
0x6b: {  	v3 =	vadd.s32 v1, v3  }
0x6c: {  	[tilespmem:s5], [sflag:$0x1] =	stream.indirect_vreg.gather [hbm4b:s7+s2], $0x80, v4, vm0, $0xb8;
	[tilespmem:$0x14200] =	vst v63  }
0x6d: {  	_ = 	snop  }
0x6e: {  	[tilespmem:s21], [sflag:$0x1] =	stream.indirect_vreg.gather [hbm4b:s9+s2], $0x80, v4, vm0, $0xb8;
	[tilespmem:$0x14200] =	vst v63  }
0x6f: {  	_ = 	snop  }
0x70: {  	[tilespmem:s22], [sflag:$0x1] =	stream.indirect_vreg.gather [hbm4b:s3+s2], $0x80, v3, vm0, $0xb8;
	[tilespmem:$0x14200] =	vst v63  }
0x71: {  	_ = 	snop  }
0x72: {  	[tilespmem:s23], [sflag:$0x1] =	stream.indirect_vreg.gather [hbm4b:s6+s2], $0x80, v3, vm0, $0xb8;
	[tilespmem:$0x14200] =	vst v63  }
0x73: {  	_ = 	snop  }
0x74: {  	[tilespmem:s24], [sflag:$0x1] =	stream.indirect_vreg.gather [hbm4b:s7+s2], $0x80, v3, vm0, $0xb8;
	[tilespmem:$0x14200] =	vst v63  }
0x75: {  	_ = 	snop  }
0x76: {  	[tilespmem:s25], [sflag:$0x1] =	stream.indirect_vreg.gather [hbm4b:s9+s2], $0x80, v3, vm0, $0xb8;
	[tilespmem:$0x14200] =	vst v63  }
0x77: {  	_ =	swait.ge [sflag:s31], $0x8000  }
0x78: {  	s28 =	simm.s32 $0x0;
	s29 =	simm.s32 $0x0;
	[sflag:s31] =	ssyncset.done $0x0  }
0x79: {  	s10 =	simm.s32 $0x2200;
	s11 =	simm.s32 $0x0;
	[sflag:s31] =	ssyncadd.s32 $0xFFFF8000  }
.LBB2_2:
0x7a: {  	v3 =	vld [tilespmem:s10+$0xFFFFE000];
	s30 =	sand.u32 $0x6000, s11;
	s0 =	sand.u32 $0x380, s29  }
0x7b: {  	v4 =	vld [tilespmem:s10+$0x0];
	s30 =	sor.u32 s0, s30  }
0x7c: {  	v6 =	vld [tilespmem:s30+$0x4200]  }
0x7d: {  	v7 =	vld [tilespmem:s30+$0xC200]  }
0x7e: {  	v10 =	vld [tilespmem:s30+$0x4210]  }
0x7f: {  	v11 =	vld [tilespmem:s30+$0xC210]  }
0x80: {  	v14 =	vld [tilespmem:s30+$0x4220]  }
0x81: {  	v17 =	vld [tilespmem:s30+$0xC220]  }
0x82: {  	v20 =	vld [tilespmem:s30+$0x4230]  }
0x83: {  	v21 =	vld [tilespmem:s30+$0xC230]  }
0x84: {  	v26 =	vld [tilespmem:s30+$0x4240]  }
0x85: {  	v27 =	vld [tilespmem:s30+$0xC240]  }
0x86: {  	v28 =	vld [tilespmem:s30+$0x4250]  }
0x87: {  	v29 =	vld [tilespmem:s30+$0xC250]  }
0x88: {  	v30 =	vld [tilespmem:s30+$0x4260]  }
0x89: {  	v31 =	vld [tilespmem:s30+$0xC260]  }
0x8a: {  	v32 =	vld [tilespmem:s30+$0x4270]  }
0x8b: {  	v33 =	vld [tilespmem:s30+$0xC270]  }
0x8c: {  	v34 =	vld [tilespmem:s30+$0x4600]  }
0x8d: {  	v35 =	vld [tilespmem:s30+$0xC600]  }
0x8e: {  	v36 =	vld [tilespmem:s30+$0x4610]  }
0x8f: {  	v37 =	vld [tilespmem:s30+$0xC610]  }
0x90: {  	v38 =	vld [tilespmem:s30+$0x4620]  }
0x91: {  	v39 =	vld [tilespmem:s30+$0xC620]  }
0x92: {  	v40 =	vld [tilespmem:s30+$0x4630]  }
0x93: {  	v41 =	vld [tilespmem:s30+$0xC630]  }
0x94: {  	v42 =	vld [tilespmem:s30+$0x4640]  }
0x95: {  	v43 =	vld [tilespmem:s30+$0xC640]  }
0x96: {  	v44 =	vld [tilespmem:s30+$0x4650]  }
0x97: {  	v45 =	vld [tilespmem:s30+$0xC650]  }
0x98: {  	v46 =	vld [tilespmem:s30+$0x4660]  }
0x99: {  	v47 =	vld [tilespmem:s30+$0xC660]  }
0x9a: {  	v48 =	vld [tilespmem:s30+$0x4670]  }
0x9b: {  	v49 =	vld [tilespmem:s30+$0xC670]  }
0x9c: {  	v50 =	vld [tilespmem:s30+$0x4A00]  }
0x9d: {  	v51 =	vld [tilespmem:s30+$0xCA00]  }
0x9e: {  	v52 =	vld [tilespmem:s30+$0x4A10]  }
0x9f: {  	v53 =	vld [tilespmem:s30+$0xCA10]  }
0xa0: {  	v54 =	vld [tilespmem:s30+$0x4A20]  }
0xa1: {  	v55 =	vld [tilespmem:s30+$0xCA20]  }
0xa2: {  	v56 =	vld [tilespmem:s30+$0x4A30]  }
0xa3: {  	v57 =	vld [tilespmem:s30+$0xCA30]  }
0xa4: {  	v58 =	vld [tilespmem:s30+$0x4A40]  }
0xa5: {  	v59 =	vld [tilespmem:s30+$0xCA40]  }
0xa6: {  	v60 =	vld [tilespmem:s30+$0x4A50]  }
0xa7: {  	v61 =	vld [tilespmem:s30+$0xCA50]  }
0xa8: {  	v62 =	vld [tilespmem:s30+$0x4A60]  }
0xa9: {  	v63 =	vld [tilespmem:s30+$0xCA60]  }
0xaa: {  	v5 =	vld [tilespmem:s30+$0x4A70]  }
0xab: {  	v2 =	vld [tilespmem:s30+$0xCA70]  }
0xac: {  	v24 =	vld [tilespmem:s30+$0x4E00]  }
0xad: {  	v25 =	vld [tilespmem:s30+$0xCE00]  }
0xae: {  	v22 =	vld [tilespmem:s30+$0x4E10]  }
0xaf: {  	v23 =	vld [tilespmem:s30+$0xCE10]  }
0xb0: {  	v18 =	vld [tilespmem:s30+$0x4E20]  }
0xb1: {  	v0 =	vld [tilespmem:s30+$0x4E60]  }
0xb2: {  	v19 =	vld [tilespmem:s30+$0xCE20]  }
0xb3: {  	v15 =	vld [tilespmem:s30+$0x4E30]  }
0xb4: {  	v16 =	vld [tilespmem:s30+$0xCE30]  }
0xb5: {  	v12 =	vld [tilespmem:s30+$0x4E40];
	v1 =	vmul.f32 v6, v3  }
0xb6: {  	v13 =	vld [tilespmem:s30+$0xCE40];
	[tilespmem:$0x1FFC0] =	vst v0;
	v0 =	vmul.f32 v7, v4;
	v10 =	vmul.f32 v10, v3  }
0xb7: {  	v8 =	vld [tilespmem:s30+$0x4E50];
	v11 =	vmul.f32 v11, v4;
	v14 =	vmul.f32 v14, v3  }
0xb8: {  	v9 =	vld [tilespmem:s30+$0xCE50];
	v17 =	vmul.f32 v17, v4;
	v20 =	vmul.f32 v20, v3  }
0xb9: {  	v7 =	vld [tilespmem:s30+$0xCE60];
	v21 =	vmul.f32 v21, v4;
	v26 =	vmul.f32 v26, v3  }
0xba: {  	v6 =	vld [tilespmem:s30+$0x4E70];
	v27 =	vmul.f32 v27, v4;
	v34 =	vmul.f32 v34, v3  }
0xbb: {  	v35 =	vmul.f32 v35, v4;
	v38 =	vmul.f32 v38, v3;
	v1 =	vadd.f32 v0, v1;
	v0 =	vld [tilespmem:s30+$0xCE70]  }
0xbc: {  	v39 =	vmul.f32 v39, v4;
	v40 =	vmul.f32 v40, v3;
	v10 =	vadd.f32 v11, v10;
	v11 =	vld [tilespmem:s30+$0x5200]  }
0xbd: {  	v5 =	vmul.f32 v5, v3;
	v2 =	vmul.f32 v2, v4;
	[tilespmem:s30+$0x4200] =	vst v1;
	v1 =	vadd.f32 v17, v14;
	v14 =	vld [tilespmem:s30+$0xD200]  }
0xbe: {  	[tilespmem:s30+$0x4210] =	vst v10;
	v10 =	vadd.f32 v21, v20;
	v21 =	vmul.f32 v28, v3;
	v28 =	vmul.f32 v29, v4;
	v17 =	vld [tilespmem:s30+$0x5210]  }
0xbf: {  	v52 =	vmul.f32 v52, v3;
	v2 =	vadd.f32 v2, v5;
	v20 =	vld [tilespmem:s30+$0xD210];
	v29 =	vmul.f32 v33, v4;
	[tilespmem:s30+$0x4220] =	vst v1  }
0xc0: {  	v1 =	vadd.f32 v27, v26;
	v26 =	vmul.f32 v30, v3;
	[tilespmem:s30+$0x4230] =	vst v10;
	v10 =	vadd.f32 v28, v21;
	v21 =	vld [tilespmem:s30+$0x5220]  }
0xc1: {  	v27 =	vmul.f32 v31, v4;
	v28 =	vmul.f32 v32, v3;
	v31 =	vld [tilespmem:s30+$0x5230]  }
0xc2: {  	v24 =	vmul.f32 v24, v3;
	v25 =	vmul.f32 v25, v4;
	[tilespmem:s30+$0x4A70] =	vst v2;
	v32 =	vld [tilespmem:s30+$0xD230]  }
0xc3: {  	v18 =	vmul.f32 v18, v3;
	v33 =	vadd.f32 v27, v26;
	v26 =	vld [tilespmem:s30+$0xD220];
	[tilespmem:s30+$0x4250] =	vst v10;
	v10 =	vadd.f32 v29, v28  }
0xc4: {  	[tilespmem:s30+$0x4240] =	vst v1;
	v28 =	vmul.f32 v36, v3;
	v36 =	vmul.f32 v37, v4;
	v37 =	vadd.f32 v35, v34;
	v34 =	vld [tilespmem:s30+$0xD240]  }
0xc5: {  	v19 =	vmul.f32 v19, v4;
	v12 =	vmul.f32 v12, v3;
	v35 =	vld [tilespmem:s30+$0x5250];
	[tilespmem:s30+$0x4260] =	vst v33  }
0xc6: {  	v13 =	vmul.f32 v13, v4;
	v27 =	vld [tilespmem:s30+$0xD620];
	v29 =	vadd.f32 v25, v24;
	[tilespmem:s30+$0x4270] =	vst v10;
	v10 =	vadd.f32 v36, v28  }
0xc7: {  	v36 =	vmul.f32 v41, v4;
	v33 =	vld [tilespmem:s30+$0x5240];
	[tilespmem:s30+$0x4600] =	vst v37;
	v37 =	vadd.f32 v39, v38;
	v38 =	vmul.f32 v42, v3  }
0xc8: {  	v39 =	vmul.f32 v43, v4;
	v41 =	vmul.f32 v45, v4;
	v28 =	vld [tilespmem:s30+$0x5620];
	[tilespmem:s30+$0x4E00] =	vst v29  }
0xc9: {  	v43 =	vmul.f32 v46, v3;
	[tilespmem:s30+$0x4610] =	vst v10;
	v10 =	vadd.f32 v36, v40;
	v40 =	vmul.f32 v44, v3;
	v36 =	vld [tilespmem:s30+$0xD250]  }
0xca: {  	v46 =	vmul.f32 v48, v3;
	[tilespmem:s30+$0x4620] =	vst v37;
	v42 =	vadd.f32 v39, v38;
	v44 =	vmul.f32 v47, v4;
	v37 =	vld [tilespmem:s30+$0x5260]  }
0xcb: {  	v47 =	vmul.f32 v49, v4;
	v49 =	vmul.f32 v50, v3;
	v38 =	vld [tilespmem:s30+$0xD260];
	[tilespmem:s30+$0x4630] =	vst v10;
	v45 =	vadd.f32 v41, v40  }
0xcc: {  	v50 =	vmul.f32 v51, v4;
	v39 =	vld [tilespmem:s30+$0x5270];
	[tilespmem:s30+$0x4640] =	vst v42;
	v48 =	vadd.f32 v44, v43;
	v44 =	vmul.f32 v53, v4  }
0xcd: {  	v51 =	vadd.f32 v47, v46;
	v46 =	vmul.f32 v54, v3;
	v47 =	vmul.f32 v55, v4;
	v40 =	vld [tilespmem:s30+$0xD270];
	[tilespmem:s30+$0x4650] =	vst v45  }
0xce: {  	v41 =	vld [tilespmem:s30+$0x5600];
	v53 =	vmul.f32 v59, v4;
	v55 =	vmul.f32 v60, v3;
	[tilespmem:s30+$0x4660] =	vst v48;
	v45 =	vadd.f32 v50, v49  }
0xcf: {  	v42 =	vld [tilespmem:s30+$0xD600];
	v59 =	vmul.f32 v63, v4;
	v63 =	vmul.f32 v23, v4;
	[tilespmem:s30+$0x4670] =	vst v51;
	v48 =	vadd.f32 v44, v52  }
0xd0: {  	v43 =	vld [tilespmem:s30+$0x5610];
	v49 =	vmul.f32 v56, v3;
	v50 =	vmul.f32 v57, v4;
	v51 =	vadd.f32 v47, v46;
	[tilespmem:s30+$0x4A00] =	vst v45  }
0xd1: {  	v23 =	vld [tilespmem:s30+$0xD630];
	v25 =	vmul.f32 v33, v3;
	v52 =	vmul.f32 v58, v3;
	v47 =	vadd.f32 v19, v18;
	[tilespmem:s30+$0x4A10] =	vst v48  }
0xd2: {  	v56 =	vmul.f32 v61, v4;
	v58 =	vmul.f32 v62, v3;
	v44 =	vld [tilespmem:s30+$0xD610];
	v54 =	vadd.f32 v50, v49;
	[tilespmem:s30+$0x4A20] =	vst v51  }
0xd3: {  	v62 =	vmul.f32 v22, v3;
	v22 =	vld [tilespmem:s30+$0x5630];
	v46 =	vmul.f32 v16, v4;
	v57 =	vadd.f32 v53, v52;
	[tilespmem:s30+$0x4E20] =	vst v47  }
0xd4: {  	v16 =	vld [tilespmem:s30+$0xD640];
	v33 =	vmul.f32 v37, v3;
	v60 =	vadd.f32 v56, v55;
	v45 =	vmul.f32 v15, v3;
	[tilespmem:s30+$0x4A30] =	vst v54  }
0xd5: {  	v18 =	vld [tilespmem:s30+$0x5A10];
	v61 =	vadd.f32 v59, v58;
	v49 =	vmul.f32 v8, v3;
	v50 =	vmul.f32 v9, v4;
	[tilespmem:s30+$0x4A40] =	vst v57  }
0xd6: {  	v19 =	vld [tilespmem:s30+$0xDA10];
	v30 =	vadd.f32 v63, v62;
	v56 =	vmul.f32 v11, v3;
	v58 =	vmul.f32 v17, v3;
	[tilespmem:s30+$0x4A50] =	vst v60  }
0xd7: {  	v15 =	vld [tilespmem:s30+$0x5640];
	v51 =	vadd.f32 v13, v12;
	v59 =	vmul.f32 v20, v4;
	v62 =	vmul.f32 v26, v4;
	[tilespmem:s30+$0x4A60] =	vst v61  }
0xd8: {  	v9 =	vld [tilespmem:s30+$0x5650];
	v20 =	vmul.f32 v31, v3;
	v26 =	vmul.f32 v34, v4;
	[tilespmem:s30+$0x4E10] =	vst v30;
	v48 =	vadd.f32 v46, v45  }
0xd9: {  	v52 =	vld [tilespmem:$0x1FFC0];
	v31 =	vmul.f32 v36, v4;
	v34 =	vmul.f32 v38, v4;
	v53 =	vadd.f32 v50, v49;
	[tilespmem:s30+$0x4E40] =	vst v51  }
0xda: {  	v12 =	vld [tilespmem:s30+$0xD650];
	v36 =	vmul.f32 v39, v3;
	v37 =	vmul.f32 v40, v4;
	v63 =	vadd.f32 v59, v58;
	[tilespmem:s30+$0x4E30] =	vst v48  }
0xdb: {  	v11 =	vld [tilespmem:s30+$0x5670];
	v61 =	vmul.f32 v21, v3;
	v21 =	vmul.f32 v32, v4;
	v32 =	vadd.f32 v26, v25;
	[tilespmem:s30+$0x4E50] =	vst v53  }
0xdc: {  	v13 =	vld [tilespmem:s30+$0xD670];
	v39 =	vmul.f32 v41, v3;
	v40 =	vmul.f32 v42, v4;
	v38 =	vadd.f32 v34, v33;
	[tilespmem:s30+$0x5210] =	vst v63  }
0xdd: {  	v0 =	vmul.f32 v0, v4;
	v17 =	vld [tilespmem:s30+$0xDA00];
	v54 =	vmul.f32 v6, v3;
	v42 =	vadd.f32 v37, v36;
	[tilespmem:s30+$0x5240] =	vst v32  }
0xde: {  	v41 =	vld [tilespmem:s30+$0xDA20];
	v57 =	vmul.f32 v14, v4;
	v47 =	vadd.f32 v40, v39;
	[tilespmem:s30+$0x5260] =	vst v38  }
0xdf: {  	v6 =	vld [tilespmem:s30+$0x5660];
	v0 =	vadd.f32 v0, v54;
	[tilespmem:s30+$0x5270] =	vst v42  }
0xe0: {  	v14 =	vld [tilespmem:s30+$0x5A00];
	v60 =	vadd.f32 v57, v56;
	[tilespmem:s30+$0x5600] =	vst v47  }
0xe1: {  	v7 =	vmul.f32 v7, v4;
	v30 =	vmul.f32 v35, v3;
	v46 =	vld [tilespmem:s30+$0x5A30];
	v24 =	vadd.f32 v62, v61;
	[tilespmem:s30+$0x4E70] =	vst v0  }
0xe2: {  	v43 =	vmul.f32 v43, v3;
	v50 =	vld [tilespmem:s30+$0xDA30];
	v45 =	vmul.f32 v44, v4;
	v29 =	vadd.f32 v21, v20;
	[tilespmem:s30+$0x5200] =	vst v60  }
0xe3: {  	v49 =	vmul.f32 v27, v4;
	v58 =	vld [tilespmem:s30+$0x5A50];
	v35 =	vadd.f32 v31, v30;
	v10 =	vmul.f32 v52, v3;
	[tilespmem:s30+$0x5220] =	vst v24  }
0xe4: {  	v36 =	vld [tilespmem:s30+$0xDA70];
	v53 =	vmul.f32 v23, v4;
	v51 =	vadd.f32 v45, v43;
	v52 =	vmul.f32 v22, v3;
	[tilespmem:s30+$0x5230] =	vst v29  }
0xe5: {  	v40 =	vld [tilespmem:s30+$0xDA40];
	v57 =	vmul.f32 v16, v4;
	v56 =	vmul.f32 v15, v3;
	[tilespmem:s30+$0x5250] =	vst v35;
	v55 =	vadd.f32 v7, v10  }
0xe6: {  	v20 =	vld [tilespmem:s30+$0x5A20];
	v26 =	vmul.f32 v11, v3;
	v27 =	vmul.f32 v13, v4;
	[tilespmem:s30+$0x5610] =	vst v51;
	v59 =	vadd.f32 v53, v52  }
0xe7: {  	v62 =	vld [tilespmem:s30+$0xDA50];
	v61 =	vmul.f32 v12, v4;
	v60 =	vmul.f32 v9, v3;
	v63 =	vadd.f32 v57, v56;
	[tilespmem:s30+$0x4E60] =	vst v55  }
0xe8: {  	v34 =	vmul.f32 v18, v3;
	v16 =	vld [tilespmem:s30+$0x5A60];
	v35 =	vmul.f32 v19, v4;
	v33 =	vadd.f32 v27, v26;
	[tilespmem:s30+$0x5630] =	vst v59  }
0xe9: {  	v48 =	vmul.f32 v28, v3;
	v28 =	vld [tilespmem:s30+$0xDA60];
	v31 =	vmul.f32 v17, v4;
	v23 =	vadd.f32 v61, v60;
	[tilespmem:s30+$0x5640] =	vst v63  }
0xea: {  	v32 =	vld [tilespmem:s30+$0x5A70];
	v39 =	vmul.f32 v41, v4;
	v30 =	vmul.f32 v14, v3;
	v41 =	vadd.f32 v35, v34;
	[tilespmem:s30+$0x5670] =	vst v33  }
0xeb: {  	v10 =	vld [tilespmem:s30+$0xD660];
	v42 =	vmul.f32 v46, v3;
	v43 =	vmul.f32 v50, v4;
	v55 =	vadd.f32 v49, v48;
	[tilespmem:s30+$0x5650] =	vst v23  }
0xec: {  	v54 =	vld [tilespmem:s30+$0x5A40];
	v37 =	vadd.f32 v31, v30;
	v38 =	vmul.f32 v20, v3;
	[tilespmem:s30+$0x5A10] =	vst v41  }
0xed: {  	v45 =	vmul.f32 v58, v3;
	v46 =	vmul.f32 v62, v4;
	v47 =	vadd.f32 v43, v42;
	[tilespmem:s30+$0x5620] =	vst v55  }
0xee: {  	v48 =	vmul.f32 v16, v3;
	v49 =	vmul.f32 v28, v4;
	[tilespmem:s30+$0x5A00] =	vst v37;
	v44 =	vadd.f32 v39, v38  }
0xef: {  	v52 =	vmul.f32 v36, v4;
	v51 =	vmul.f32 v32, v3;
	v50 =	vadd.f32 v46, v45;
	[tilespmem:s30+$0x5A30] =	vst v47  }
0xf0: {  	v6 =	vmul.f32 v6, v3;
	v53 =	vadd.f32 v49, v48;
	v12 =	vmul.f32 v10, v4;
	[tilespmem:s30+$0x5A20] =	vst v44  }
0xf1: {  	s1 =	sand.u32 $0x7, s28;
	v54 =	vmul.f32 v54, v3;
	v55 =	vmul.f32 v40, v4;
	v56 =	vadd.f32 v52, v51;
	[tilespmem:s30+$0x5A50] =	vst v50  }
0xf2: {  	s0 =	sshll.u32 s1, $0x7;
	[tilespmem:s30+$0x5A60] =	vst v53;
	v29 =	vadd.f32 v12, v6  }
0xf3: {  	s0 =	sadd.s32 s0, s11;
	v2 =	vadd.f32 v55, v54;
	[tilespmem:s30+$0x5A70] =	vst v56  }
0xf4: {  	s1 =	sor.u32 $0x1C00, s0;
	[tilespmem:s30+$0x5660] =	vst v29  }
0xf5: {  	[tilespmem:s30+$0x5A40] =	vst v2;
	v0 =	vld [tilespmem:s1+$0x4200]  }
0xf6: {  	v1 =	vld [tilespmem:s1+$0xC200];
	_ =	sdelay $0x4  }
0xf7: {  	v0 =	vmul.f32 v0, v3;
	v1 =	vmul.f32 v1, v4;
	_ =	sdelay $0x1  }
0xf8: {  	v0 =	vadd.f32 v1, v0;
	_ =	sdelay $0x1  }
0xf9: {  	s30 =	sor.u32 $0x1C10, s0;
	[tilespmem:s1+$0x4200] =	vst v0  }
0xfa: {  	v0 =	vld [tilespmem:s30+$0x4200]  }
0xfb: {  	v57 =	vld [tilespmem:s30+$0xC200];
	_ =	sdelay $0x4  }
0xfc: {  	v0 =	vmul.f32 v0, v3;
	v1 =	vmul.f32 v57, v4;
	_ =	sdelay $0x1  }
0xfd: {  	v0 =	vadd.f32 v1, v0;
	_ =	sdelay $0x1  }
0xfe: {  	[tilespmem:s30+$0x4200] =	vst v0;
	s30 =	sor.u32 $0x1C20, s0  }
0xff: {  	v0 =	vld [tilespmem:s30+$0x4200]  }
0x100: {  	v58 =	vld [tilespmem:s30+$0xC200];
	_ =	sdelay $0x4  }
0x101: {  	v0 =	vmul.f32 v0, v3;
	v1 =	vmul.f32 v58, v4;
	_ =	sdelay $0x1  }
0x102: {  	v0 =	vadd.f32 v1, v0;
	_ =	sdelay $0x1  }
0x103: {  	[tilespmem:s30+$0x4200] =	vst v0;
	s30 =	sor.u32 $0x1C30, s0  }
0x104: {  	v0 =	vld [tilespmem:s30+$0x4200]  }
0x105: {  	v59 =	vld [tilespmem:s30+$0xC200];
	_ =	sdelay $0x4  }
0x106: {  	v0 =	vmul.f32 v0, v3;
	v1 =	vmul.f32 v59, v4;
	_ =	sdelay $0x1  }
0x107: {  	v0 =	vadd.f32 v1, v0;
	_ =	sdelay $0x1  }
0x108: {  	[tilespmem:s30+$0x4200] =	vst v0;
	s30 =	sor.u32 $0x1C40, s0  }
0x109: {  	v0 =	vld [tilespmem:s30+$0x4200]  }
0x10a: {  	v60 =	vld [tilespmem:s30+$0xC200];
	_ =	sdelay $0x4  }
0x10b: {  	v0 =	vmul.f32 v0, v3;
	v1 =	vmul.f32 v60, v4;
	_ =	sdelay $0x1  }
0x10c: {  	v0 =	vadd.f32 v1, v0;
	_ =	sdelay $0x1  }
0x10d: {  	[tilespmem:s30+$0x4200] =	vst v0;
	s30 =	sor.u32 $0x1C50, s0  }
0x10e: {  	v0 =	vld [tilespmem:s30+$0x4200]  }
0x10f: {  	v61 =	vld [tilespmem:s30+$0xC200];
	_ =	sdelay $0x4  }
0x110: {  	v0 =	vmul.f32 v0, v3;
	v1 =	vmul.f32 v61, v4;
	_ =	sdelay $0x1  }
0x111: {  	v0 =	vadd.f32 v1, v0;
	_ =	sdelay $0x1  }
0x112: {  	[tilespmem:s30+$0x4200] =	vst v0;
	s30 =	sor.u32 $0x1C60, s0  }
0x113: {  	v0 =	vld [tilespmem:s30+$0x4200]  }
0x114: {  	v62 =	vld [tilespmem:s30+$0xC200];
	_ =	sdelay $0x4  }
0x115: {  	v0 =	vmul.f32 v0, v3;
	v1 =	vmul.f32 v62, v4;
	_ =	sdelay $0x1  }
0x116: {  	v0 =	vadd.f32 v1, v0;
	_ =	sdelay $0x1  }
0x117: {  	s0 =	sor.u32 $0x1C70, s0;
	[tilespmem:s30+$0x4200] =	vst v0  }
0x118: {  	v0 =	vld [tilespmem:s0+$0x4200]  }
0x119: {  	v63 =	vld [tilespmem:s0+$0xC200];
	_ =	sdelay $0x3  }
0x11a: {  	p0 =	sne.s32 s29, $0xF80  }
.Ltmp0:
0x11b: {  	v0 =	vmul.f32 v0, v3;
	v1 =	vmul.f32 v63, v4;
	(pc) =	sbr.rel @p0 .LBB2_2-.Ltmp0, $4  }
0x11c: {  	_ = 	snop  }
0x11d: {  	v0 =	vadd.f32 v1, v0  }
0x11e: {  	s28 =	sadd.s32 $0x1, s28  }
0x11f: {  	s10 =	sadd.s32 $0x80, s10;
	s29 =	sadd.s32 $0x80, s29;
	s11 =	sadd.s32 $0x400, s11;
	[tilespmem:s0+$0x4200] =	vst v0  }
0x120: {  	s10 =	simm.s32 $0x0  }
0x121: {  	[hbm4b:s8+s10] =	stream.linear.scatter [tilespmem:s14], [sflag:$0x2], $0x8000, $0x38;
	[tilespmem:$0x14200] =	vst v63  }
0x122: {  	_ =	swait.ge [sflag:s12], $0x8000  }
0x123: {  	[sflag:s12] =	ssyncset.done $0x0  }
0x124: {  	[sflag:s12] =	ssyncadd.s32 $0xFFFF8000  }
0x125: {  	v0 =	vld [tilespmem:$0x80];
	_ =	sdelay $0x2  }
0x126: {  	v2 =	vld [tilespmem:$0x1FFD0];
	_ =	sdelay $0x1  }
0x127: {  	v3 =	vld [tilespmem:$0x1FFE0];
	v1 =	vshll.u32 v0, $0x3  }
0x128: {  	v0 =	vand.u32 $0x7, v0;
	v1 =	vand.u32 $0xFFFFFFC0, v1  }
0x129: {  	v0 =	vor.u32 v0, v1  }
0x12a: {  	v1 =	vperm.xlane v0, v2;
	_ =	sdelay $0x1  }
0x12b: {  	v1 =	vadd.s32 v3, v1  }
0x12c: {  	v4 =	vld [tilespmem:$0x1FFF0];
	_ =	sdelay $0x3  }
0x12d: {  	[tilespmem:s14], [sflag:$0x1] =	stream.indirect_vreg.gather [hbm4b:s3+s10], $0x80, v1, vm0, $0xb8;
	[tilespmem:$0x14200] =	vst v63  }
0x12e: {  	s0 =	simm.s32 $0x4A00;
	v0 =	vperm.xlane v0, v4  }
0x12f: {  	[tilespmem:s0], [sflag:$0x1] =	stream.indirect_vreg.gather [hbm4b:s6+s10], $0x80, v1, vm0, $0xb8;
	[tilespmem:$0x14200] =	vst v63  }
0x130: {  	s30 =	simm.s32 $0x5200;
	v0 =	vadd.s32 v3, v0  }
0x131: {  	[tilespmem:s30], [sflag:$0x1] =	stream.indirect_vreg.gather [hbm4b:s7+s10], $0x80, v1, vm0, $0xb8;
	[tilespmem:$0x14200] =	vst v63  }
0x132: {  	s1 =	simm.s32 $0x5A00  }
0x133: {  	[tilespmem:s1], [sflag:$0x1] =	stream.indirect_vreg.gather [hbm4b:s9+s10], $0x80, v1, vm0, $0xb8;
	[tilespmem:$0x14200] =	vst v63  }
0x134: {  	s11 =	simm.s32 $0x6200  }
0x135: {  	[tilespmem:s11], [sflag:$0x1] =	stream.indirect_vreg.gather [hbm4b:s3+s10], $0x80, v0, vm0, $0xb8;
	[tilespmem:$0x14200] =	vst v63  }
0x136: {  	s30 =	simm.s32 $0x6A00  }
0x137: {  	[tilespmem:s30], [sflag:$0x1] =	stream.indirect_vreg.gather [hbm4b:s6+s10], $0x80, v0, vm0, $0xb8;
	[tilespmem:$0x14200] =	vst v63  }
0x138: {  	s1 =	simm.s32 $0x7200  }
0x139: {  	[tilespmem:s1], [sflag:$0x1] =	stream.indirect_vreg.gather [hbm4b:s7+s10], $0x80, v0, vm0, $0xb8;
	[tilespmem:$0x14200] =	vst v63  }
0x13a: {  	s11 =	simm.s32 $0x7A00  }
0x13b: {  	[tilespmem:s11], [sflag:$0x1] =	stream.indirect_vreg.gather [hbm4b:s9+s10], $0x80, v0, vm0, $0xb8;
	[tilespmem:$0x14200] =	vst v63  }
0x13c: {  	v0 =	vld [tilespmem:$0x90];
	_ =	sdelay $0x4  }
0x13d: {  	v60 =	vshll.u32 v0, $0x3  }
0x13e: {  	v0 =	vand.u32 $0x7, v0;
	v1 =	vand.u32 $0xFFFFFFC0, v60  }
0x13f: {  	v0 =	vor.u32 v0, v1  }
0x140: {  	v1 =	vperm.xlane v0, v2;
	_ =	sdelay $0x1  }
0x141: {  	v1 =	vadd.s32 v3, v1;
	_ =	sdelay $0x3  }
0x142: {  	s30 =	simm.s32 $0x8200  }
0x143: {  	[tilespmem:s30], [sflag:$0x1] =	stream.indirect_vreg.gather [hbm4b:s3+s10], $0x80, v1, vm0, $0xb8;
	[tilespmem:$0x14200] =	vst v63  }
0x144: {  	s1 =	simm.s32 $0x8A00;
	v0 =	vperm.xlane v0, v4  }
0x145: {  	[tilespmem:s1], [sflag:$0x1] =	stream.indirect_vreg.gather [hbm4b:s6+s10], $0x80, v1, vm0, $0xb8;
	[tilespmem:$0x14200] =	vst v63  }
0x146: {  	s11 =	simm.s32 $0x9200;
	v0 =	vadd.s32 v3, v0  }
0x147: {  	[tilespmem:s11], [sflag:$0x1] =	stream.indirect_vreg.gather [hbm4b:s7+s10], $0x80, v1, vm0, $0xb8;
	[tilespmem:$0x14200] =	vst v63  }
0x148: {  	s30 =	simm.s32 $0x9A00  }
0x149: {  	[tilespmem:s30], [sflag:$0x1] =	stream.indirect_vreg.gather [hbm4b:s9+s10], $0x80, v1, vm0, $0xb8;
	[tilespmem:$0x14200] =	vst v63  }
0x14a: {  	s1 =	simm.s32 $0xA200  }
0x14b: {  	[tilespmem:s1], [sflag:$0x1] =	stream.indirect_vreg.gather [hbm4b:s3+s10], $0x80, v0, vm0, $0xb8;
	[tilespmem:$0x14200] =	vst v63  }
0x14c: {  	s11 =	simm.s32 $0xAA00  }
0x14d: {  	[tilespmem:s11], [sflag:$0x1] =	stream.indirect_vreg.gather [hbm4b:s6+s10], $0x80, v0, vm0, $0xb8;
	[tilespmem:$0x14200] =	vst v63  }
0x14e: {  	s30 =	simm.s32 $0xB200  }
0x14f: {  	[tilespmem:s30], [sflag:$0x1] =	stream.indirect_vreg.gather [hbm4b:s7+s10], $0x80, v0, vm0, $0xb8;
	[tilespmem:$0x14200] =	vst v63  }
0x150: {  	s1 =	simm.s32 $0xBA00  }
0x151: {  	[tilespmem:s1], [sflag:$0x1] =	stream.indirect_vreg.gather [hbm4b:s9+s10], $0x80, v0, vm0, $0xb8;
	[tilespmem:$0x14200] =	vst v63  }
0x152: {  	_ =	swait.ge [sflag:s31], $0x8000  }
0x153: {  	[sflag:s31] =	ssyncset.done $0x0  }
0x154: {  	[sflag:s31] =	ssyncadd.s32 $0xFFFF8000  }
0x155: {  	v61 =	vld [tilespmem:$0x180];
	_ =	sdelay $0x4  }
0x156: {  	v62 =	vshll.u32 v61, $0x3  }
0x157: {  	v0 =	vand.u32 $0x7, v61;
	v1 =	vand.u32 $0xFFFFFFC0, v62  }
0x158: {  	v0 =	vor.u32 v0, v1  }
0x159: {  	v1 =	vperm.xlane v0, v2;
	_ =	sdelay $0x1  }
0x15a: {  	v1 =	vadd.s32 v3, v1;
	_ =	sdelay $0x3  }
0x15b: {  	s11 =	simm.s32 $0xC200  }
0x15c: {  	[tilespmem:s11], [sflag:$0x1] =	stream.indirect_vreg.gather [hbm4b:s3+s10], $0x80, v1, vm0, $0xb8;
	[tilespmem:$0x14200] =	vst v63  }
0x15d: {  	s30 =	simm.s32 $0xCA00;
	v0 =	vperm.xlane v0, v4  }
0x15e: {  	[tilespmem:s30], [sflag:$0x1] =	stream.indirect_vreg.gather [hbm4b:s6+s10], $0x80, v1, vm0, $0xb8;
	[tilespmem:$0x14200] =	vst v63  }
0x15f: {  	v0 =	vadd.s32 v3, v0  }
0x160: {  	[tilespmem:s13], [sflag:$0x1] =	stream.indirect_vreg.gather [hbm4b:s7+s10], $0x80, v1, vm0, $0xb8;
	[tilespmem:$0x14200] =	vst v63  }
0x161: {  	_ = 	snop  }
0x162: {  	[tilespmem:s15], [sflag:$0x1] =	stream.indirect_vreg.gather [hbm4b:s9+s10], $0x80, v1, vm0, $0xb8;
	[tilespmem:$0x14200] =	vst v63  }
0x163: {  	_ = 	snop  }
0x164: {  	[tilespmem:s16], [sflag:$0x1] =	stream.indirect_vreg.gather [hbm4b:s3+s10], $0x80, v0, vm0, $0xb8;
	[tilespmem:$0x14200] =	vst v63  }
0x165: {  	_ = 	snop  }
0x166: {  	[tilespmem:s17], [sflag:$0x1] =	stream.indirect_vreg.gather [hbm4b:s6+s10], $0x80, v0, vm0, $0xb8;
	[tilespmem:$0x14200] =	vst v63  }
0x167: {  	_ = 	snop  }
0x168: {  	[tilespmem:s18], [sflag:$0x1] =	stream.indirect_vreg.gather [hbm4b:s7+s10], $0x80, v0, vm0, $0xb8;
	[tilespmem:$0x14200] =	vst v63  }
0x169: {  	_ = 	snop  }
0x16a: {  	[tilespmem:s4], [sflag:$0x1] =	stream.indirect_vreg.gather [hbm4b:s9+s10], $0x80, v0, vm0, $0xb8;
	[tilespmem:$0x14200] =	vst v63  }
0x16b: {  	v0 =	vld [tilespmem:$0x190];
	_ =	sdelay $0x4  }
0x16c: {  	v63 =	vshll.u32 v0, $0x3  }
0x16d: {  	v0 =	vand.u32 $0x7, v0;
	v1 =	vand.u32 $0xFFFFFFC0, v63  }
0x16e: {  	v0 =	vor.u32 v0, v1  }
0x16f: {  	v1 =	vperm.xlane v0, v2;
	_ =	sdelay $0x1  }
0x170: {  	v1 =	vadd.s32 v3, v1;
	_ =	sdelay $0x4  }
0x171: {  	[tilespmem:s19], [sflag:$0x1] =	stream.indirect_vreg.gather [hbm4b:s3+s10], $0x80, v1, vm0, $0xb8;
	[tilespmem:$0x14200] =	vst v63  }
0x172: {  	v0 =	vperm.xlane v0, v4  }
0x173: {  	[tilespmem:s20], [sflag:$0x1] =	stream.indirect_vreg.gather [hbm4b:s6+s10], $0x80, v1, vm0, $0xb8;
	[tilespmem:$0x14200] =	vst v63  }
0x174: {  	v0 =	vadd.s32 v3, v0  }
0x175: {  	[tilespmem:s5], [sflag:$0x1] =	stream.indirect_vreg.gather [hbm4b:s7+s10], $0x80, v1, vm0, $0xb8;
	[tilespmem:$0x14200] =	vst v63  }
0x176: {  	_ = 	snop  }
0x177: {  	[tilespmem:s21], [sflag:$0x1] =	stream.indirect_vreg.gather [hbm4b:s9+s10], $0x80, v1, vm0, $0xb8;
	[tilespmem:$0x14200] =	vst v63  }
0x178: {  	_ = 	snop  }
0x179: {  	[tilespmem:s22], [sflag:$0x1] =	stream.indirect_vreg.gather [hbm4b:s3+s10], $0x80, v0, vm0, $0xb8;
	[tilespmem:$0x14200] =	vst v63  }
0x17a: {  	_ = 	snop  }
0x17b: {  	[tilespmem:s23], [sflag:$0x1] =	stream.indirect_vreg.gather [hbm4b:s6+s10], $0x80, v0, vm0, $0xb8;
	[tilespmem:$0x14200] =	vst v63  }
0x17c: {  	_ = 	snop  }
0x17d: {  	[tilespmem:s24], [sflag:$0x1] =	stream.indirect_vreg.gather [hbm4b:s7+s10], $0x80, v0, vm0, $0xb8;
	[tilespmem:$0x14200] =	vst v63  }
0x17e: {  	_ = 	snop  }
0x17f: {  	[tilespmem:s25], [sflag:$0x1] =	stream.indirect_vreg.gather [hbm4b:s9+s10], $0x80, v0, vm0, $0xb8;
	[tilespmem:$0x14200] =	vst v63  }
0x180: {  	_ =	swait.ge [sflag:s31], $0x8000  }
0x181: {  	s28 =	simm.s32 $0x3200;
	[sflag:s31] =	ssyncset.done $0x0  }
0x182: {  	s29 =	simm.s32 $0x0;
	s11 =	simm.s32 $0x0;
	[sflag:s31] =	ssyncadd.s32 $0xFFFF8000  }
.LBB2_4:
0x183: {  	v3 =	vld [tilespmem:s28+$0xFFFFE000];
	s0 =	sand.u32 $0x6000, s11;
	s1 =	sand.u32 $0x380, s29  }
0x184: {  	v4 =	vld [tilespmem:s28+$0x0];
	s30 =	sor.u32 s1, s0  }
0x185: {  	v0 =	vld [tilespmem:s30+$0x4200]  }
0x186: {  	v1 =	vld [tilespmem:s30+$0xC200]  }
0x187: {  	v2 =	vld [tilespmem:s30+$0x4210]  }
0x188: {  	v6 =	vld [tilespmem:s30+$0xC210]  }
0x189: {  	v10 =	vld [tilespmem:s30+$0x4220]  }
0x18a: {  	v11 =	vld [tilespmem:s30+$0xC220]  }
0x18b: {  	v14 =	vld [tilespmem:s30+$0x4230]  }
0x18c: {  	v17 =	vld [tilespmem:s30+$0xC230]  }
0x18d: {  	v20 =	vld [tilespmem:s30+$0x4240]  }
0x18e: {  	v21 =	vld [tilespmem:s30+$0xC240]  }
0x18f: {  	v26 =	vld [tilespmem:s30+$0x4250]  }
0x190: {  	v27 =	vld [tilespmem:s30+$0xC250]  }
0x191: {  	v28 =	vld [tilespmem:s30+$0x4260]  }
0x192: {  	v29 =	vld [tilespmem:s30+$0xC260]  }
0x193: {  	v30 =	vld [tilespmem:s30+$0x4270]  }
0x194: {  	v31 =	vld [tilespmem:s30+$0xC270]  }
0x195: {  	v32 =	vld [tilespmem:s30+$0x4600]  }
0x196: {  	v33 =	vld [tilespmem:s30+$0xC600]  }
0x197: {  	v34 =	vld [tilespmem:s30+$0x4610]  }
0x198: {  	v35 =	vld [tilespmem:s30+$0xC610]  }
0x199: {  	v36 =	vld [tilespmem:s30+$0x4620]  }
0x19a: {  	v37 =	vld [tilespmem:s30+$0xC620]  }
0x19b: {  	v38 =	vld [tilespmem:s30+$0x4630]  }
0x19c: {  	v39 =	vld [tilespmem:s30+$0xC630]  }
0x19d: {  	v40 =	vld [tilespmem:s30+$0x4640]  }
0x19e: {  	v41 =	vld [tilespmem:s30+$0xC640]  }
0x19f: {  	v42 =	vld [tilespmem:s30+$0x4650]  }
0x1a0: {  	v43 =	vld [tilespmem:s30+$0xC650]  }
0x1a1: {  	v44 =	vld [tilespmem:s30+$0x4660]  }
0x1a2: {  	v45 =	vld [tilespmem:s30+$0xC660]  }
0x1a3: {  	v46 =	vld [tilespmem:s30+$0x4670]  }
0x1a4: {  	v47 =	vld [tilespmem:s30+$0xC670]  }
0x1a5: {  	v48 =	vld [tilespmem:s30+$0x4A00]  }
0x1a6: {  	v49 =	vld [tilespmem:s30+$0xCA00]  }
0x1a7: {  	v50 =	vld [tilespmem:s30+$0x4A10]  }
0x1a8: {  	v51 =	vld [tilespmem:s30+$0xCA10]  }
0x1a9: {  	v52 =	vld [tilespmem:s30+$0x4A20]  }
0x1aa: {  	v53 =	vld [tilespmem:s30+$0xCA20]  }
0x1ab: {  	v54 =	vld [tilespmem:s30+$0x4A30]  }
0x1ac: {  	v55 =	vld [tilespmem:s30+$0xCA30]  }
0x1ad: {  	v56 =	vld [tilespmem:s30+$0x4A40]  }
0x1ae: {  	v57 =	vld [tilespmem:s30+$0xCA40]  }
0x1af: {  	v58 =	vld [tilespmem:s30+$0x4A50]  }
0x1b0: {  	v59 =	vld [tilespmem:s30+$0xCA50]  }
0x1b1: {  	v60 =	vld [tilespmem:s30+$0x4A60]  }
0x1b2: {  	v61 =	vld [tilespmem:s30+$0xCA60]  }
0x1b3: {  	v62 =	vld [tilespmem:s30+$0x4A70]  }
0x1b4: {  	v63 =	vld [tilespmem:s30+$0xCA70]  }
0x1b5: {  	v24 =	vld [tilespmem:s30+$0x4E00]  }
0x1b6: {  	v25 =	vld [tilespmem:s30+$0xCE00]  }
0x1b7: {  	v22 =	vld [tilespmem:s30+$0x4E10]  }
0x1b8: {  	v23 =	vld [tilespmem:s30+$0xCE10]  }
0x1b9: {  	v18 =	vld [tilespmem:s30+$0x4E20]  }
0x1ba: {  	v19 =	vld [tilespmem:s30+$0xCE20]  }
0x1bb: {  	v15 =	vld [tilespmem:s30+$0x4E30]  }
0x1bc: {  	v16 =	vld [tilespmem:s30+$0xCE30]  }
0x1bd: {  	v5 =	vld [tilespmem:s30+$0x4E60]  }
0x1be: {  	v12 =	vld [tilespmem:s30+$0x4E40]  }
0x1bf: {  	v13 =	vld [tilespmem:s30+$0xCE40]  }
0x1c0: {  	v8 =	vld [tilespmem:s30+$0x4E50]  }
0x1c1: {  	v9 =	vld [tilespmem:s30+$0xCE50];
	v0 =	vmul.f32 v0, v3;
	v1 =	vmul.f32 v1, v4  }
0x1c2: {  	v7 =	vld [tilespmem:s30+$0xCE60];
	[tilespmem:$0x1FFA0] =	vst v5;
	v5 =	vmul.f32 v2, v3;
	v2 =	vmul.f32 v6, v4  }
0x1c3: {  	v6 =	vld [tilespmem:s30+$0x4E70];
	v17 =	vmul.f32 v17, v4;
	v0 =	vadd.f32 v1, v0  }
0x1c4: {  	v1 =	vmul.f32 v10, v3;
	v10 =	vld [tilespmem:s30+$0xCE70];
	v5 =	vadd.f32 v2, v5;
	v2 =	vmul.f32 v14, v3  }
0x1c5: {  	v11 =	vmul.f32 v11, v4;
	v14 =	vld [tilespmem:s30+$0xD200]  }
0x1c6: {  	v26 =	vmul.f32 v26, v3;
	v2 =	vadd.f32 v17, v2;
	v17 =	vld [tilespmem:s30+$0x5210]  }
0x1c7: {  	[tilespmem:s30+$0x4200] =	vst v0;
	v0 =	vadd.f32 v11, v1;
	v1 =	vmul.f32 v20, v3;
	v11 =	vmul.f32 v21, v4;
	v20 =	vld [tilespmem:s30+$0xD210]  }
0x1c8: {  	v27 =	vmul.f32 v27, v4;
	v30 =	vmul.f32 v30, v3;
	v21 =	vld [tilespmem:s30+$0x5220];
	[tilespmem:$0x1FFB0] =	vst v6  }
0x1c9: {  	v31 =	vmul.f32 v31, v4;
	v33 =	vmul.f32 v33, v4;
	v6 =	vld [tilespmem:s30+$0x5200];
	[tilespmem:s30+$0x4220] =	vst v0;
	v0 =	vadd.f32 v11, v1  }
0x1ca: {  	v1 =	vmul.f32 v28, v3;
	v11 =	vmul.f32 v29, v4;
	[tilespmem:s30+$0x4230] =	vst v2;
	v2 =	vadd.f32 v27, v26;
	v26 =	vld [tilespmem:s30+$0xD220]  }
0x1cb: {  	v42 =	vmul.f32 v42, v3;
	[tilespmem:s30+$0x4210] =	vst v5;
	v5 =	vmul.f32 v34, v3;
	v28 =	vld [tilespmem:s30+$0x5230]  }
0x1cc: {  	v34 =	vmul.f32 v37, v4;
	v29 =	vld [tilespmem:s30+$0xD230];
	[tilespmem:s30+$0x4240] =	vst v0;
	v0 =	vadd.f32 v11, v1;
	v1 =	vmul.f32 v32, v3  }
0x1cd: {  	v37 =	vmul.f32 v39, v4;
	[tilespmem:s30+$0x4250] =	vst v2;
	v2 =	vadd.f32 v31, v30;
	v32 =	vmul.f32 v35, v4;
	v30 =	vld [tilespmem:s30+$0x5240]  }
0x1ce: {  	v31 =	vld [tilespmem:s30+$0xD240];
	[tilespmem:s30+$0x4260] =	vst v0;
	v0 =	vadd.f32 v33, v1;
	v33 =	vmul.f32 v36, v3;
	v36 =	vmul.f32 v38, v3  }
0x1cf: {  	v39 =	vmul.f32 v40, v3;
	v40 =	vmul.f32 v41, v4;
	v11 =	vld [tilespmem:s30+$0xD650];
	[tilespmem:s30+$0x4270] =	vst v2;
	v35 =	vadd.f32 v32, v5  }
0x1d0: {  	v56 =	vmul.f32 v56, v3;
	v32 =	vld [tilespmem:s30+$0x5250];
	[tilespmem:s30+$0x4600] =	vst v0;
	v38 =	vadd.f32 v34, v33;
	v41 =	vadd.f32 v37, v36  }
0x1d1: {  	[tilespmem:s30+$0x4610] =	vst v35;
	v36 =	vmul.f32 v43, v4;
	v37 =	vadd.f32 v40, v39;
	v39 =	vmul.f32 v45, v4;
	v33 =	vld [tilespmem:s30+$0xD250]  }
0x1d2: {  	v34 =	vld [tilespmem:s30+$0x5260];
	v45 =	vmul.f32 v49, v4;
	[tilespmem:s30+$0x4620] =	vst v38;
	v38 =	vmul.f32 v44, v3  }
0x1d3: {  	v35 =	vld [tilespmem:s30+$0xD260];
	[tilespmem:s30+$0x4630] =	vst v41;
	v40 =	vadd.f32 v36, v42;
	v41 =	vmul.f32 v46, v3;
	v42 =	vmul.f32 v47, v4  }
0x1d4: {  	[tilespmem:s30+$0x4640] =	vst v37;
	v44 =	vmul.f32 v48, v3;
	v47 =	vmul.f32 v50, v3;
	v36 =	vld [tilespmem:s30+$0x5270];
	v43 =	vadd.f32 v39, v38  }
0x1d5: {  	v48 =	vmul.f32 v51, v4;
	v50 =	vmul.f32 v52, v3;
	v37 =	vld [tilespmem:s30+$0xD270];
	[tilespmem:s30+$0x4650] =	vst v40;
	v46 =	vadd.f32 v42, v41  }
0x1d6: {  	v51 =	vmul.f32 v53, v4;
	v53 =	vmul.f32 v54, v3;
	v49 =	vadd.f32 v45, v44;
	v38 =	vld [tilespmem:s30+$0x5600];
	[tilespmem:s30+$0x4660] =	vst v43  }
0x1d7: {  	v54 =	vmul.f32 v55, v4;
	v52 =	vadd.f32 v48, v47;
	v44 =	vmul.f32 v57, v4;
	v39 =	vld [tilespmem:s30+$0xD600];
	[tilespmem:s30+$0x4670] =	vst v46  }
0x1d8: {  	v55 =	vadd.f32 v51, v50;
	v47 =	vmul.f32 v59, v4;
	v40 =	vld [tilespmem:s30+$0x5610];
	v50 =	vmul.f32 v61, v4;
	[tilespmem:s30+$0x4A00] =	vst v49  }
0x1d9: {  	v45 =	vadd.f32 v54, v53;
	v41 =	vld [tilespmem:s30+$0xD610];
	v53 =	vmul.f32 v63, v4;
	[tilespmem:s30+$0x4A10] =	vst v52;
	v46 =	vmul.f32 v58, v3  }
0x1da: {  	v42 =	vld [tilespmem:s30+$0x5620];
	v59 =	vmul.f32 v23, v4;
	[tilespmem:s30+$0x4A20] =	vst v55;
	v48 =	vadd.f32 v44, v56;
	v49 =	vmul.f32 v60, v3  }
0x1db: {  	v23 =	vld [tilespmem:s30+$0x5630];
	v61 =	vmul.f32 v18, v3;
	[tilespmem:s30+$0x4A30] =	vst v45;
	v52 =	vmul.f32 v62, v3;
	v51 =	vadd.f32 v47, v46  }
0x1dc: {  	v18 =	vld [tilespmem:s30+$0xD630];
	v55 =	vmul.f32 v24, v3;
	v56 =	vmul.f32 v25, v4;
	[tilespmem:s30+$0x4A40] =	vst v48;
	v54 =	vadd.f32 v50, v49  }
0x1dd: {  	v24 =	vld [tilespmem:s30+$0xD620];
	v58 =	vmul.f32 v22, v3;
	v62 =	vmul.f32 v19, v4;
	v57 =	vadd.f32 v53, v52;
	[tilespmem:s30+$0x4A50] =	vst v51  }
0x1de: {  	v22 =	vmul.f32 v15, v3;
	v25 =	vmul.f32 v16, v4;
	v16 =	vld [tilespmem:s30+$0x5640];
	v60 =	vadd.f32 v56, v55;
	[tilespmem:s30+$0x4A60] =	vst v54  }
0x1df: {  	v43 =	vmul.f32 v12, v3;
	v44 =	vmul.f32 v13, v4;
	v12 =	vld [tilespmem:s30+$0xD640];
	v63 =	vadd.f32 v59, v58;
	[tilespmem:s30+$0x4A70] =	vst v57  }
0x1e0: {  	v13 =	vld [tilespmem:s30+$0x5670];
	v27 =	vadd.f32 v62, v61;
	v46 =	vmul.f32 v8, v3;
	v47 =	vmul.f32 v9, v4;
	[tilespmem:s30+$0x4E00] =	vst v60  }
0x1e1: {  	v15 =	vld [tilespmem:s30+$0x5A00];
	v45 =	vadd.f32 v25, v22;
	v55 =	vmul.f32 v14, v4;
	v58 =	vmul.f32 v20, v4;
	[tilespmem:s30+$0x4E10] =	vst v63  }
0x1e2: {  	v19 =	vld [tilespmem:s30+$0x5A10];
	v48 =	vadd.f32 v44, v43;
	v22 =	vmul.f32 v30, v3;
	v25 =	vmul.f32 v31, v4;
	[tilespmem:s30+$0x4E20] =	vst v27  }
0x1e3: {  	v9 =	vld [tilespmem:s30+$0x5650];
	v30 =	vmul.f32 v34, v3;
	v31 =	vmul.f32 v35, v4;
	[tilespmem:s30+$0x4E30] =	vst v45;
	v50 =	vadd.f32 v47, v46  }
0x1e4: {  	v49 =	vld [tilespmem:$0x1FFA0];
	v20 =	vmul.f32 v29, v4;
	[tilespmem:s30+$0x4E40] =	vst v48;
	v54 =	vmul.f32 v6, v3;
	v29 =	vadd.f32 v25, v22  }
0x1e5: {  	v52 =	vmul.f32 v10, v4;
	v10 =	vld [tilespmem:s30+$0x5660];
	v57 =	vmul.f32 v17, v3;
	v35 =	vadd.f32 v31, v30;
	[tilespmem:s30+$0x4E50] =	vst v50  }
0x1e6: {  	v61 =	vmul.f32 v26, v4;
	v14 =	vld [tilespmem:s30+$0xD670];
	v60 =	vmul.f32 v21, v3;
	v59 =	vadd.f32 v55, v54;
	[tilespmem:s30+$0x5240] =	vst v29  }
0x1e7: {  	v7 =	vmul.f32 v7, v4;
	v44 =	vld [tilespmem:s30+$0x5A30];
	v63 =	vmul.f32 v28, v3;
	v62 =	vadd.f32 v58, v57;
	[tilespmem:s30+$0x5260] =	vst v35  }
0x1e8: {  	v51 =	vld [tilespmem:$0x1FFB0];
	v27 =	vmul.f32 v32, v3;
	v28 =	vmul.f32 v33, v4;
	v21 =	vadd.f32 v61, v60;
	[tilespmem:s30+$0x5200] =	vst v59  }
0x1e9: {  	v34 =	vmul.f32 v37, v4;
	v17 =	vld [tilespmem:s30+$0xDA00];
	v33 =	vmul.f32 v36, v3;
	v26 =	vadd.f32 v20, v63;
	[tilespmem:s30+$0x5210] =	vst v62  }
0x1ea: {  	v37 =	vmul.f32 v39, v4;
	v36 =	vmul.f32 v38, v3;
	v38 =	vld [tilespmem:s30+$0xDA20];
	v32 =	vadd.f32 v28, v27;
	[tilespmem:s30+$0x5220] =	vst v21  }
0x1eb: {  	v40 =	vmul.f32 v40, v3;
	v43 =	vmul.f32 v41, v4;
	v48 =	vld [tilespmem:s30+$0xDA30];
	v39 =	vadd.f32 v34, v33;
	[tilespmem:s30+$0x5230] =	vst v26  }
0x1ec: {  	v31 =	vld [tilespmem:s30+$0x5A70];
	v45 =	vadd.f32 v37, v36;
	v50 =	vmul.f32 v23, v3;
	v1 =	vmul.f32 v49, v3;
	[tilespmem:s30+$0x5250] =	vst v32  }
0x1ed: {  	v20 =	vld [tilespmem:s30+$0xDA10];
	v23 =	vmul.f32 v13, v3;
	v49 =	vadd.f32 v43, v40;
	[tilespmem:s30+$0x5270] =	vst v39;
	v26 =	vmul.f32 v14, v4  }
0x1ee: {  	v46 =	vmul.f32 v42, v3;
	v55 =	vld [tilespmem:s30+$0x5A50];
	[tilespmem:s30+$0x5600] =	vst v45;
	v5 =	vmul.f32 v51, v3;
	v53 =	vadd.f32 v7, v1  }
0x1ef: {  	v47 =	vmul.f32 v24, v4;
	v58 =	vmul.f32 v11, v4;
	v63 =	vld [tilespmem:s30+$0x5A60];
	[tilespmem:s30+$0x5610] =	vst v49;
	v32 =	vadd.f32 v26, v23  }
0x1f0: {  	v27 =	vld [tilespmem:s30+$0xDA60];
	v29 =	vmul.f32 v15, v3;
	v57 =	vmul.f32 v9, v3;
	v56 =	vadd.f32 v52, v5;
	[tilespmem:s30+$0x4E60] =	vst v53  }
0x1f1: {  	v35 =	vld [tilespmem:s30+$0xDA70];
	v41 =	vmul.f32 v44, v3;
	v30 =	vmul.f32 v17, v4;
	v52 =	vadd.f32 v47, v46;
	[tilespmem:s30+$0x5670] =	vst v32  }
0x1f2: {  	v21 =	vld [tilespmem:s30+$0x5A20];
	v42 =	vmul.f32 v48, v4;
	v53 =	vmul.f32 v16, v3;
	v16 =	vadd.f32 v58, v57;
	[tilespmem:s30+$0x4E70] =	vst v56  }
0x1f3: {  	v59 =	vld [tilespmem:s30+$0xDA50];
	v51 =	vmul.f32 v18, v4;
	v36 =	vadd.f32 v30, v29;
	[tilespmem:s30+$0x5620] =	vst v52  }
0x1f4: {  	v54 =	vmul.f32 v12, v4;
	v39 =	vld [tilespmem:s30+$0xDA40];
	v46 =	vadd.f32 v42, v41;
	[tilespmem:s30+$0x5650] =	vst v16  }
0x1f5: {  	v33 =	vmul.f32 v19, v3;
	v7 =	vld [tilespmem:s30+$0xD660];
	v34 =	vmul.f32 v20, v4;
	v56 =	vadd.f32 v51, v50;
	[tilespmem:s30+$0x5A00] =	vst v36  }
0x1f6: {  	v18 =	vld [tilespmem:s30+$0x5A40];
	v47 =	vmul.f32 v63, v3;
	v48 =	vmul.f32 v27, v4;
	v60 =	vadd.f32 v54, v53;
	[tilespmem:s30+$0x5A30] =	vst v46  }
0x1f7: {  	v38 =	vmul.f32 v38, v4;
	v37 =	vmul.f32 v21, v3;
	v40 =	vadd.f32 v34, v33;
	[tilespmem:s30+$0x5630] =	vst v56  }
0x1f8: {  	v44 =	vmul.f32 v55, v3;
	v45 =	vmul.f32 v59, v4;
	v52 =	vadd.f32 v48, v47;
	[tilespmem:s30+$0x5640] =	vst v60  }
0x1f9: {  	v50 =	vmul.f32 v31, v3;
	v51 =	vmul.f32 v35, v4;
	v43 =	vadd.f32 v38, v37;
	[tilespmem:s30+$0x5A10] =	vst v40  }
0x1fa: {  	v61 =	vmul.f32 v10, v3;
	v62 =	vmul.f32 v7, v4;
	v49 =	vadd.f32 v45, v44;
	[tilespmem:s30+$0x5A60] =	vst v52  }
0x1fb: {  	s1 =	sand.u32 $0x7, s10;
	v54 =	vmul.f32 v39, v4;
	v53 =	vmul.f32 v18, v3;
	v55 =	vadd.f32 v51, v50;
	[tilespmem:s30+$0x5A20] =	vst v43  }
0x1fc: {  	s0 =	sshll.u32 s1, $0x7;
	v28 =	vadd.f32 v62, v61;
	[tilespmem:s30+$0x5A50] =	vst v49  }
0x1fd: {  	s0 =	sadd.s32 s0, s11;
	v56 =	vadd.f32 v54, v53;
	[tilespmem:s30+$0x5A70] =	vst v55  }
0x1fe: {  	s1 =	sor.u32 $0x1C00, s0;
	[tilespmem:s30+$0x5660] =	vst v28  }
0x1ff: {  	[tilespmem:s30+$0x5A40] =	vst v56;
	v0 =	vld [tilespmem:s1+$0x4200]  }
0x200: {  	v1 =	vld [tilespmem:s1+$0xC200];
	_ =	sdelay $0x4  }
0x201: {  	v0 =	vmul.f32 v0, v3;
	v1 =	vmul.f32 v1, v4;
	_ =	sdelay $0x1  }
0x202: {  	v0 =	vadd.f32 v1, v0;
	_ =	sdelay $0x1  }
0x203: {  	s30 =	sor.u32 $0x1C10, s0;
	[tilespmem:s1+$0x4200] =	vst v0  }
0x204: {  	v0 =	vld [tilespmem:s30+$0x4200]  }
0x205: {  	v57 =	vld [tilespmem:s30+$0xC200];
	_ =	sdelay $0x4  }
0x206: {  	v0 =	vmul.f32 v0, v3;
	v1 =	vmul.f32 v57, v4;
	_ =	sdelay $0x1  }
0x207: {  	v0 =	vadd.f32 v1, v0;
	_ =	sdelay $0x1  }
0x208: {  	[tilespmem:s30+$0x4200] =	vst v0;
	s30 =	sor.u32 $0x1C20, s0  }
0x209: {  	v0 =	vld [tilespmem:s30+$0x4200]  }
0x20a: {  	v58 =	vld [tilespmem:s30+$0xC200];
	_ =	sdelay $0x4  }
0x20b: {  	v0 =	vmul.f32 v0, v3;
	v1 =	vmul.f32 v58, v4;
	_ =	sdelay $0x1  }
0x20c: {  	v0 =	vadd.f32 v1, v0;
	_ =	sdelay $0x1  }
0x20d: {  	[tilespmem:s30+$0x4200] =	vst v0;
	s30 =	sor.u32 $0x1C30, s0  }
0x20e: {  	v0 =	vld [tilespmem:s30+$0x4200]  }
0x20f: {  	v59 =	vld [tilespmem:s30+$0xC200];
	_ =	sdelay $0x4  }
0x210: {  	v0 =	vmul.f32 v0, v3;
	v1 =	vmul.f32 v59, v4;
	_ =	sdelay $0x1  }
0x211: {  	v0 =	vadd.f32 v1, v0;
	_ =	sdelay $0x1  }
0x212: {  	[tilespmem:s30+$0x4200] =	vst v0;
	s30 =	sor.u32 $0x1C40, s0  }
0x213: {  	v0 =	vld [tilespmem:s30+$0x4200]  }
0x214: {  	v60 =	vld [tilespmem:s30+$0xC200];
	_ =	sdelay $0x4  }
0x215: {  	v0 =	vmul.f32 v0, v3;
	v1 =	vmul.f32 v60, v4;
	_ =	sdelay $0x1  }
0x216: {  	v0 =	vadd.f32 v1, v0;
	_ =	sdelay $0x1  }
0x217: {  	[tilespmem:s30+$0x4200] =	vst v0;
	s30 =	sor.u32 $0x1C50, s0  }
0x218: {  	v0 =	vld [tilespmem:s30+$0x4200]  }
0x219: {  	v61 =	vld [tilespmem:s30+$0xC200];
	_ =	sdelay $0x4  }
0x21a: {  	v0 =	vmul.f32 v0, v3;
	v1 =	vmul.f32 v61, v4;
	_ =	sdelay $0x1  }
0x21b: {  	v0 =	vadd.f32 v1, v0;
	_ =	sdelay $0x1  }
0x21c: {  	[tilespmem:s30+$0x4200] =	vst v0;
	s30 =	sor.u32 $0x1C60, s0  }
0x21d: {  	v0 =	vld [tilespmem:s30+$0x4200]  }
0x21e: {  	v62 =	vld [tilespmem:s30+$0xC200];
	_ =	sdelay $0x4  }
0x21f: {  	v0 =	vmul.f32 v0, v3;
	v1 =	vmul.f32 v62, v4;
	_ =	sdelay $0x1  }
0x220: {  	v0 =	vadd.f32 v1, v0;
	_ =	sdelay $0x1  }
0x221: {  	s0 =	sor.u32 $0x1C70, s0;
	[tilespmem:s30+$0x4200] =	vst v0  }
0x222: {  	v0 =	vld [tilespmem:s0+$0x4200]  }
0x223: {  	v63 =	vld [tilespmem:s0+$0xC200];
	_ =	sdelay $0x3  }
0x224: {  	p0 =	sne.s32 s29, $0xF80  }
.Ltmp1:
0x225: {  	v0 =	vmul.f32 v0, v3;
	v1 =	vmul.f32 v63, v4;
	(pc) =	sbr.rel @p0 .LBB2_4-.Ltmp1, $4  }
0x226: {  	_ = 	snop  }
0x227: {  	v0 =	vadd.f32 v1, v0  }
0x228: {  	s28 =	sadd.s32 $0x80, s28  }
0x229: {  	s29 =	sadd.s32 $0x80, s29;
	s10 =	sadd.s32 $0x1, s10;
	s11 =	sadd.s32 $0x400, s11;
	[tilespmem:s0+$0x4200] =	vst v0  }
0x22a: {  	s0 =	rddreg [dreg:$0x5]  }
0x22b: {  	[hbm4b:s0+s2] =	stream.linear.scatter [tilespmem:s14], [sflag:$0x2], $0x8000, $0x38;
	[tilespmem:$0x14200] =	vst v63  }
0x22c: {  	_ =	swait.ge [sflag:s12], $0x8000  }
0x22d: {  	s26 =	sadd.s32 $0x1, s26;
	s30 =	rddreg [dreg:$0x6]  }
0x22e: {  	p0 =	sne.s32 s26, s30  }
.Ltmp2:
0x22f: {  	_ = 	snop;
	(pc) =	sbr.rel @p0 .LBB2_1-.Ltmp2, $3  }
0x230: {  	_ =	sdelay $0x1  }
0x231: {  	[sflag:s12] =	ssyncset.done $0x0  }
0x232: {  	[sflag:s12] =	ssyncadd.s32 $0xFFFF8000  }
0x233: {  	_ =	sfence.sel $0x180000  }
0x234: {  	[bflag:$0x0] =	sbarrier.arrive $0xFFFF  }
0x235: {  	_ =	strace $0x9000004A  }
0x236: {  	s0 =	stileid.u32;
	[bflag:$0x2] =	sbarrier.arrive $0xFFFF  }
0x237: {  	p0 =	sne.s32 s0, $0x0;
	s0 =	rddreg [dreg:$0x2]  }
0x238: {  	s0 =	sadd.s32 @!p0 $0x100000, s0  }
0x239: {  	[sflag:s0] =	ssyncadd.tile.s32 @!p0 $0x1;
	_ =	shalt  }
.Lfunc_end2:
_tile_overlayer_lowered:
.L_overlay_start_2:
0x23a: {  	(tag) =	ssettag $0x2  }
0x23b: {  	s0 =	rddreg [dreg:$0x0];
	s2 =	stileid.u32  }
0x23c: {  	s1 =	rddreg [dreg:$0x1];
	p0 =	sne.s32 s2, $0x0  }
0x23d: {  	s3 =	rddreg [dreg:$0x2];
	[bflag:$0x3] =	sbarrier.arrive $0xFFFF;
	s2 =	simm.s32 @!p0 $0x1C02  }
0x23e: {  	[timem:s3], [sflag:s2] =	dma.local @!p0 [hbm:s0], s1  }
0x23f: {  	s0 =	simm.s32 @!p0 $0x2  }
0x240: {  	_ =	swait.ge @!p0 [sflag:s0], s1  }
0x241: {  	s1 =	ssub.s32 @!p0 $0x0, s1;
	[sflag:s0] =	ssyncset.done @!p0 $0x0  }
0x242: {  	[sflag:s0] =	ssyncadd.s32 @!p0 s1  }
0x243: {  	[bflag:$0x3] =	sbarrier.arrive $0xFFFF  }
0x244: {  	_ =	shalt  }

</sc_bundles>
